<compile_context>
chip_gen: v7x
topology: tpu7x:2x2x1
jax: 0.10.2.dev20260603
libtpu: 0.0.44.dev20260713+nightly
codegen_flags: <defaults>
</compile_context>

<pallas_src>
import functools

import jax
import jax.numpy as jnp
from jax import lax
from jax.experimental import pallas as pl
from jax.experimental.pallas import tpu as pltpu
from jax.experimental.pallas import tpu_sc as plsc

N_NODES = 10000
N_EDGES = 320000
D_FEAT = 128
RNI = 16
HIDDEN = 128
OUT = 128

NC = 2
NS = 16
NW = NC * NS
E_PER_W = N_EDGES // NW
CHUNK = 40
NCHUNK = E_PER_W // CHUNK
RING = 5
ROW_STRIDE = 624
ROW_LEN = 640

DEG_ROWS = 80


def _deg_body(dst_hbm, zeros_hbm, out_hbm, hist, dst_all):
    core = lax.axis_index("c")
    sub = lax.axis_index("s")
    wid = sub * NC + core
    pltpu.sync_copy(zeros_hbm, hist)
    pltpu.sync_copy(dst_hbm.at[pl.ds(wid * E_PER_W, E_PER_W)], dst_all)
    one16 = jnp.full((16,), 1.0, jnp.float32)

    def body(i, carry):
        d = dst_all[pl.ds(i * 16, 16)]
        plsc.addupdate_scatter(hist, [d], one16)
        return carry

    lax.fori_loop(0, E_PER_W // 16, body, 0)
    pltpu.sync_copy(hist, out_hbm.at[wid])


def _msg_body(g_hbm, src_hbm, dst_hbm, out_hbm, acc,
              srcb, dstb, rows, isem, gsem, ssem):
    core = lax.axis_index("c")
    sub = lax.axis_index("s")
    wid = sub * NC + core
    r0 = sub * ROW_STRIDE
    base = wid * E_PER_W
    TMAX = NCHUNK // RING

    def idx_start(c, p, j):
        off = base + c * CHUNK
        pltpu.async_copy(src_hbm.at[pl.ds(off, CHUNK)], srcb[p][j], isem[p][j])
        pltpu.async_copy(dst_hbm.at[pl.ds(off, CHUNK)], dstb[p][j], isem[p][j])

    def idx_wait(c, p, j):
        off = base + c * CHUNK
        pltpu.make_async_copy(src_hbm.at[pl.ds(off, CHUNK)], srcb[p][j],
                              isem[p][j]).wait()
        pltpu.make_async_copy(dst_hbm.at[pl.ds(off, CHUNK)], dstb[p][j],
                              isem[p][j]).wait()

    for j in range(RING):
        idx_start(j, 0, j)
    pltpu.sync_copy(g_hbm.at[pl.ds(r0, ROW_LEN)],
                    acc.at[pl.ds(r0, ROW_LEN)])
    plsc.subcore_barrier()

    def round_(t, p):
        for j in range(RING):
            c = t * RING + j

            @pl.when(t > 0)
            def _():
                pltpu.make_async_copy(rows[j], acc.at[dstb[1 - p][j]],
                                      ssem[j]).wait()

            @pl.when(t < TMAX - 1)
            def _():
                idx_start(c + RING, 1 - p, j)

            idx_wait(c, p, j)
            pltpu.async_copy(g_hbm.at[srcb[p][j]], rows[j], gsem[j])
        for j in range(RING):
            pltpu.make_async_copy(g_hbm.at[srcb[p][j]], rows[j], gsem[j]).wait()
            pltpu.async_copy(rows[j], acc.at[dstb[p][j]], ssem[j], add=True)

    def body(t2, carry):
        round_(2 * t2, 0)
        round_(2 * t2 + 1, 1)
        return carry

    lax.fori_loop(0, TMAX // 2, body, 0)
    for j in range(RING):
        pltpu.make_async_copy(rows[j], acc.at[dstb[1][j]], ssem[j]).wait()
    plsc.subcore_barrier()
    pltpu.sync_copy(acc.at[pl.ds(r0, ROW_LEN)],
                    out_hbm.at[core, pl.ds(r0, ROW_LEN)])


@functools.cache
def _sc_kernels():
    mesh = plsc.VectorSubcoreMesh(core_axis_name="c", subcore_axis_name="s")
    idxbuf = [pltpu.VMEM((CHUNK,), jnp.int32) for _ in range(RING)]
    sems = lambda: [pltpu.SemaphoreType.DMA for _ in range(RING)]
    deg_pass = pl.kernel(
        _deg_body,
        out_type=jax.ShapeDtypeStruct((NW, DEG_ROWS * 128), jnp.float32),
        mesh=mesh,
        compiler_params=pltpu.CompilerParams(needs_layout_passes=False),
        scratch_types=[
            pltpu.VMEM((DEG_ROWS * 128,), jnp.float32),
            pltpu.VMEM((E_PER_W,), jnp.int32),
        ],
    )
    msg_pass = pl.kernel(
        _msg_body,
        out_type=jax.ShapeDtypeStruct((NC, N_NODES, HIDDEN), jnp.float32),
        mesh=mesh,
        scratch_types=[
            pltpu.VMEM_SHARED((N_NODES, HIDDEN), jnp.float32),
            [list(idxbuf), list(idxbuf)],
            [list(idxbuf), list(idxbuf)],
            [pltpu.VMEM((CHUNK, HIDDEN), jnp.float32) for _ in range(RING)],
            [sems(), sems()], sems(), sems(),
        ],
    )
    return deg_pass, msg_pass


def _stage0_body(degp, x, noise, w_top, w_bot, g_out, dinv_out):
    deg = jnp.sum(degp[...], axis=0).reshape(DEG_ROWS * 128, 1)[:N_NODES] + 1.0
    dinv = jnp.where(deg > 0, lax.rsqrt(deg), 0.0)
    hw = (jnp.dot(x[...], w_top[...], preferred_element_type=jnp.float32)
          + jnp.dot(noise[...], w_bot[...], preferred_element_type=jnp.float32))
    g_out[...] = hw * dinv
    dinv_out[...] = dinv


def _stage1_body(p, g, dinv, b0, mwt, mwb, mb0, w1, g1_out):
    conv = (p[0] + p[1] - g[...]) * dinv[...] + b0[...]
    mp = jnp.max(conv, axis=0, keepdims=True)
    h1 = jnp.dot(conv, mwt[...], preferred_element_type=jnp.float32)
    h1 = h1 + jnp.dot(mp, mwb[...], preferred_element_type=jnp.float32)
    h1 = jnp.maximum(h1 + mb0[...], 0.0)
    g1_out[...] = jnp.dot(h1, w1[...], preferred_element_type=jnp.float32) * dinv[...]


def _stage2_body(p, g, dinv, b1, mwt, mwb, mb1, out):
    conv = (p[0] + p[1] - g[...]) * dinv[...] + b1[...]
    mp = jnp.max(conv, axis=0, keepdims=True)
    o = jnp.dot(conv, mwt[...], preferred_element_type=jnp.float32)
    o = o + jnp.dot(mp, mwb[...], preferred_element_type=jnp.float32)
    out[...] = o + mb1[...]


@jax.jit
def kernel(x, edge_index, orbits, noise, conv_W0, conv_b0, conv_W1, conv_b1,
           mlp_W0, mlp_b0, mlp_W1, mlp_b1):
    del orbits
    src = edge_index[0]
    dst = edge_index[1]
    zeros = jnp.zeros((DEG_ROWS * 128,), jnp.float32)

    deg_pass, msg_pass = _sc_kernels()
    degp = deg_pass(dst, zeros)

    g0, dinv = pl.pallas_call(
        _stage0_body,
        out_shape=[
            jax.ShapeDtypeStruct((N_NODES, HIDDEN), jnp.float32),
            jax.ShapeDtypeStruct((N_NODES, 1), jnp.float32),
        ],
    )(degp, x, noise, conv_W0[:D_FEAT], conv_W0[D_FEAT:])

    p0 = msg_pass(g0, src, dst)

    g1 = pl.pallas_call(
        _stage1_body,
        out_shape=jax.ShapeDtypeStruct((N_NODES, HIDDEN), jnp.float32),
    )(p0, g0, dinv, conv_b0.reshape(1, HIDDEN), mlp_W0[:HIDDEN],
      mlp_W0[HIDDEN:], mlp_b0.reshape(1, HIDDEN), conv_W1)

    p1 = msg_pass(g1, src, dst)

    out = pl.pallas_call(
        _stage2_body,
        out_shape=jax.ShapeDtypeStruct((N_NODES, OUT), jnp.float32),
    )(p1, g1, dinv, conv_b1.reshape(1, HIDDEN), mlp_W1[:HIDDEN],
      mlp_W1[HIDDEN:], mlp_b1.reshape(1, OUT))

    return out

# --- scband reference (transcript-rebuilt; emitter-appended) ---
"""Pipeline reference for scband-rni-max-pool-gcn-48790828483060 (READ-ONLY COPY).

The authoritative reference and input builder live on the scoring server;
editing this copy changes nothing except your own understanding.
"""

import jax, jax.numpy as jnp
import numpy as np

N_NODES = 10000
N_EDGES = 320000
D_FEAT = 128
RNI = 16
HIDDEN = 128
OUT = 128


def gcn_conv(x, src, dst, W, b):
    # PyG GCNConv: x @ W, add self loops, symmetric normalization, scatter-add, + bias
    n = x.shape[0]
    h = x @ W
    deg = jax.ops.segment_sum(jnp.ones_like(dst, dtype=jnp.float32), dst, num_segments=n)
    dinv = jnp.where(deg > 0, deg ** -0.5, 0.0)
    norm = dinv[src] * dinv[dst]
    msg = h[src] * norm[:, None]
    out = jax.ops.segment_sum(msg, dst, num_segments=n)
    return out + b


def setup_inputs(seed: int = 0) -> dict:
    key = jax.random.key(seed)
    ks = jax.random.split(key, 12)
    x = jax.random.normal(ks[0], (N_NODES, D_FEAT), dtype=jnp.float32)
    edge_index = jax.random.randint(ks[1], (2, N_EDGES), 0, N_NODES, dtype=jnp.int32)
    orbits = jax.random.randint(ks[2], (N_NODES,), 0, 10, dtype=jnp.int32)
    # RNI noise (torch.rand in original forward); materialized here for determinism
    noise = jax.random.uniform(ks[3], (N_NODES, RNI), dtype=jnp.float32)
    in0 = D_FEAT + RNI
    sc = lambda fan_in: 1.0 / np.sqrt(fan_in)
    conv_W0 = jax.random.normal(ks[4], (in0, HIDDEN), dtype=jnp.float32) * sc(in0)
    conv_b0 = jnp.zeros((HIDDEN,), dtype=jnp.float32)
    conv_W1 = jax.random.normal(ks[5], (HIDDEN, HIDDEN), dtype=jnp.float32) * sc(HIDDEN)
    conv_b1 = jnp.zeros((HIDDEN,), dtype=jnp.float32)
    mlp_W0 = jax.random.normal(ks[6], (2 * HIDDEN, HIDDEN), dtype=jnp.float32) * sc(2 * HIDDEN)
    mlp_b0 = jnp.zeros((HIDDEN,), dtype=jnp.float32)
    mlp_W1 = jax.random.normal(ks[7], (2 * HIDDEN, OUT), dtype=jnp.float32) * sc(2 * HIDDEN)
    mlp_b1 = jnp.zeros((OUT,), dtype=jnp.float32)
    return {
        "x": x, "edge_index": edge_index, "orbits": orbits, "noise": noise,
        "conv_W0": conv_W0, "conv_b0": conv_b0, "conv_W1": conv_W1, "conv_b1": conv_b1,
        "mlp_W0": mlp_W0, "mlp_b0": mlp_b0, "mlp_W1": mlp_W1, "mlp_b1": mlp_b1,
    }


def reference(x, edge_index, orbits, noise, conv_W0, conv_b0, conv_W1, conv_b1, mlp_W0, mlp_b0, mlp_W1, mlp_b1):
    n = x.shape[0]
    self_loop = jnp.arange(n, dtype=edge_index.dtype)
    src = jnp.concatenate([edge_index[0], self_loop])
    dst = jnp.concatenate([edge_index[1], self_loop])
    h = jnp.concatenate([x, noise], axis=1)
    # layer 0
    h = gcn_conv(h, src, dst, conv_W0, conv_b0)
    mp = jnp.broadcast_to(jnp.max(h, axis=0, keepdims=True), h.shape)
    h = jnp.concatenate([h, mp], axis=1) @ mlp_W0 + mlp_b0
    h = jax.nn.relu(h)
    # layer 1 (last: no relu)
    h = gcn_conv(h, src, dst, conv_W1, conv_b1)
    mp = jnp.broadcast_to(jnp.max(h, axis=0, keepdims=True), h.shape)
    h = jnp.concatenate([h, mp], axis=1) @ mlp_W1 + mlp_b1
    return h

if __name__ == "__main__":
    import jax
    _d = setup_inputs()
    print(jax.jit(kernel)(*tuple(_d.values())))

</pallas_src>

<mosaic_0001>
#map = affine_map<(d0, d1) -> (0)>
#map1 = affine_map<(d0, d1) -> (0, 0)>
module attributes {stable_mosaic.version = 14 : i64} {
  func.func @_deg_body(%arg0: i32, %arg1: i32, %arg2: memref<320000xi32, #tpu.memory_space<hbm>>, %arg3: memref<10240xf32, #tpu.memory_space<hbm>>, %arg4: memref<32x10240xf32, #tpu.memory_space<hbm>>, %arg5: memref<10240xf32, #tpu.memory_space<vmem>>, %arg6: memref<10000xi32, #tpu.memory_space<vmem>>) attributes {dimension_semantics = [#tpu.dimension_semantics<core_parallel>, #tpu.dimension_semantics<subcore_parallel>], iteration_bounds = array<i64: 2, 16>, scalar_prefetch = 0 : i64, scratch_operands = 2 : i64, tpu.core_type = #tpu.core_type<sc_vector_subcore>, window_params = [{transform_indices = #map}, {transform_indices = #map}, {transform_indices = #map1}]} {
    %mul3A = arith.constant 2 : i32
    %mul3A_0 = arith.muli %arg1, %mul3A : i32
    %add3A = arith.addi %mul3A_0, %arg0 : i32
    "tpu.region"() ({
      %run_scoped3A = tpu.sem_alloc : memref<!tpu.dma_semaphore, #tpu.memory_space<semaphore_mem>>
      tpu.enqueue_dma source(%arg3 : memref<10240xf32, #tpu.memory_space<hbm>>) target(%arg5 : memref<10240xf32, #tpu.memory_space<vmem>>) target_semaphore(%run_scoped3A : memref<!tpu.dma_semaphore, #tpu.memory_space<semaphore_mem>>)
      tpu.wait_dma2 semaphore(%run_scoped3A : memref<!tpu.dma_semaphore, #tpu.memory_space<semaphore_mem>>) src(%arg3 : memref<10240xf32, #tpu.memory_space<hbm>>) dst(%arg5 : memref<10240xf32, #tpu.memory_space<vmem>>)
      tpu.yield
    }) : () -> ()
    %mul3A_1 = arith.constant 10000 : i32
    %mul3A_2 = arith.muli %add3A, %mul3A_1 : i32
    "tpu.region"() ({
      %run_scoped3A = tpu.sem_alloc : memref<!tpu.dma_semaphore, #tpu.memory_space<semaphore_mem>>
      %dma_start3A = tpu.memref_slice %arg2[%mul3A_2] : memref<320000xi32, #tpu.memory_space<hbm>> -> memref<10000xi32, #tpu.memory_space<hbm>>
      %dma_start3A_9 = tpu.memref_slice %arg2[%mul3A_2] : memref<320000xi32, #tpu.memory_space<hbm>> -> memref<10000xi32, #tpu.memory_space<hbm>>
      tpu.enqueue_dma source(%dma_start3A_9 : memref<10000xi32, #tpu.memory_space<hbm>>) target(%arg6 : memref<10000xi32, #tpu.memory_space<vmem>>) target_semaphore(%run_scoped3A : memref<!tpu.dma_semaphore, #tpu.memory_space<semaphore_mem>>)
      %dma_wait3A = tpu.memref_slice %arg2[%mul3A_2] : memref<320000xi32, #tpu.memory_space<hbm>> -> memref<10000xi32, #tpu.memory_space<hbm>>
      %dma_wait3A_10 = tpu.memref_slice %arg2[%mul3A_2] : memref<320000xi32, #tpu.memory_space<hbm>> -> memref<10000xi32, #tpu.memory_space<hbm>>
      tpu.wait_dma2 semaphore(%run_scoped3A : memref<!tpu.dma_semaphore, #tpu.memory_space<semaphore_mem>>) src(%dma_wait3A_10 : memref<10000xi32, #tpu.memory_space<hbm>>) dst(%arg6 : memref<10000xi32, #tpu.memory_space<vmem>>)
      tpu.yield
    }) : () -> ()
    %broadcast_in_dim3A = arith.constant 1.000000e+00 : f32
    %broadcast_in_dim3A_3 = vector.broadcast %broadcast_in_dim3A : f32 to vector<16xf32>
    %scan3A = arith.constant 0 : i32
    %scan3A_4 = arith.constant 0 : i32
    %scan3A_5 = arith.constant 625 : i32
    %scan3A_6 = arith.addi %scan3A_4, %scan3A_5 : i32
    %scan3A_7 = arith.constant 1 : i32
    scf.for %scan3A_9 = %scan3A_4 to %scan3A_6 step %scan3A_7  : i32 {
      %mul3A_10 = arith.constant 16 : i32
      %mul3A_11 = arith.muli %scan3A_9, %mul3A_10 : i32
      %get3A = arith.index_cast %mul3A_11 : i32 to index
      %get3A_12 = tpu.vector_load %arg6[%get3A] {strides = array<i32>} : memref<10000xi32, #tpu.memory_space<vmem>>, vector<16xi32>,
      tpu.vector_store_idx %arg5[%get3A_12], %broadcast_in_dim3A_3 {add = true} : memref<10240xf32, #tpu.memory_space<vmem>>[vector<16xi32>], vector<16xf32>,
    }
    %scan3A_8 = arith.constant 625 : i32
    "tpu.region"() ({
      %run_scoped3A = tpu.sem_alloc : memref<!tpu.dma_semaphore, #tpu.memory_space<semaphore_mem>>
      %dma_start3A = arith.constant 0 : i32
      %dma_start3A_9 = tpu.memref_slice %arg4[%add3A, %dma_start3A] : memref<32x10240xf32, #tpu.memory_space<hbm>> -> memref<1x10240xf32, #tpu.memory_space<hbm>>
      %dma_start3A_10 = tpu.memref_squeeze %dma_start3A_9 : memref<1x10240xf32, #tpu.memory_space<hbm>> -> memref<10240xf32, #tpu.memory_space<hbm>>
      %dma_start3A_11 = arith.constant 0 : i32
      %dma_start3A_12 = tpu.memref_slice %arg4[%add3A, %dma_start3A_11] : memref<32x10240xf32, #tpu.memory_space<hbm>> -> memref<1x10240xf32, #tpu.memory_space<hbm>>
      %dma_start3A_13 = tpu.memref_squeeze %dma_start3A_12 : memref<1x10240xf32, #tpu.memory_space<hbm>> -> memref<10240xf32, #tpu.memory_space<hbm>>
      tpu.enqueue_dma source(%arg5 : memref<10240xf32, #tpu.memory_space<vmem>>) target(%dma_start3A_13 : memref<10240xf32, #tpu.memory_space<hbm>>) target_semaphore(%run_scoped3A : memref<!tpu.dma_semaphore, #tpu.memory_space<semaphore_mem>>)
      %dma_wait3A = arith.constant 0 : i32
      %dma_wait3A_14 = tpu.memref_slice %arg4[%add3A, %dma_wait3A] : memref<32x10240xf32, #tpu.memory_space<hbm>> -> memref<1x10240xf32, #tpu.memory_space<hbm>>
      %dma_wait3A_15 = tpu.memref_squeeze %dma_wait3A_14 : memref<1x10240xf32, #tpu.memory_space<hbm>> -> memref<10240xf32, #tpu.memory_space<hbm>>
      %dma_wait3A_16 = arith.constant 0 : i32
      %dma_wait3A_17 = tpu.memref_slice %arg4[%add3A, %dma_wait3A_16] : memref<32x10240xf32, #tpu.memory_space<hbm>> -> memref<1x10240xf32, #tpu.memory_space<hbm>>
      %dma_wait3A_18 = tpu.memref_squeeze %dma_wait3A_17 : memref<1x10240xf32, #tpu.memory_space<hbm>> -> memref<10240xf32, #tpu.memory_space<hbm>>
      tpu.wait_dma2 semaphore(%run_scoped3A : memref<!tpu.dma_semaphore, #tpu.memory_space<semaphore_mem>>) src(%arg5 : memref<10240xf32, #tpu.memory_space<vmem>>) dst(%dma_wait3A_18 : memref<10240xf32, #tpu.memory_space<hbm>>)
      tpu.yield
    }) : () -> ()
    return
  }
}

#map = affine_map<(d0, d1) -> (0, 0)>
#map1 = affine_map<(d0, d1) -> (0)>
#map2 = affine_map<(d0, d1) -> (0, 0, 0)>
module attributes {stable_mosaic.version = 14 : i64} {
  func.func @_msg_body(%arg0: i32, %arg1: i32, %arg2: memref<10000x128xf32, #tpu.memory_space<hbm>>, %arg3: memref<320000xi32, #tpu.memory_space<hbm>>, %arg4: memref<320000xi32, #tpu.memory_space<hbm>>, %arg5: memref<2x10000x128xf32, #tpu.memory_space<hbm>>, %arg6: memref<10000x128xf32, #tpu.memory_space<vmem_shared>>, %arg7: memref<40xi32, #tpu.memory_space<vmem>>, %arg8: memref<40xi32, #tpu.memory_space<vmem>>, %arg9: memref<40xi32, #tpu.memory_space<vmem>>, %arg10: memref<40xi32, #tpu.memory_space<vmem>>, %arg11: memref<40xi32, #tpu.memory_space<vmem>>, %arg12: memref<40xi32, #tpu.memory_space<vmem>>, %arg13: memref<40xi32, #tpu.memory_space<vmem>>, %arg14: memref<40xi32, #tpu.memory_space<vmem>>, %arg15: memref<40xi32, #tpu.memory_space<vmem>>, %arg16: memref<40xi32, #tpu.memory_space<vmem>>, %arg17: memref<40xi32, #tpu.memory_space<vmem>>, %arg18: memref<40xi32, #tpu.memory_space<vmem>>, %arg19: memref<40xi32, #tpu.memory_space<vmem>>, %arg20: memref<40xi32, #tpu.memory_space<vmem>>, %arg21: memref<40xi32, #tpu.memory_space<vmem>>, %arg22: memref<40xi32, #tpu.memory_space<vmem>>, %arg23: memref<40xi32, #tpu.memory_space<vmem>>, %arg24: memref<40xi32, #tpu.memory_space<vmem>>, %arg25: memref<40xi32, #tpu.memory_space<vmem>>, %arg26: memref<40xi32, #tpu.memory_space<vmem>>, %arg27: memref<40x128xf32, #tpu.memory_space<vmem>>, %arg28: memref<40x128xf32, #tpu.memory_space<vmem>>, %arg29: memref<40x128xf32, #tpu.memory_space<vmem>>, %arg30: memref<40x128xf32, #tpu.memory_space<vmem>>, %arg31: memref<40x128xf32, #tpu.memory_space<vmem>>, %arg32: memref<!tpu.dma_semaphore, #tpu.memory_space<semaphore_mem>>, %arg33: memref<!tpu.dma_semaphore, #tpu.memory_space<semaphore_mem>>, %arg34: memref<!tpu.dma_semaphore, #tpu.memory_space<semaphore_mem>>, %arg35: memref<!tpu.dma_semaphore, #tpu.memory_space<semaphore_mem>>, %arg36: memref<!tpu.dma_semaphore, #tpu.memory_space<semaphore_mem>>, %arg37: memref<!tpu.dma_semaphore, #tpu.memory_space<semaphore_mem>>, %arg38: memref<!tpu.dma_semaphore, #tpu.memory_space<semaphore_mem>>, %arg39: memref<!tpu.dma_semaphore, #tpu.memory_space<semaphore_mem>>, %arg40: memref<!tpu.dma_semaphore, #tpu.memory_space<semaphore_mem>>, %arg41: memref<!tpu.dma_semaphore, #tpu.memory_space<semaphore_mem>>, %arg42: memref<!tpu.dma_semaphore, #tpu.memory_space<semaphore_mem>>, %arg43: memref<!tpu.dma_semaphore, #tpu.memory_space<semaphore_mem>>, %arg44: memref<!tpu.dma_semaphore, #tpu.memory_space<semaphore_mem>>, %arg45: memref<!tpu.dma_semaphore, #tpu.memory_space<semaphore_mem>>, %arg46: memref<!tpu.dma_semaphore, #tpu.memory_space<semaphore_mem>>, %arg47: memref<!tpu.dma_semaphore, #tpu.memory_space<semaphore_mem>>, %arg48: memref<!tpu.dma_semaphore, #tpu.memory_space<semaphore_mem>>, %arg49: memref<!tpu.dma_semaphore, #tpu.memory_space<semaphore_mem>>, %arg50: memref<!tpu.dma_semaphore, #tpu.memory_space<semaphore_mem>>, %arg51: memref<!tpu.dma_semaphore, #tpu.memory_space<semaphore_mem>>) attributes {dimension_semantics = [#tpu.dimension_semantics<core_parallel>, #tpu.dimension_semantics<subcore_parallel>], iteration_bounds = array<i64: 2, 16>, scalar_prefetch = 0 : i64, scratch_operands = 46 : i64, tpu.core_type = #tpu.core_type<sc_vector_subcore>, window_params = [{transform_indices = #map}, {transform_indices = #map1}, {transform_indices = #map1}, {transform_indices = #map2}]} {
    %mul3A = arith.constant 2 : i32
    %mul3A_0 = arith.muli %arg1, %mul3A : i32
    %add3A = arith.addi %mul3A_0, %arg0 : i32
    %mul3A_1 = arith.constant 624 : i32
    %mul3A_2 = arith.muli %arg1, %mul3A_1 : i32
    %mul3A_3 = arith.constant 10000 : i32
    %mul3A_4 = arith.muli %add3A, %mul3A_3 : i32
    %add3A_5 = arith.constant 0 : i32
    %add3A_6 = arith.addi %mul3A_4, %add3A_5 : i32
    %dma_start3A = tpu.memref_slice %arg3[%add3A_6] : memref<320000xi32, #tpu.memory_space<hbm>> -> memref<40xi32, #tpu.memory_space<hbm>>
    %dma_start3A_7 = tpu.memref_slice %arg3[%add3A_6] : memref<320000xi32, #tpu.memory_space<hbm>> -> memref<40xi32, #tpu.memory_space<hbm>>
    tpu.enqueue_dma source(%dma_start3A_7 : memref<40xi32, #tpu.memory_space<hbm>>) target(%arg7 : memref<40xi32, #tpu.memory_space<vmem>>) target_semaphore(%arg32 : memref<!tpu.dma_semaphore, #tpu.memory_space<semaphore_mem>>)
    %dma_start3A_8 = tpu.memref_slice %arg4[%add3A_6] : memref<320000xi32, #tpu.memory_space<hbm>> -> memref<40xi32, #tpu.memory_space<hbm>>
    %dma_start3A_9 = tpu.memref_slice %arg4[%add3A_6] : memref<320000xi32, #tpu.memory_space<hbm>> -> memref<40xi32, #tpu.memory_space<hbm>>
    tpu.enqueue_dma source(%dma_start3A_9 : memref<40xi32, #tpu.memory_space<hbm>>) target(%arg17 : memref<40xi32, #tpu.memory_space<vmem>>) target_semaphore(%arg32 : memref<!tpu.dma_semaphore, #tpu.memory_space<semaphore_mem>>)
    %add3A_10 = arith.constant 40 : i32
    %add3A_11 = arith.addi %mul3A_4, %add3A_10 : i32
    %dma_start3A_12 = tpu.memref_slice %arg3[%add3A_11] : memref<320000xi32, #tpu.memory_space<hbm>> -> memref<40xi32, #tpu.memory_space<hbm>>
    %dma_start3A_13 = tpu.memref_slice %arg3[%add3A_11] : memref<320000xi32, #tpu.memory_space<hbm>> -> memref<40xi32, #tpu.memory_space<hbm>>
    tpu.enqueue_dma source(%dma_start3A_13 : memref<40xi32, #tpu.memory_space<hbm>>) target(%arg8 : memref<40xi32, #tpu.memory_space<vmem>>) target_semaphore(%arg33 : memref<!tpu.dma_semaphore, #tpu.memory_space<semaphore_mem>>)
    %dma_start3A_14 = tpu.memref_slice %arg4[%add3A_11] : memref<320000xi32, #tpu.memory_space<hbm>> -> memref<40xi32, #tpu.memory_space<hbm>>
    %dma_start3A_15 = tpu.memref_slice %arg4[%add3A_11] : memref<320000xi32, #tpu.memory_space<hbm>> -> memref<40xi32, #tpu.memory_space<hbm>>
    tpu.enqueue_dma source(%dma_start3A_15 : memref<40xi32, #tpu.memory_space<hbm>>) target(%arg18 : memref<40xi32, #tpu.memory_space<vmem>>) target_semaphore(%arg33 : memref<!tpu.dma_semaphore, #tpu.memory_space<semaphore_mem>>)
    %add3A_16 = arith.constant 80 : i32
    %add3A_17 = arith.addi %mul3A_4, %add3A_16 : i32
    %dma_start3A_18 = tpu.memref_slice %arg3[%add3A_17] : memref<320000xi32, #tpu.memory_space<hbm>> -> memref<40xi32, #tpu.memory_space<hbm>>
    %dma_start3A_19 = tpu.memref_slice %arg3[%add3A_17] : memref<320000xi32, #tpu.memory_space<hbm>> -> memref<40xi32, #tpu.memory_space<hbm>>
    tpu.enqueue_dma source(%dma_start3A_19 : memref<40xi32, #tpu.memory_space<hbm>>) target(%arg9 : memref<40xi32, #tpu.memory_space<vmem>>) target_semaphore(%arg34 : memref<!tpu.dma_semaphore, #tpu.memory_space<semaphore_mem>>)
    %dma_start3A_20 = tpu.memref_slice %arg4[%add3A_17] : memref<320000xi32, #tpu.memory_space<hbm>> -> memref<40xi32, #tpu.memory_space<hbm>>
    %dma_start3A_21 = tpu.memref_slice %arg4[%add3A_17] : memref<320000xi32, #tpu.memory_space<hbm>> -> memref<40xi32, #tpu.memory_space<hbm>>
    tpu.enqueue_dma source(%dma_start3A_21 : memref<40xi32, #tpu.memory_space<hbm>>) target(%arg19 : memref<40xi32, #tpu.memory_space<vmem>>) target_semaphore(%arg34 : memref<!tpu.dma_semaphore, #tpu.memory_space<semaphore_mem>>)
    %add3A_22 = arith.constant 120 : i32
    %add3A_23 = arith.addi %mul3A_4, %add3A_22 : i32
    %dma_start3A_24 = tpu.memref_slice %arg3[%add3A_23] : memref<320000xi32, #tpu.memory_space<hbm>> -> memref<40xi32, #tpu.memory_space<hbm>>
    %dma_start3A_25 = tpu.memref_slice %arg3[%add3A_23] : memref<320000xi32, #tpu.memory_space<hbm>> -> memref<40xi32, #tpu.memory_space<hbm>>
    tpu.enqueue_dma source(%dma_start3A_25 : memref<40xi32, #tpu.memory_space<hbm>>) target(%arg10 : memref<40xi32, #tpu.memory_space<vmem>>) target_semaphore(%arg35 : memref<!tpu.dma_semaphore, #tpu.memory_space<semaphore_mem>>)
    %dma_start3A_26 = tpu.memref_slice %arg4[%add3A_23] : memref<320000xi32, #tpu.memory_space<hbm>> -> memref<40xi32, #tpu.memory_space<hbm>>
    %dma_start3A_27 = tpu.memref_slice %arg4[%add3A_23] : memref<320000xi32, #tpu.memory_space<hbm>> -> memref<40xi32, #tpu.memory_space<hbm>>
    tpu.enqueue_dma source(%dma_start3A_27 : memref<40xi32, #tpu.memory_space<hbm>>) target(%arg20 : memref<40xi32, #tpu.memory_space<vmem>>) target_semaphore(%arg35 : memref<!tpu.dma_semaphore, #tpu.memory_space<semaphore_mem>>)
    %add3A_28 = arith.constant 160 : i32
    %add3A_29 = arith.addi %mul3A_4, %add3A_28 : i32
    %dma_start3A_30 = tpu.memref_slice %arg3[%add3A_29] : memref<320000xi32, #tpu.memory_space<hbm>> -> memref<40xi32, #tpu.memory_space<hbm>>
    %dma_start3A_31 = tpu.memref_slice %arg3[%add3A_29] : memref<320000xi32, #tpu.memory_space<hbm>> -> memref<40xi32, #tpu.memory_space<hbm>>
    tpu.enqueue_dma source(%dma_start3A_31 : memref<40xi32, #tpu.memory_space<hbm>>) target(%arg11 : memref<40xi32, #tpu.memory_space<vmem>>) target_semaphore(%arg36 : memref<!tpu.dma_semaphore, #tpu.memory_space<semaphore_mem>>)
    %dma_start3A_32 = tpu.memref_slice %arg4[%add3A_29] : memref<320000xi32, #tpu.memory_space<hbm>> -> memref<40xi32, #tpu.memory_space<hbm>>
    %dma_start3A_33 = tpu.memref_slice %arg4[%add3A_29] : memref<320000xi32, #tpu.memory_space<hbm>> -> memref<40xi32, #tpu.memory_space<hbm>>
    tpu.enqueue_dma source(%dma_start3A_33 : memref<40xi32, #tpu.memory_space<hbm>>) target(%arg21 : memref<40xi32, #tpu.memory_space<vmem>>) target_semaphore(%arg36 : memref<!tpu.dma_semaphore, #tpu.memory_space<semaphore_mem>>)
    "tpu.region"() ({
      %run_scoped3A = tpu.sem_alloc : memref<!tpu.dma_semaphore, #tpu.memory_space<semaphore_mem>>
      %dma_start3A_54 = arith.constant 0 : i32
      %dma_start3A_55 = tpu.memref_slice %arg6[%mul3A_2, %dma_start3A_54] : memref<10000x128xf32, #tpu.memory_space<vmem_shared>> -> memref<640x128xf32, #tpu.memory_space<vmem_shared>>
      %dma_start3A_56 = arith.constant 0 : i32
      %dma_start3A_57 = tpu.memref_slice %arg2[%mul3A_2, %dma_start3A_56] : memref<10000x128xf32, #tpu.memory_space<hbm>> -> memref<640x128xf32, #tpu.memory_space<hbm>>
      tpu.enqueue_dma source(%dma_start3A_57 : memref<640x128xf32, #tpu.memory_space<hbm>>) target(%dma_start3A_55 : memref<640x128xf32, #tpu.memory_space<vmem_shared>>) target_semaphore(%run_scoped3A : memref<!tpu.dma_semaphore, #tpu.memory_space<semaphore_mem>>)
      %dma_wait3A_58 = arith.constant 0 : i32
      %dma_wait3A_59 = tpu.memref_slice %arg6[%mul3A_2, %dma_wait3A_58] : memref<10000x128xf32, #tpu.memory_space<vmem_shared>> -> memref<640x128xf32, #tpu.memory_space<vmem_shared>>
      %dma_wait3A_60 = arith.constant 0 : i32
      %dma_wait3A_61 = tpu.memref_slice %arg2[%mul3A_2, %dma_wait3A_60] : memref<10000x128xf32, #tpu.memory_space<hbm>> -> memref<640x128xf32, #tpu.memory_space<hbm>>
      tpu.wait_dma2 semaphore(%run_scoped3A : memref<!tpu.dma_semaphore, #tpu.memory_space<semaphore_mem>>) src(%dma_wait3A_61 : memref<640x128xf32, #tpu.memory_space<hbm>>) dst(%dma_wait3A_59 : memref<640x128xf32, #tpu.memory_space<vmem_shared>>)
      tpu.yield
    }) : () -> ()
    %barrier3A = arith.constant 0 : index
    tpu.barrier barrier_id(%barrier3A)
    %scan3A = arith.constant 0 : i32
    %scan3A_34 = arith.constant 0 : i32
    %scan3A_35 = arith.constant 25 : i32
    %scan3A_36 = arith.addi %scan3A_34, %scan3A_35 : i32
    %scan3A_37 = arith.constant 1 : i32
    scf.for %scan3A_54 = %scan3A_34 to %scan3A_36 step %scan3A_37  : i32 {
      %mul3A_55 = arith.constant 2 : i32
      %mul3A_56 = arith.muli %mul3A_55, %scan3A_54 : i32
      %mul3A_57 = arith.constant 5 : i32
      %mul3A_58 = arith.muli %mul3A_56, %mul3A_57 : i32
      %add3A_59 = arith.constant 0 : i32
      %add3A_60 = arith.addi %mul3A_58, %add3A_59 : i32
      %gt3A = arith.constant 0 : i32
      %gt3A_61 = arith.cmpi sgt, %mul3A_56, %gt3A : i32
      %convert_element_type3A = arith.extui %gt3A_61 : i1 to i32
      %cond3A = arith.constant 0 : i32
      %cond3A_62 = arith.cmpi ne, %convert_element_type3A, %cond3A : i32
      scf.if %cond3A_62 {
        %dma_wait3A_357 = arith.constant 0 : i32
        %dma_wait3A_358 = arith.constant 0 : i32
        %dma_wait3A_359 = tpu.memref_slice %arg6[%dma_wait3A_357, %dma_wait3A_358] : memref<10000x128xf32, #tpu.memory_space<vmem_shared>> -> memref<10000x128xf32, #tpu.memory_space<vmem_shared>>
        tpu.wait_indirect_dma semaphore(%arg47 : memref<!tpu.dma_semaphore, #tpu.memory_space<semaphore_mem>>) src(%arg27 : memref<40x128xf32, #tpu.memory_space<vmem>>) dst(%dma_wait3A_359 : memref<10000x128xf32, #tpu.memory_space<vmem_shared>>)
      } else {
      }
      %lt3A = arith.constant 49 : i32
      %lt3A_63 = arith.cmpi slt, %mul3A_56, %lt3A : i32
      %convert_element_type3A_64 = arith.extui %lt3A_63 : i1 to i32
      %cond3A_65 = arith.constant 0 : i32
      %cond3A_66 = arith.cmpi ne, %convert_element_type3A_64, %cond3A_65 : i32
      scf.if %cond3A_66 {
        %add3A_357 = arith.constant 5 : i32
        %add3A_358 = arith.addi %add3A_60, %add3A_357 : i32
        %mul3A_359 = arith.constant 40 : i32
        %mul3A_360 = arith.muli %add3A_358, %mul3A_359 : i32
        %add3A_361 = arith.addi %mul3A_4, %mul3A_360 : i32
        %dma_start3A_362 = tpu.memref_slice %arg3[%add3A_361] : memref<320000xi32, #tpu.memory_space<hbm>> -> memref<40xi32, #tpu.memory_space<hbm>>
        %dma_start3A_363 = tpu.memref_slice %arg3[%add3A_361] : memref<320000xi32, #tpu.memory_space<hbm>> -> memref<40xi32, #tpu.memory_space<hbm>>
        tpu.enqueue_dma source(%dma_start3A_363 : memref<40xi32, #tpu.memory_space<hbm>>) target(%arg12 : memref<40xi32, #tpu.memory_space<vmem>>) target_semaphore(%arg37 : memref<!tpu.dma_semaphore, #tpu.memory_space<semaphore_mem>>)
        %dma_start3A_364 = tpu.memref_slice %arg4[%add3A_361] : memref<320000xi32, #tpu.memory_space<hbm>> -> memref<40xi32, #tpu.memory_space<hbm>>
        %dma_start3A_365 = tpu.memref_slice %arg4[%add3A_361] : memref<320000xi32, #tpu.memory_space<hbm>> -> memref<40xi32, #tpu.memory_space<hbm>>
        tpu.enqueue_dma source(%dma_start3A_365 : memref<40xi32, #tpu.memory_space<hbm>>) target(%arg22 : memref<40xi32, #tpu.memory_space<vmem>>) target_semaphore(%arg37 : memref<!tpu.dma_semaphore, #tpu.memory_space<semaphore_mem>>)
      } else {
      }
      %mul3A_67 = arith.constant 40 : i32
      %mul3A_68 = arith.muli %add3A_60, %mul3A_67 : i32
      %add3A_69 = arith.addi %mul3A_4, %mul3A_68 : i32
      %dma_wait3A_70 = tpu.memref_slice %arg3[%add3A_69] : memref<320000xi32, #tpu.memory_space<hbm>> -> memref<40xi32, #tpu.memory_space<hbm>>
      %dma_wait3A_71 = tpu.memref_slice %arg3[%add3A_69] : memref<320000xi32, #tpu.memory_space<hbm>> -> memref<40xi32, #tpu.memory_space<hbm>>
      tpu.wait_dma2 semaphore(%arg32 : memref<!tpu.dma_semaphore, #tpu.memory_space<semaphore_mem>>) src(%dma_wait3A_71 : memref<40xi32, #tpu.memory_space<hbm>>) dst(%arg7 : memref<40xi32, #tpu.memory_space<vmem>>)
      %dma_wait3A_72 = tpu.memref_slice %arg4[%add3A_69] : memref<320000xi32, #tpu.memory_space<hbm>> -> memref<40xi32, #tpu.memory_space<hbm>>
      %dma_wait3A_73 = tpu.memref_slice %arg4[%add3A_69] : memref<320000xi32, #tpu.memory_space<hbm>> -> memref<40xi32, #tpu.memory_space<hbm>>
      tpu.wait_dma2 semaphore(%arg32 : memref<!tpu.dma_semaphore, #tpu.memory_space<semaphore_mem>>) src(%dma_wait3A_73 : memref<40xi32, #tpu.memory_space<hbm>>) dst(%arg17 : memref<40xi32, #tpu.memory_space<vmem>>)
      %dma_start3A_74 = arith.constant 0 : i32
      %dma_start3A_75 = arith.constant 0 : i32
      %dma_start3A_76 = tpu.memref_slice %arg2[%dma_start3A_74, %dma_start3A_75] : memref<10000x128xf32, #tpu.memory_space<hbm>> -> memref<10000x128xf32, #tpu.memory_space<hbm>>
      tpu.enqueue_indirect_dma source(%dma_start3A_76 : memref<10000x128xf32, #tpu.memory_space<hbm>>) target(%arg27 : memref<40x128xf32, #tpu.memory_space<vmem>>) offsets(%arg7 : memref<40xi32, #tpu.memory_space<vmem>>) semaphore(%arg42 : memref<!tpu.dma_semaphore, #tpu.memory_space<semaphore_mem>>)
      %mul3A_77 = arith.constant 5 : i32
      %mul3A_78 = arith.muli %mul3A_56, %mul3A_77 : i32
      %add3A_79 = arith.constant 1 : i32
      %add3A_80 = arith.addi %mul3A_78, %add3A_79 : i32
      %gt3A_81 = arith.constant 0 : i32
      %gt3A_82 = arith.cmpi sgt, %mul3A_56, %gt3A_81 : i32
      %convert_element_type3A_83 = arith.extui %gt3A_82 : i1 to i32
      %cond3A_84 = arith.constant 0 : i32
      %cond3A_85 = arith.cmpi ne, %convert_element_type3A_83, %cond3A_84 : i32
      scf.if %cond3A_85 {
        %dma_wait3A_357 = arith.constant 0 : i32
        %dma_wait3A_358 = arith.constant 0 : i32
        %dma_wait3A_359 = tpu.memref_slice %arg6[%dma_wait3A_357, %dma_wait3A_358] : memref<10000x128xf32, #tpu.memory_space<vmem_shared>> -> memref<10000x128xf32, #tpu.memory_space<vmem_shared>>
        tpu.wait_indirect_dma semaphore(%arg48 : memref<!tpu.dma_semaphore, #tpu.memory_space<semaphore_mem>>) src(%arg28 : memref<40x128xf32, #tpu.memory_space<vmem>>) dst(%dma_wait3A_359 : memref<10000x128xf32, #tpu.memory_space<vmem_shared>>)
      } else {
      }
      %lt3A_86 = arith.constant 49 : i32
      %lt3A_87 = arith.cmpi slt, %mul3A_56, %lt3A_86 : i32
      %convert_element_type3A_88 = arith.extui %lt3A_87 : i1 to i32
      %cond3A_89 = arith.constant 0 : i32
      %cond3A_90 = arith.cmpi ne, %convert_element_type3A_88, %cond3A_89 : i32
      scf.if %cond3A_90 {
        %add3A_357 = arith.constant 5 : i32
        %add3A_358 = arith.addi %add3A_80, %add3A_357 : i32
        %mul3A_359 = arith.constant 40 : i32
        %mul3A_360 = arith.muli %add3A_358, %mul3A_359 : i32
        %add3A_361 = arith.addi %mul3A_4, %mul3A_360 : i32
        %dma_start3A_362 = tpu.memref_slice %arg3[%add3A_361] : memref<320000xi32, #tpu.memory_space<hbm>> -> memref<40xi32, #tpu.memory_space<hbm>>
        %dma_start3A_363 = tpu.memref_slice %arg3[%add3A_361] : memref<320000xi32, #tpu.memory_space<hbm>> -> memref<40xi32, #tpu.memory_space<hbm>>
        tpu.enqueue_dma source(%dma_start3A_363 : memref<40xi32, #tpu.memory_space<hbm>>) target(%arg13 : memref<40xi32, #tpu.memory_space<vmem>>) target_semaphore(%arg38 : memref<!tpu.dma_semaphore, #tpu.memory_space<semaphore_mem>>)
        %dma_start3A_364 = tpu.memref_slice %arg4[%add3A_361] : memref<320000xi32, #tpu.memory_space<hbm>> -> memref<40xi32, #tpu.memory_space<hbm>>
        %dma_start3A_365 = tpu.memref_slice %arg4[%add3A_361] : memref<320000xi32, #tpu.memory_space<hbm>> -> memref<40xi32, #tpu.memory_space<hbm>>
        tpu.enqueue_dma source(%dma_start3A_365 : memref<40xi32, #tpu.memory_space<hbm>>) target(%arg23 : memref<40xi32, #tpu.memory_space<vmem>>) target_semaphore(%arg38 : memref<!tpu.dma_semaphore, #tpu.memory_space<semaphore_mem>>)
      } else {
      }
      %mul3A_91 = arith.constant 40 : i32
      %mul3A_92 = arith.muli %add3A_80, %mul3A_91 : i32
      %add3A_93 = arith.addi %mul3A_4, %mul3A_92 : i32
      %dma_wait3A_94 = tpu.memref_slice %arg3[%add3A_93] : memref<320000xi32, #tpu.memory_space<hbm>> -> memref<40xi32, #tpu.memory_space<hbm>>
      %dma_wait3A_95 = tpu.memref_slice %arg3[%add3A_93] : memref<320000xi32, #tpu.memory_space<hbm>> -> memref<40xi32, #tpu.memory_space<hbm>>
      tpu.wait_dma2 semaphore(%arg33 : memref<!tpu.dma_semaphore, #tpu.memory_space<semaphore_mem>>) src(%dma_wait3A_95 : memref<40xi32, #tpu.memory_space<hbm>>) dst(%arg8 : memref<40xi32, #tpu.memory_space<vmem>>)
      %dma_wait3A_96 = tpu.memref_slice %arg4[%add3A_93] : memref<320000xi32, #tpu.memory_space<hbm>> -> memref<40xi32, #tpu.memory_space<hbm>>
      %dma_wait3A_97 = tpu.memref_slice %arg4[%add3A_93] : memref<320000xi32, #tpu.memory_space<hbm>> -> memref<40xi32, #tpu.memory_space<hbm>>
      tpu.wait_dma2 semaphore(%arg33 : memref<!tpu.dma_semaphore, #tpu.memory_space<semaphore_mem>>) src(%dma_wait3A_97 : memref<40xi32, #tpu.memory_space<hbm>>) dst(%arg18 : memref<40xi32, #tpu.memory_space<vmem>>)
      %dma_start3A_98 = arith.constant 0 : i32
      %dma_start3A_99 = arith.constant 0 : i32
      %dma_start3A_100 = tpu.memref_slice %arg2[%dma_start3A_98, %dma_start3A_99] : memref<10000x128xf32, #tpu.memory_space<hbm>> -> memref<10000x128xf32, #tpu.memory_space<hbm>>
      tpu.enqueue_indirect_dma source(%dma_start3A_100 : memref<10000x128xf32, #tpu.memory_space<hbm>>) target(%arg28 : memref<40x128xf32, #tpu.memory_space<vmem>>) offsets(%arg8 : memref<40xi32, #tpu.memory_space<vmem>>) semaphore(%arg43 : memref<!tpu.dma_semaphore, #tpu.memory_space<semaphore_mem>>)
      %mul3A_101 = arith.constant 5 : i32
      %mul3A_102 = arith.muli %mul3A_56, %mul3A_101 : i32
      %add3A_103 = arith.constant 2 : i32
      %add3A_104 = arith.addi %mul3A_102, %add3A_103 : i32
      %gt3A_105 = arith.constant 0 : i32
      %gt3A_106 = arith.cmpi sgt, %mul3A_56, %gt3A_105 : i32
      %convert_element_type3A_107 = arith.extui %gt3A_106 : i1 to i32
      %cond3A_108 = arith.constant 0 : i32
      %cond3A_109 = arith.cmpi ne, %convert_element_type3A_107, %cond3A_108 : i32
      scf.if %cond3A_109 {
        %dma_wait3A_357 = arith.constant 0 : i32
        %dma_wait3A_358 = arith.constant 0 : i32
        %dma_wait3A_359 = tpu.memref_slice %arg6[%dma_wait3A_357, %dma_wait3A_358] : memref<10000x128xf32, #tpu.memory_space<vmem_shared>> -> memref<10000x128xf32, #tpu.memory_space<vmem_shared>>
        tpu.wait_indirect_dma semaphore(%arg49 : memref<!tpu.dma_semaphore, #tpu.memory_space<semaphore_mem>>) src(%arg29 : memref<40x128xf32, #tpu.memory_space<vmem>>) dst(%dma_wait3A_359 : memref<10000x128xf32, #tpu.memory_space<vmem_shared>>)
      } else {
      }
      %lt3A_110 = arith.constant 49 : i32
      %lt3A_111 = arith.cmpi slt, %mul3A_56, %lt3A_110 : i32
      %convert_element_type3A_112 = arith.extui %lt3A_111 : i1 to i32
      %cond3A_113 = arith.constant 0 : i32
      %cond3A_114 = arith.cmpi ne, %convert_element_type3A_112, %cond3A_113 : i32
      scf.if %cond3A_114 {
        %add3A_357 = arith.constant 5 : i32
        %add3A_358 = arith.addi %add3A_104, %add3A_357 : i32
        %mul3A_359 = arith.constant 40 : i32
        %mul3A_360 = arith.muli %add3A_358, %mul3A_359 : i32
        %add3A_361 = arith.addi %mul3A_4, %mul3A_360 : i32
        %dma_start3A_362 = tpu.memref_slice %arg3[%add3A_361] : memref<320000xi32, #tpu.memory_space<hbm>> -> memref<40xi32, #tpu.memory_space<hbm>>
        %dma_start3A_363 = tpu.memref_slice %arg3[%add3A_361] : memref<320000xi32, #tpu.memory_space<hbm>> -> memref<40xi32, #tpu.memory_space<hbm>>
        tpu.enqueue_dma source(%dma_start3A_363 : memref<40xi32, #tpu.memory_space<hbm>>) target(%arg14 : memref<40xi32, #tpu.memory_space<vmem>>) target_semaphore(%arg39 : memref<!tpu.dma_semaphore, #tpu.memory_space<semaphore_mem>>)
        %dma_start3A_364 = tpu.memref_slice %arg4[%add3A_361] : memref<320000xi32, #tpu.memory_space<hbm>> -> memref<40xi32, #tpu.memory_space<hbm>>
        %dma_start3A_365 = tpu.memref_slice %arg4[%add3A_361] : memref<320000xi32, #tpu.memory_space<hbm>> -> memref<40xi32, #tpu.memory_space<hbm>>
        tpu.enqueue_dma source(%dma_start3A_365 : memref<40xi32, #tpu.memory_space<hbm>>) target(%arg24 : memref<40xi32, #tpu.memory_space<vmem>>) target_semaphore(%arg39 : memref<!tpu.dma_semaphore, #tpu.memory_space<semaphore_mem>>)
      } else {
      }
      %mul3A_115 = arith.constant 40 : i32
      %mul3A_116 = arith.muli %add3A_104, %mul3A_115 : i32
      %add3A_117 = arith.addi %mul3A_4, %mul3A_116 : i32
      %dma_wait3A_118 = tpu.memref_slice %arg3[%add3A_117] : memref<320000xi32, #tpu.memory_space<hbm>> -> memref<40xi32, #tpu.memory_space<hbm>>
      %dma_wait3A_119 = tpu.memref_slice %arg3[%add3A_117] : memref<320000xi32, #tpu.memory_space<hbm>> -> memref<40xi32, #tpu.memory_space<hbm>>
      tpu.wait_dma2 semaphore(%arg34 : memref<!tpu.dma_semaphore, #tpu.memory_space<semaphore_mem>>) src(%dma_wait3A_119 : memref<40xi32, #tpu.memory_space<hbm>>) dst(%arg9 : memref<40xi32, #tpu.memory_space<vmem>>)
      %dma_wait3A_120 = tpu.memref_slice %arg4[%add3A_117] : memref<320000xi32, #tpu.memory_space<hbm>> -> memref<40xi32, #tpu.memory_space<hbm>>
      %dma_wait3A_121 = tpu.memref_slice %arg4[%add3A_117] : memref<320000xi32, #tpu.memory_space<hbm>> -> memref<40xi32, #tpu.memory_space<hbm>>
      tpu.wait_dma2 semaphore(%arg34 : memref<!tpu.dma_semaphore, #tpu.memory_space<semaphore_mem>>) src(%dma_wait3A_121 : memref<40xi32, #tpu.memory_space<hbm>>) dst(%arg19 : memref<40xi32, #tpu.memory_space<vmem>>)
      %dma_start3A_122 = arith.constant 0 : i32
      %dma_start3A_123 = arith.constant 0 : i32
      %dma_start3A_124 = tpu.memref_slice %arg2[%dma_start3A_122, %dma_start3A_123] : memref<10000x128xf32, #tpu.memory_space<hbm>> -> memref<10000x128xf32, #tpu.memory_space<hbm>>
      tpu.enqueue_indirect_dma source(%dma_start3A_124 : memref<10000x128xf32, #tpu.memory_space<hbm>>) target(%arg29 : memref<40x128xf32, #tpu.memory_space<vmem>>) offsets(%arg9 : memref<40xi32, #tpu.memory_space<vmem>>) semaphore(%arg44 : memref<!tpu.dma_semaphore, #tpu.memory_space<semaphore_mem>>)
      %mul3A_125 = arith.constant 5 : i32
      %mul3A_126 = arith.muli %mul3A_56, %mul3A_125 : i32
      %add3A_127 = arith.constant 3 : i32
      %add3A_128 = arith.addi %mul3A_126, %add3A_127 : i32
      %gt3A_129 = arith.constant 0 : i32
      %gt3A_130 = arith.cmpi sgt, %mul3A_56, %gt3A_129 : i32
      %convert_element_type3A_131 = arith.extui %gt3A_130 : i1 to i32
      %cond3A_132 = arith.constant 0 : i32
      %cond3A_133 = arith.cmpi ne, %convert_element_type3A_131, %cond3A_132 : i32
      scf.if %cond3A_133 {
        %dma_wait3A_357 = arith.constant 0 : i32
        %dma_wait3A_358 = arith.constant 0 : i32
        %dma_wait3A_359 = tpu.memref_slice %arg6[%dma_wait3A_357, %dma_wait3A_358] : memref<10000x128xf32, #tpu.memory_space<vmem_shared>> -> memref<10000x128xf32, #tpu.memory_space<vmem_shared>>
        tpu.wait_indirect_dma semaphore(%arg50 : memref<!tpu.dma_semaphore, #tpu.memory_space<semaphore_mem>>) src(%arg30 : memref<40x128xf32, #tpu.memory_space<vmem>>) dst(%dma_wait3A_359 : memref<10000x128xf32, #tpu.memory_space<vmem_shared>>)
      } else {
      }
      %lt3A_134 = arith.constant 49 : i32
      %lt3A_135 = arith.cmpi slt, %mul3A_56, %lt3A_134 : i32
      %convert_element_type3A_136 = arith.extui %lt3A_135 : i1 to i32
      %cond3A_137 = arith.constant 0 : i32
      %cond3A_138 = arith.cmpi ne, %convert_element_type3A_136, %cond3A_137 : i32
      scf.if %cond3A_138 {
        %add3A_357 = arith.constant 5 : i32
        %add3A_358 = arith.addi %add3A_128, %add3A_357 : i32
        %mul3A_359 = arith.constant 40 : i32
        %mul3A_360 = arith.muli %add3A_358, %mul3A_359 : i32
        %add3A_361 = arith.addi %mul3A_4, %mul3A_360 : i32
        %dma_start3A_362 = tpu.memref_slice %arg3[%add3A_361] : memref<320000xi32, #tpu.memory_space<hbm>> -> memref<40xi32, #tpu.memory_space<hbm>>
        %dma_start3A_363 = tpu.memref_slice %arg3[%add3A_361] : memref<320000xi32, #tpu.memory_space<hbm>> -> memref<40xi32, #tpu.memory_space<hbm>>
        tpu.enqueue_dma source(%dma_start3A_363 : memref<40xi32, #tpu.memory_space<hbm>>) target(%arg15 : memref<40xi32, #tpu.memory_space<vmem>>) target_semaphore(%arg40 : memref<!tpu.dma_semaphore, #tpu.memory_space<semaphore_mem>>)
        %dma_start3A_364 = tpu.memref_slice %arg4[%add3A_361] : memref<320000xi32, #tpu.memory_space<hbm>> -> memref<40xi32, #tpu.memory_space<hbm>>
        %dma_start3A_365 = tpu.memref_slice %arg4[%add3A_361] : memref<320000xi32, #tpu.memory_space<hbm>> -> memref<40xi32, #tpu.memory_space<hbm>>
        tpu.enqueue_dma source(%dma_start3A_365 : memref<40xi32, #tpu.memory_space<hbm>>) target(%arg25 : memref<40xi32, #tpu.memory_space<vmem>>) target_semaphore(%arg40 : memref<!tpu.dma_semaphore, #tpu.memory_space<semaphore_mem>>)
      } else {
      }
      %mul3A_139 = arith.constant 40 : i32
      %mul3A_140 = arith.muli %add3A_128, %mul3A_139 : i32
      %add3A_141 = arith.addi %mul3A_4, %mul3A_140 : i32
      %dma_wait3A_142 = tpu.memref_slice %arg3[%add3A_141] : memref<320000xi32, #tpu.memory_space<hbm>> -> memref<40xi32, #tpu.memory_space<hbm>>
      %dma_wait3A_143 = tpu.memref_slice %arg3[%add3A_141] : memref<320000xi32, #tpu.memory_space<hbm>> -> memref<40xi32, #tpu.memory_space<hbm>>
      tpu.wait_dma2 semaphore(%arg35 : memref<!tpu.dma_semaphore, #tpu.memory_space<semaphore_mem>>) src(%dma_wait3A_143 : memref<40xi32, #tpu.memory_space<hbm>>) dst(%arg10 : memref<40xi32, #tpu.memory_space<vmem>>)
      %dma_wait3A_144 = tpu.memref_slice %arg4[%add3A_141] : memref<320000xi32, #tpu.memory_space<hbm>> -> memref<40xi32, #tpu.memory_space<hbm>>
      %dma_wait3A_145 = tpu.memref_slice %arg4[%add3A_141] : memref<320000xi32, #tpu.memory_space<hbm>> -> memref<40xi32, #tpu.memory_space<hbm>>
      tpu.wait_dma2 semaphore(%arg35 : memref<!tpu.dma_semaphore, #tpu.memory_space<semaphore_mem>>) src(%dma_wait3A_145 : memref<40xi32, #tpu.memory_space<hbm>>) dst(%arg20 : memref<40xi32, #tpu.memory_space<vmem>>)
      %dma_start3A_146 = arith.constant 0 : i32
      %dma_start3A_147 = arith.constant 0 : i32
      %dma_start3A_148 = tpu.memref_slice %arg2[%dma_start3A_146, %dma_start3A_147] : memref<10000x128xf32, #tpu.memory_space<hbm>> -> memref<10000x128xf32, #tpu.memory_space<hbm>>
      tpu.enqueue_indirect_dma source(%dma_start3A_148 : memref<10000x128xf32, #tpu.memory_space<hbm>>) target(%arg30 : memref<40x128xf32, #tpu.memory_space<vmem>>) offsets(%arg10 : memref<40xi32, #tpu.memory_space<vmem>>) semaphore(%arg45 : memref<!tpu.dma_semaphore, #tpu.memory_space<semaphore_mem>>)
      %mul3A_149 = arith.constant 5 : i32
      %mul3A_150 = arith.muli %mul3A_56, %mul3A_149 : i32
      %add3A_151 = arith.constant 4 : i32
      %add3A_152 = arith.addi %mul3A_150, %add3A_151 : i32
      %gt3A_153 = arith.constant 0 : i32
      %gt3A_154 = arith.cmpi sgt, %mul3A_56, %gt3A_153 : i32
      %convert_element_type3A_155 = arith.extui %gt3A_154 : i1 to i32
      %cond3A_156 = arith.constant 0 : i32
      %cond3A_157 = arith.cmpi ne, %convert_element_type3A_155, %cond3A_156 : i32
      scf.if %cond3A_157 {
        %dma_wait3A_357 = arith.constant 0 : i32
        %dma_wait3A_358 = arith.constant 0 : i32
        %dma_wait3A_359 = tpu.memref_slice %arg6[%dma_wait3A_357, %dma_wait3A_358] : memref<10000x128xf32, #tpu.memory_space<vmem_shared>> -> memref<10000x128xf32, #tpu.memory_space<vmem_shared>>
        tpu.wait_indirect_dma semaphore(%arg51 : memref<!tpu.dma_semaphore, #tpu.memory_space<semaphore_mem>>) src(%arg31 : memref<40x128xf32, #tpu.memory_space<vmem>>) dst(%dma_wait3A_359 : memref<10000x128xf32, #tpu.memory_space<vmem_shared>>)
      } else {
      }
      %lt3A_158 = arith.constant 49 : i32
      %lt3A_159 = arith.cmpi slt, %mul3A_56, %lt3A_158 : i32
      %convert_element_type3A_160 = arith.extui %lt3A_159 : i1 to i32
      %cond3A_161 = arith.constant 0 : i32
      %cond3A_162 = arith.cmpi ne, %convert_element_type3A_160, %cond3A_161 : i32
      scf.if %cond3A_162 {
        %add3A_357 = arith.constant 5 : i32
        %add3A_358 = arith.addi %add3A_152, %add3A_357 : i32
        %mul3A_359 = arith.constant 40 : i32
        %mul3A_360 = arith.muli %add3A_358, %mul3A_359 : i32
        %add3A_361 = arith.addi %mul3A_4, %mul3A_360 : i32
        %dma_start3A_362 = tpu.memref_slice %arg3[%add3A_361] : memref<320000xi32, #tpu.memory_space<hbm>> -> memref<40xi32, #tpu.memory_space<hbm>>
        %dma_start3A_363 = tpu.memref_slice %arg3[%add3A_361] : memref<320000xi32, #tpu.memory_space<hbm>> -> memref<40xi32, #tpu.memory_space<hbm>>
        tpu.enqueue_dma source(%dma_start3A_363 : memref<40xi32, #tpu.memory_space<hbm>>) target(%arg16 : memref<40xi32, #tpu.memory_space<vmem>>) target_semaphore(%arg41 : memref<!tpu.dma_semaphore, #tpu.memory_space<semaphore_mem>>)
        %dma_start3A_364 = tpu.memref_slice %arg4[%add3A_361] : memref<320000xi32, #tpu.memory_space<hbm>> -> memref<40xi32, #tpu.memory_space<hbm>>
        %dma_start3A_365 = tpu.memref_slice %arg4[%add3A_361] : memref<320000xi32, #tpu.memory_space<hbm>> -> memref<40xi32, #tpu.memory_space<hbm>>
        tpu.enqueue_dma source(%dma_start3A_365 : memref<40xi32, #tpu.memory_space<hbm>>) target(%arg26 : memref<40xi32, #tpu.memory_space<vmem>>) target_semaphore(%arg41 : memref<!tpu.dma_semaphore, #tpu.memory_space<semaphore_mem>>)
      } else {
      }
      %mul3A_163 = arith.constant 40 : i32
      %mul3A_164 = arith.muli %add3A_152, %mul3A_163 : i32
      %add3A_165 = arith.addi %mul3A_4, %mul3A_164 : i32
      %dma_wait3A_166 = tpu.memref_slice %arg3[%add3A_165] : memref<320000xi32, #tpu.memory_space<hbm>> -> memref<40xi32, #tpu.memory_space<hbm>>
      %dma_wait3A_167 = tpu.memref_slice %arg3[%add3A_165] : memref<320000xi32, #tpu.memory_space<hbm>> -> memref<40xi32, #tpu.memory_space<hbm>>
      tpu.wait_dma2 semaphore(%arg36 : memref<!tpu.dma_semaphore, #tpu.memory_space<semaphore_mem>>) src(%dma_wait3A_167 : memref<40xi32, #tpu.memory_space<hbm>>) dst(%arg11 : memref<40xi32, #tpu.memory_space<vmem>>)
      %dma_wait3A_168 = tpu.memref_slice %arg4[%add3A_165] : memref<320000xi32, #tpu.memory_space<hbm>> -> memref<40xi32, #tpu.memory_space<hbm>>
      %dma_wait3A_169 = tpu.memref_slice %arg4[%add3A_165] : memref<320000xi32, #tpu.memory_space<hbm>> -> memref<40xi32, #tpu.memory_space<hbm>>
      tpu.wait_dma2 semaphore(%arg36 : memref<!tpu.dma_semaphore, #tpu.memory_space<semaphore_mem>>) src(%dma_wait3A_169 : memref<40xi32, #tpu.memory_space<hbm>>) dst(%arg21 : memref<40xi32, #tpu.memory_space<vmem>>)
      %dma_start3A_170 = arith.constant 0 : i32
      %dma_start3A_171 = arith.constant 0 : i32
      %dma_start3A_172 = tpu.memref_slice %arg2[%dma_start3A_170, %dma_start3A_171] : memref<10000x128xf32, #tpu.memory_space<hbm>> -> memref<10000x128xf32, #tpu.memory_space<hbm>>
      tpu.enqueue_indirect_dma source(%dma_start3A_172 : memref<10000x128xf32, #tpu.memory_space<hbm>>) target(%arg31 : memref<40x128xf32, #tpu.memory_space<vmem>>) offsets(%arg11 : memref<40xi32, #tpu.memory_space<vmem>>) semaphore(%arg46 : memref<!tpu.dma_semaphore, #tpu.memory_space<semaphore_mem>>)
      %dma_wait3A_173 = arith.constant 0 : i32
      %dma_wait3A_174 = arith.constant 0 : i32
      %dma_wait3A_175 = tpu.memref_slice %arg2[%dma_wait3A_173, %dma_wait3A_174] : memref<10000x128xf32, #tpu.memory_space<hbm>> -> memref<10000x128xf32, #tpu.memory_space<hbm>>
      tpu.wait_indirect_dma semaphore(%arg42 : memref<!tpu.dma_semaphore, #tpu.memory_space<semaphore_mem>>) src(%dma_wait3A_175 : memref<10000x128xf32, #tpu.memory_space<hbm>>) dst(%arg27 : memref<40x128xf32, #tpu.memory_space<vmem>>)
      %dma_start3A_176 = arith.constant 0 : i32
      %dma_start3A_177 = arith.constant 0 : i32
      %dma_start3A_178 = tpu.memref_slice %arg6[%dma_start3A_176, %dma_start3A_177] : memref<10000x128xf32, #tpu.memory_space<vmem_shared>> -> memref<10000x128xf32, #tpu.memory_space<vmem_shared>>
      tpu.enqueue_indirect_dma source(%arg27 : memref<40x128xf32, #tpu.memory_space<vmem>>) target(%dma_start3A_178 : memref<10000x128xf32, #tpu.memory_space<vmem_shared>>) offsets(%arg17 : memref<40xi32, #tpu.memory_space<vmem>>) semaphore(%arg47 : memref<!tpu.dma_semaphore, #tpu.memory_space<semaphore_mem>>) {add = true}
      %dma_wait3A_179 = arith.constant 0 : i32
      %dma_wait3A_180 = arith.constant 0 : i32
      %dma_wait3A_181 = tpu.memref_slice %arg2[%dma_wait3A_179, %dma_wait3A_180] : memref<10000x128xf32, #tpu.memory_space<hbm>> -> memref<10000x128xf32, #tpu.memory_space<hbm>>
      tpu.wait_indirect_dma semaphore(%arg43 : memref<!tpu.dma_semaphore, #tpu.memory_space<semaphore_mem>>) src(%dma_wait3A_181 : memref<10000x128xf32, #tpu.memory_space<hbm>>) dst(%arg28 : memref<40x128xf32, #tpu.memory_space<vmem>>)
      %dma_start3A_182 = arith.constant 0 : i32
      %dma_start3A_183 = arith.constant 0 : i32
      %dma_start3A_184 = tpu.memref_slice %arg6[%dma_start3A_182, %dma_start3A_183] : memref<10000x128xf32, #tpu.memory_space<vmem_shared>> -> memref<10000x128xf32, #tpu.memory_space<vmem_shared>>
      tpu.enqueue_indirect_dma source(%arg28 : memref<40x128xf32, #tpu.memory_space<vmem>>) target(%dma_start3A_184 : memref<10000x128xf32, #tpu.memory_space<vmem_shared>>) offsets(%arg18 : memref<40xi32, #tpu.memory_space<vmem>>) semaphore(%arg48 : memref<!tpu.dma_semaphore, #tpu.memory_space<semaphore_mem>>) {add = true}
      %dma_wait3A_185 = arith.constant 0 : i32
      %dma_wait3A_186 = arith.constant 0 : i32
      %dma_wait3A_187 = tpu.memref_slice %arg2[%dma_wait3A_185, %dma_wait3A_186] : memref<10000x128xf32, #tpu.memory_space<hbm>> -> memref<10000x128xf32, #tpu.memory_space<hbm>>
      tpu.wait_indirect_dma semaphore(%arg44 : memref<!tpu.dma_semaphore, #tpu.memory_space<semaphore_mem>>) src(%dma_wait3A_187 : memref<10000x128xf32, #tpu.memory_space<hbm>>) dst(%arg29 : memref<40x128xf32, #tpu.memory_space<vmem>>)
      %dma_start3A_188 = arith.constant 0 : i32
      %dma_start3A_189 = arith.constant 0 : i32
      %dma_start3A_190 = tpu.memref_slice %arg6[%dma_start3A_188, %dma_start3A_189] : memref<10000x128xf32, #tpu.memory_space<vmem_shared>> -> memref<10000x128xf32, #tpu.memory_space<vmem_shared>>
      tpu.enqueue_indirect_dma source(%arg29 : memref<40x128xf32, #tpu.memory_space<vmem>>) target(%dma_start3A_190 : memref<10000x128xf32, #tpu.memory_space<vmem_shared>>) offsets(%arg19 : memref<40xi32, #tpu.memory_space<vmem>>) semaphore(%arg49 : memref<!tpu.dma_semaphore, #tpu.memory_space<semaphore_mem>>) {add = true}
      %dma_wait3A_191 = arith.constant 0 : i32
      %dma_wait3A_192 = arith.constant 0 : i32
      %dma_wait3A_193 = tpu.memref_slice %arg2[%dma_wait3A_191, %dma_wait3A_192] : memref<10000x128xf32, #tpu.memory_space<hbm>> -> memref<10000x128xf32, #tpu.memory_space<hbm>>
      tpu.wait_indirect_dma semaphore(%arg45 : memref<!tpu.dma_semaphore, #tpu.memory_space<semaphore_mem>>) src(%dma_wait3A_193 : memref<10000x128xf32, #tpu.memory_space<hbm>>) dst(%arg30 : memref<40x128xf32, #tpu.memory_space<vmem>>)
      %dma_start3A_194 = arith.constant 0 : i32
      %dma_start3A_195 = arith.constant 0 : i32
      %dma_start3A_196 = tpu.memref_slice %arg6[%dma_start3A_194, %dma_start3A_195] : memref<10000x128xf32, #tpu.memory_space<vmem_shared>> -> memref<10000x128xf32, #tpu.memory_space<vmem_shared>>
      tpu.enqueue_indirect_dma source(%arg30 : memref<40x128xf32, #tpu.memory_space<vmem>>) target(%dma_start3A_196 : memref<10000x128xf32, #tpu.memory_space<vmem_shared>>) offsets(%arg20 : memref<40xi32, #tpu.memory_space<vmem>>) semaphore(%arg50 : memref<!tpu.dma_semaphore, #tpu.memory_space<semaphore_mem>>) {add = true}
      %dma_wait3A_197 = arith.constant 0 : i32
      %dma_wait3A_198 = arith.constant 0 : i32
      %dma_wait3A_199 = tpu.memref_slice %arg2[%dma_wait3A_197, %dma_wait3A_198] : memref<10000x128xf32, #tpu.memory_space<hbm>> -> memref<10000x128xf32, #tpu.memory_space<hbm>>
      tpu.wait_indirect_dma semaphore(%arg46 : memref<!tpu.dma_semaphore, #tpu.memory_space<semaphore_mem>>) src(%dma_wait3A_199 : memref<10000x128xf32, #tpu.memory_space<hbm>>) dst(%arg31 : memref<40x128xf32, #tpu.memory_space<vmem>>)
      %dma_start3A_200 = arith.constant 0 : i32
      %dma_start3A_201 = arith.constant 0 : i32
      %dma_start3A_202 = tpu.memref_slice %arg6[%dma_start3A_200, %dma_start3A_201] : memref<10000x128xf32, #tpu.memory_space<vmem_shared>> -> memref<10000x128xf32, #tpu.memory_space<vmem_shared>>
      tpu.enqueue_indirect_dma source(%arg31 : memref<40x128xf32, #tpu.memory_space<vmem>>) target(%dma_start3A_202 : memref<10000x128xf32, #tpu.memory_space<vmem_shared>>) offsets(%arg21 : memref<40xi32, #tpu.memory_space<vmem>>) semaphore(%arg51 : memref<!tpu.dma_semaphore, #tpu.memory_space<semaphore_mem>>) {add = true}
      %mul3A_203 = arith.constant 2 : i32
      %mul3A_204 = arith.muli %mul3A_203, %scan3A_54 : i32
      %add3A_205 = arith.constant 1 : i32
      %add3A_206 = arith.addi %mul3A_204, %add3A_205 : i32
      %mul3A_207 = arith.constant 5 : i32
      %mul3A_208 = arith.muli %add3A_206, %mul3A_207 : i32
      %add3A_209 = arith.constant 0 : i32
      %add3A_210 = arith.addi %mul3A_208, %add3A_209 : i32
      %gt3A_211 = arith.constant 0 : i32
      %gt3A_212 = arith.cmpi sgt, %add3A_206, %gt3A_211 : i32
      %convert_element_type3A_213 = arith.extui %gt3A_212 : i1 to i32
      %cond3A_214 = arith.constant 0 : i32
      %cond3A_215 = arith.cmpi ne, %convert_element_type3A_213, %cond3A_214 : i32
      scf.if %cond3A_215 {
        %dma_wait3A_357 = arith.constant 0 : i32
        %dma_wait3A_358 = arith.constant 0 : i32
        %dma_wait3A_359 = tpu.memref_slice %arg6[%dma_wait3A_357, %dma_wait3A_358] : memref<10000x128xf32, #tpu.memory_space<vmem_shared>> -> memref<10000x128xf32, #tpu.memory_space<vmem_shared>>
        tpu.wait_indirect_dma semaphore(%arg47 : memref<!tpu.dma_semaphore, #tpu.memory_space<semaphore_mem>>) src(%arg27 : memref<40x128xf32, #tpu.memory_space<vmem>>) dst(%dma_wait3A_359 : memref<10000x128xf32, #tpu.memory_space<vmem_shared>>)
      } else {
      }
      %lt3A_216 = arith.constant 49 : i32
      %lt3A_217 = arith.cmpi slt, %add3A_206, %lt3A_216 : i32
      %convert_element_type3A_218 = arith.extui %lt3A_217 : i1 to i32
      %cond3A_219 = arith.constant 0 : i32
      %cond3A_220 = arith.cmpi ne, %convert_element_type3A_218, %cond3A_219 : i32
      scf.if %cond3A_220 {
        %add3A_357 = arith.constant 5 : i32
        %add3A_358 = arith.addi %add3A_210, %add3A_357 : i32
        %mul3A_359 = arith.constant 40 : i32
        %mul3A_360 = arith.muli %add3A_358, %mul3A_359 : i32
        %add3A_361 = arith.addi %mul3A_4, %mul3A_360 : i32
        %dma_start3A_362 = tpu.memref_slice %arg3[%add3A_361] : memref<320000xi32, #tpu.memory_space<hbm>> -> memref<40xi32, #tpu.memory_space<hbm>>
        %dma_start3A_363 = tpu.memref_slice %arg3[%add3A_361] : memref<320000xi32, #tpu.memory_space<hbm>> -> memref<40xi32, #tpu.memory_space<hbm>>
        tpu.enqueue_dma source(%dma_start3A_363 : memref<40xi32, #tpu.memory_space<hbm>>) target(%arg7 : memref<40xi32, #tpu.memory_space<vmem>>) target_semaphore(%arg32 : memref<!tpu.dma_semaphore, #tpu.memory_space<semaphore_mem>>)
        %dma_start3A_364 = tpu.memref_slice %arg4[%add3A_361] : memref<320000xi32, #tpu.memory_space<hbm>> -> memref<40xi32, #tpu.memory_space<hbm>>
        %dma_start3A_365 = tpu.memref_slice %arg4[%add3A_361] : memref<320000xi32, #tpu.memory_space<hbm>> -> memref<40xi32, #tpu.memory_space<hbm>>
        tpu.enqueue_dma source(%dma_start3A_365 : memref<40xi32, #tpu.memory_space<hbm>>) target(%arg17 : memref<40xi32, #tpu.memory_space<vmem>>) target_semaphore(%arg32 : memref<!tpu.dma_semaphore, #tpu.memory_space<semaphore_mem>>)
      } else {
      }
      %mul3A_221 = arith.constant 40 : i32
      %mul3A_222 = arith.muli %add3A_210, %mul3A_221 : i32
      %add3A_223 = arith.addi %mul3A_4, %mul3A_222 : i32
      %dma_wait3A_224 = tpu.memref_slice %arg3[%add3A_223] : memref<320000xi32, #tpu.memory_space<hbm>> -> memref<40xi32, #tpu.memory_space<hbm>>
      %dma_wait3A_225 = tpu.memref_slice %arg3[%add3A_223] : memref<320000xi32, #tpu.memory_space<hbm>> -> memref<40xi32, #tpu.memory_space<hbm>>
      tpu.wait_dma2 semaphore(%arg37 : memref<!tpu.dma_semaphore, #tpu.memory_space<semaphore_mem>>) src(%dma_wait3A_225 : memref<40xi32, #tpu.memory_space<hbm>>) dst(%arg12 : memref<40xi32, #tpu.memory_space<vmem>>)
      %dma_wait3A_226 = tpu.memref_slice %arg4[%add3A_223] : memref<320000xi32, #tpu.memory_space<hbm>> -> memref<40xi32, #tpu.memory_space<hbm>>
      %dma_wait3A_227 = tpu.memref_slice %arg4[%add3A_223] : memref<320000xi32, #tpu.memory_space<hbm>> -> memref<40xi32, #tpu.memory_space<hbm>>
      tpu.wait_dma2 semaphore(%arg37 : memref<!tpu.dma_semaphore, #tpu.memory_space<semaphore_mem>>) src(%dma_wait3A_227 : memref<40xi32, #tpu.memory_space<hbm>>) dst(%arg22 : memref<40xi32, #tpu.memory_space<vmem>>)
      %dma_start3A_228 = arith.constant 0 : i32
      %dma_start3A_229 = arith.constant 0 : i32
      %dma_start3A_230 = tpu.memref_slice %arg2[%dma_start3A_228, %dma_start3A_229] : memref<10000x128xf32, #tpu.memory_space<hbm>> -> memref<10000x128xf32, #tpu.memory_space<hbm>>
      tpu.enqueue_indirect_dma source(%dma_start3A_230 : memref<10000x128xf32, #tpu.memory_space<hbm>>) target(%arg27 : memref<40x128xf32, #tpu.memory_space<vmem>>) offsets(%arg12 : memref<40xi32, #tpu.memory_space<vmem>>) semaphore(%arg42 : memref<!tpu.dma_semaphore, #tpu.memory_space<semaphore_mem>>)
      %mul3A_231 = arith.constant 5 : i32
      %mul3A_232 = arith.muli %add3A_206, %mul3A_231 : i32
      %add3A_233 = arith.constant 1 : i32
      %add3A_234 = arith.addi %mul3A_232, %add3A_233 : i32
      %gt3A_235 = arith.constant 0 : i32
      %gt3A_236 = arith.cmpi sgt, %add3A_206, %gt3A_235 : i32
      %convert_element_type3A_237 = arith.extui %gt3A_236 : i1 to i32
      %cond3A_238 = arith.constant 0 : i32
      %cond3A_239 = arith.cmpi ne, %convert_element_type3A_237, %cond3A_238 : i32
      scf.if %cond3A_239 {
        %dma_wait3A_357 = arith.constant 0 : i32
        %dma_wait3A_358 = arith.constant 0 : i32
        %dma_wait3A_359 = tpu.memref_slice %arg6[%dma_wait3A_357, %dma_wait3A_358] : memref<10000x128xf32, #tpu.memory_space<vmem_shared>> -> memref<10000x128xf32, #tpu.memory_space<vmem_shared>>
        tpu.wait_indirect_dma semaphore(%arg48 : memref<!tpu.dma_semaphore, #tpu.memory_space<semaphore_mem>>) src(%arg28 : memref<40x128xf32, #tpu.memory_space<vmem>>) dst(%dma_wait3A_359 : memref<10000x128xf32, #tpu.memory_space<vmem_shared>>)
      } else {
      }
      %lt3A_240 = arith.constant 49 : i32
      %lt3A_241 = arith.cmpi slt, %add3A_206, %lt3A_240 : i32
      %convert_element_type3A_242 = arith.extui %lt3A_241 : i1 to i32
      %cond3A_243 = arith.constant 0 : i32
      %cond3A_244 = arith.cmpi ne, %convert_element_type3A_242, %cond3A_243 : i32
      scf.if %cond3A_244 {
        %add3A_357 = arith.constant 5 : i32
        %add3A_358 = arith.addi %add3A_234, %add3A_357 : i32
        %mul3A_359 = arith.constant 40 : i32
        %mul3A_360 = arith.muli %add3A_358, %mul3A_359 : i32
        %add3A_361 = arith.addi %mul3A_4, %mul3A_360 : i32
        %dma_start3A_362 = tpu.memref_slice %arg3[%add3A_361] : memref<320000xi32, #tpu.memory_space<hbm>> -> memref<40xi32, #tpu.memory_space<hbm>>
        %dma_start3A_363 = tpu.memref_slice %arg3[%add3A_361] : memref<320000xi32, #tpu.memory_space<hbm>> -> memref<40xi32, #tpu.memory_space<hbm>>
        tpu.enqueue_dma source(%dma_start3A_363 : memref<40xi32, #tpu.memory_space<hbm>>) target(%arg8 : memref<40xi32, #tpu.memory_space<vmem>>) target_semaphore(%arg33 : memref<!tpu.dma_semaphore, #tpu.memory_space<semaphore_mem>>)
        %dma_start3A_364 = tpu.memref_slice %arg4[%add3A_361] : memref<320000xi32, #tpu.memory_space<hbm>> -> memref<40xi32, #tpu.memory_space<hbm>>
        %dma_start3A_365 = tpu.memref_slice %arg4[%add3A_361] : memref<320000xi32, #tpu.memory_space<hbm>> -> memref<40xi32, #tpu.memory_space<hbm>>
        tpu.enqueue_dma source(%dma_start3A_365 : memref<40xi32, #tpu.memory_space<hbm>>) target(%arg18 : memref<40xi32, #tpu.memory_space<vmem>>) target_semaphore(%arg33 : memref<!tpu.dma_semaphore, #tpu.memory_space<semaphore_mem>>)
      } else {
      }
      %mul3A_245 = arith.constant 40 : i32
      %mul3A_246 = arith.muli %add3A_234, %mul3A_245 : i32
      %add3A_247 = arith.addi %mul3A_4, %mul3A_246 : i32
      %dma_wait3A_248 = tpu.memref_slice %arg3[%add3A_247] : memref<320000xi32, #tpu.memory_space<hbm>> -> memref<40xi32, #tpu.memory_space<hbm>>
      %dma_wait3A_249 = tpu.memref_slice %arg3[%add3A_247] : memref<320000xi32, #tpu.memory_space<hbm>> -> memref<40xi32, #tpu.memory_space<hbm>>
      tpu.wait_dma2 semaphore(%arg38 : memref<!tpu.dma_semaphore, #tpu.memory_space<semaphore_mem>>) src(%dma_wait3A_249 : memref<40xi32, #tpu.memory_space<hbm>>) dst(%arg13 : memref<40xi32, #tpu.memory_space<vmem>>)
      %dma_wait3A_250 = tpu.memref_slice %arg4[%add3A_247] : memref<320000xi32, #tpu.memory_space<hbm>> -> memref<40xi32, #tpu.memory_space<hbm>>
      %dma_wait3A_251 = tpu.memref_slice %arg4[%add3A_247] : memref<320000xi32, #tpu.memory_space<hbm>> -> memref<40xi32, #tpu.memory_space<hbm>>
      tpu.wait_dma2 semaphore(%arg38 : memref<!tpu.dma_semaphore, #tpu.memory_space<semaphore_mem>>) src(%dma_wait3A_251 : memref<40xi32, #tpu.memory_space<hbm>>) dst(%arg23 : memref<40xi32, #tpu.memory_space<vmem>>)
      %dma_start3A_252 = arith.constant 0 : i32
      %dma_start3A_253 = arith.constant 0 : i32
      %dma_start3A_254 = tpu.memref_slice %arg2[%dma_start3A_252, %dma_start3A_253] : memref<10000x128xf32, #tpu.memory_space<hbm>> -> memref<10000x128xf32, #tpu.memory_space<hbm>>
      tpu.enqueue_indirect_dma source(%dma_start3A_254 : memref<10000x128xf32, #tpu.memory_space<hbm>>) target(%arg28 : memref<40x128xf32, #tpu.memory_space<vmem>>) offsets(%arg13 : memref<40xi32, #tpu.memory_space<vmem>>) semaphore(%arg43 : memref<!tpu.dma_semaphore, #tpu.memory_space<semaphore_mem>>)
      %mul3A_255 = arith.constant 5 : i32
      %mul3A_256 = arith.muli %add3A_206, %mul3A_255 : i32
      %add3A_257 = arith.constant 2 : i32
      %add3A_258 = arith.addi %mul3A_256, %add3A_257 : i32
      %gt3A_259 = arith.constant 0 : i32
      %gt3A_260 = arith.cmpi sgt, %add3A_206, %gt3A_259 : i32
      %convert_element_type3A_261 = arith.extui %gt3A_260 : i1 to i32
      %cond3A_262 = arith.constant 0 : i32
      %cond3A_263 = arith.cmpi ne, %convert_element_type3A_261, %cond3A_262 : i32
      scf.if %cond3A_263 {
        %dma_wait3A_357 = arith.constant 0 : i32
        %dma_wait3A_358 = arith.constant 0 : i32
        %dma_wait3A_359 = tpu.memref_slice %arg6[%dma_wait3A_357, %dma_wait3A_358] : memref<10000x128xf32, #tpu.memory_space<vmem_shared>> -> memref<10000x128xf32, #tpu.memory_space<vmem_shared>>
        tpu.wait_indirect_dma semaphore(%arg49 : memref<!tpu.dma_semaphore, #tpu.memory_space<semaphore_mem>>) src(%arg29 : memref<40x128xf32, #tpu.memory_space<vmem>>) dst(%dma_wait3A_359 : memref<10000x128xf32, #tpu.memory_space<vmem_shared>>)
      } else {
      }
      %lt3A_264 = arith.constant 49 : i32
      %lt3A_265 = arith.cmpi slt, %add3A_206, %lt3A_264 : i32
      %convert_element_type3A_266 = arith.extui %lt3A_265 : i1 to i32
      %cond3A_267 = arith.constant 0 : i32
      %cond3A_268 = arith.cmpi ne, %convert_element_type3A_266, %cond3A_267 : i32
      scf.if %cond3A_268 {
        %add3A_357 = arith.constant 5 : i32
        %add3A_358 = arith.addi %add3A_258, %add3A_357 : i32
        %mul3A_359 = arith.constant 40 : i32
        %mul3A_360 = arith.muli %add3A_358, %mul3A_359 : i32
        %add3A_361 = arith.addi %mul3A_4, %mul3A_360 : i32
        %dma_start3A_362 = tpu.memref_slice %arg3[%add3A_361] : memref<320000xi32, #tpu.memory_space<hbm>> -> memref<40xi32, #tpu.memory_space<hbm>>
        %dma_start3A_363 = tpu.memref_slice %arg3[%add3A_361] : memref<320000xi32, #tpu.memory_space<hbm>> -> memref<40xi32, #tpu.memory_space<hbm>>
        tpu.enqueue_dma source(%dma_start3A_363 : memref<40xi32, #tpu.memory_space<hbm>>) target(%arg9 : memref<40xi32, #tpu.memory_space<vmem>>) target_semaphore(%arg34 : memref<!tpu.dma_semaphore, #tpu.memory_space<semaphore_mem>>)
        %dma_start3A_364 = tpu.memref_slice %arg4[%add3A_361] : memref<320000xi32, #tpu.memory_space<hbm>> -> memref<40xi32, #tpu.memory_space<hbm>>
        %dma_start3A_365 = tpu.memref_slice %arg4[%add3A_361] : memref<320000xi32, #tpu.memory_space<hbm>> -> memref<40xi32, #tpu.memory_space<hbm>>
        tpu.enqueue_dma source(%dma_start3A_365 : memref<40xi32, #tpu.memory_space<hbm>>) target(%arg19 : memref<40xi32, #tpu.memory_space<vmem>>) target_semaphore(%arg34 : memref<!tpu.dma_semaphore, #tpu.memory_space<semaphore_mem>>)
      } else {
      }
      %mul3A_269 = arith.constant 40 : i32
      %mul3A_270 = arith.muli %add3A_258, %mul3A_269 : i32
      %add3A_271 = arith.addi %mul3A_4, %mul3A_270 : i32
      %dma_wait3A_272 = tpu.memref_slice %arg3[%add3A_271] : memref<320000xi32, #tpu.memory_space<hbm>> -> memref<40xi32, #tpu.memory_space<hbm>>
      %dma_wait3A_273 = tpu.memref_slice %arg3[%add3A_271] : memref<320000xi32, #tpu.memory_space<hbm>> -> memref<40xi32, #tpu.memory_space<hbm>>
      tpu.wait_dma2 semaphore(%arg39 : memref<!tpu.dma_semaphore, #tpu.memory_space<semaphore_mem>>) src(%dma_wait3A_273 : memref<40xi32, #tpu.memory_space<hbm>>) dst(%arg14 : memref<40xi32, #tpu.memory_space<vmem>>)
      %dma_wait3A_274 = tpu.memref_slice %arg4[%add3A_271] : memref<320000xi32, #tpu.memory_space<hbm>> -> memref<40xi32, #tpu.memory_space<hbm>>
      %dma_wait3A_275 = tpu.memref_slice %arg4[%add3A_271] : memref<320000xi32, #tpu.memory_space<hbm>> -> memref<40xi32, #tpu.memory_space<hbm>>
      tpu.wait_dma2 semaphore(%arg39 : memref<!tpu.dma_semaphore, #tpu.memory_space<semaphore_mem>>) src(%dma_wait3A_275 : memref<40xi32, #tpu.memory_space<hbm>>) dst(%arg24 : memref<40xi32, #tpu.memory_space<vmem>>)
      %dma_start3A_276 = arith.constant 0 : i32
      %dma_start3A_277 = arith.constant 0 : i32
      %dma_start3A_278 = tpu.memref_slice %arg2[%dma_start3A_276, %dma_start3A_277] : memref<10000x128xf32, #tpu.memory_space<hbm>> -> memref<10000x128xf32, #tpu.memory_space<hbm>>
      tpu.enqueue_indirect_dma source(%dma_start3A_278 : memref<10000x128xf32, #tpu.memory_space<hbm>>) target(%arg29 : memref<40x128xf32, #tpu.memory_space<vmem>>) offsets(%arg14 : memref<40xi32, #tpu.memory_space<vmem>>) semaphore(%arg44 : memref<!tpu.dma_semaphore, #tpu.memory_space<semaphore_mem>>)
      %mul3A_279 = arith.constant 5 : i32
      %mul3A_280 = arith.muli %add3A_206, %mul3A_279 : i32
      %add3A_281 = arith.constant 3 : i32
      %add3A_282 = arith.addi %mul3A_280, %add3A_281 : i32
      %gt3A_283 = arith.constant 0 : i32
      %gt3A_284 = arith.cmpi sgt, %add3A_206, %gt3A_283 : i32
      %convert_element_type3A_285 = arith.extui %gt3A_284 : i1 to i32
      %cond3A_286 = arith.constant 0 : i32
      %cond3A_287 = arith.cmpi ne, %convert_element_type3A_285, %cond3A_286 : i32
      scf.if %cond3A_287 {
        %dma_wait3A_357 = arith.constant 0 : i32
        %dma_wait3A_358 = arith.constant 0 : i32
        %dma_wait3A_359 = tpu.memref_slice %arg6[%dma_wait3A_357, %dma_wait3A_358] : memref<10000x128xf32, #tpu.memory_space<vmem_shared>> -> memref<10000x128xf32, #tpu.memory_space<vmem_shared>>
        tpu.wait_indirect_dma semaphore(%arg50 : memref<!tpu.dma_semaphore, #tpu.memory_space<semaphore_mem>>) src(%arg30 : memref<40x128xf32, #tpu.memory_space<vmem>>) dst(%dma_wait3A_359 : memref<10000x128xf32, #tpu.memory_space<vmem_shared>>)
      } else {
      }
      %lt3A_288 = arith.constant 49 : i32
      %lt3A_289 = arith.cmpi slt, %add3A_206, %lt3A_288 : i32
      %convert_element_type3A_290 = arith.extui %lt3A_289 : i1 to i32
      %cond3A_291 = arith.constant 0 : i32
      %cond3A_292 = arith.cmpi ne, %convert_element_type3A_290, %cond3A_291 : i32
      scf.if %cond3A_292 {
        %add3A_357 = arith.constant 5 : i32
        %add3A_358 = arith.addi %add3A_282, %add3A_357 : i32
        %mul3A_359 = arith.constant 40 : i32
        %mul3A_360 = arith.muli %add3A_358, %mul3A_359 : i32
        %add3A_361 = arith.addi %mul3A_4, %mul3A_360 : i32
        %dma_start3A_362 = tpu.memref_slice %arg3[%add3A_361] : memref<320000xi32, #tpu.memory_space<hbm>> -> memref<40xi32, #tpu.memory_space<hbm>>
        %dma_start3A_363 = tpu.memref_slice %arg3[%add3A_361] : memref<320000xi32, #tpu.memory_space<hbm>> -> memref<40xi32, #tpu.memory_space<hbm>>
        tpu.enqueue_dma source(%dma_start3A_363 : memref<40xi32, #tpu.memory_space<hbm>>) target(%arg10 : memref<40xi32, #tpu.memory_space<vmem>>) target_semaphore(%arg35 : memref<!tpu.dma_semaphore, #tpu.memory_space<semaphore_mem>>)
        %dma_start3A_364 = tpu.memref_slice %arg4[%add3A_361] : memref<320000xi32, #tpu.memory_space<hbm>> -> memref<40xi32, #tpu.memory_space<hbm>>
        %dma_start3A_365 = tpu.memref_slice %arg4[%add3A_361] : memref<320000xi32, #tpu.memory_space<hbm>> -> memref<40xi32, #tpu.memory_space<hbm>>
        tpu.enqueue_dma source(%dma_start3A_365 : memref<40xi32, #tpu.memory_space<hbm>>) target(%arg20 : memref<40xi32, #tpu.memory_space<vmem>>) target_semaphore(%arg35 : memref<!tpu.dma_semaphore, #tpu.memory_space<semaphore_mem>>)
      } else {
      }
      %mul3A_293 = arith.constant 40 : i32
      %mul3A_294 = arith.muli %add3A_282, %mul3A_293 : i32
      %add3A_295 = arith.addi %mul3A_4, %mul3A_294 : i32
      %dma_wait3A_296 = tpu.memref_slice %arg3[%add3A_295] : memref<320000xi32, #tpu.memory_space<hbm>> -> memref<40xi32, #tpu.memory_space<hbm>>
      %dma_wait3A_297 = tpu.memref_slice %arg3[%add3A_295] : memref<320000xi32, #tpu.memory_space<hbm>> -> memref<40xi32, #tpu.memory_space<hbm>>
      tpu.wait_dma2 semaphore(%arg40 : memref<!tpu.dma_semaphore, #tpu.memory_space<semaphore_mem>>) src(%dma_wait3A_297 : memref<40xi32, #tpu.memory_space<hbm>>) dst(%arg15 : memref<40xi32, #tpu.memory_space<vmem>>)
      %dma_wait3A_298 = tpu.memref_slice %arg4[%add3A_295] : memref<320000xi32, #tpu.memory_space<hbm>> -> memref<40xi32, #tpu.memory_space<hbm>>
      %dma_wait3A_299 = tpu.memref_slice %arg4[%add3A_295] : memref<320000xi32, #tpu.memory_space<hbm>> -> memref<40xi32, #tpu.memory_space<hbm>>
      tpu.wait_dma2 semaphore(%arg40 : memref<!tpu.dma_semaphore, #tpu.memory_space<semaphore_mem>>) src(%dma_wait3A_299 : memref<40xi32, #tpu.memory_space<hbm>>) dst(%arg25 : memref<40xi32, #tpu.memory_space<vmem>>)
      %dma_start3A_300 = arith.constant 0 : i32
      %dma_start3A_301 = arith.constant 0 : i32
      %dma_start3A_302 = tpu.memref_slice %arg2[%dma_start3A_300, %dma_start3A_301] : memref<10000x128xf32, #tpu.memory_space<hbm>> -> memref<10000x128xf32, #tpu.memory_space<hbm>>
      tpu.enqueue_indirect_dma source(%dma_start3A_302 : memref<10000x128xf32, #tpu.memory_space<hbm>>) target(%arg30 : memref<40x128xf32, #tpu.memory_space<vmem>>) offsets(%arg15 : memref<40xi32, #tpu.memory_space<vmem>>) semaphore(%arg45 : memref<!tpu.dma_semaphore, #tpu.memory_space<semaphore_mem>>)
      %mul3A_303 = arith.constant 5 : i32
      %mul3A_304 = arith.muli %add3A_206, %mul3A_303 : i32
      %add3A_305 = arith.constant 4 : i32
      %add3A_306 = arith.addi %mul3A_304, %add3A_305 : i32
      %gt3A_307 = arith.constant 0 : i32
      %gt3A_308 = arith.cmpi sgt, %add3A_206, %gt3A_307 : i32
      %convert_element_type3A_309 = arith.extui %gt3A_308 : i1 to i32
      %cond3A_310 = arith.constant 0 : i32
      %cond3A_311 = arith.cmpi ne, %convert_element_type3A_309, %cond3A_310 : i32
      scf.if %cond3A_311 {
        %dma_wait3A_357 = arith.constant 0 : i32
        %dma_wait3A_358 = arith.constant 0 : i32
        %dma_wait3A_359 = tpu.memref_slice %arg6[%dma_wait3A_357, %dma_wait3A_358] : memref<10000x128xf32, #tpu.memory_space<vmem_shared>> -> memref<10000x128xf32, #tpu.memory_space<vmem_shared>>
        tpu.wait_indirect_dma semaphore(%arg51 : memref<!tpu.dma_semaphore, #tpu.memory_space<semaphore_mem>>) src(%arg31 : memref<40x128xf32, #tpu.memory_space<vmem>>) dst(%dma_wait3A_359 : memref<10000x128xf32, #tpu.memory_space<vmem_shared>>)
      } else {
      }
      %lt3A_312 = arith.constant 49 : i32
      %lt3A_313 = arith.cmpi slt, %add3A_206, %lt3A_312 : i32
      %convert_element_type3A_314 = arith.extui %lt3A_313 : i1 to i32
      %cond3A_315 = arith.constant 0 : i32
      %cond3A_316 = arith.cmpi ne, %convert_element_type3A_314, %cond3A_315 : i32
      scf.if %cond3A_316 {
        %add3A_357 = arith.constant 5 : i32
        %add3A_358 = arith.addi %add3A_306, %add3A_357 : i32
        %mul3A_359 = arith.constant 40 : i32
        %mul3A_360 = arith.muli %add3A_358, %mul3A_359 : i32
        %add3A_361 = arith.addi %mul3A_4, %mul3A_360 : i32
        %dma_start3A_362 = tpu.memref_slice %arg3[%add3A_361] : memref<320000xi32, #tpu.memory_space<hbm>> -> memref<40xi32, #tpu.memory_space<hbm>>
        %dma_start3A_363 = tpu.memref_slice %arg3[%add3A_361] : memref<320000xi32, #tpu.memory_space<hbm>> -> memref<40xi32, #tpu.memory_space<hbm>>
        tpu.enqueue_dma source(%dma_start3A_363 : memref<40xi32, #tpu.memory_space<hbm>>) target(%arg11 : memref<40xi32, #tpu.memory_space<vmem>>) target_semaphore(%arg36 : memref<!tpu.dma_semaphore, #tpu.memory_space<semaphore_mem>>)
        %dma_start3A_364 = tpu.memref_slice %arg4[%add3A_361] : memref<320000xi32, #tpu.memory_space<hbm>> -> memref<40xi32, #tpu.memory_space<hbm>>
        %dma_start3A_365 = tpu.memref_slice %arg4[%add3A_361] : memref<320000xi32, #tpu.memory_space<hbm>> -> memref<40xi32, #tpu.memory_space<hbm>>
        tpu.enqueue_dma source(%dma_start3A_365 : memref<40xi32, #tpu.memory_space<hbm>>) target(%arg21 : memref<40xi32, #tpu.memory_space<vmem>>) target_semaphore(%arg36 : memref<!tpu.dma_semaphore, #tpu.memory_space<semaphore_mem>>)
      } else {
      }
      %mul3A_317 = arith.constant 40 : i32
      %mul3A_318 = arith.muli %add3A_306, %mul3A_317 : i32
      %add3A_319 = arith.addi %mul3A_4, %mul3A_318 : i32
      %dma_wait3A_320 = tpu.memref_slice %arg3[%add3A_319] : memref<320000xi32, #tpu.memory_space<hbm>> -> memref<40xi32, #tpu.memory_space<hbm>>
      %dma_wait3A_321 = tpu.memref_slice %arg3[%add3A_319] : memref<320000xi32, #tpu.memory_space<hbm>> -> memref<40xi32, #tpu.memory_space<hbm>>
      tpu.wait_dma2 semaphore(%arg41 : memref<!tpu.dma_semaphore, #tpu.memory_space<semaphore_mem>>) src(%dma_wait3A_321 : memref<40xi32, #tpu.memory_space<hbm>>) dst(%arg16 : memref<40xi32, #tpu.memory_space<vmem>>)
      %dma_wait3A_322 = tpu.memref_slice %arg4[%add3A_319] : memref<320000xi32, #tpu.memory_space<hbm>> -> memref<40xi32, #tpu.memory_space<hbm>>
      %dma_wait3A_323 = tpu.memref_slice %arg4[%add3A_319] : memref<320000xi32, #tpu.memory_space<hbm>> -> memref<40xi32, #tpu.memory_space<hbm>>
      tpu.wait_dma2 semaphore(%arg41 : memref<!tpu.dma_semaphore, #tpu.memory_space<semaphore_mem>>) src(%dma_wait3A_323 : memref<40xi32, #tpu.memory_space<hbm>>) dst(%arg26 : memref<40xi32, #tpu.memory_space<vmem>>)
      %dma_start3A_324 = arith.constant 0 : i32
      %dma_start3A_325 = arith.constant 0 : i32
      %dma_start3A_326 = tpu.memref_slice %arg2[%dma_start3A_324, %dma_start3A_325] : memref<10000x128xf32, #tpu.memory_space<hbm>> -> memref<10000x128xf32, #tpu.memory_space<hbm>>
      tpu.enqueue_indirect_dma source(%dma_start3A_326 : memref<10000x128xf32, #tpu.memory_space<hbm>>) target(%arg31 : memref<40x128xf32, #tpu.memory_space<vmem>>) offsets(%arg16 : memref<40xi32, #tpu.memory_space<vmem>>) semaphore(%arg46 : memref<!tpu.dma_semaphore, #tpu.memory_space<semaphore_mem>>)
      %dma_wait3A_327 = arith.constant 0 : i32
      %dma_wait3A_328 = arith.constant 0 : i32
      %dma_wait3A_329 = tpu.memref_slice %arg2[%dma_wait3A_327, %dma_wait3A_328] : memref<10000x128xf32, #tpu.memory_space<hbm>> -> memref<10000x128xf32, #tpu.memory_space<hbm>>
      tpu.wait_indirect_dma semaphore(%arg42 : memref<!tpu.dma_semaphore, #tpu.memory_space<semaphore_mem>>) src(%dma_wait3A_329 : memref<10000x128xf32, #tpu.memory_space<hbm>>) dst(%arg27 : memref<40x128xf32, #tpu.memory_space<vmem>>)
      %dma_start3A_330 = arith.constant 0 : i32
      %dma_start3A_331 = arith.constant 0 : i32
      %dma_start3A_332 = tpu.memref_slice %arg6[%dma_start3A_330, %dma_start3A_331] : memref<10000x128xf32, #tpu.memory_space<vmem_shared>> -> memref<10000x128xf32, #tpu.memory_space<vmem_shared>>
      tpu.enqueue_indirect_dma source(%arg27 : memref<40x128xf32, #tpu.memory_space<vmem>>) target(%dma_start3A_332 : memref<10000x128xf32, #tpu.memory_space<vmem_shared>>) offsets(%arg22 : memref<40xi32, #tpu.memory_space<vmem>>) semaphore(%arg47 : memref<!tpu.dma_semaphore, #tpu.memory_space<semaphore_mem>>) {add = true}
      %dma_wait3A_333 = arith.constant 0 : i32
      %dma_wait3A_334 = arith.constant 0 : i32
      %dma_wait3A_335 = tpu.memref_slice %arg2[%dma_wait3A_333, %dma_wait3A_334] : memref<10000x128xf32, #tpu.memory_space<hbm>> -> memref<10000x128xf32, #tpu.memory_space<hbm>>
      tpu.wait_indirect_dma semaphore(%arg43 : memref<!tpu.dma_semaphore, #tpu.memory_space<semaphore_mem>>) src(%dma_wait3A_335 : memref<10000x128xf32, #tpu.memory_space<hbm>>) dst(%arg28 : memref<40x128xf32, #tpu.memory_space<vmem>>)
      %dma_start3A_336 = arith.constant 0 : i32
      %dma_start3A_337 = arith.constant 0 : i32
      %dma_start3A_338 = tpu.memref_slice %arg6[%dma_start3A_336, %dma_start3A_337] : memref<10000x128xf32, #tpu.memory_space<vmem_shared>> -> memref<10000x128xf32, #tpu.memory_space<vmem_shared>>
      tpu.enqueue_indirect_dma source(%arg28 : memref<40x128xf32, #tpu.memory_space<vmem>>) target(%dma_start3A_338 : memref<10000x128xf32, #tpu.memory_space<vmem_shared>>) offsets(%arg23 : memref<40xi32, #tpu.memory_space<vmem>>) semaphore(%arg48 : memref<!tpu.dma_semaphore, #tpu.memory_space<semaphore_mem>>) {add = true}
      %dma_wait3A_339 = arith.constant 0 : i32
      %dma_wait3A_340 = arith.constant 0 : i32
      %dma_wait3A_341 = tpu.memref_slice %arg2[%dma_wait3A_339, %dma_wait3A_340] : memref<10000x128xf32, #tpu.memory_space<hbm>> -> memref<10000x128xf32, #tpu.memory_space<hbm>>
      tpu.wait_indirect_dma semaphore(%arg44 : memref<!tpu.dma_semaphore, #tpu.memory_space<semaphore_mem>>) src(%dma_wait3A_341 : memref<10000x128xf32, #tpu.memory_space<hbm>>) dst(%arg29 : memref<40x128xf32, #tpu.memory_space<vmem>>)
      %dma_start3A_342 = arith.constant 0 : i32
      %dma_start3A_343 = arith.constant 0 : i32
      %dma_start3A_344 = tpu.memref_slice %arg6[%dma_start3A_342, %dma_start3A_343] : memref<10000x128xf32, #tpu.memory_space<vmem_shared>> -> memref<10000x128xf32, #tpu.memory_space<vmem_shared>>
      tpu.enqueue_indirect_dma source(%arg29 : memref<40x128xf32, #tpu.memory_space<vmem>>) target(%dma_start3A_344 : memref<10000x128xf32, #tpu.memory_space<vmem_shared>>) offsets(%arg24 : memref<40xi32, #tpu.memory_space<vmem>>) semaphore(%arg49 : memref<!tpu.dma_semaphore, #tpu.memory_space<semaphore_mem>>) {add = true}
      %dma_wait3A_345 = arith.constant 0 : i32
      %dma_wait3A_346 = arith.constant 0 : i32
      %dma_wait3A_347 = tpu.memref_slice %arg2[%dma_wait3A_345, %dma_wait3A_346] : memref<10000x128xf32, #tpu.memory_space<hbm>> -> memref<10000x128xf32, #tpu.memory_space<hbm>>
      tpu.wait_indirect_dma semaphore(%arg45 : memref<!tpu.dma_semaphore, #tpu.memory_space<semaphore_mem>>) src(%dma_wait3A_347 : memref<10000x128xf32, #tpu.memory_space<hbm>>) dst(%arg30 : memref<40x128xf32, #tpu.memory_space<vmem>>)
      %dma_start3A_348 = arith.constant 0 : i32
      %dma_start3A_349 = arith.constant 0 : i32
      %dma_start3A_350 = tpu.memref_slice %arg6[%dma_start3A_348, %dma_start3A_349] : memref<10000x128xf32, #tpu.memory_space<vmem_shared>> -> memref<10000x128xf32, #tpu.memory_space<vmem_shared>>
      tpu.enqueue_indirect_dma source(%arg30 : memref<40x128xf32, #tpu.memory_space<vmem>>) target(%dma_start3A_350 : memref<10000x128xf32, #tpu.memory_space<vmem_shared>>) offsets(%arg25 : memref<40xi32, #tpu.memory_space<vmem>>) semaphore(%arg50 : memref<!tpu.dma_semaphore, #tpu.memory_space<semaphore_mem>>) {add = true}
      %dma_wait3A_351 = arith.constant 0 : i32
      %dma_wait3A_352 = arith.constant 0 : i32
      %dma_wait3A_353 = tpu.memref_slice %arg2[%dma_wait3A_351, %dma_wait3A_352] : memref<10000x128xf32, #tpu.memory_space<hbm>> -> memref<10000x128xf32, #tpu.memory_space<hbm>>
      tpu.wait_indirect_dma semaphore(%arg46 : memref<!tpu.dma_semaphore, #tpu.memory_space<semaphore_mem>>) src(%dma_wait3A_353 : memref<10000x128xf32, #tpu.memory_space<hbm>>) dst(%arg31 : memref<40x128xf32, #tpu.memory_space<vmem>>)
      %dma_start3A_354 = arith.constant 0 : i32
      %dma_start3A_355 = arith.constant 0 : i32
      %dma_start3A_356 = tpu.memref_slice %arg6[%dma_start3A_354, %dma_start3A_355] : memref<10000x128xf32, #tpu.memory_space<vmem_shared>> -> memref<10000x128xf32, #tpu.memory_space<vmem_shared>>
      tpu.enqueue_indirect_dma source(%arg31 : memref<40x128xf32, #tpu.memory_space<vmem>>) target(%dma_start3A_356 : memref<10000x128xf32, #tpu.memory_space<vmem_shared>>) offsets(%arg26 : memref<40xi32, #tpu.memory_space<vmem>>) semaphore(%arg51 : memref<!tpu.dma_semaphore, #tpu.memory_space<semaphore_mem>>) {add = true}
    }
    %scan3A_38 = arith.constant 25 : i32
    %dma_wait3A = arith.constant 0 : i32
    %dma_wait3A_39 = arith.constant 0 : i32
    %dma_wait3A_40 = tpu.memref_slice %arg6[%dma_wait3A, %dma_wait3A_39] : memref<10000x128xf32, #tpu.memory_space<vmem_shared>> -> memref<10000x128xf32, #tpu.memory_space<vmem_shared>>
    tpu.wait_indirect_dma semaphore(%arg47 : memref<!tpu.dma_semaphore, #tpu.memory_space<semaphore_mem>>) src(%arg27 : memref<40x128xf32, #tpu.memory_space<vmem>>) dst(%dma_wait3A_40 : memref<10000x128xf32, #tpu.memory_space<vmem_shared>>)
    %dma_wait3A_41 = arith.constant 0 : i32
    %dma_wait3A_42 = arith.constant 0 : i32
    %dma_wait3A_43 = tpu.memref_slice %arg6[%dma_wait3A_41, %dma_wait3A_42] : memref<10000x128xf32, #tpu.memory_space<vmem_shared>> -> memref<10000x128xf32, #tpu.memory_space<vmem_shared>>
    tpu.wait_indirect_dma semaphore(%arg48 : memref<!tpu.dma_semaphore, #tpu.memory_space<semaphore_mem>>) src(%arg28 : memref<40x128xf32, #tpu.memory_space<vmem>>) dst(%dma_wait3A_43 : memref<10000x128xf32, #tpu.memory_space<vmem_shared>>)
    %dma_wait3A_44 = arith.constant 0 : i32
    %dma_wait3A_45 = arith.constant 0 : i32
    %dma_wait3A_46 = tpu.memref_slice %arg6[%dma_wait3A_44, %dma_wait3A_45] : memref<10000x128xf32, #tpu.memory_space<vmem_shared>> -> memref<10000x128xf32, #tpu.memory_space<vmem_shared>>
    tpu.wait_indirect_dma semaphore(%arg49 : memref<!tpu.dma_semaphore, #tpu.memory_space<semaphore_mem>>) src(%arg29 : memref<40x128xf32, #tpu.memory_space<vmem>>) dst(%dma_wait3A_46 : memref<10000x128xf32, #tpu.memory_space<vmem_shared>>)
    %dma_wait3A_47 = arith.constant 0 : i32
    %dma_wait3A_48 = arith.constant 0 : i32
    %dma_wait3A_49 = tpu.memref_slice %arg6[%dma_wait3A_47, %dma_wait3A_48] : memref<10000x128xf32, #tpu.memory_space<vmem_shared>> -> memref<10000x128xf32, #tpu.memory_space<vmem_shared>>
    tpu.wait_indirect_dma semaphore(%arg50 : memref<!tpu.dma_semaphore, #tpu.memory_space<semaphore_mem>>) src(%arg30 : memref<40x128xf32, #tpu.memory_space<vmem>>) dst(%dma_wait3A_49 : memref<10000x128xf32, #tpu.memory_space<vmem_shared>>)
    %dma_wait3A_50 = arith.constant 0 : i32
    %dma_wait3A_51 = arith.constant 0 : i32
    %dma_wait3A_52 = tpu.memref_slice %arg6[%dma_wait3A_50, %dma_wait3A_51] : memref<10000x128xf32, #tpu.memory_space<vmem_shared>> -> memref<10000x128xf32, #tpu.memory_space<vmem_shared>>
    tpu.wait_indirect_dma semaphore(%arg51 : memref<!tpu.dma_semaphore, #tpu.memory_space<semaphore_mem>>) src(%arg31 : memref<40x128xf32, #tpu.memory_space<vmem>>) dst(%dma_wait3A_52 : memref<10000x128xf32, #tpu.memory_space<vmem_shared>>)
    %barrier3A_53 = arith.constant 0 : index
    tpu.barrier barrier_id(%barrier3A_53)
    "tpu.region"() ({
      %run_scoped3A = tpu.sem_alloc : memref<!tpu.dma_semaphore, #tpu.memory_space<semaphore_mem>>
      %dma_start3A_54 = arith.constant 0 : i32
      %dma_start3A_55 = tpu.memref_slice %arg5[%arg0, %mul3A_2, %dma_start3A_54] : memref<2x10000x128xf32, #tpu.memory_space<hbm>> -> memref<1x640x128xf32, #tpu.memory_space<hbm>>
      %dma_start3A_56 = tpu.memref_squeeze %dma_start3A_55 : memref<1x640x128xf32, #tpu.memory_space<hbm>> -> memref<640x128xf32, #tpu.memory_space<hbm>>
      %dma_start3A_57 = arith.constant 0 : i32
      %dma_start3A_58 = tpu.memref_slice %arg6[%mul3A_2, %dma_start3A_57] : memref<10000x128xf32, #tpu.memory_space<vmem_shared>> -> memref<640x128xf32, #tpu.memory_space<vmem_shared>>
      tpu.enqueue_dma source(%dma_start3A_58 : memref<640x128xf32, #tpu.memory_space<vmem_shared>>) target(%dma_start3A_56 : memref<640x128xf32, #tpu.memory_space<hbm>>) target_semaphore(%run_scoped3A : memref<!tpu.dma_semaphore, #tpu.memory_space<semaphore_mem>>)
      %dma_wait3A_59 = arith.constant 0 : i32
      %dma_wait3A_60 = tpu.memref_slice %arg5[%arg0, %mul3A_2, %dma_wait3A_59] : memref<2x10000x128xf32, #tpu.memory_space<hbm>> -> memref<1x640x128xf32, #tpu.memory_space<hbm>>
      %dma_wait3A_61 = tpu.memref_squeeze %dma_wait3A_60 : memref<1x640x128xf32, #tpu.memory_space<hbm>> -> memref<640x128xf32, #tpu.memory_space<hbm>>
      %dma_wait3A_62 = arith.constant 0 : i32
      %dma_wait3A_63 = tpu.memref_slice %arg6[%mul3A_2, %dma_wait3A_62] : memref<10000x128xf32, #tpu.memory_space<vmem_shared>> -> memref<640x128xf32, #tpu.memory_space<vmem_shared>>
      tpu.wait_dma2 semaphore(%run_scoped3A : memref<!tpu.dma_semaphore, #tpu.memory_space<semaphore_mem>>) src(%dma_wait3A_63 : memref<640x128xf32, #tpu.memory_space<vmem_shared>>) dst(%dma_wait3A_61 : memref<640x128xf32, #tpu.memory_space<hbm>>)
      tpu.yield
    }) : () -> ()
    return
  }
}

#map = affine_map<(d0, d1) -> (0, 0)>
#map1 = affine_map<(d0, d1) -> (0)>
#map2 = affine_map<(d0, d1) -> (0, 0, 0)>
module attributes {stable_mosaic.version = 14 : i64} {
  func.func @_msg_body(%arg0: i32, %arg1: i32, %arg2: memref<10000x128xf32, #tpu.memory_space<hbm>>, %arg3: memref<320000xi32, #tpu.memory_space<hbm>>, %arg4: memref<320000xi32, #tpu.memory_space<hbm>>, %arg5: memref<2x10000x128xf32, #tpu.memory_space<hbm>>, %arg6: memref<10000x128xf32, #tpu.memory_space<vmem_shared>>, %arg7: memref<40xi32, #tpu.memory_space<vmem>>, %arg8: memref<40xi32, #tpu.memory_space<vmem>>, %arg9: memref<40xi32, #tpu.memory_space<vmem>>, %arg10: memref<40xi32, #tpu.memory_space<vmem>>, %arg11: memref<40xi32, #tpu.memory_space<vmem>>, %arg12: memref<40xi32, #tpu.memory_space<vmem>>, %arg13: memref<40xi32, #tpu.memory_space<vmem>>, %arg14: memref<40xi32, #tpu.memory_space<vmem>>, %arg15: memref<40xi32, #tpu.memory_space<vmem>>, %arg16: memref<40xi32, #tpu.memory_space<vmem>>, %arg17: memref<40xi32, #tpu.memory_space<vmem>>, %arg18: memref<40xi32, #tpu.memory_space<vmem>>, %arg19: memref<40xi32, #tpu.memory_space<vmem>>, %arg20: memref<40xi32, #tpu.memory_space<vmem>>, %arg21: memref<40xi32, #tpu.memory_space<vmem>>, %arg22: memref<40xi32, #tpu.memory_space<vmem>>, %arg23: memref<40xi32, #tpu.memory_space<vmem>>, %arg24: memref<40xi32, #tpu.memory_space<vmem>>, %arg25: memref<40xi32, #tpu.memory_space<vmem>>, %arg26: memref<40xi32, #tpu.memory_space<vmem>>, %arg27: memref<40x128xf32, #tpu.memory_space<vmem>>, %arg28: memref<40x128xf32, #tpu.memory_space<vmem>>, %arg29: memref<40x128xf32, #tpu.memory_space<vmem>>, %arg30: memref<40x128xf32, #tpu.memory_space<vmem>>, %arg31: memref<40x128xf32, #tpu.memory_space<vmem>>, %arg32: memref<!tpu.dma_semaphore, #tpu.memory_space<semaphore_mem>>, %arg33: memref<!tpu.dma_semaphore, #tpu.memory_space<semaphore_mem>>, %arg34: memref<!tpu.dma_semaphore, #tpu.memory_space<semaphore_mem>>, %arg35: memref<!tpu.dma_semaphore, #tpu.memory_space<semaphore_mem>>, %arg36: memref<!tpu.dma_semaphore, #tpu.memory_space<semaphore_mem>>, %arg37: memref<!tpu.dma_semaphore, #tpu.memory_space<semaphore_mem>>, %arg38: memref<!tpu.dma_semaphore, #tpu.memory_space<semaphore_mem>>, %arg39: memref<!tpu.dma_semaphore, #tpu.memory_space<semaphore_mem>>, %arg40: memref<!tpu.dma_semaphore, #tpu.memory_space<semaphore_mem>>, %arg41: memref<!tpu.dma_semaphore, #tpu.memory_space<semaphore_mem>>, %arg42: memref<!tpu.dma_semaphore, #tpu.memory_space<semaphore_mem>>, %arg43: memref<!tpu.dma_semaphore, #tpu.memory_space<semaphore_mem>>, %arg44: memref<!tpu.dma_semaphore, #tpu.memory_space<semaphore_mem>>, %arg45: memref<!tpu.dma_semaphore, #tpu.memory_space<semaphore_mem>>, %arg46: memref<!tpu.dma_semaphore, #tpu.memory_space<semaphore_mem>>, %arg47: memref<!tpu.dma_semaphore, #tpu.memory_space<semaphore_mem>>, %arg48: memref<!tpu.dma_semaphore, #tpu.memory_space<semaphore_mem>>, %arg49: memref<!tpu.dma_semaphore, #tpu.memory_space<semaphore_mem>>, %arg50: memref<!tpu.dma_semaphore, #tpu.memory_space<semaphore_mem>>, %arg51: memref<!tpu.dma_semaphore, #tpu.memory_space<semaphore_mem>>) attributes {dimension_semantics = [#tpu.dimension_semantics<core_parallel>, #tpu.dimension_semantics<subcore_parallel>], iteration_bounds = array<i64: 2, 16>, scalar_prefetch = 0 : i64, scratch_operands = 46 : i64, tpu.core_type = #tpu.core_type<sc_vector_subcore>, window_params = [{transform_indices = #map}, {transform_indices = #map1}, {transform_indices = #map1}, {transform_indices = #map2}]} {
    %mul3A = arith.constant 2 : i32
    %mul3A_0 = arith.muli %arg1, %mul3A : i32
    %add3A = arith.addi %mul3A_0, %arg0 : i32
    %mul3A_1 = arith.constant 624 : i32
    %mul3A_2 = arith.muli %arg1, %mul3A_1 : i32
    %mul3A_3 = arith.constant 10000 : i32
    %mul3A_4 = arith.muli %add3A, %mul3A_3 : i32
    %add3A_5 = arith.constant 0 : i32
    %add3A_6 = arith.addi %mul3A_4, %add3A_5 : i32
    %dma_start3A = tpu.memref_slice %arg3[%add3A_6] : memref<320000xi32, #tpu.memory_space<hbm>> -> memref<40xi32, #tpu.memory_space<hbm>>
    %dma_start3A_7 = tpu.memref_slice %arg3[%add3A_6] : memref<320000xi32, #tpu.memory_space<hbm>> -> memref<40xi32, #tpu.memory_space<hbm>>
    tpu.enqueue_dma source(%dma_start3A_7 : memref<40xi32, #tpu.memory_space<hbm>>) target(%arg7 : memref<40xi32, #tpu.memory_space<vmem>>) target_semaphore(%arg32 : memref<!tpu.dma_semaphore, #tpu.memory_space<semaphore_mem>>)
    %dma_start3A_8 = tpu.memref_slice %arg4[%add3A_6] : memref<320000xi32, #tpu.memory_space<hbm>> -> memref<40xi32, #tpu.memory_space<hbm>>
    %dma_start3A_9 = tpu.memref_slice %arg4[%add3A_6] : memref<320000xi32, #tpu.memory_space<hbm>> -> memref<40xi32, #tpu.memory_space<hbm>>
    tpu.enqueue_dma source(%dma_start3A_9 : memref<40xi32, #tpu.memory_space<hbm>>) target(%arg17 : memref<40xi32, #tpu.memory_space<vmem>>) target_semaphore(%arg32 : memref<!tpu.dma_semaphore, #tpu.memory_space<semaphore_mem>>)
    %add3A_10 = arith.constant 40 : i32
    %add3A_11 = arith.addi %mul3A_4, %add3A_10 : i32
    %dma_start3A_12 = tpu.memref_slice %arg3[%add3A_11] : memref<320000xi32, #tpu.memory_space<hbm>> -> memref<40xi32, #tpu.memory_space<hbm>>
    %dma_start3A_13 = tpu.memref_slice %arg3[%add3A_11] : memref<320000xi32, #tpu.memory_space<hbm>> -> memref<40xi32, #tpu.memory_space<hbm>>
    tpu.enqueue_dma source(%dma_start3A_13 : memref<40xi32, #tpu.memory_space<hbm>>) target(%arg8 : memref<40xi32, #tpu.memory_space<vmem>>) target_semaphore(%arg33 : memref<!tpu.dma_semaphore, #tpu.memory_space<semaphore_mem>>)
    %dma_start3A_14 = tpu.memref_slice %arg4[%add3A_11] : memref<320000xi32, #tpu.memory_space<hbm>> -> memref<40xi32, #tpu.memory_space<hbm>>
    %dma_start3A_15 = tpu.memref_slice %arg4[%add3A_11] : memref<320000xi32, #tpu.memory_space<hbm>> -> memref<40xi32, #tpu.memory_space<hbm>>
    tpu.enqueue_dma source(%dma_start3A_15 : memref<40xi32, #tpu.memory_space<hbm>>) target(%arg18 : memref<40xi32, #tpu.memory_space<vmem>>) target_semaphore(%arg33 : memref<!tpu.dma_semaphore, #tpu.memory_space<semaphore_mem>>)
    %add3A_16 = arith.constant 80 : i32
    %add3A_17 = arith.addi %mul3A_4, %add3A_16 : i32
    %dma_start3A_18 = tpu.memref_slice %arg3[%add3A_17] : memref<320000xi32, #tpu.memory_space<hbm>> -> memref<40xi32, #tpu.memory_space<hbm>>
    %dma_start3A_19 = tpu.memref_slice %arg3[%add3A_17] : memref<320000xi32, #tpu.memory_space<hbm>> -> memref<40xi32, #tpu.memory_space<hbm>>
    tpu.enqueue_dma source(%dma_start3A_19 : memref<40xi32, #tpu.memory_space<hbm>>) target(%arg9 : memref<40xi32, #tpu.memory_space<vmem>>) target_semaphore(%arg34 : memref<!tpu.dma_semaphore, #tpu.memory_space<semaphore_mem>>)
    %dma_start3A_20 = tpu.memref_slice %arg4[%add3A_17] : memref<320000xi32, #tpu.memory_space<hbm>> -> memref<40xi32, #tpu.memory_space<hbm>>
    %dma_start3A_21 = tpu.memref_slice %arg4[%add3A_17] : memref<320000xi32, #tpu.memory_space<hbm>> -> memref<40xi32, #tpu.memory_space<hbm>>
    tpu.enqueue_dma source(%dma_start3A_21 : memref<40xi32, #tpu.memory_space<hbm>>) target(%arg19 : memref<40xi32, #tpu.memory_space<vmem>>) target_semaphore(%arg34 : memref<!tpu.dma_semaphore, #tpu.memory_space<semaphore_mem>>)
    %add3A_22 = arith.constant 120 : i32
    %add3A_23 = arith.addi %mul3A_4, %add3A_22 : i32
    %dma_start3A_24 = tpu.memref_slice %arg3[%add3A_23] : memref<320000xi32, #tpu.memory_space<hbm>> -> memref<40xi32, #tpu.memory_space<hbm>>
    %dma_start3A_25 = tpu.memref_slice %arg3[%add3A_23] : memref<320000xi32, #tpu.memory_space<hbm>> -> memref<40xi32, #tpu.memory_space<hbm>>
    tpu.enqueue_dma source(%dma_start3A_25 : memref<40xi32, #tpu.memory_space<hbm>>) target(%arg10 : memref<40xi32, #tpu.memory_space<vmem>>) target_semaphore(%arg35 : memref<!tpu.dma_semaphore, #tpu.memory_space<semaphore_mem>>)
    %dma_start3A_26 = tpu.memref_slice %arg4[%add3A_23] : memref<320000xi32, #tpu.memory_space<hbm>> -> memref<40xi32, #tpu.memory_space<hbm>>
    %dma_start3A_27 = tpu.memref_slice %arg4[%add3A_23] : memref<320000xi32, #tpu.memory_space<hbm>> -> memref<40xi32, #tpu.memory_space<hbm>>
    tpu.enqueue_dma source(%dma_start3A_27 : memref<40xi32, #tpu.memory_space<hbm>>) target(%arg20 : memref<40xi32, #tpu.memory_space<vmem>>) target_semaphore(%arg35 : memref<!tpu.dma_semaphore, #tpu.memory_space<semaphore_mem>>)
    %add3A_28 = arith.constant 160 : i32
    %add3A_29 = arith.addi %mul3A_4, %add3A_28 : i32
    %dma_start3A_30 = tpu.memref_slice %arg3[%add3A_29] : memref<320000xi32, #tpu.memory_space<hbm>> -> memref<40xi32, #tpu.memory_space<hbm>>
    %dma_start3A_31 = tpu.memref_slice %arg3[%add3A_29] : memref<320000xi32, #tpu.memory_space<hbm>> -> memref<40xi32, #tpu.memory_space<hbm>>
    tpu.enqueue_dma source(%dma_start3A_31 : memref<40xi32, #tpu.memory_space<hbm>>) target(%arg11 : memref<40xi32, #tpu.memory_space<vmem>>) target_semaphore(%arg36 : memref<!tpu.dma_semaphore, #tpu.memory_space<semaphore_mem>>)
    %dma_start3A_32 = tpu.memref_slice %arg4[%add3A_29] : memref<320000xi32, #tpu.memory_space<hbm>> -> memref<40xi32, #tpu.memory_space<hbm>>
    %dma_start3A_33 = tpu.memref_slice %arg4[%add3A_29] : memref<320000xi32, #tpu.memory_space<hbm>> -> memref<40xi32, #tpu.memory_space<hbm>>
    tpu.enqueue_dma source(%dma_start3A_33 : memref<40xi32, #tpu.memory_space<hbm>>) target(%arg21 : memref<40xi32, #tpu.memory_space<vmem>>) target_semaphore(%arg36 : memref<!tpu.dma_semaphore, #tpu.memory_space<semaphore_mem>>)
    "tpu.region"() ({
      %run_scoped3A = tpu.sem_alloc : memref<!tpu.dma_semaphore, #tpu.memory_space<semaphore_mem>>
      %dma_start3A_54 = arith.constant 0 : i32
      %dma_start3A_55 = tpu.memref_slice %arg6[%mul3A_2, %dma_start3A_54] : memref<10000x128xf32, #tpu.memory_space<vmem_shared>> -> memref<640x128xf32, #tpu.memory_space<vmem_shared>>
      %dma_start3A_56 = arith.constant 0 : i32
      %dma_start3A_57 = tpu.memref_slice %arg2[%mul3A_2, %dma_start3A_56] : memref<10000x128xf32, #tpu.memory_space<hbm>> -> memref<640x128xf32, #tpu.memory_space<hbm>>
      tpu.enqueue_dma source(%dma_start3A_57 : memref<640x128xf32, #tpu.memory_space<hbm>>) target(%dma_start3A_55 : memref<640x128xf32, #tpu.memory_space<vmem_shared>>) target_semaphore(%run_scoped3A : memref<!tpu.dma_semaphore, #tpu.memory_space<semaphore_mem>>)
      %dma_wait3A_58 = arith.constant 0 : i32
      %dma_wait3A_59 = tpu.memref_slice %arg6[%mul3A_2, %dma_wait3A_58] : memref<10000x128xf32, #tpu.memory_space<vmem_shared>> -> memref<640x128xf32, #tpu.memory_space<vmem_shared>>
      %dma_wait3A_60 = arith.constant 0 : i32
      %dma_wait3A_61 = tpu.memref_slice %arg2[%mul3A_2, %dma_wait3A_60] : memref<10000x128xf32, #tpu.memory_space<hbm>> -> memref<640x128xf32, #tpu.memory_space<hbm>>
      tpu.wait_dma2 semaphore(%run_scoped3A : memref<!tpu.dma_semaphore, #tpu.memory_space<semaphore_mem>>) src(%dma_wait3A_61 : memref<640x128xf32, #tpu.memory_space<hbm>>) dst(%dma_wait3A_59 : memref<640x128xf32, #tpu.memory_space<vmem_shared>>)
      tpu.yield
    }) : () -> ()
    %barrier3A = arith.constant 0 : index
    tpu.barrier barrier_id(%barrier3A)
    %scan3A = arith.constant 0 : i32
    %scan3A_34 = arith.constant 0 : i32
    %scan3A_35 = arith.constant 25 : i32
    %scan3A_36 = arith.addi %scan3A_34, %scan3A_35 : i32
    %scan3A_37 = arith.constant 1 : i32
    scf.for %scan3A_54 = %scan3A_34 to %scan3A_36 step %scan3A_37  : i32 {
      %mul3A_55 = arith.constant 2 : i32
      %mul3A_56 = arith.muli %mul3A_55, %scan3A_54 : i32
      %mul3A_57 = arith.constant 5 : i32
      %mul3A_58 = arith.muli %mul3A_56, %mul3A_57 : i32
      %add3A_59 = arith.constant 0 : i32
      %add3A_60 = arith.addi %mul3A_58, %add3A_59 : i32
      %gt3A = arith.constant 0 : i32
      %gt3A_61 = arith.cmpi sgt, %mul3A_56, %gt3A : i32
      %convert_element_type3A = arith.extui %gt3A_61 : i1 to i32
      %cond3A = arith.constant 0 : i32
      %cond3A_62 = arith.cmpi ne, %convert_element_type3A, %cond3A : i32
      scf.if %cond3A_62 {
        %dma_wait3A_357 = arith.constant 0 : i32
        %dma_wait3A_358 = arith.constant 0 : i32
        %dma_wait3A_359 = tpu.memref_slice %arg6[%dma_wait3A_357, %dma_wait3A_358] : memref<10000x128xf32, #tpu.memory_space<vmem_shared>> -> memref<10000x128xf32, #tpu.memory_space<vmem_shared>>
        tpu.wait_indirect_dma semaphore(%arg47 : memref<!tpu.dma_semaphore, #tpu.memory_space<semaphore_mem>>) src(%arg27 : memref<40x128xf32, #tpu.memory_space<vmem>>) dst(%dma_wait3A_359 : memref<10000x128xf32, #tpu.memory_space<vmem_shared>>)
      } else {
      }
      %lt3A = arith.constant 49 : i32
      %lt3A_63 = arith.cmpi slt, %mul3A_56, %lt3A : i32
      %convert_element_type3A_64 = arith.extui %lt3A_63 : i1 to i32
      %cond3A_65 = arith.constant 0 : i32
      %cond3A_66 = arith.cmpi ne, %convert_element_type3A_64, %cond3A_65 : i32
      scf.if %cond3A_66 {
        %add3A_357 = arith.constant 5 : i32
        %add3A_358 = arith.addi %add3A_60, %add3A_357 : i32
        %mul3A_359 = arith.constant 40 : i32
        %mul3A_360 = arith.muli %add3A_358, %mul3A_359 : i32
        %add3A_361 = arith.addi %mul3A_4, %mul3A_360 : i32
        %dma_start3A_362 = tpu.memref_slice %arg3[%add3A_361] : memref<320000xi32, #tpu.memory_space<hbm>> -> memref<40xi32, #tpu.memory_space<hbm>>
        %dma_start3A_363 = tpu.memref_slice %arg3[%add3A_361] : memref<320000xi32, #tpu.memory_space<hbm>> -> memref<40xi32, #tpu.memory_space<hbm>>
        tpu.enqueue_dma source(%dma_start3A_363 : memref<40xi32, #tpu.memory_space<hbm>>) target(%arg12 : memref<40xi32, #tpu.memory_space<vmem>>) target_semaphore(%arg37 : memref<!tpu.dma_semaphore, #tpu.memory_space<semaphore_mem>>)
        %dma_start3A_364 = tpu.memref_slice %arg4[%add3A_361] : memref<320000xi32, #tpu.memory_space<hbm>> -> memref<40xi32, #tpu.memory_space<hbm>>
        %dma_start3A_365 = tpu.memref_slice %arg4[%add3A_361] : memref<320000xi32, #tpu.memory_space<hbm>> -> memref<40xi32, #tpu.memory_space<hbm>>
        tpu.enqueue_dma source(%dma_start3A_365 : memref<40xi32, #tpu.memory_space<hbm>>) target(%arg22 : memref<40xi32, #tpu.memory_space<vmem>>) target_semaphore(%arg37 : memref<!tpu.dma_semaphore, #tpu.memory_space<semaphore_mem>>)
      } else {
      }
      %mul3A_67 = arith.constant 40 : i32
      %mul3A_68 = arith.muli %add3A_60, %mul3A_67 : i32
      %add3A_69 = arith.addi %mul3A_4, %mul3A_68 : i32
      %dma_wait3A_70 = tpu.memref_slice %arg3[%add3A_69] : memref<320000xi32, #tpu.memory_space<hbm>> -> memref<40xi32, #tpu.memory_space<hbm>>
      %dma_wait3A_71 = tpu.memref_slice %arg3[%add3A_69] : memref<320000xi32, #tpu.memory_space<hbm>> -> memref<40xi32, #tpu.memory_space<hbm>>
      tpu.wait_dma2 semaphore(%arg32 : memref<!tpu.dma_semaphore, #tpu.memory_space<semaphore_mem>>) src(%dma_wait3A_71 : memref<40xi32, #tpu.memory_space<hbm>>) dst(%arg7 : memref<40xi32, #tpu.memory_space<vmem>>)
      %dma_wait3A_72 = tpu.memref_slice %arg4[%add3A_69] : memref<320000xi32, #tpu.memory_space<hbm>> -> memref<40xi32, #tpu.memory_space<hbm>>
      %dma_wait3A_73 = tpu.memref_slice %arg4[%add3A_69] : memref<320000xi32, #tpu.memory_space<hbm>> -> memref<40xi32, #tpu.memory_space<hbm>>
      tpu.wait_dma2 semaphore(%arg32 : memref<!tpu.dma_semaphore, #tpu.memory_space<semaphore_mem>>) src(%dma_wait3A_73 : memref<40xi32, #tpu.memory_space<hbm>>) dst(%arg17 : memref<40xi32, #tpu.memory_space<vmem>>)
      %dma_start3A_74 = arith.constant 0 : i32
      %dma_start3A_75 = arith.constant 0 : i32
      %dma_start3A_76 = tpu.memref_slice %arg2[%dma_start3A_74, %dma_start3A_75] : memref<10000x128xf32, #tpu.memory_space<hbm>> -> memref<10000x128xf32, #tpu.memory_space<hbm>>
      tpu.enqueue_indirect_dma source(%dma_start3A_76 : memref<10000x128xf32, #tpu.memory_space<hbm>>) target(%arg27 : memref<40x128xf32, #tpu.memory_space<vmem>>) offsets(%arg7 : memref<40xi32, #tpu.memory_space<vmem>>) semaphore(%arg42 : memref<!tpu.dma_semaphore, #tpu.memory_space<semaphore_mem>>)
      %mul3A_77 = arith.constant 5 : i32
      %mul3A_78 = arith.muli %mul3A_56, %mul3A_77 : i32
      %add3A_79 = arith.constant 1 : i32
      %add3A_80 = arith.addi %mul3A_78, %add3A_79 : i32
      %gt3A_81 = arith.constant 0 : i32
      %gt3A_82 = arith.cmpi sgt, %mul3A_56, %gt3A_81 : i32
      %convert_element_type3A_83 = arith.extui %gt3A_82 : i1 to i32
      %cond3A_84 = arith.constant 0 : i32
      %cond3A_85 = arith.cmpi ne, %convert_element_type3A_83, %cond3A_84 : i32
      scf.if %cond3A_85 {
        %dma_wait3A_357 = arith.constant 0 : i32
        %dma_wait3A_358 = arith.constant 0 : i32
        %dma_wait3A_359 = tpu.memref_slice %arg6[%dma_wait3A_357, %dma_wait3A_358] : memref<10000x128xf32, #tpu.memory_space<vmem_shared>> -> memref<10000x128xf32, #tpu.memory_space<vmem_shared>>
        tpu.wait_indirect_dma semaphore(%arg48 : memref<!tpu.dma_semaphore, #tpu.memory_space<semaphore_mem>>) src(%arg28 : memref<40x128xf32, #tpu.memory_space<vmem>>) dst(%dma_wait3A_359 : memref<10000x128xf32, #tpu.memory_space<vmem_shared>>)
      } else {
      }
      %lt3A_86 = arith.constant 49 : i32
      %lt3A_87 = arith.cmpi slt, %mul3A_56, %lt3A_86 : i32
      %convert_element_type3A_88 = arith.extui %lt3A_87 : i1 to i32
      %cond3A_89 = arith.constant 0 : i32
      %cond3A_90 = arith.cmpi ne, %convert_element_type3A_88, %cond3A_89 : i32
      scf.if %cond3A_90 {
        %add3A_357 = arith.constant 5 : i32
        %add3A_358 = arith.addi %add3A_80, %add3A_357 : i32
        %mul3A_359 = arith.constant 40 : i32
        %mul3A_360 = arith.muli %add3A_358, %mul3A_359 : i32
        %add3A_361 = arith.addi %mul3A_4, %mul3A_360 : i32
        %dma_start3A_362 = tpu.memref_slice %arg3[%add3A_361] : memref<320000xi32, #tpu.memory_space<hbm>> -> memref<40xi32, #tpu.memory_space<hbm>>
        %dma_start3A_363 = tpu.memref_slice %arg3[%add3A_361] : memref<320000xi32, #tpu.memory_space<hbm>> -> memref<40xi32, #tpu.memory_space<hbm>>
        tpu.enqueue_dma source(%dma_start3A_363 : memref<40xi32, #tpu.memory_space<hbm>>) target(%arg13 : memref<40xi32, #tpu.memory_space<vmem>>) target_semaphore(%arg38 : memref<!tpu.dma_semaphore, #tpu.memory_space<semaphore_mem>>)
        %dma_start3A_364 = tpu.memref_slice %arg4[%add3A_361] : memref<320000xi32, #tpu.memory_space<hbm>> -> memref<40xi32, #tpu.memory_space<hbm>>
        %dma_start3A_365 = tpu.memref_slice %arg4[%add3A_361] : memref<320000xi32, #tpu.memory_space<hbm>> -> memref<40xi32, #tpu.memory_space<hbm>>
        tpu.enqueue_dma source(%dma_start3A_365 : memref<40xi32, #tpu.memory_space<hbm>>) target(%arg23 : memref<40xi32, #tpu.memory_space<vmem>>) target_semaphore(%arg38 : memref<!tpu.dma_semaphore, #tpu.memory_space<semaphore_mem>>)
      } else {
      }
      %mul3A_91 = arith.constant 40 : i32
      %mul3A_92 = arith.muli %add3A_80, %mul3A_91 : i32
      %add3A_93 = arith.addi %mul3A_4, %mul3A_92 : i32
      %dma_wait3A_94 = tpu.memref_slice %arg3[%add3A_93] : memref<320000xi32, #tpu.memory_space<hbm>> -> memref<40xi32, #tpu.memory_space<hbm>>
      %dma_wait3A_95 = tpu.memref_slice %arg3[%add3A_93] : memref<320000xi32, #tpu.memory_space<hbm>> -> memref<40xi32, #tpu.memory_space<hbm>>
      tpu.wait_dma2 semaphore(%arg33 : memref<!tpu.dma_semaphore, #tpu.memory_space<semaphore_mem>>) src(%dma_wait3A_95 : memref<40xi32, #tpu.memory_space<hbm>>) dst(%arg8 : memref<40xi32, #tpu.memory_space<vmem>>)
      %dma_wait3A_96 = tpu.memref_slice %arg4[%add3A_93] : memref<320000xi32, #tpu.memory_space<hbm>> -> memref<40xi32, #tpu.memory_space<hbm>>
      %dma_wait3A_97 = tpu.memref_slice %arg4[%add3A_93] : memref<320000xi32, #tpu.memory_space<hbm>> -> memref<40xi32, #tpu.memory_space<hbm>>
      tpu.wait_dma2 semaphore(%arg33 : memref<!tpu.dma_semaphore, #tpu.memory_space<semaphore_mem>>) src(%dma_wait3A_97 : memref<40xi32, #tpu.memory_space<hbm>>) dst(%arg18 : memref<40xi32, #tpu.memory_space<vmem>>)
      %dma_start3A_98 = arith.constant 0 : i32
      %dma_start3A_99 = arith.constant 0 : i32
      %dma_start3A_100 = tpu.memref_slice %arg2[%dma_start3A_98, %dma_start3A_99] : memref<10000x128xf32, #tpu.memory_space<hbm>> -> memref<10000x128xf32, #tpu.memory_space<hbm>>
      tpu.enqueue_indirect_dma source(%dma_start3A_100 : memref<10000x128xf32, #tpu.memory_space<hbm>>) target(%arg28 : memref<40x128xf32, #tpu.memory_space<vmem>>) offsets(%arg8 : memref<40xi32, #tpu.memory_space<vmem>>) semaphore(%arg43 : memref<!tpu.dma_semaphore, #tpu.memory_space<semaphore_mem>>)
      %mul3A_101 = arith.constant 5 : i32
      %mul3A_102 = arith.muli %mul3A_56, %mul3A_101 : i32
      %add3A_103 = arith.constant 2 : i32
      %add3A_104 = arith.addi %mul3A_102, %add3A_103 : i32
      %gt3A_105 = arith.constant 0 : i32
      %gt3A_106 = arith.cmpi sgt, %mul3A_56, %gt3A_105 : i32
      %convert_element_type3A_107 = arith.extui %gt3A_106 : i1 to i32
      %cond3A_108 = arith.constant 0 : i32
      %cond3A_109 = arith.cmpi ne, %convert_element_type3A_107, %cond3A_108 : i32
      scf.if %cond3A_109 {
        %dma_wait3A_357 = arith.constant 0 : i32
        %dma_wait3A_358 = arith.constant 0 : i32
        %dma_wait3A_359 = tpu.memref_slice %arg6[%dma_wait3A_357, %dma_wait3A_358] : memref<10000x128xf32, #tpu.memory_space<vmem_shared>> -> memref<10000x128xf32, #tpu.memory_space<vmem_shared>>
        tpu.wait_indirect_dma semaphore(%arg49 : memref<!tpu.dma_semaphore, #tpu.memory_space<semaphore_mem>>) src(%arg29 : memref<40x128xf32, #tpu.memory_space<vmem>>) dst(%dma_wait3A_359 : memref<10000x128xf32, #tpu.memory_space<vmem_shared>>)
      } else {
      }
      %lt3A_110 = arith.constant 49 : i32
      %lt3A_111 = arith.cmpi slt, %mul3A_56, %lt3A_110 : i32
      %convert_element_type3A_112 = arith.extui %lt3A_111 : i1 to i32
      %cond3A_113 = arith.constant 0 : i32
      %cond3A_114 = arith.cmpi ne, %convert_element_type3A_112, %cond3A_113 : i32
      scf.if %cond3A_114 {
        %add3A_357 = arith.constant 5 : i32
        %add3A_358 = arith.addi %add3A_104, %add3A_357 : i32
        %mul3A_359 = arith.constant 40 : i32
        %mul3A_360 = arith.muli %add3A_358, %mul3A_359 : i32
        %add3A_361 = arith.addi %mul3A_4, %mul3A_360 : i32
        %dma_start3A_362 = tpu.memref_slice %arg3[%add3A_361] : memref<320000xi32, #tpu.memory_space<hbm>> -> memref<40xi32, #tpu.memory_space<hbm>>
        %dma_start3A_363 = tpu.memref_slice %arg3[%add3A_361] : memref<320000xi32, #tpu.memory_space<hbm>> -> memref<40xi32, #tpu.memory_space<hbm>>
        tpu.enqueue_dma source(%dma_start3A_363 : memref<40xi32, #tpu.memory_space<hbm>>) target(%arg14 : memref<40xi32, #tpu.memory_space<vmem>>) target_semaphore(%arg39 : memref<!tpu.dma_semaphore, #tpu.memory_space<semaphore_mem>>)
        %dma_start3A_364 = tpu.memref_slice %arg4[%add3A_361] : memref<320000xi32, #tpu.memory_space<hbm>> -> memref<40xi32, #tpu.memory_space<hbm>>
        %dma_start3A_365 = tpu.memref_slice %arg4[%add3A_361] : memref<320000xi32, #tpu.memory_space<hbm>> -> memref<40xi32, #tpu.memory_space<hbm>>
        tpu.enqueue_dma source(%dma_start3A_365 : memref<40xi32, #tpu.memory_space<hbm>>) target(%arg24 : memref<40xi32, #tpu.memory_space<vmem>>) target_semaphore(%arg39 : memref<!tpu.dma_semaphore, #tpu.memory_space<semaphore_mem>>)
      } else {
      }
      %mul3A_115 = arith.constant 40 : i32
      %mul3A_116 = arith.muli %add3A_104, %mul3A_115 : i32
      %add3A_117 = arith.addi %mul3A_4, %mul3A_116 : i32
      %dma_wait3A_118 = tpu.memref_slice %arg3[%add3A_117] : memref<320000xi32, #tpu.memory_space<hbm>> -> memref<40xi32, #tpu.memory_space<hbm>>
      %dma_wait3A_119 = tpu.memref_slice %arg3[%add3A_117] : memref<320000xi32, #tpu.memory_space<hbm>> -> memref<40xi32, #tpu.memory_space<hbm>>
      tpu.wait_dma2 semaphore(%arg34 : memref<!tpu.dma_semaphore, #tpu.memory_space<semaphore_mem>>) src(%dma_wait3A_119 : memref<40xi32, #tpu.memory_space<hbm>>) dst(%arg9 : memref<40xi32, #tpu.memory_space<vmem>>)
      %dma_wait3A_120 = tpu.memref_slice %arg4[%add3A_117] : memref<320000xi32, #tpu.memory_space<hbm>> -> memref<40xi32, #tpu.memory_space<hbm>>
      %dma_wait3A_121 = tpu.memref_slice %arg4[%add3A_117] : memref<320000xi32, #tpu.memory_space<hbm>> -> memref<40xi32, #tpu.memory_space<hbm>>
      tpu.wait_dma2 semaphore(%arg34 : memref<!tpu.dma_semaphore, #tpu.memory_space<semaphore_mem>>) src(%dma_wait3A_121 : memref<40xi32, #tpu.memory_space<hbm>>) dst(%arg19 : memref<40xi32, #tpu.memory_space<vmem>>)
      %dma_start3A_122 = arith.constant 0 : i32
      %dma_start3A_123 = arith.constant 0 : i32
      %dma_start3A_124 = tpu.memref_slice %arg2[%dma_start3A_122, %dma_start3A_123] : memref<10000x128xf32, #tpu.memory_space<hbm>> -> memref<10000x128xf32, #tpu.memory_space<hbm>>
      tpu.enqueue_indirect_dma source(%dma_start3A_124 : memref<10000x128xf32, #tpu.memory_space<hbm>>) target(%arg29 : memref<40x128xf32, #tpu.memory_space<vmem>>) offsets(%arg9 : memref<40xi32, #tpu.memory_space<vmem>>) semaphore(%arg44 : memref<!tpu.dma_semaphore, #tpu.memory_space<semaphore_mem>>)
      %mul3A_125 = arith.constant 5 : i32
      %mul3A_126 = arith.muli %mul3A_56, %mul3A_125 : i32
      %add3A_127 = arith.constant 3 : i32
      %add3A_128 = arith.addi %mul3A_126, %add3A_127 : i32
      %gt3A_129 = arith.constant 0 : i32
      %gt3A_130 = arith.cmpi sgt, %mul3A_56, %gt3A_129 : i32
      %convert_element_type3A_131 = arith.extui %gt3A_130 : i1 to i32
      %cond3A_132 = arith.constant 0 : i32
      %cond3A_133 = arith.cmpi ne, %convert_element_type3A_131, %cond3A_132 : i32
      scf.if %cond3A_133 {
        %dma_wait3A_357 = arith.constant 0 : i32
        %dma_wait3A_358 = arith.constant 0 : i32
        %dma_wait3A_359 = tpu.memref_slice %arg6[%dma_wait3A_357, %dma_wait3A_358] : memref<10000x128xf32, #tpu.memory_space<vmem_shared>> -> memref<10000x128xf32, #tpu.memory_space<vmem_shared>>
        tpu.wait_indirect_dma semaphore(%arg50 : memref<!tpu.dma_semaphore, #tpu.memory_space<semaphore_mem>>) src(%arg30 : memref<40x128xf32, #tpu.memory_space<vmem>>) dst(%dma_wait3A_359 : memref<10000x128xf32, #tpu.memory_space<vmem_shared>>)
      } else {
      }
      %lt3A_134 = arith.constant 49 : i32
      %lt3A_135 = arith.cmpi slt, %mul3A_56, %lt3A_134 : i32
      %convert_element_type3A_136 = arith.extui %lt3A_135 : i1 to i32
      %cond3A_137 = arith.constant 0 : i32
      %cond3A_138 = arith.cmpi ne, %convert_element_type3A_136, %cond3A_137 : i32
      scf.if %cond3A_138 {
        %add3A_357 = arith.constant 5 : i32
        %add3A_358 = arith.addi %add3A_128, %add3A_357 : i32
        %mul3A_359 = arith.constant 40 : i32
        %mul3A_360 = arith.muli %add3A_358, %mul3A_359 : i32
        %add3A_361 = arith.addi %mul3A_4, %mul3A_360 : i32
        %dma_start3A_362 = tpu.memref_slice %arg3[%add3A_361] : memref<320000xi32, #tpu.memory_space<hbm>> -> memref<40xi32, #tpu.memory_space<hbm>>
        %dma_start3A_363 = tpu.memref_slice %arg3[%add3A_361] : memref<320000xi32, #tpu.memory_space<hbm>> -> memref<40xi32, #tpu.memory_space<hbm>>
        tpu.enqueue_dma source(%dma_start3A_363 : memref<40xi32, #tpu.memory_space<hbm>>) target(%arg15 : memref<40xi32, #tpu.memory_space<vmem>>) target_semaphore(%arg40 : memref<!tpu.dma_semaphore, #tpu.memory_space<semaphore_mem>>)
        %dma_start3A_364 = tpu.memref_slice %arg4[%add3A_361] : memref<320000xi32, #tpu.memory_space<hbm>> -> memref<40xi32, #tpu.memory_space<hbm>>
        %dma_start3A_365 = tpu.memref_slice %arg4[%add3A_361] : memref<320000xi32, #tpu.memory_space<hbm>> -> memref<40xi32, #tpu.memory_space<hbm>>
        tpu.enqueue_dma source(%dma_start3A_365 : memref<40xi32, #tpu.memory_space<hbm>>) target(%arg25 : memref<40xi32, #tpu.memory_space<vmem>>) target_semaphore(%arg40 : memref<!tpu.dma_semaphore, #tpu.memory_space<semaphore_mem>>)
      } else {
      }
      %mul3A_139 = arith.constant 40 : i32
      %mul3A_140 = arith.muli %add3A_128, %mul3A_139 : i32
      %add3A_141 = arith.addi %mul3A_4, %mul3A_140 : i32
      %dma_wait3A_142 = tpu.memref_slice %arg3[%add3A_141] : memref<320000xi32, #tpu.memory_space<hbm>> -> memref<40xi32, #tpu.memory_space<hbm>>
      %dma_wait3A_143 = tpu.memref_slice %arg3[%add3A_141] : memref<320000xi32, #tpu.memory_space<hbm>> -> memref<40xi32, #tpu.memory_space<hbm>>
      tpu.wait_dma2 semaphore(%arg35 : memref<!tpu.dma_semaphore, #tpu.memory_space<semaphore_mem>>) src(%dma_wait3A_143 : memref<40xi32, #tpu.memory_space<hbm>>) dst(%arg10 : memref<40xi32, #tpu.memory_space<vmem>>)
      %dma_wait3A_144 = tpu.memref_slice %arg4[%add3A_141] : memref<320000xi32, #tpu.memory_space<hbm>> -> memref<40xi32, #tpu.memory_space<hbm>>
      %dma_wait3A_145 = tpu.memref_slice %arg4[%add3A_141] : memref<320000xi32, #tpu.memory_space<hbm>> -> memref<40xi32, #tpu.memory_space<hbm>>
      tpu.wait_dma2 semaphore(%arg35 : memref<!tpu.dma_semaphore, #tpu.memory_space<semaphore_mem>>) src(%dma_wait3A_145 : memref<40xi32, #tpu.memory_space<hbm>>) dst(%arg20 : memref<40xi32, #tpu.memory_space<vmem>>)
      %dma_start3A_146 = arith.constant 0 : i32
      %dma_start3A_147 = arith.constant 0 : i32
      %dma_start3A_148 = tpu.memref_slice %arg2[%dma_start3A_146, %dma_start3A_147] : memref<10000x128xf32, #tpu.memory_space<hbm>> -> memref<10000x128xf32, #tpu.memory_space<hbm>>
      tpu.enqueue_indirect_dma source(%dma_start3A_148 : memref<10000x128xf32, #tpu.memory_space<hbm>>) target(%arg30 : memref<40x128xf32, #tpu.memory_space<vmem>>) offsets(%arg10 : memref<40xi32, #tpu.memory_space<vmem>>) semaphore(%arg45 : memref<!tpu.dma_semaphore, #tpu.memory_space<semaphore_mem>>)
      %mul3A_149 = arith.constant 5 : i32
      %mul3A_150 = arith.muli %mul3A_56, %mul3A_149 : i32
      %add3A_151 = arith.constant 4 : i32
      %add3A_152 = arith.addi %mul3A_150, %add3A_151 : i32
      %gt3A_153 = arith.constant 0 : i32
      %gt3A_154 = arith.cmpi sgt, %mul3A_56, %gt3A_153 : i32
      %convert_element_type3A_155 = arith.extui %gt3A_154 : i1 to i32
      %cond3A_156 = arith.constant 0 : i32
      %cond3A_157 = arith.cmpi ne, %convert_element_type3A_155, %cond3A_156 : i32
      scf.if %cond3A_157 {
        %dma_wait3A_357 = arith.constant 0 : i32
        %dma_wait3A_358 = arith.constant 0 : i32
        %dma_wait3A_359 = tpu.memref_slice %arg6[%dma_wait3A_357, %dma_wait3A_358] : memref<10000x128xf32, #tpu.memory_space<vmem_shared>> -> memref<10000x128xf32, #tpu.memory_space<vmem_shared>>
        tpu.wait_indirect_dma semaphore(%arg51 : memref<!tpu.dma_semaphore, #tpu.memory_space<semaphore_mem>>) src(%arg31 : memref<40x128xf32, #tpu.memory_space<vmem>>) dst(%dma_wait3A_359 : memref<10000x128xf32, #tpu.memory_space<vmem_shared>>)
      } else {
      }
      %lt3A_158 = arith.constant 49 : i32
      %lt3A_159 = arith.cmpi slt, %mul3A_56, %lt3A_158 : i32
      %convert_element_type3A_160 = arith.extui %lt3A_159 : i1 to i32
      %cond3A_161 = arith.constant 0 : i32
      %cond3A_162 = arith.cmpi ne, %convert_element_type3A_160, %cond3A_161 : i32
      scf.if %cond3A_162 {
        %add3A_357 = arith.constant 5 : i32
        %add3A_358 = arith.addi %add3A_152, %add3A_357 : i32
        %mul3A_359 = arith.constant 40 : i32
        %mul3A_360 = arith.muli %add3A_358, %mul3A_359 : i32
        %add3A_361 = arith.addi %mul3A_4, %mul3A_360 : i32
        %dma_start3A_362 = tpu.memref_slice %arg3[%add3A_361] : memref<320000xi32, #tpu.memory_space<hbm>> -> memref<40xi32, #tpu.memory_space<hbm>>
        %dma_start3A_363 = tpu.memref_slice %arg3[%add3A_361] : memref<320000xi32, #tpu.memory_space<hbm>> -> memref<40xi32, #tpu.memory_space<hbm>>
        tpu.enqueue_dma source(%dma_start3A_363 : memref<40xi32, #tpu.memory_space<hbm>>) target(%arg16 : memref<40xi32, #tpu.memory_space<vmem>>) target_semaphore(%arg41 : memref<!tpu.dma_semaphore, #tpu.memory_space<semaphore_mem>>)
        %dma_start3A_364 = tpu.memref_slice %arg4[%add3A_361] : memref<320000xi32, #tpu.memory_space<hbm>> -> memref<40xi32, #tpu.memory_space<hbm>>
        %dma_start3A_365 = tpu.memref_slice %arg4[%add3A_361] : memref<320000xi32, #tpu.memory_space<hbm>> -> memref<40xi32, #tpu.memory_space<hbm>>
        tpu.enqueue_dma source(%dma_start3A_365 : memref<40xi32, #tpu.memory_space<hbm>>) target(%arg26 : memref<40xi32, #tpu.memory_space<vmem>>) target_semaphore(%arg41 : memref<!tpu.dma_semaphore, #tpu.memory_space<semaphore_mem>>)
      } else {
      }
      %mul3A_163 = arith.constant 40 : i32
      %mul3A_164 = arith.muli %add3A_152, %mul3A_163 : i32
      %add3A_165 = arith.addi %mul3A_4, %mul3A_164 : i32
      %dma_wait3A_166 = tpu.memref_slice %arg3[%add3A_165] : memref<320000xi32, #tpu.memory_space<hbm>> -> memref<40xi32, #tpu.memory_space<hbm>>
      %dma_wait3A_167 = tpu.memref_slice %arg3[%add3A_165] : memref<320000xi32, #tpu.memory_space<hbm>> -> memref<40xi32, #tpu.memory_space<hbm>>
      tpu.wait_dma2 semaphore(%arg36 : memref<!tpu.dma_semaphore, #tpu.memory_space<semaphore_mem>>) src(%dma_wait3A_167 : memref<40xi32, #tpu.memory_space<hbm>>) dst(%arg11 : memref<40xi32, #tpu.memory_space<vmem>>)
      %dma_wait3A_168 = tpu.memref_slice %arg4[%add3A_165] : memref<320000xi32, #tpu.memory_space<hbm>> -> memref<40xi32, #tpu.memory_space<hbm>>
      %dma_wait3A_169 = tpu.memref_slice %arg4[%add3A_165] : memref<320000xi32, #tpu.memory_space<hbm>> -> memref<40xi32, #tpu.memory_space<hbm>>
      tpu.wait_dma2 semaphore(%arg36 : memref<!tpu.dma_semaphore, #tpu.memory_space<semaphore_mem>>) src(%dma_wait3A_169 : memref<40xi32, #tpu.memory_space<hbm>>) dst(%arg21 : memref<40xi32, #tpu.memory_space<vmem>>)
      %dma_start3A_170 = arith.constant 0 : i32
      %dma_start3A_171 = arith.constant 0 : i32
      %dma_start3A_172 = tpu.memref_slice %arg2[%dma_start3A_170, %dma_start3A_171] : memref<10000x128xf32, #tpu.memory_space<hbm>> -> memref<10000x128xf32, #tpu.memory_space<hbm>>
      tpu.enqueue_indirect_dma source(%dma_start3A_172 : memref<10000x128xf32, #tpu.memory_space<hbm>>) target(%arg31 : memref<40x128xf32, #tpu.memory_space<vmem>>) offsets(%arg11 : memref<40xi32, #tpu.memory_space<vmem>>) semaphore(%arg46 : memref<!tpu.dma_semaphore, #tpu.memory_space<semaphore_mem>>)
      %dma_wait3A_173 = arith.constant 0 : i32
      %dma_wait3A_174 = arith.constant 0 : i32
      %dma_wait3A_175 = tpu.memref_slice %arg2[%dma_wait3A_173, %dma_wait3A_174] : memref<10000x128xf32, #tpu.memory_space<hbm>> -> memref<10000x128xf32, #tpu.memory_space<hbm>>
      tpu.wait_indirect_dma semaphore(%arg42 : memref<!tpu.dma_semaphore, #tpu.memory_space<semaphore_mem>>) src(%dma_wait3A_175 : memref<10000x128xf32, #tpu.memory_space<hbm>>) dst(%arg27 : memref<40x128xf32, #tpu.memory_space<vmem>>)
      %dma_start3A_176 = arith.constant 0 : i32
      %dma_start3A_177 = arith.constant 0 : i32
      %dma_start3A_178 = tpu.memref_slice %arg6[%dma_start3A_176, %dma_start3A_177] : memref<10000x128xf32, #tpu.memory_space<vmem_shared>> -> memref<10000x128xf32, #tpu.memory_space<vmem_shared>>
      tpu.enqueue_indirect_dma source(%arg27 : memref<40x128xf32, #tpu.memory_space<vmem>>) target(%dma_start3A_178 : memref<10000x128xf32, #tpu.memory_space<vmem_shared>>) offsets(%arg17 : memref<40xi32, #tpu.memory_space<vmem>>) semaphore(%arg47 : memref<!tpu.dma_semaphore, #tpu.memory_space<semaphore_mem>>) {add = true}
      %dma_wait3A_179 = arith.constant 0 : i32
      %dma_wait3A_180 = arith.constant 0 : i32
      %dma_wait3A_181 = tpu.memref_slice %arg2[%dma_wait3A_179, %dma_wait3A_180] : memref<10000x128xf32, #tpu.memory_space<hbm>> -> memref<10000x128xf32, #tpu.memory_space<hbm>>
      tpu.wait_indirect_dma semaphore(%arg43 : memref<!tpu.dma_semaphore, #tpu.memory_space<semaphore_mem>>) src(%dma_wait3A_181 : memref<10000x128xf32, #tpu.memory_space<hbm>>) dst(%arg28 : memref<40x128xf32, #tpu.memory_space<vmem>>)
      %dma_start3A_182 = arith.constant 0 : i32
      %dma_start3A_183 = arith.constant 0 : i32
      %dma_start3A_184 = tpu.memref_slice %arg6[%dma_start3A_182, %dma_start3A_183] : memref<10000x128xf32, #tpu.memory_space<vmem_shared>> -> memref<10000x128xf32, #tpu.memory_space<vmem_shared>>
      tpu.enqueue_indirect_dma source(%arg28 : memref<40x128xf32, #tpu.memory_space<vmem>>) target(%dma_start3A_184 : memref<10000x128xf32, #tpu.memory_space<vmem_shared>>) offsets(%arg18 : memref<40xi32, #tpu.memory_space<vmem>>) semaphore(%arg48 : memref<!tpu.dma_semaphore, #tpu.memory_space<semaphore_mem>>) {add = true}
      %dma_wait3A_185 = arith.constant 0 : i32
      %dma_wait3A_186 = arith.constant 0 : i32
      %dma_wait3A_187 = tpu.memref_slice %arg2[%dma_wait3A_185, %dma_wait3A_186] : memref<10000x128xf32, #tpu.memory_space<hbm>> -> memref<10000x128xf32, #tpu.memory_space<hbm>>
      tpu.wait_indirect_dma semaphore(%arg44 : memref<!tpu.dma_semaphore, #tpu.memory_space<semaphore_mem>>) src(%dma_wait3A_187 : memref<10000x128xf32, #tpu.memory_space<hbm>>) dst(%arg29 : memref<40x128xf32, #tpu.memory_space<vmem>>)
      %dma_start3A_188 = arith.constant 0 : i32
      %dma_start3A_189 = arith.constant 0 : i32
      %dma_start3A_190 = tpu.memref_slice %arg6[%dma_start3A_188, %dma_start3A_189] : memref<10000x128xf32, #tpu.memory_space<vmem_shared>> -> memref<10000x128xf32, #tpu.memory_space<vmem_shared>>
      tpu.enqueue_indirect_dma source(%arg29 : memref<40x128xf32, #tpu.memory_space<vmem>>) target(%dma_start3A_190 : memref<10000x128xf32, #tpu.memory_space<vmem_shared>>) offsets(%arg19 : memref<40xi32, #tpu.memory_space<vmem>>) semaphore(%arg49 : memref<!tpu.dma_semaphore, #tpu.memory_space<semaphore_mem>>) {add = true}
      %dma_wait3A_191 = arith.constant 0 : i32
      %dma_wait3A_192 = arith.constant 0 : i32
      %dma_wait3A_193 = tpu.memref_slice %arg2[%dma_wait3A_191, %dma_wait3A_192] : memref<10000x128xf32, #tpu.memory_space<hbm>> -> memref<10000x128xf32, #tpu.memory_space<hbm>>
      tpu.wait_indirect_dma semaphore(%arg45 : memref<!tpu.dma_semaphore, #tpu.memory_space<semaphore_mem>>) src(%dma_wait3A_193 : memref<10000x128xf32, #tpu.memory_space<hbm>>) dst(%arg30 : memref<40x128xf32, #tpu.memory_space<vmem>>)
      %dma_start3A_194 = arith.constant 0 : i32
      %dma_start3A_195 = arith.constant 0 : i32
      %dma_start3A_196 = tpu.memref_slice %arg6[%dma_start3A_194, %dma_start3A_195] : memref<10000x128xf32, #tpu.memory_space<vmem_shared>> -> memref<10000x128xf32, #tpu.memory_space<vmem_shared>>
      tpu.enqueue_indirect_dma source(%arg30 : memref<40x128xf32, #tpu.memory_space<vmem>>) target(%dma_start3A_196 : memref<10000x128xf32, #tpu.memory_space<vmem_shared>>) offsets(%arg20 : memref<40xi32, #tpu.memory_space<vmem>>) semaphore(%arg50 : memref<!tpu.dma_semaphore, #tpu.memory_space<semaphore_mem>>) {add = true}
      %dma_wait3A_197 = arith.constant 0 : i32
      %dma_wait3A_198 = arith.constant 0 : i32
      %dma_wait3A_199 = tpu.memref_slice %arg2[%dma_wait3A_197, %dma_wait3A_198] : memref<10000x128xf32, #tpu.memory_space<hbm>> -> memref<10000x128xf32, #tpu.memory_space<hbm>>
      tpu.wait_indirect_dma semaphore(%arg46 : memref<!tpu.dma_semaphore, #tpu.memory_space<semaphore_mem>>) src(%dma_wait3A_199 : memref<10000x128xf32, #tpu.memory_space<hbm>>) dst(%arg31 : memref<40x128xf32, #tpu.memory_space<vmem>>)
      %dma_start3A_200 = arith.constant 0 : i32
      %dma_start3A_201 = arith.constant 0 : i32
      %dma_start3A_202 = tpu.memref_slice %arg6[%dma_start3A_200, %dma_start3A_201] : memref<10000x128xf32, #tpu.memory_space<vmem_shared>> -> memref<10000x128xf32, #tpu.memory_space<vmem_shared>>
      tpu.enqueue_indirect_dma source(%arg31 : memref<40x128xf32, #tpu.memory_space<vmem>>) target(%dma_start3A_202 : memref<10000x128xf32, #tpu.memory_space<vmem_shared>>) offsets(%arg21 : memref<40xi32, #tpu.memory_space<vmem>>) semaphore(%arg51 : memref<!tpu.dma_semaphore, #tpu.memory_space<semaphore_mem>>) {add = true}
      %mul3A_203 = arith.constant 2 : i32
      %mul3A_204 = arith.muli %mul3A_203, %scan3A_54 : i32
      %add3A_205 = arith.constant 1 : i32
      %add3A_206 = arith.addi %mul3A_204, %add3A_205 : i32
      %mul3A_207 = arith.constant 5 : i32
      %mul3A_208 = arith.muli %add3A_206, %mul3A_207 : i32
      %add3A_209 = arith.constant 0 : i32
      %add3A_210 = arith.addi %mul3A_208, %add3A_209 : i32
      %gt3A_211 = arith.constant 0 : i32
      %gt3A_212 = arith.cmpi sgt, %add3A_206, %gt3A_211 : i32
      %convert_element_type3A_213 = arith.extui %gt3A_212 : i1 to i32
      %cond3A_214 = arith.constant 0 : i32
      %cond3A_215 = arith.cmpi ne, %convert_element_type3A_213, %cond3A_214 : i32
      scf.if %cond3A_215 {
        %dma_wait3A_357 = arith.constant 0 : i32
        %dma_wait3A_358 = arith.constant 0 : i32
        %dma_wait3A_359 = tpu.memref_slice %arg6[%dma_wait3A_357, %dma_wait3A_358] : memref<10000x128xf32, #tpu.memory_space<vmem_shared>> -> memref<10000x128xf32, #tpu.memory_space<vmem_shared>>
        tpu.wait_indirect_dma semaphore(%arg47 : memref<!tpu.dma_semaphore, #tpu.memory_space<semaphore_mem>>) src(%arg27 : memref<40x128xf32, #tpu.memory_space<vmem>>) dst(%dma_wait3A_359 : memref<10000x128xf32, #tpu.memory_space<vmem_shared>>)
      } else {
      }
      %lt3A_216 = arith.constant 49 : i32
      %lt3A_217 = arith.cmpi slt, %add3A_206, %lt3A_216 : i32
      %convert_element_type3A_218 = arith.extui %lt3A_217 : i1 to i32
      %cond3A_219 = arith.constant 0 : i32
      %cond3A_220 = arith.cmpi ne, %convert_element_type3A_218, %cond3A_219 : i32
      scf.if %cond3A_220 {
        %add3A_357 = arith.constant 5 : i32
        %add3A_358 = arith.addi %add3A_210, %add3A_357 : i32
        %mul3A_359 = arith.constant 40 : i32
        %mul3A_360 = arith.muli %add3A_358, %mul3A_359 : i32
        %add3A_361 = arith.addi %mul3A_4, %mul3A_360 : i32
        %dma_start3A_362 = tpu.memref_slice %arg3[%add3A_361] : memref<320000xi32, #tpu.memory_space<hbm>> -> memref<40xi32, #tpu.memory_space<hbm>>
        %dma_start3A_363 = tpu.memref_slice %arg3[%add3A_361] : memref<320000xi32, #tpu.memory_space<hbm>> -> memref<40xi32, #tpu.memory_space<hbm>>
        tpu.enqueue_dma source(%dma_start3A_363 : memref<40xi32, #tpu.memory_space<hbm>>) target(%arg7 : memref<40xi32, #tpu.memory_space<vmem>>) target_semaphore(%arg32 : memref<!tpu.dma_semaphore, #tpu.memory_space<semaphore_mem>>)
        %dma_start3A_364 = tpu.memref_slice %arg4[%add3A_361] : memref<320000xi32, #tpu.memory_space<hbm>> -> memref<40xi32, #tpu.memory_space<hbm>>
        %dma_start3A_365 = tpu.memref_slice %arg4[%add3A_361] : memref<320000xi32, #tpu.memory_space<hbm>> -> memref<40xi32, #tpu.memory_space<hbm>>
        tpu.enqueue_dma source(%dma_start3A_365 : memref<40xi32, #tpu.memory_space<hbm>>) target(%arg17 : memref<40xi32, #tpu.memory_space<vmem>>) target_semaphore(%arg32 : memref<!tpu.dma_semaphore, #tpu.memory_space<semaphore_mem>>)
      } else {
      }
      %mul3A_221 = arith.constant 40 : i32
      %mul3A_222 = arith.muli %add3A_210, %mul3A_221 : i32
      %add3A_223 = arith.addi %mul3A_4, %mul3A_222 : i32
      %dma_wait3A_224 = tpu.memref_slice %arg3[%add3A_223] : memref<320000xi32, #tpu.memory_space<hbm>> -> memref<40xi32, #tpu.memory_space<hbm>>
      %dma_wait3A_225 = tpu.memref_slice %arg3[%add3A_223] : memref<320000xi32, #tpu.memory_space<hbm>> -> memref<40xi32, #tpu.memory_space<hbm>>
      tpu.wait_dma2 semaphore(%arg37 : memref<!tpu.dma_semaphore, #tpu.memory_space<semaphore_mem>>) src(%dma_wait3A_225 : memref<40xi32, #tpu.memory_space<hbm>>) dst(%arg12 : memref<40xi32, #tpu.memory_space<vmem>>)
      %dma_wait3A_226 = tpu.memref_slice %arg4[%add3A_223] : memref<320000xi32, #tpu.memory_space<hbm>> -> memref<40xi32, #tpu.memory_space<hbm>>
      %dma_wait3A_227 = tpu.memref_slice %arg4[%add3A_223] : memref<320000xi32, #tpu.memory_space<hbm>> -> memref<40xi32, #tpu.memory_space<hbm>>
      tpu.wait_dma2 semaphore(%arg37 : memref<!tpu.dma_semaphore, #tpu.memory_space<semaphore_mem>>) src(%dma_wait3A_227 : memref<40xi32, #tpu.memory_space<hbm>>) dst(%arg22 : memref<40xi32, #tpu.memory_space<vmem>>)
      %dma_start3A_228 = arith.constant 0 : i32
      %dma_start3A_229 = arith.constant 0 : i32
      %dma_start3A_230 = tpu.memref_slice %arg2[%dma_start3A_228, %dma_start3A_229] : memref<10000x128xf32, #tpu.memory_space<hbm>> -> memref<10000x128xf32, #tpu.memory_space<hbm>>
      tpu.enqueue_indirect_dma source(%dma_start3A_230 : memref<10000x128xf32, #tpu.memory_space<hbm>>) target(%arg27 : memref<40x128xf32, #tpu.memory_space<vmem>>) offsets(%arg12 : memref<40xi32, #tpu.memory_space<vmem>>) semaphore(%arg42 : memref<!tpu.dma_semaphore, #tpu.memory_space<semaphore_mem>>)
      %mul3A_231 = arith.constant 5 : i32
      %mul3A_232 = arith.muli %add3A_206, %mul3A_231 : i32
      %add3A_233 = arith.constant 1 : i32
      %add3A_234 = arith.addi %mul3A_232, %add3A_233 : i32
      %gt3A_235 = arith.constant 0 : i32
      %gt3A_236 = arith.cmpi sgt, %add3A_206, %gt3A_235 : i32
      %convert_element_type3A_237 = arith.extui %gt3A_236 : i1 to i32
      %cond3A_238 = arith.constant 0 : i32
      %cond3A_239 = arith.cmpi ne, %convert_element_type3A_237, %cond3A_238 : i32
      scf.if %cond3A_239 {
        %dma_wait3A_357 = arith.constant 0 : i32
        %dma_wait3A_358 = arith.constant 0 : i32
        %dma_wait3A_359 = tpu.memref_slice %arg6[%dma_wait3A_357, %dma_wait3A_358] : memref<10000x128xf32, #tpu.memory_space<vmem_shared>> -> memref<10000x128xf32, #tpu.memory_space<vmem_shared>>
        tpu.wait_indirect_dma semaphore(%arg48 : memref<!tpu.dma_semaphore, #tpu.memory_space<semaphore_mem>>) src(%arg28 : memref<40x128xf32, #tpu.memory_space<vmem>>) dst(%dma_wait3A_359 : memref<10000x128xf32, #tpu.memory_space<vmem_shared>>)
      } else {
      }
      %lt3A_240 = arith.constant 49 : i32
      %lt3A_241 = arith.cmpi slt, %add3A_206, %lt3A_240 : i32
      %convert_element_type3A_242 = arith.extui %lt3A_241 : i1 to i32
      %cond3A_243 = arith.constant 0 : i32
      %cond3A_244 = arith.cmpi ne, %convert_element_type3A_242, %cond3A_243 : i32
      scf.if %cond3A_244 {
        %add3A_357 = arith.constant 5 : i32
        %add3A_358 = arith.addi %add3A_234, %add3A_357 : i32
        %mul3A_359 = arith.constant 40 : i32
        %mul3A_360 = arith.muli %add3A_358, %mul3A_359 : i32
        %add3A_361 = arith.addi %mul3A_4, %mul3A_360 : i32
        %dma_start3A_362 = tpu.memref_slice %arg3[%add3A_361] : memref<320000xi32, #tpu.memory_space<hbm>> -> memref<40xi32, #tpu.memory_space<hbm>>
        %dma_start3A_363 = tpu.memref_slice %arg3[%add3A_361] : memref<320000xi32, #tpu.memory_space<hbm>> -> memref<40xi32, #tpu.memory_space<hbm>>
        tpu.enqueue_dma source(%dma_start3A_363 : memref<40xi32, #tpu.memory_space<hbm>>) target(%arg8 : memref<40xi32, #tpu.memory_space<vmem>>) target_semaphore(%arg33 : memref<!tpu.dma_semaphore, #tpu.memory_space<semaphore_mem>>)
        %dma_start3A_364 = tpu.memref_slice %arg4[%add3A_361] : memref<320000xi32, #tpu.memory_space<hbm>> -> memref<40xi32, #tpu.memory_space<hbm>>
        %dma_start3A_365 = tpu.memref_slice %arg4[%add3A_361] : memref<320000xi32, #tpu.memory_space<hbm>> -> memref<40xi32, #tpu.memory_space<hbm>>
        tpu.enqueue_dma source(%dma_start3A_365 : memref<40xi32, #tpu.memory_space<hbm>>) target(%arg18 : memref<40xi32, #tpu.memory_space<vmem>>) target_semaphore(%arg33 : memref<!tpu.dma_semaphore, #tpu.memory_space<semaphore_mem>>)
      } else {
      }
      %mul3A_245 = arith.constant 40 : i32
      %mul3A_246 = arith.muli %add3A_234, %mul3A_245 : i32
      %add3A_247 = arith.addi %mul3A_4, %mul3A_246 : i32
      %dma_wait3A_248 = tpu.memref_slice %arg3[%add3A_247] : memref<320000xi32, #tpu.memory_space<hbm>> -> memref<40xi32, #tpu.memory_space<hbm>>
      %dma_wait3A_249 = tpu.memref_slice %arg3[%add3A_247] : memref<320000xi32, #tpu.memory_space<hbm>> -> memref<40xi32, #tpu.memory_space<hbm>>
      tpu.wait_dma2 semaphore(%arg38 : memref<!tpu.dma_semaphore, #tpu.memory_space<semaphore_mem>>) src(%dma_wait3A_249 : memref<40xi32, #tpu.memory_space<hbm>>) dst(%arg13 : memref<40xi32, #tpu.memory_space<vmem>>)
      %dma_wait3A_250 = tpu.memref_slice %arg4[%add3A_247] : memref<320000xi32, #tpu.memory_space<hbm>> -> memref<40xi32, #tpu.memory_space<hbm>>
      %dma_wait3A_251 = tpu.memref_slice %arg4[%add3A_247] : memref<320000xi32, #tpu.memory_space<hbm>> -> memref<40xi32, #tpu.memory_space<hbm>>
      tpu.wait_dma2 semaphore(%arg38 : memref<!tpu.dma_semaphore, #tpu.memory_space<semaphore_mem>>) src(%dma_wait3A_251 : memref<40xi32, #tpu.memory_space<hbm>>) dst(%arg23 : memref<40xi32, #tpu.memory_space<vmem>>)
      %dma_start3A_252 = arith.constant 0 : i32
      %dma_start3A_253 = arith.constant 0 : i32
      %dma_start3A_254 = tpu.memref_slice %arg2[%dma_start3A_252, %dma_start3A_253] : memref<10000x128xf32, #tpu.memory_space<hbm>> -> memref<10000x128xf32, #tpu.memory_space<hbm>>
      tpu.enqueue_indirect_dma source(%dma_start3A_254 : memref<10000x128xf32, #tpu.memory_space<hbm>>) target(%arg28 : memref<40x128xf32, #tpu.memory_space<vmem>>) offsets(%arg13 : memref<40xi32, #tpu.memory_space<vmem>>) semaphore(%arg43 : memref<!tpu.dma_semaphore, #tpu.memory_space<semaphore_mem>>)
      %mul3A_255 = arith.constant 5 : i32
      %mul3A_256 = arith.muli %add3A_206, %mul3A_255 : i32
      %add3A_257 = arith.constant 2 : i32
      %add3A_258 = arith.addi %mul3A_256, %add3A_257 : i32
      %gt3A_259 = arith.constant 0 : i32
      %gt3A_260 = arith.cmpi sgt, %add3A_206, %gt3A_259 : i32
      %convert_element_type3A_261 = arith.extui %gt3A_260 : i1 to i32
      %cond3A_262 = arith.constant 0 : i32
      %cond3A_263 = arith.cmpi ne, %convert_element_type3A_261, %cond3A_262 : i32
      scf.if %cond3A_263 {
        %dma_wait3A_357 = arith.constant 0 : i32
        %dma_wait3A_358 = arith.constant 0 : i32
        %dma_wait3A_359 = tpu.memref_slice %arg6[%dma_wait3A_357, %dma_wait3A_358] : memref<10000x128xf32, #tpu.memory_space<vmem_shared>> -> memref<10000x128xf32, #tpu.memory_space<vmem_shared>>
        tpu.wait_indirect_dma semaphore(%arg49 : memref<!tpu.dma_semaphore, #tpu.memory_space<semaphore_mem>>) src(%arg29 : memref<40x128xf32, #tpu.memory_space<vmem>>) dst(%dma_wait3A_359 : memref<10000x128xf32, #tpu.memory_space<vmem_shared>>)
      } else {
      }
      %lt3A_264 = arith.constant 49 : i32
      %lt3A_265 = arith.cmpi slt, %add3A_206, %lt3A_264 : i32
      %convert_element_type3A_266 = arith.extui %lt3A_265 : i1 to i32
      %cond3A_267 = arith.constant 0 : i32
      %cond3A_268 = arith.cmpi ne, %convert_element_type3A_266, %cond3A_267 : i32
      scf.if %cond3A_268 {
        %add3A_357 = arith.constant 5 : i32
        %add3A_358 = arith.addi %add3A_258, %add3A_357 : i32
        %mul3A_359 = arith.constant 40 : i32
        %mul3A_360 = arith.muli %add3A_358, %mul3A_359 : i32
        %add3A_361 = arith.addi %mul3A_4, %mul3A_360 : i32
        %dma_start3A_362 = tpu.memref_slice %arg3[%add3A_361] : memref<320000xi32, #tpu.memory_space<hbm>> -> memref<40xi32, #tpu.memory_space<hbm>>
        %dma_start3A_363 = tpu.memref_slice %arg3[%add3A_361] : memref<320000xi32, #tpu.memory_space<hbm>> -> memref<40xi32, #tpu.memory_space<hbm>>
        tpu.enqueue_dma source(%dma_start3A_363 : memref<40xi32, #tpu.memory_space<hbm>>) target(%arg9 : memref<40xi32, #tpu.memory_space<vmem>>) target_semaphore(%arg34 : memref<!tpu.dma_semaphore, #tpu.memory_space<semaphore_mem>>)
        %dma_start3A_364 = tpu.memref_slice %arg4[%add3A_361] : memref<320000xi32, #tpu.memory_space<hbm>> -> memref<40xi32, #tpu.memory_space<hbm>>
        %dma_start3A_365 = tpu.memref_slice %arg4[%add3A_361] : memref<320000xi32, #tpu.memory_space<hbm>> -> memref<40xi32, #tpu.memory_space<hbm>>
        tpu.enqueue_dma source(%dma_start3A_365 : memref<40xi32, #tpu.memory_space<hbm>>) target(%arg19 : memref<40xi32, #tpu.memory_space<vmem>>) target_semaphore(%arg34 : memref<!tpu.dma_semaphore, #tpu.memory_space<semaphore_mem>>)
      } else {
      }
      %mul3A_269 = arith.constant 40 : i32
      %mul3A_270 = arith.muli %add3A_258, %mul3A_269 : i32
      %add3A_271 = arith.addi %mul3A_4, %mul3A_270 : i32
      %dma_wait3A_272 = tpu.memref_slice %arg3[%add3A_271] : memref<320000xi32, #tpu.memory_space<hbm>> -> memref<40xi32, #tpu.memory_space<hbm>>
      %dma_wait3A_273 = tpu.memref_slice %arg3[%add3A_271] : memref<320000xi32, #tpu.memory_space<hbm>> -> memref<40xi32, #tpu.memory_space<hbm>>
      tpu.wait_dma2 semaphore(%arg39 : memref<!tpu.dma_semaphore, #tpu.memory_space<semaphore_mem>>) src(%dma_wait3A_273 : memref<40xi32, #tpu.memory_space<hbm>>) dst(%arg14 : memref<40xi32, #tpu.memory_space<vmem>>)
      %dma_wait3A_274 = tpu.memref_slice %arg4[%add3A_271] : memref<320000xi32, #tpu.memory_space<hbm>> -> memref<40xi32, #tpu.memory_space<hbm>>
      %dma_wait3A_275 = tpu.memref_slice %arg4[%add3A_271] : memref<320000xi32, #tpu.memory_space<hbm>> -> memref<40xi32, #tpu.memory_space<hbm>>
      tpu.wait_dma2 semaphore(%arg39 : memref<!tpu.dma_semaphore, #tpu.memory_space<semaphore_mem>>) src(%dma_wait3A_275 : memref<40xi32, #tpu.memory_space<hbm>>) dst(%arg24 : memref<40xi32, #tpu.memory_space<vmem>>)
      %dma_start3A_276 = arith.constant 0 : i32
      %dma_start3A_277 = arith.constant 0 : i32
      %dma_start3A_278 = tpu.memref_slice %arg2[%dma_start3A_276, %dma_start3A_277] : memref<10000x128xf32, #tpu.memory_space<hbm>> -> memref<10000x128xf32, #tpu.memory_space<hbm>>
      tpu.enqueue_indirect_dma source(%dma_start3A_278 : memref<10000x128xf32, #tpu.memory_space<hbm>>) target(%arg29 : memref<40x128xf32, #tpu.memory_space<vmem>>) offsets(%arg14 : memref<40xi32, #tpu.memory_space<vmem>>) semaphore(%arg44 : memref<!tpu.dma_semaphore, #tpu.memory_space<semaphore_mem>>)
      %mul3A_279 = arith.constant 5 : i32
      %mul3A_280 = arith.muli %add3A_206, %mul3A_279 : i32
      %add3A_281 = arith.constant 3 : i32
      %add3A_282 = arith.addi %mul3A_280, %add3A_281 : i32
      %gt3A_283 = arith.constant 0 : i32
      %gt3A_284 = arith.cmpi sgt, %add3A_206, %gt3A_283 : i32
      %convert_element_type3A_285 = arith.extui %gt3A_284 : i1 to i32
      %cond3A_286 = arith.constant 0 : i32
      %cond3A_287 = arith.cmpi ne, %convert_element_type3A_285, %cond3A_286 : i32
      scf.if %cond3A_287 {
        %dma_wait3A_357 = arith.constant 0 : i32
        %dma_wait3A_358 = arith.constant 0 : i32
        %dma_wait3A_359 = tpu.memref_slice %arg6[%dma_wait3A_357, %dma_wait3A_358] : memref<10000x128xf32, #tpu.memory_space<vmem_shared>> -> memref<10000x128xf32, #tpu.memory_space<vmem_shared>>
        tpu.wait_indirect_dma semaphore(%arg50 : memref<!tpu.dma_semaphore, #tpu.memory_space<semaphore_mem>>) src(%arg30 : memref<40x128xf32, #tpu.memory_space<vmem>>) dst(%dma_wait3A_359 : memref<10000x128xf32, #tpu.memory_space<vmem_shared>>)
      } else {
      }
      %lt3A_288 = arith.constant 49 : i32
      %lt3A_289 = arith.cmpi slt, %add3A_206, %lt3A_288 : i32
      %convert_element_type3A_290 = arith.extui %lt3A_289 : i1 to i32
      %cond3A_291 = arith.constant 0 : i32
      %cond3A_292 = arith.cmpi ne, %convert_element_type3A_290, %cond3A_291 : i32
      scf.if %cond3A_292 {
        %add3A_357 = arith.constant 5 : i32
        %add3A_358 = arith.addi %add3A_282, %add3A_357 : i32
        %mul3A_359 = arith.constant 40 : i32
        %mul3A_360 = arith.muli %add3A_358, %mul3A_359 : i32
        %add3A_361 = arith.addi %mul3A_4, %mul3A_360 : i32
        %dma_start3A_362 = tpu.memref_slice %arg3[%add3A_361] : memref<320000xi32, #tpu.memory_space<hbm>> -> memref<40xi32, #tpu.memory_space<hbm>>
        %dma_start3A_363 = tpu.memref_slice %arg3[%add3A_361] : memref<320000xi32, #tpu.memory_space<hbm>> -> memref<40xi32, #tpu.memory_space<hbm>>
        tpu.enqueue_dma source(%dma_start3A_363 : memref<40xi32, #tpu.memory_space<hbm>>) target(%arg10 : memref<40xi32, #tpu.memory_space<vmem>>) target_semaphore(%arg35 : memref<!tpu.dma_semaphore, #tpu.memory_space<semaphore_mem>>)
        %dma_start3A_364 = tpu.memref_slice %arg4[%add3A_361] : memref<320000xi32, #tpu.memory_space<hbm>> -> memref<40xi32, #tpu.memory_space<hbm>>
        %dma_start3A_365 = tpu.memref_slice %arg4[%add3A_361] : memref<320000xi32, #tpu.memory_space<hbm>> -> memref<40xi32, #tpu.memory_space<hbm>>
        tpu.enqueue_dma source(%dma_start3A_365 : memref<40xi32, #tpu.memory_space<hbm>>) target(%arg20 : memref<40xi32, #tpu.memory_space<vmem>>) target_semaphore(%arg35 : memref<!tpu.dma_semaphore, #tpu.memory_space<semaphore_mem>>)
      } else {
      }
      %mul3A_293 = arith.constant 40 : i32
      %mul3A_294 = arith.muli %add3A_282, %mul3A_293 : i32
      %add3A_295 = arith.addi %mul3A_4, %mul3A_294 : i32
      %dma_wait3A_296 = tpu.memref_slice %arg3[%add3A_295] : memref<320000xi32, #tpu.memory_space<hbm>> -> memref<40xi32, #tpu.memory_space<hbm>>
      %dma_wait3A_297 = tpu.memref_slice %arg3[%add3A_295] : memref<320000xi32, #tpu.memory_space<hbm>> -> memref<40xi32, #tpu.memory_space<hbm>>
      tpu.wait_dma2 semaphore(%arg40 : memref<!tpu.dma_semaphore, #tpu.memory_space<semaphore_mem>>) src(%dma_wait3A_297 : memref<40xi32, #tpu.memory_space<hbm>>) dst(%arg15 : memref<40xi32, #tpu.memory_space<vmem>>)
      %dma_wait3A_298 = tpu.memref_slice %arg4[%add3A_295] : memref<320000xi32, #tpu.memory_space<hbm>> -> memref<40xi32, #tpu.memory_space<hbm>>
      %dma_wait3A_299 = tpu.memref_slice %arg4[%add3A_295] : memref<320000xi32, #tpu.memory_space<hbm>> -> memref<40xi32, #tpu.memory_space<hbm>>
      tpu.wait_dma2 semaphore(%arg40 : memref<!tpu.dma_semaphore, #tpu.memory_space<semaphore_mem>>) src(%dma_wait3A_299 : memref<40xi32, #tpu.memory_space<hbm>>) dst(%arg25 : memref<40xi32, #tpu.memory_space<vmem>>)
      %dma_start3A_300 = arith.constant 0 : i32
      %dma_start3A_301 = arith.constant 0 : i32
      %dma_start3A_302 = tpu.memref_slice %arg2[%dma_start3A_300, %dma_start3A_301] : memref<10000x128xf32, #tpu.memory_space<hbm>> -> memref<10000x128xf32, #tpu.memory_space<hbm>>
      tpu.enqueue_indirect_dma source(%dma_start3A_302 : memref<10000x128xf32, #tpu.memory_space<hbm>>) target(%arg30 : memref<40x128xf32, #tpu.memory_space<vmem>>) offsets(%arg15 : memref<40xi32, #tpu.memory_space<vmem>>) semaphore(%arg45 : memref<!tpu.dma_semaphore, #tpu.memory_space<semaphore_mem>>)
      %mul3A_303 = arith.constant 5 : i32
      %mul3A_304 = arith.muli %add3A_206, %mul3A_303 : i32
      %add3A_305 = arith.constant 4 : i32
      %add3A_306 = arith.addi %mul3A_304, %add3A_305 : i32
      %gt3A_307 = arith.constant 0 : i32
      %gt3A_308 = arith.cmpi sgt, %add3A_206, %gt3A_307 : i32
      %convert_element_type3A_309 = arith.extui %gt3A_308 : i1 to i32
      %cond3A_310 = arith.constant 0 : i32
      %cond3A_311 = arith.cmpi ne, %convert_element_type3A_309, %cond3A_310 : i32
      scf.if %cond3A_311 {
        %dma_wait3A_357 = arith.constant 0 : i32
        %dma_wait3A_358 = arith.constant 0 : i32
        %dma_wait3A_359 = tpu.memref_slice %arg6[%dma_wait3A_357, %dma_wait3A_358] : memref<10000x128xf32, #tpu.memory_space<vmem_shared>> -> memref<10000x128xf32, #tpu.memory_space<vmem_shared>>
        tpu.wait_indirect_dma semaphore(%arg51 : memref<!tpu.dma_semaphore, #tpu.memory_space<semaphore_mem>>) src(%arg31 : memref<40x128xf32, #tpu.memory_space<vmem>>) dst(%dma_wait3A_359 : memref<10000x128xf32, #tpu.memory_space<vmem_shared>>)
      } else {
      }
      %lt3A_312 = arith.constant 49 : i32
      %lt3A_313 = arith.cmpi slt, %add3A_206, %lt3A_312 : i32
      %convert_element_type3A_314 = arith.extui %lt3A_313 : i1 to i32
      %cond3A_315 = arith.constant 0 : i32
      %cond3A_316 = arith.cmpi ne, %convert_element_type3A_314, %cond3A_315 : i32
      scf.if %cond3A_316 {
        %add3A_357 = arith.constant 5 : i32
        %add3A_358 = arith.addi %add3A_306, %add3A_357 : i32
        %mul3A_359 = arith.constant 40 : i32
        %mul3A_360 = arith.muli %add3A_358, %mul3A_359 : i32
        %add3A_361 = arith.addi %mul3A_4, %mul3A_360 : i32
        %dma_start3A_362 = tpu.memref_slice %arg3[%add3A_361] : memref<320000xi32, #tpu.memory_space<hbm>> -> memref<40xi32, #tpu.memory_space<hbm>>
        %dma_start3A_363 = tpu.memref_slice %arg3[%add3A_361] : memref<320000xi32, #tpu.memory_space<hbm>> -> memref<40xi32, #tpu.memory_space<hbm>>
        tpu.enqueue_dma source(%dma_start3A_363 : memref<40xi32, #tpu.memory_space<hbm>>) target(%arg11 : memref<40xi32, #tpu.memory_space<vmem>>) target_semaphore(%arg36 : memref<!tpu.dma_semaphore, #tpu.memory_space<semaphore_mem>>)
        %dma_start3A_364 = tpu.memref_slice %arg4[%add3A_361] : memref<320000xi32, #tpu.memory_space<hbm>> -> memref<40xi32, #tpu.memory_space<hbm>>
        %dma_start3A_365 = tpu.memref_slice %arg4[%add3A_361] : memref<320000xi32, #tpu.memory_space<hbm>> -> memref<40xi32, #tpu.memory_space<hbm>>
        tpu.enqueue_dma source(%dma_start3A_365 : memref<40xi32, #tpu.memory_space<hbm>>) target(%arg21 : memref<40xi32, #tpu.memory_space<vmem>>) target_semaphore(%arg36 : memref<!tpu.dma_semaphore, #tpu.memory_space<semaphore_mem>>)
      } else {
      }
      %mul3A_317 = arith.constant 40 : i32
      %mul3A_318 = arith.muli %add3A_306, %mul3A_317 : i32
      %add3A_319 = arith.addi %mul3A_4, %mul3A_318 : i32
      %dma_wait3A_320 = tpu.memref_slice %arg3[%add3A_319] : memref<320000xi32, #tpu.memory_space<hbm>> -> memref<40xi32, #tpu.memory_space<hbm>>
      %dma_wait3A_321 = tpu.memref_slice %arg3[%add3A_319] : memref<320000xi32, #tpu.memory_space<hbm>> -> memref<40xi32, #tpu.memory_space<hbm>>
      tpu.wait_dma2 semaphore(%arg41 : memref<!tpu.dma_semaphore, #tpu.memory_space<semaphore_mem>>) src(%dma_wait3A_321 : memref<40xi32, #tpu.memory_space<hbm>>) dst(%arg16 : memref<40xi32, #tpu.memory_space<vmem>>)
      %dma_wait3A_322 = tpu.memref_slice %arg4[%add3A_319] : memref<320000xi32, #tpu.memory_space<hbm>> -> memref<40xi32, #tpu.memory_space<hbm>>
      %dma_wait3A_323 = tpu.memref_slice %arg4[%add3A_319] : memref<320000xi32, #tpu.memory_space<hbm>> -> memref<40xi32, #tpu.memory_space<hbm>>
      tpu.wait_dma2 semaphore(%arg41 : memref<!tpu.dma_semaphore, #tpu.memory_space<semaphore_mem>>) src(%dma_wait3A_323 : memref<40xi32, #tpu.memory_space<hbm>>) dst(%arg26 : memref<40xi32, #tpu.memory_space<vmem>>)
      %dma_start3A_324 = arith.constant 0 : i32
      %dma_start3A_325 = arith.constant 0 : i32
      %dma_start3A_326 = tpu.memref_slice %arg2[%dma_start3A_324, %dma_start3A_325] : memref<10000x128xf32, #tpu.memory_space<hbm>> -> memref<10000x128xf32, #tpu.memory_space<hbm>>
      tpu.enqueue_indirect_dma source(%dma_start3A_326 : memref<10000x128xf32, #tpu.memory_space<hbm>>) target(%arg31 : memref<40x128xf32, #tpu.memory_space<vmem>>) offsets(%arg16 : memref<40xi32, #tpu.memory_space<vmem>>) semaphore(%arg46 : memref<!tpu.dma_semaphore, #tpu.memory_space<semaphore_mem>>)
      %dma_wait3A_327 = arith.constant 0 : i32
      %dma_wait3A_328 = arith.constant 0 : i32
      %dma_wait3A_329 = tpu.memref_slice %arg2[%dma_wait3A_327, %dma_wait3A_328] : memref<10000x128xf32, #tpu.memory_space<hbm>> -> memref<10000x128xf32, #tpu.memory_space<hbm>>
      tpu.wait_indirect_dma semaphore(%arg42 : memref<!tpu.dma_semaphore, #tpu.memory_space<semaphore_mem>>) src(%dma_wait3A_329 : memref<10000x128xf32, #tpu.memory_space<hbm>>) dst(%arg27 : memref<40x128xf32, #tpu.memory_space<vmem>>)
      %dma_start3A_330 = arith.constant 0 : i32
      %dma_start3A_331 = arith.constant 0 : i32
      %dma_start3A_332 = tpu.memref_slice %arg6[%dma_start3A_330, %dma_start3A_331] : memref<10000x128xf32, #tpu.memory_space<vmem_shared>> -> memref<10000x128xf32, #tpu.memory_space<vmem_shared>>
      tpu.enqueue_indirect_dma source(%arg27 : memref<40x128xf32, #tpu.memory_space<vmem>>) target(%dma_start3A_332 : memref<10000x128xf32, #tpu.memory_space<vmem_shared>>) offsets(%arg22 : memref<40xi32, #tpu.memory_space<vmem>>) semaphore(%arg47 : memref<!tpu.dma_semaphore, #tpu.memory_space<semaphore_mem>>) {add = true}
      %dma_wait3A_333 = arith.constant 0 : i32
      %dma_wait3A_334 = arith.constant 0 : i32
      %dma_wait3A_335 = tpu.memref_slice %arg2[%dma_wait3A_333, %dma_wait3A_334] : memref<10000x128xf32, #tpu.memory_space<hbm>> -> memref<10000x128xf32, #tpu.memory_space<hbm>>
      tpu.wait_indirect_dma semaphore(%arg43 : memref<!tpu.dma_semaphore, #tpu.memory_space<semaphore_mem>>) src(%dma_wait3A_335 : memref<10000x128xf32, #tpu.memory_space<hbm>>) dst(%arg28 : memref<40x128xf32, #tpu.memory_space<vmem>>)
      %dma_start3A_336 = arith.constant 0 : i32
      %dma_start3A_337 = arith.constant 0 : i32
      %dma_start3A_338 = tpu.memref_slice %arg6[%dma_start3A_336, %dma_start3A_337] : memref<10000x128xf32, #tpu.memory_space<vmem_shared>> -> memref<10000x128xf32, #tpu.memory_space<vmem_shared>>
      tpu.enqueue_indirect_dma source(%arg28 : memref<40x128xf32, #tpu.memory_space<vmem>>) target(%dma_start3A_338 : memref<10000x128xf32, #tpu.memory_space<vmem_shared>>) offsets(%arg23 : memref<40xi32, #tpu.memory_space<vmem>>) semaphore(%arg48 : memref<!tpu.dma_semaphore, #tpu.memory_space<semaphore_mem>>) {add = true}
      %dma_wait3A_339 = arith.constant 0 : i32
      %dma_wait3A_340 = arith.constant 0 : i32
      %dma_wait3A_341 = tpu.memref_slice %arg2[%dma_wait3A_339, %dma_wait3A_340] : memref<10000x128xf32, #tpu.memory_space<hbm>> -> memref<10000x128xf32, #tpu.memory_space<hbm>>
      tpu.wait_indirect_dma semaphore(%arg44 : memref<!tpu.dma_semaphore, #tpu.memory_space<semaphore_mem>>) src(%dma_wait3A_341 : memref<10000x128xf32, #tpu.memory_space<hbm>>) dst(%arg29 : memref<40x128xf32, #tpu.memory_space<vmem>>)
      %dma_start3A_342 = arith.constant 0 : i32
      %dma_start3A_343 = arith.constant 0 : i32
      %dma_start3A_344 = tpu.memref_slice %arg6[%dma_start3A_342, %dma_start3A_343] : memref<10000x128xf32, #tpu.memory_space<vmem_shared>> -> memref<10000x128xf32, #tpu.memory_space<vmem_shared>>
      tpu.enqueue_indirect_dma source(%arg29 : memref<40x128xf32, #tpu.memory_space<vmem>>) target(%dma_start3A_344 : memref<10000x128xf32, #tpu.memory_space<vmem_shared>>) offsets(%arg24 : memref<40xi32, #tpu.memory_space<vmem>>) semaphore(%arg49 : memref<!tpu.dma_semaphore, #tpu.memory_space<semaphore_mem>>) {add = true}
      %dma_wait3A_345 = arith.constant 0 : i32
      %dma_wait3A_346 = arith.constant 0 : i32
      %dma_wait3A_347 = tpu.memref_slice %arg2[%dma_wait3A_345, %dma_wait3A_346] : memref<10000x128xf32, #tpu.memory_space<hbm>> -> memref<10000x128xf32, #tpu.memory_space<hbm>>
      tpu.wait_indirect_dma semaphore(%arg45 : memref<!tpu.dma_semaphore, #tpu.memory_space<semaphore_mem>>) src(%dma_wait3A_347 : memref<10000x128xf32, #tpu.memory_space<hbm>>) dst(%arg30 : memref<40x128xf32, #tpu.memory_space<vmem>>)
      %dma_start3A_348 = arith.constant 0 : i32
      %dma_start3A_349 = arith.constant 0 : i32
      %dma_start3A_350 = tpu.memref_slice %arg6[%dma_start3A_348, %dma_start3A_349] : memref<10000x128xf32, #tpu.memory_space<vmem_shared>> -> memref<10000x128xf32, #tpu.memory_space<vmem_shared>>
      tpu.enqueue_indirect_dma source(%arg30 : memref<40x128xf32, #tpu.memory_space<vmem>>) target(%dma_start3A_350 : memref<10000x128xf32, #tpu.memory_space<vmem_shared>>) offsets(%arg25 : memref<40xi32, #tpu.memory_space<vmem>>) semaphore(%arg50 : memref<!tpu.dma_semaphore, #tpu.memory_space<semaphore_mem>>) {add = true}
      %dma_wait3A_351 = arith.constant 0 : i32
      %dma_wait3A_352 = arith.constant 0 : i32
      %dma_wait3A_353 = tpu.memref_slice %arg2[%dma_wait3A_351, %dma_wait3A_352] : memref<10000x128xf32, #tpu.memory_space<hbm>> -> memref<10000x128xf32, #tpu.memory_space<hbm>>
      tpu.wait_indirect_dma semaphore(%arg46 : memref<!tpu.dma_semaphore, #tpu.memory_space<semaphore_mem>>) src(%dma_wait3A_353 : memref<10000x128xf32, #tpu.memory_space<hbm>>) dst(%arg31 : memref<40x128xf32, #tpu.memory_space<vmem>>)
      %dma_start3A_354 = arith.constant 0 : i32
      %dma_start3A_355 = arith.constant 0 : i32
      %dma_start3A_356 = tpu.memref_slice %arg6[%dma_start3A_354, %dma_start3A_355] : memref<10000x128xf32, #tpu.memory_space<vmem_shared>> -> memref<10000x128xf32, #tpu.memory_space<vmem_shared>>
      tpu.enqueue_indirect_dma source(%arg31 : memref<40x128xf32, #tpu.memory_space<vmem>>) target(%dma_start3A_356 : memref<10000x128xf32, #tpu.memory_space<vmem_shared>>) offsets(%arg26 : memref<40xi32, #tpu.memory_space<vmem>>) semaphore(%arg51 : memref<!tpu.dma_semaphore, #tpu.memory_space<semaphore_mem>>) {add = true}
    }
    %scan3A_38 = arith.constant 25 : i32
    %dma_wait3A = arith.constant 0 : i32
    %dma_wait3A_39 = arith.constant 0 : i32
    %dma_wait3A_40 = tpu.memref_slice %arg6[%dma_wait3A, %dma_wait3A_39] : memref<10000x128xf32, #tpu.memory_space<vmem_shared>> -> memref<10000x128xf32, #tpu.memory_space<vmem_shared>>
    tpu.wait_indirect_dma semaphore(%arg47 : memref<!tpu.dma_semaphore, #tpu.memory_space<semaphore_mem>>) src(%arg27 : memref<40x128xf32, #tpu.memory_space<vmem>>) dst(%dma_wait3A_40 : memref<10000x128xf32, #tpu.memory_space<vmem_shared>>)
    %dma_wait3A_41 = arith.constant 0 : i32
    %dma_wait3A_42 = arith.constant 0 : i32
    %dma_wait3A_43 = tpu.memref_slice %arg6[%dma_wait3A_41, %dma_wait3A_42] : memref<10000x128xf32, #tpu.memory_space<vmem_shared>> -> memref<10000x128xf32, #tpu.memory_space<vmem_shared>>
    tpu.wait_indirect_dma semaphore(%arg48 : memref<!tpu.dma_semaphore, #tpu.memory_space<semaphore_mem>>) src(%arg28 : memref<40x128xf32, #tpu.memory_space<vmem>>) dst(%dma_wait3A_43 : memref<10000x128xf32, #tpu.memory_space<vmem_shared>>)
    %dma_wait3A_44 = arith.constant 0 : i32
    %dma_wait3A_45 = arith.constant 0 : i32
    %dma_wait3A_46 = tpu.memref_slice %arg6[%dma_wait3A_44, %dma_wait3A_45] : memref<10000x128xf32, #tpu.memory_space<vmem_shared>> -> memref<10000x128xf32, #tpu.memory_space<vmem_shared>>
    tpu.wait_indirect_dma semaphore(%arg49 : memref<!tpu.dma_semaphore, #tpu.memory_space<semaphore_mem>>) src(%arg29 : memref<40x128xf32, #tpu.memory_space<vmem>>) dst(%dma_wait3A_46 : memref<10000x128xf32, #tpu.memory_space<vmem_shared>>)
    %dma_wait3A_47 = arith.constant 0 : i32
    %dma_wait3A_48 = arith.constant 0 : i32
    %dma_wait3A_49 = tpu.memref_slice %arg6[%dma_wait3A_47, %dma_wait3A_48] : memref<10000x128xf32, #tpu.memory_space<vmem_shared>> -> memref<10000x128xf32, #tpu.memory_space<vmem_shared>>
    tpu.wait_indirect_dma semaphore(%arg50 : memref<!tpu.dma_semaphore, #tpu.memory_space<semaphore_mem>>) src(%arg30 : memref<40x128xf32, #tpu.memory_space<vmem>>) dst(%dma_wait3A_49 : memref<10000x128xf32, #tpu.memory_space<vmem_shared>>)
    %dma_wait3A_50 = arith.constant 0 : i32
    %dma_wait3A_51 = arith.constant 0 : i32
    %dma_wait3A_52 = tpu.memref_slice %arg6[%dma_wait3A_50, %dma_wait3A_51] : memref<10000x128xf32, #tpu.memory_space<vmem_shared>> -> memref<10000x128xf32, #tpu.memory_space<vmem_shared>>
    tpu.wait_indirect_dma semaphore(%arg51 : memref<!tpu.dma_semaphore, #tpu.memory_space<semaphore_mem>>) src(%arg31 : memref<40x128xf32, #tpu.memory_space<vmem>>) dst(%dma_wait3A_52 : memref<10000x128xf32, #tpu.memory_space<vmem_shared>>)
    %barrier3A_53 = arith.constant 0 : index
    tpu.barrier barrier_id(%barrier3A_53)
    "tpu.region"() ({
      %run_scoped3A = tpu.sem_alloc : memref<!tpu.dma_semaphore, #tpu.memory_space<semaphore_mem>>
      %dma_start3A_54 = arith.constant 0 : i32
      %dma_start3A_55 = tpu.memref_slice %arg5[%arg0, %mul3A_2, %dma_start3A_54] : memref<2x10000x128xf32, #tpu.memory_space<hbm>> -> memref<1x640x128xf32, #tpu.memory_space<hbm>>
      %dma_start3A_56 = tpu.memref_squeeze %dma_start3A_55 : memref<1x640x128xf32, #tpu.memory_space<hbm>> -> memref<640x128xf32, #tpu.memory_space<hbm>>
      %dma_start3A_57 = arith.constant 0 : i32
      %dma_start3A_58 = tpu.memref_slice %arg6[%mul3A_2, %dma_start3A_57] : memref<10000x128xf32, #tpu.memory_space<vmem_shared>> -> memref<640x128xf32, #tpu.memory_space<vmem_shared>>
      tpu.enqueue_dma source(%dma_start3A_58 : memref<640x128xf32, #tpu.memory_space<vmem_shared>>) target(%dma_start3A_56 : memref<640x128xf32, #tpu.memory_space<hbm>>) target_semaphore(%run_scoped3A : memref<!tpu.dma_semaphore, #tpu.memory_space<semaphore_mem>>)
      %dma_wait3A_59 = arith.constant 0 : i32
      %dma_wait3A_60 = tpu.memref_slice %arg5[%arg0, %mul3A_2, %dma_wait3A_59] : memref<2x10000x128xf32, #tpu.memory_space<hbm>> -> memref<1x640x128xf32, #tpu.memory_space<hbm>>
      %dma_wait3A_61 = tpu.memref_squeeze %dma_wait3A_60 : memref<1x640x128xf32, #tpu.memory_space<hbm>> -> memref<640x128xf32, #tpu.memory_space<hbm>>
      %dma_wait3A_62 = arith.constant 0 : i32
      %dma_wait3A_63 = tpu.memref_slice %arg6[%mul3A_2, %dma_wait3A_62] : memref<10000x128xf32, #tpu.memory_space<vmem_shared>> -> memref<640x128xf32, #tpu.memory_space<vmem_shared>>
      tpu.wait_dma2 semaphore(%run_scoped3A : memref<!tpu.dma_semaphore, #tpu.memory_space<semaphore_mem>>) src(%dma_wait3A_63 : memref<640x128xf32, #tpu.memory_space<vmem_shared>>) dst(%dma_wait3A_61 : memref<640x128xf32, #tpu.memory_space<hbm>>)
      tpu.yield
    }) : () -> ()
    return
  }
}

module attributes {stable_mosaic.version = 14 : i64} {
  func.func @_stage0_body(%arg0: memref<32x10240xf32, #tpu.memory_space<vmem>>, %arg1: memref<10000x128xf32, #tpu.memory_space<vmem>>, %arg2: memref<10000x16xf32, #tpu.memory_space<vmem>>, %arg3: memref<128x128xf32, #tpu.memory_space<vmem>>, %arg4: memref<16x128xf32, #tpu.memory_space<vmem>>, %arg5: memref<10000x128xf32, #tpu.memory_space<vmem>>, %arg6: memref<10000x1xf32, #tpu.memory_space<vmem>>) attributes {dimension_semantics = [], scalar_prefetch = 0 : i64, scratch_operands = 0 : i64, tpu.core_type = #tpu.core_type<tc>} {
    %get3A = arith.constant 0 : index
    %get3A_0 = arith.constant 0 : index
    %get3A_1 = vector.load %arg0[%get3A, %get3A_0] : memref<32x10240xf32, #tpu.memory_space<vmem>>, vector<32x10240xf32>
    %reduce_sum3A = arith.constant dense<0.000000e+00> : vector<10240xf32>
    %reduce_sum3A_2 = vector.multi_reduction <add>, %get3A_1, %reduce_sum3A [0] : vector<32x10240xf32> to vector<10240xf32>
    %reshape3A = vector.shape_cast %reduce_sum3A_2 : vector<10240xf32> to vector<10240x1xf32>
    %slice3A = vector.extract_strided_slice %reshape3A {offsets = [0, 0], sizes = [10000, 1], strides = [1, 1]} : vector<10240x1xf32> to vector<10000x1xf32>
    %add3A = arith.constant 1.000000e+00 : f32
    %add3A_3 = vector.broadcast %add3A : f32 to vector<10000x1xf32>
    %add3A_4 = arith.addf %slice3A, %add3A_3 : vector<10000x1xf32>
    %gt3A = arith.constant 0.000000e+00 : f32
    %gt3A_5 = vector.broadcast %gt3A : f32 to vector<10000x1xf32>
    %gt3A_6 = arith.cmpf ogt, %add3A_4, %gt3A_5 : vector<10000x1xf32>
    %rsqrt3A = math.rsqrt %add3A_4 : vector<10000x1xf32>
    %jit3A = arith.constant 0.000000e+00 : f32
    %broadcast_in_dim3A = vector.broadcast %jit3A : f32 to vector<10000x1xf32>
    %select_n3A = arith.select %gt3A_6, %rsqrt3A, %broadcast_in_dim3A : vector<10000x1xi1>, vector<10000x1xf32>
    %get3A_7 = arith.constant 0 : index
    %get3A_8 = arith.constant 0 : index
    %get3A_9 = vector.load %arg1[%get3A_7, %get3A_8] : memref<10000x128xf32, #tpu.memory_space<vmem>>, vector<10000x128xf32>
    %get3A_10 = arith.constant 0 : index
    %get3A_11 = arith.constant 0 : index
    %get3A_12 = vector.load %arg3[%get3A_10, %get3A_11] : memref<128x128xf32, #tpu.memory_space<vmem>>, vector<128x128xf32>
    %dot_general3A = arith.constant dense<0.000000e+00> : vector<10000x128xf32>
    %dot_general3A_13 = tpu.matmul %get3A_9, %get3A_12, %dot_general3A {dimension_numbers = #tpu.dot_dimension_numbers<[1], [0], [0], [1], [0, 0, 1, 1], [], []>, transpose_lhs_hint = false} : vector<10000x128xf32>, vector<128x128xf32>, vector<10000x128xf32> -> vector<10000x128xf32>
    %get3A_14 = arith.constant 0 : index
    %get3A_15 = arith.constant 0 : index
    %get3A_16 = vector.load %arg2[%get3A_14, %get3A_15] : memref<10000x16xf32, #tpu.memory_space<vmem>>, vector<10000x16xf32>
    %get3A_17 = arith.constant 0 : index
    %get3A_18 = arith.constant 0 : index
    %get3A_19 = vector.load %arg4[%get3A_17, %get3A_18] : memref<16x128xf32, #tpu.memory_space<vmem>>, vector<16x128xf32>
    %dot_general3A_20 = arith.constant dense<0.000000e+00> : vector<10000x128xf32>
    %dot_general3A_21 = tpu.matmul %get3A_16, %get3A_19, %dot_general3A_20 {dimension_numbers = #tpu.dot_dimension_numbers<[1], [0], [0], [1], [0, 0, 1, 1], [], []>, transpose_lhs_hint = false} : vector<10000x16xf32>, vector<16x128xf32>, vector<10000x128xf32> -> vector<10000x128xf32>
    %add3A_22 = arith.addf %dot_general3A_13, %dot_general3A_21 : vector<10000x128xf32>
    %mul3A = vector.broadcast %select_n3A : vector<10000x1xf32> to vector<10000x128xf32>
    %mul3A_23 = arith.mulf %add3A_22, %mul3A : vector<10000x128xf32>
    %swap3A = arith.constant 0 : index
    %swap3A_24 = arith.constant 0 : index
    %swap3A_25 = vector.load %arg5[%swap3A, %swap3A_24] : memref<10000x128xf32, #tpu.memory_space<vmem>>, vector<10000x128xf32>
    tpu.vector_store %arg5[%swap3A, %swap3A_24], %mul3A_23 {strides = array<i32>} : memref<10000x128xf32, #tpu.memory_space<vmem>>, vector<10000x128xf32>,
    %swap3A_26 = arith.constant 0 : index
    %swap3A_27 = arith.constant 0 : index
    %swap3A_28 = vector.load %arg6[%swap3A_26, %swap3A_27] : memref<10000x1xf32, #tpu.memory_space<vmem>>, vector<10000x1xf32>
    tpu.vector_store %arg6[%swap3A_26, %swap3A_27], %select_n3A {strides = array<i32>} : memref<10000x1xf32, #tpu.memory_space<vmem>>, vector<10000x1xf32>,
    return
  }
}

module attributes {stable_mosaic.version = 14 : i64} {
  func.func @_stage1_body(%arg0: memref<2x10000x128xf32, #tpu.memory_space<vmem>>, %arg1: memref<10000x128xf32, #tpu.memory_space<vmem>>, %arg2: memref<10000x1xf32, #tpu.memory_space<vmem>>, %arg3: memref<1x128xf32, #tpu.memory_space<vmem>>, %arg4: memref<128x128xf32, #tpu.memory_space<vmem>>, %arg5: memref<128x128xf32, #tpu.memory_space<vmem>>, %arg6: memref<1x128xf32, #tpu.memory_space<vmem>>, %arg7: memref<128x128xf32, #tpu.memory_space<vmem>>, %arg8: memref<10000x128xf32, #tpu.memory_space<vmem>>) attributes {dimension_semantics = [], scalar_prefetch = 0 : i64, scratch_operands = 0 : i64, tpu.core_type = #tpu.core_type<tc>} {
    %get3A = arith.constant 0 : index
    %get3A_0 = arith.constant 0 : index
    %get3A_1 = arith.constant 0 : index
    %get3A_2 = vector.load %arg0[%get3A, %get3A_0, %get3A_1] : memref<2x10000x128xf32, #tpu.memory_space<vmem>>, vector<1x10000x128xf32>
    %get3A_3 = vector.shape_cast %get3A_2 : vector<1x10000x128xf32> to vector<10000x128xf32>
    %get3A_4 = arith.constant 1 : index
    %get3A_5 = arith.constant 0 : index
    %get3A_6 = arith.constant 0 : index
    %get3A_7 = vector.load %arg0[%get3A_4, %get3A_5, %get3A_6] : memref<2x10000x128xf32, #tpu.memory_space<vmem>>, vector<1x10000x128xf32>
    %get3A_8 = vector.shape_cast %get3A_7 : vector<1x10000x128xf32> to vector<10000x128xf32>
    %add3A = arith.addf %get3A_3, %get3A_8 : vector<10000x128xf32>
    %get3A_9 = arith.constant 0 : index
    %get3A_10 = arith.constant 0 : index
    %get3A_11 = vector.load %arg1[%get3A_9, %get3A_10] : memref<10000x128xf32, #tpu.memory_space<vmem>>, vector<10000x128xf32>
    %sub3A = arith.subf %add3A, %get3A_11 : vector<10000x128xf32>
    %get3A_12 = arith.constant 0 : index
    %get3A_13 = arith.constant 0 : index
    %get3A_14 = vector.load %arg2[%get3A_12, %get3A_13] : memref<10000x1xf32, #tpu.memory_space<vmem>>, vector<10000x1xf32>
    %mul3A = vector.broadcast %get3A_14 : vector<10000x1xf32> to vector<10000x128xf32>
    %mul3A_15 = arith.mulf %sub3A, %mul3A : vector<10000x128xf32>
    %get3A_16 = arith.constant 0 : index
    %get3A_17 = arith.constant 0 : index
    %get3A_18 = vector.load %arg3[%get3A_16, %get3A_17] : memref<1x128xf32, #tpu.memory_space<vmem>>, vector<1x128xf32>
    %add3A_19 = vector.broadcast %get3A_18 : vector<1x128xf32> to vector<10000x128xf32>
    %add3A_20 = arith.addf %mul3A_15, %add3A_19 : vector<10000x128xf32>
    %reduce_max3A = arith.constant dense<0xFF800000> : vector<128xf32>
    %reduce_max3A_21 = vector.multi_reduction <maximumf>, %add3A_20, %reduce_max3A [0] : vector<10000x128xf32> to vector<128xf32>
    %broadcast_in_dim3A = vector.shape_cast %reduce_max3A_21 : vector<128xf32> to vector<1x128xf32>
    %get3A_22 = arith.constant 0 : index
    %get3A_23 = arith.constant 0 : index
    %get3A_24 = vector.load %arg4[%get3A_22, %get3A_23] : memref<128x128xf32, #tpu.memory_space<vmem>>, vector<128x128xf32>
    %dot_general3A = arith.constant dense<0.000000e+00> : vector<10000x128xf32>
    %dot_general3A_25 = tpu.matmul %add3A_20, %get3A_24, %dot_general3A {dimension_numbers = #tpu.dot_dimension_numbers<[1], [0], [0], [1], [0, 0, 1, 1], [], []>, transpose_lhs_hint = false} : vector<10000x128xf32>, vector<128x128xf32>, vector<10000x128xf32> -> vector<10000x128xf32>
    %get3A_26 = arith.constant 0 : index
    %get3A_27 = arith.constant 0 : index
    %get3A_28 = vector.load %arg5[%get3A_26, %get3A_27] : memref<128x128xf32, #tpu.memory_space<vmem>>, vector<128x128xf32>
    %dot_general3A_29 = arith.constant dense<0.000000e+00> : vector<1x128xf32>
    %dot_general3A_30 = tpu.matmul %broadcast_in_dim3A, %get3A_28, %dot_general3A_29 {dimension_numbers = #tpu.dot_dimension_numbers<[1], [0], [0], [1], [0, 0, 1, 1], [], []>, transpose_lhs_hint = false} : vector<1x128xf32>, vector<128x128xf32>, vector<1x128xf32> -> vector<1x128xf32>
    %add3A_31 = vector.broadcast %dot_general3A_30 : vector<1x128xf32> to vector<10000x128xf32>
    %add3A_32 = arith.addf %dot_general3A_25, %add3A_31 : vector<10000x128xf32>
    %get3A_33 = arith.constant 0 : index
    %get3A_34 = arith.constant 0 : index
    %get3A_35 = vector.load %arg6[%get3A_33, %get3A_34] : memref<1x128xf32, #tpu.memory_space<vmem>>, vector<1x128xf32>
    %add3A_36 = vector.broadcast %get3A_35 : vector<1x128xf32> to vector<10000x128xf32>
    %add3A_37 = arith.addf %add3A_32, %add3A_36 : vector<10000x128xf32>
    %max3A = arith.constant 0.000000e+00 : f32
    %max3A_38 = vector.broadcast %max3A : f32 to vector<10000x128xf32>
    %max3A_39 = arith.maximumf %add3A_37, %max3A_38 : vector<10000x128xf32>
    %get3A_40 = arith.constant 0 : index
    %get3A_41 = arith.constant 0 : index
    %get3A_42 = vector.load %arg7[%get3A_40, %get3A_41] : memref<128x128xf32, #tpu.memory_space<vmem>>, vector<128x128xf32>
    %dot_general3A_43 = arith.constant dense<0.000000e+00> : vector<10000x128xf32>
    %dot_general3A_44 = tpu.matmul %max3A_39, %get3A_42, %dot_general3A_43 {dimension_numbers = #tpu.dot_dimension_numbers<[1], [0], [0], [1], [0, 0, 1, 1], [], []>, transpose_lhs_hint = false} : vector<10000x128xf32>, vector<128x128xf32>, vector<10000x128xf32> -> vector<10000x128xf32>
    %get3A_45 = arith.constant 0 : index
    %get3A_46 = arith.constant 0 : index
    %get3A_47 = vector.load %arg2[%get3A_45, %get3A_46] : memref<10000x1xf32, #tpu.memory_space<vmem>>, vector<10000x1xf32>
    %mul3A_48 = vector.broadcast %get3A_47 : vector<10000x1xf32> to vector<10000x128xf32>
    %mul3A_49 = arith.mulf %dot_general3A_44, %mul3A_48 : vector<10000x128xf32>
    %swap3A = arith.constant 0 : index
    %swap3A_50 = arith.constant 0 : index
    %swap3A_51 = vector.load %arg8[%swap3A, %swap3A_50] : memref<10000x128xf32, #tpu.memory_space<vmem>>, vector<10000x128xf32>
    tpu.vector_store %arg8[%swap3A, %swap3A_50], %mul3A_49 {strides = array<i32>} : memref<10000x128xf32, #tpu.memory_space<vmem>>, vector<10000x128xf32>,
    return
  }
}

module attributes {stable_mosaic.version = 14 : i64} {
  func.func @_stage2_body(%arg0: memref<2x10000x128xf32, #tpu.memory_space<vmem>>, %arg1: memref<10000x128xf32, #tpu.memory_space<vmem>>, %arg2: memref<10000x1xf32, #tpu.memory_space<vmem>>, %arg3: memref<1x128xf32, #tpu.memory_space<vmem>>, %arg4: memref<128x128xf32, #tpu.memory_space<vmem>>, %arg5: memref<128x128xf32, #tpu.memory_space<vmem>>, %arg6: memref<1x128xf32, #tpu.memory_space<vmem>>, %arg7: memref<10000x128xf32, #tpu.memory_space<vmem>>) attributes {dimension_semantics = [], scalar_prefetch = 0 : i64, scratch_operands = 0 : i64, tpu.core_type = #tpu.core_type<tc>} {
    %get3A = arith.constant 0 : index
    %get3A_0 = arith.constant 0 : index
    %get3A_1 = arith.constant 0 : index
    %get3A_2 = vector.load %arg0[%get3A, %get3A_0, %get3A_1] : memref<2x10000x128xf32, #tpu.memory_space<vmem>>, vector<1x10000x128xf32>
    %get3A_3 = vector.shape_cast %get3A_2 : vector<1x10000x128xf32> to vector<10000x128xf32>
    %get3A_4 = arith.constant 1 : index
    %get3A_5 = arith.constant 0 : index
    %get3A_6 = arith.constant 0 : index
    %get3A_7 = vector.load %arg0[%get3A_4, %get3A_5, %get3A_6] : memref<2x10000x128xf32, #tpu.memory_space<vmem>>, vector<1x10000x128xf32>
    %get3A_8 = vector.shape_cast %get3A_7 : vector<1x10000x128xf32> to vector<10000x128xf32>
    %add3A = arith.addf %get3A_3, %get3A_8 : vector<10000x128xf32>
    %get3A_9 = arith.constant 0 : index
    %get3A_10 = arith.constant 0 : index
    %get3A_11 = vector.load %arg1[%get3A_9, %get3A_10] : memref<10000x128xf32, #tpu.memory_space<vmem>>, vector<10000x128xf32>
    %sub3A = arith.subf %add3A, %get3A_11 : vector<10000x128xf32>
    %get3A_12 = arith.constant 0 : index
    %get3A_13 = arith.constant 0 : index
    %get3A_14 = vector.load %arg2[%get3A_12, %get3A_13] : memref<10000x1xf32, #tpu.memory_space<vmem>>, vector<10000x1xf32>
    %mul3A = vector.broadcast %get3A_14 : vector<10000x1xf32> to vector<10000x128xf32>
    %mul3A_15 = arith.mulf %sub3A, %mul3A : vector<10000x128xf32>
    %get3A_16 = arith.constant 0 : index
    %get3A_17 = arith.constant 0 : index
    %get3A_18 = vector.load %arg3[%get3A_16, %get3A_17] : memref<1x128xf32, #tpu.memory_space<vmem>>, vector<1x128xf32>
    %add3A_19 = vector.broadcast %get3A_18 : vector<1x128xf32> to vector<10000x128xf32>
    %add3A_20 = arith.addf %mul3A_15, %add3A_19 : vector<10000x128xf32>
    %reduce_max3A = arith.constant dense<0xFF800000> : vector<128xf32>
    %reduce_max3A_21 = vector.multi_reduction <maximumf>, %add3A_20, %reduce_max3A [0] : vector<10000x128xf32> to vector<128xf32>
    %broadcast_in_dim3A = vector.shape_cast %reduce_max3A_21 : vector<128xf32> to vector<1x128xf32>
    %get3A_22 = arith.constant 0 : index
    %get3A_23 = arith.constant 0 : index
    %get3A_24 = vector.load %arg4[%get3A_22, %get3A_23] : memref<128x128xf32, #tpu.memory_space<vmem>>, vector<128x128xf32>
    %dot_general3A = arith.constant dense<0.000000e+00> : vector<10000x128xf32>
    %dot_general3A_25 = tpu.matmul %add3A_20, %get3A_24, %dot_general3A {dimension_numbers = #tpu.dot_dimension_numbers<[1], [0], [0], [1], [0, 0, 1, 1], [], []>, transpose_lhs_hint = false} : vector<10000x128xf32>, vector<128x128xf32>, vector<10000x128xf32> -> vector<10000x128xf32>
    %get3A_26 = arith.constant 0 : index
    %get3A_27 = arith.constant 0 : index
    %get3A_28 = vector.load %arg5[%get3A_26, %get3A_27] : memref<128x128xf32, #tpu.memory_space<vmem>>, vector<128x128xf32>
    %dot_general3A_29 = arith.constant dense<0.000000e+00> : vector<1x128xf32>
    %dot_general3A_30 = tpu.matmul %broadcast_in_dim3A, %get3A_28, %dot_general3A_29 {dimension_numbers = #tpu.dot_dimension_numbers<[1], [0], [0], [1], [0, 0, 1, 1], [], []>, transpose_lhs_hint = false} : vector<1x128xf32>, vector<128x128xf32>, vector<1x128xf32> -> vector<1x128xf32>
    %add3A_31 = vector.broadcast %dot_general3A_30 : vector<1x128xf32> to vector<10000x128xf32>
    %add3A_32 = arith.addf %dot_general3A_25, %add3A_31 : vector<10000x128xf32>
    %get3A_33 = arith.constant 0 : index
    %get3A_34 = arith.constant 0 : index
    %get3A_35 = vector.load %arg6[%get3A_33, %get3A_34] : memref<1x128xf32, #tpu.memory_space<vmem>>, vector<1x128xf32>
    %add3A_36 = vector.broadcast %get3A_35 : vector<1x128xf32> to vector<10000x128xf32>
    %add3A_37 = arith.addf %add3A_32, %add3A_36 : vector<10000x128xf32>
    %swap3A = arith.constant 0 : index
    %swap3A_38 = arith.constant 0 : index
    %swap3A_39 = vector.load %arg7[%swap3A, %swap3A_38] : memref<10000x128xf32, #tpu.memory_space<vmem>>, vector<10000x128xf32>
    tpu.vector_store %arg7[%swap3A, %swap3A_38], %add3A_37 {strides = array<i32>} : memref<10000x128xf32, #tpu.memory_space<vmem>>, vector<10000x128xf32>,
    return
  }
}

</mosaic_0001>

<sc_bundles>
// kernel: kernel.11.cloned.1.call-start
scs
__scs_entry_jumppad:
0x0: {  	(pc) =	sbr.rel $0x88, $3  }
0x1: {  	(tag) =	ssettag $0x0;
	lr =	simm.s32 $0x1  }
0x2: {  	[smem:$0x3F96] =	sst lr;
	_ =	strace $0xD0000000  }
0x3: {  	_ = 	snop  }
0x4: {  	_ = 	snop  }
0x5: {  	_ = 	snop  }
0x6: {  	_ = 	snop  }
0x7: {  	_ = 	snop  }
__scs_overlays_trampoline_lowered:
0x8: {  	[smem:$0x3FA5] =	sst s0  }
0x9: {  	[smem:$0x3FA6] =	sst s1  }
0xa: {  	[smem:$0x3FA7] =	sst s2  }
0xb: {  	[smem:$0x3FA8] =	sst s3  }
0xc: {  	[smem:$0x3FA9] =	sst s4  }
0xd: {  	[smem:$0x3FAA] =	sst s5  }
0xe: {  	[smem:$0x3FAB] =	sst s6  }
0xf: {  	[smem:$0x3FAC] =	sst s7  }
0x10: {  	[smem:$0x3FAD] =	sst s8  }
0x11: {  	[smem:$0x3FAE] =	sst s9;
	s0 =	simm.s32 @!p0 $0x0  }
0x12: {  	s1 =	sld [smem:$0x3F94];
	s0 =	simm.s32 @p0 $0x1  }
0x13: {  	[smem:$0x3FAF] =	sst s0;
	s0 =	simm.s32 @!p1 $0x0  }
0x14: {  	s2 =	sld [smem:$0x3F93];
	s0 =	simm.s32 @p1 $0x1  }
0x15: {  	[smem:$0x3FB0] =	sst s0;
	s0 =	simm.s32 @!p2 $0x0  }
0x16: {  	s3 =	sld [smem:$0x3FDB];
	s0 =	simm.s32 @p2 $0x1  }
0x17: {  	s4 =	simm.s32 $0x1BF5;
	[smem:$0x3FB2] =	sst s0  }
0x18: {  	s0 =	sld [smem:$0x3F95];
	_ =	swait.ge [sflag:s4], $0x0  }
0x19: {  	s7 =	sld [smem:$0x3F96]  }
0x1a: {  	s8 =	sadd.s32 $0xFFFFE003, lr  }
0x1b: {  	s9 =	sadd.s32 $0xFFFFFEF7, lr;
	s5 =	simm.s32 $0xFFFFFFFF;
	p2 =	slt.u32 s8, $0xFFFFF086  }
0x1c: {  	p1 =	slt.u32 s9, $0xF7A;
	s5 =	simm.s32 @!p2 $0x0  }
0x1d: {  	s5 =	simm.s32 @p1 $0x1;
	p0 =	seq.s32 s7, s2  }
0x1e: {  	s7 =	smul.u32 @!p0 $0xF7A, s2;
	p2 =	seq.s32 @!p0 s5, $0x0  }
0x1f: {  	s9 =	smul.u32 $0xF7A, s1;
	s8 =	simm.s32 @!p0 $0x1BF5;
	p2 =	por !p2, p0  }
0x20: {  	[sflag:s8] =	ssyncset.s32 @!p0 $0xFFFFF086;
	s6 =	sadd.s32 @!p0 s3, s7;
	s7 =	simm.s32 @!p0 $0x108  }
0x21: {  	s3 =	sadd.s32 s3, s9;
	s6 =	sadd.s32 @!p0 $0x88, s6;
	s7 =	simm.s32 @p2 $0x1082  }
0x22: {  	[simem:s7], [sflag:s8] =	dma.local @!p0 [hbm:s6], $0xF7A  }
0x23: {  	s9 =	sor.u32 $0xD0000000, s2;
	s6 =	simm.s32 $0x108;
	_ =	swait.ge @!p0 [sflag:s8], $0x0  }
0x24: {  	s3 =	sadd.s32 $0x88, s3;
	s6 =	simm.s32 @!p1 $0x1082;
	[sflag:s4] =	ssyncset.s32 $0xFFFFF086  }
0x25: {  	[simem:s6], [sflag:s4] =	dma.local [hbm:s3], $0xF7A  }
0x26: {  	[smem:$0x3F96] =	sst s1;
	(tag) =	ssettag s2;
	_ =	strace s9  }
0x27: {  	s1 =	sld [smem:$0x3FA6]  }
0x28: {  	s2 =	sld [smem:$0x3FA7]  }
0x29: {  	s4 =	sld [smem:$0x3FA9]  }
0x2a: {  	p0 =	seq.s32 s5, $0x0;
	s5 =	sld [smem:$0x3FAA]  }
0x2b: {  	s6 =	sld [smem:$0x3FAB]  }
0x2c: {  	s7 =	sld [smem:$0x3FAC]  }
0x2d: {  	s3 =	simm.s32 $0x108;
	s8 =	sld [smem:$0x3FAD]  }
0x2e: {  	s3 =	simm.s32 @!p0 $0x1082;
	s9 =	sld [smem:$0x3FAE]  }
0x2f: {  	lr =	sadd.s32 s0, s3;
	s0 =	sld [smem:$0x3FA5]  }
0x30: {  	s3 =	sld [smem:$0x3FA8]  }
0x31: {  	[smem:$0x3FB1] =	sst s10  }
0x32: {  	s10 =	sld [smem:$0x3FAF];
	_ =	sdelay $0x3  }
0x33: {  	p0 =	seq.s32 s10, $0x1;
	s10 =	sld [smem:$0x3FB1];
	_ =	sdelay $0x3  }
0x34: {  	[smem:$0x3FB1] =	sst s10  }
0x35: {  	s10 =	sld [smem:$0x3FB0];
	_ =	sdelay $0x3  }
0x36: {  	p1 =	seq.s32 s10, $0x1;
	s10 =	sld [smem:$0x3FB1];
	_ =	sdelay $0x3  }
0x37: {  	[smem:$0x3FB1] =	sst s10  }
0x38: {  	s10 =	sld [smem:$0x3FB2]  }
0x39: {  	_ = 	snop;
	(pc) =	sbr.ind lr, $3  }
0x3a: {  	_ = 	snop  }
0x3b: {  	_ = 	snop  }
0x3c: {  	p2 =	seq.s32 s10, $0x1;
	s10 =	sld [smem:$0x3FB1]  }
0x3d: {  	_ =	shalt  }
0x3e: {  	_ =	shalt  }
0x3f: {  	_ =	shalt  }
0x40: {  	_ =	shalt  }
0x41: {  	_ =	shalt  }
0x42: {  	_ =	shalt  }
0x43: {  	_ =	shalt  }
0x44: {  	_ =	shalt  }
0x45: {  	_ =	shalt  }
0x46: {  	_ =	shalt  }
0x47: {  	_ =	shalt  }
0x48: {  	_ =	shalt  }
0x49: {  	_ =	shalt  }
0x4a: {  	_ =	shalt  }
0x4b: {  	_ =	shalt  }
0x4c: {  	_ =	shalt  }
0x4d: {  	_ =	shalt  }
0x4e: {  	_ =	shalt  }
0x4f: {  	_ =	shalt  }
0x50: {  	_ =	shalt  }
0x51: {  	_ =	shalt  }
0x52: {  	_ =	shalt  }
0x53: {  	_ =	shalt  }
0x54: {  	_ =	shalt  }
0x55: {  	_ =	shalt  }
0x56: {  	_ =	shalt  }
0x57: {  	_ =	shalt  }
0x58: {  	_ =	shalt  }
0x59: {  	_ =	shalt  }
0x5a: {  	_ =	shalt  }
0x5b: {  	_ =	shalt  }
0x5c: {  	_ =	shalt  }
0x5d: {  	_ =	shalt  }
0x5e: {  	_ =	shalt  }
0x5f: {  	_ =	shalt  }
0x60: {  	_ =	shalt  }
0x61: {  	_ =	shalt  }
0x62: {  	_ =	shalt  }
0x63: {  	_ =	shalt  }
0x64: {  	_ =	shalt  }
0x65: {  	_ =	shalt  }
0x66: {  	_ =	shalt  }
0x67: {  	_ =	shalt  }
0x68: {  	_ =	shalt  }
0x69: {  	_ =	shalt  }
0x6a: {  	_ =	shalt  }
0x6b: {  	_ =	shalt  }
0x6c: {  	_ =	shalt  }
0x6d: {  	_ =	shalt  }
0x6e: {  	_ =	shalt  }
0x6f: {  	_ =	shalt  }
0x70: {  	_ =	shalt  }
0x71: {  	_ =	shalt  }
0x72: {  	_ =	shalt  }
0x73: {  	_ =	shalt  }
0x74: {  	_ =	shalt  }
0x75: {  	_ =	shalt  }
0x76: {  	_ =	shalt  }
0x77: {  	_ =	shalt  }
0x78: {  	_ =	shalt  }
0x79: {  	_ =	shalt  }
0x7a: {  	_ =	shalt  }
0x7b: {  	_ =	shalt  }
0x7c: {  	_ =	shalt  }
0x7d: {  	_ =	shalt  }
0x7e: {  	_ =	shalt  }
0x7f: {  	_ =	shalt  }
0x80: {  	_ =	shalt  }
0x81: {  	_ =	shalt  }
0x82: {  	_ =	shalt  }
0x83: {  	_ =	shalt  }
0x84: {  	_ =	shalt  }
0x85: {  	_ =	shalt  }
0x86: {  	_ =	shalt  }
0x87: {  	_ =	shalt  }
.Lfunc_end0:
.L_simem_size_0:
called_computation.1_lowered:
.L_overlay_start_0:
0x88: {  	s2 =	sld [smem:$0x3FD9]  }
0x89: {  	s3 =	sld [smem:$0x3FFE];
	_ =	sdelay $0x1  }
0x8a: {  	s1 =	srdreg.scid  }
0x8b: {  	s0 =	sand.u32 $0x1, s1  }
0x8c: {  	s17 =	sshll.u32 s0, $0xA;
	s2 =	sadd.s32 s3, s2  }
0x8d: {  	s2 =	sadd.s32 s2, s17  }
0x8e: {  	[smem:$0x3FBD] =	sst s2  }
0x8f: {  	_ = 	snop  }
0x90: {  	s2 =	sld [smem:$0x3FD0];
	(tm) =	ssettm $0x1  }
0x91: {  	s18 =	sld [smem:$0x3FFB];
	_ =	sdelay $0x3  }
0x92: {  	_ =	strace s18  }
0x93: {  	s3 =	sld [smem:$0x3FFC];
	_ =	sdelay $0x3  }
0x94: {  	_ =	strace s3  }
0x95: {  	s3 =	sld [smem:$0x3FFD];
	_ =	sdelay $0x3  }
0x96: {  	_ =	strace s3  }
0x97: {  	_ =	strace $0x8FFFFFFF  }
0x98: {  	s19 =	sld [smem:$0x3FDB];
	_ =	sdelay $0x1  }
0x99: {  	s4 =	simm.s32 $_scs_section_size  }
0x9a: {  	s5 =	simm.s32 $_size__tile_overlayer_lowered;
	s6 =	simm.s32 $_tile_overlayer_lowered  }
0x9b: {  	s22 =	simm.s32 $0x1BFF;
	s21 =	sshll.u32 s6, $0x1;
	s3 =	sadd.s32 s4, s19  }
0x9c: {  	s7 =	simm.s32 $0x0;
	s20 =	sshll.u32 s5, $0x1;
	s5 =	sadd.s32 s21, s3  }
0x9d: {  	[timem:s7], [sflag:s22] =	dma.local [hbm:s5], s20  }
0x9e: {  	_ =	swait.ge [sflag:s22], s20  }
0x9f: {  	s4 =	ssub.s32 $0x0, s20;
	[sflag:s22] =	ssyncset.done $0x0  }
0xa0: {  	[sflag:s22] =	ssyncadd.s32 s4;
	_ =	sdelay $0x1  }
0xa1: {  	s23 =	simm.s32 $0x1B8B  }
0xa2: {  	_ =	swait.ge [sflag:s23], $0x1  }
0xa3: {  	[sflag:s23] =	ssyncset.done $0x0  }
0xa4: {  	s25 =	simm.s32 $0x1B8E;
	s24 =	sld [smem:$0x3FFE];
	[sflag:s23] =	ssyncadd.s32 $0xFFFFFFFF  }
0xa5: {  	s26 =	simm.s32 $execute0_lowered;
	[smem:$0x3FD2] =	sst s25  }
0xa6: {  	s5 =	sshll.u32 s26, $0x1;
	_ =	strace $0x80000049;
	[dreg:$0x1] =	wrdreg $0xFFFFFFFF  }
0xa7: {  	s28 =	simm.s32 $_size_execute0_lowered;
	s3 =	sadd.s32 s3, s5;
	[dreg:$0x0] =	wrdreg $0x0  }
0xa8: {  	s5 =	sshll.u32 s28, $0x1;
	[dreg:$0x2] =	wrdreg s3  }
0xa9: {  	[dreg:$0x3] =	wrdreg s5  }
0xaa: {  	[dreg:$0x4] =	wrdreg $0xC0  }
0xab: {  	_ =	task [dreg:s7], $0x5FFFF  }
0xac: {  	[dreg:$0x1] =	wrdreg $0xFFFFFFFF  }
0xad: {  	[dreg:$0x0] =	wrdreg $0x60  }
0xae: {  	[dreg:$0x2] =	wrdreg s2  }
0xaf: {  	[dreg:$0x3] =	wrdreg s24  }
0xb0: {  	[dreg:$0x4] =	wrdreg $0x0  }
0xb1: {  	[dreg:$0x5] =	wrdreg $0x9  }
0xb2: {  	_ =	task.clear_ibuf [dreg:s7], $0x6FFFF;
	_ =	strace $0x90000049  }
0xb3: {  	s29 =	simm.s32 $0x9;
	_ =	strace $0x8000004B  }
0xb4: {  	_ =	swait.ge [sflag:s29], $0x1  }
0xb5: {  	[sflag:s29] =	ssyncadd.s32 $0xFFFFFFFF  }
0xb6: {  	_ =	strace $0x9000004B  }
0xb7: {  	_ =	sfence  }
0xb8: {  	s30 =	sld [smem:$0x0];
	_ =	sdelay $0x2  }
0xb9: {  	s31 =	sshll.u32 s1, $0xD;
	s1 =	sshrl.u32 s1, $0x2  }
0xba: {  	s3 =	sand.u32 $0x4000, s31;
	s1 =	sadd.s32 s1, s30  }
0xbb: {  	s0 =	sor.u32 s3, s0;
	s1 =	sshll.u32 s1, $0x11  }
0xbc: {  	s0 =	sor.u32 s1, s0  }
0xbd: {  	s0 =	sadd.s32 $0x8F2B, s0  }
0xbe: {  	[sflag:s0] =	ssyncadd.remote.s32 $0x1  }
0xbf: {  	_ =	sfence.sel $0xFFFF  }
0xc0: {  	[dreg:$0x0] =	wrdreg $0xFFFFFFFF;
	(pc) =	sbr.abs _section_cstart, $3  }
0xc1: {  	[dreg:$0x1] =	wrdreg $0xFFFFFFFF  }
0xc2: {  	_ =	task.clear_ibuf [dreg:s7], $0x2FFFF;
	_ =	strace $0x9FFFFFFF  }
0xc3: {  	(tm) =	ssettm $0x7FFFFFFF  }
tec
execute0_lowered:
.L_overlay_start_1:
0x0: {  	(tag) =	ssettag $0x1  }
0x1: {  	s1 =	rddreg [dreg:$0x0]  }
0x2: {  	s0 =	rddreg [dreg:$0x1]  }
0x3: {  	s15 =	rddreg [dreg:$0x2];
	s2 =	srdreg.scid  }
0x4: {  	s11 =	stileid.u32;
	s4 =	simm.s32 $0x0;
	s5 =	sand.u32 $0x1, s2  }
0x5: {  	s6 =	smul.u32 $0x13800, s11;
	[smem:$0x7FF] =	sst s4;
	s7 =	sshll.u32 s11, $0x1  }
0x6: {  	s12 =	sadd.s32 $0x3600, s0;
	s13 =	sadd.s32 $0xD400, s0;
	s26 =	smul.u32 $0x4E20, s11  }
0x7: {  	s2 =	smul.u32 $0x138800, s5;
	_ =	strace $0x8000004A;
	s7 =	sor.u32 s5, s7  }
0x8: {  	s8 =	ssub.s32 $0x2, s5;
	s5 =	smul.u32 $0x2710, s5;
	[dreg:$0x19] =	wrdreg s13  }
0x9: {  	[dreg:$0x18] =	wrdreg s12;
	s7 =	smul.u32 $0x2710, s7  }
0xa: {  	s20 =	sshrl.u32 s8, $0x1;
	s2 =	sadd.s32 s6, s2;
	s5 =	sadd.s32 s5, s26  }
0xb: {  	s6 =	sshrl.u32 s6, $0x3;
	s2 =	sshrl.u32 s2, $0x3;
	s9 =	sadd.s32 $0x28, s7  }
0xc: {  	s21 =	sshrl.u32 s7, $0x3;
	s7 =	sadd.s32 $0x78, s7;
	s6 =	sadd.s32 s1, s6  }
0xd: {  	s14 =	sadd.s32 $0x140, s5;
	s10 =	sadd.s32 s12, s21;
	[smem:$0x7F9] =	sst s6  }
0xe: {  	s9 =	sshrl.u32 s9, $0x3;
	s22 =	sadd.s32 s13, s21;
	[dreg:$0x1a] =	wrdreg s10  }
0xf: {  	s18 =	sadd.s32 $0x118, s5;
	[dreg:$0x1b] =	wrdreg s22;
	s23 =	sadd.s32 s12, s9  }
0x10: {  	s24 =	sadd.s32 $0xA, s21;
	s9 =	sadd.s32 s13, s9;
	[dreg:$0x1c] =	wrdreg s23  }
0x11: {  	s7 =	sshrl.u32 s7, $0x3;
	s25 =	sadd.s32 s12, s24;
	[dreg:$0x1d] =	wrdreg s9  }
0x12: {  	s0 =	sadd.s32 s2, s0;
	s29 =	sadd.s32 s12, s7;
	[dreg:$0x1e] =	wrdreg s25  }
0x13: {  	s30 =	sadd.s32 $0x14, s21;
	s7 =	sadd.s32 s13, s7;
	[smem:$0x7F4] =	sst s29  }
0x14: {  	s16 =	sshrl.u32 s14, $0x3;
	s3 =	sadd.s32 s12, s30;
	[smem:$0x7F5] =	sst s7  }
0x15: {  	s2 =	ssub.s32 s8, s20;
	s17 =	sadd.s32 s16, s13;
	[smem:$0x7F6] =	sst s3  }
0x16: {  	s20 =	sshrl.u32 s18, $0x3;
	s19 =	sadd.s32 s16, s12;
	[dreg:$0x6] =	wrdreg s17  }
0x17: {  	s21 =	sadd.s32 s20, s13;
	[dreg:$0x7] =	wrdreg s19  }
0x18: {  	s0 =	sadd.s32 $0x17200, s0;
	[dreg:$0x8] =	wrdreg s21  }
0x19: {  	s31 =	smul.u32 $0x4E000, s11;
	s2 =	smax.u32 s2, $0x1;
	[smem:$0x7FA] =	sst s0  }
0x1a: {  	s26 =	sadd.s32 $0xC8, s5;
	s9 =	sadd.s32 s13, s24;
	[smem:$0x7FB] =	sst s2  }
0x1b: {  	s8 =	sshrl.u32 s31, $0x2;
	s7 =	sadd.s32 s13, s30;
	[dreg:$0x1f] =	wrdreg s9  }
0x1c: {  	s22 =	sadd.s32 $0xF0, s5;
	s23 =	sadd.s32 s20, s12;
	[smem:$0x7F7] =	sst s7  }
0x1d: {  	s24 =	sshrl.u32 s22, $0x3;
	s7 =	sadd.s32 s8, s15;
	[dreg:$0x9] =	wrdreg s23  }
0x1e: {  	s18 =	sadd.s32 $0x1E0, s5;
	s25 =	sadd.s32 s24, s13;
	[smem:$0x7F8] =	sst s7  }
0x1f: {  	s30 =	sshrl.u32 s26, $0x3;
	s29 =	sadd.s32 s24, s12;
	[dreg:$0xa] =	wrdreg s25  }
0x20: {  	s20 =	sshrl.u32 s18, $0x3;
	s31 =	sadd.s32 s30, s13;
	[dreg:$0xb] =	wrdreg s29  }
0x21: {  	s22 =	sadd.s32 $0x1B8, s5;
	s21 =	sadd.s32 s20, s13;
	[dreg:$0xc] =	wrdreg s31  }
0x22: {  	s23 =	sadd.s32 s20, s12;
	s24 =	sshrl.u32 s22, $0x3;
	[dreg:$0x12] =	wrdreg s21  }
0x23: {  	[dreg:$0x13] =	wrdreg s23;
	s25 =	sadd.s32 s24, s13  }
0x24: {  	s26 =	sadd.s32 s24, s12;
	[dreg:$0x14] =	wrdreg s25  }
0x25: {  	s9 =	sadd.s32 $0x168, s5;
	s29 =	simm.s32 $0x13B00;
	[dreg:$0x15] =	wrdreg s26  }
0x26: {  	s10 =	sshrl.u32 s9, $0x3;
	s31 =	simm.s32 $0x13C00;
	[dreg:$0x16] =	wrdreg s29  }
0x27: {  	s3 =	sadd.s32 $0x230, s5;
	s8 =	sadd.s32 s10, s13;
	[dreg:$0x17] =	wrdreg s31  }
0x28: {  	s9 =	sshrl.u32 s3, $0x3;
	s6 =	sadd.s32 s10, s12;
	[dreg:$0x4] =	wrdreg s8  }
0x29: {  	s10 =	sadd.s32 s9, s13;
	[dreg:$0x5] =	wrdreg s6  }
0x2a: {  	s7 =	sshll.u32 s11, $0x6;
	s14 =	sadd.s32 s9, s12;
	[dreg:$0xe] =	wrdreg s10  }
0x2b: {  	s11 =	sadd.s32 $0x208, s5;
	s7 =	sor.u32 $0x1C15, s7;
	[dreg:$0xf] =	wrdreg s14  }
0x2c: {  	s16 =	sshrl.u32 s11, $0x3;
	s8 =	sadd.s32 s30, s12;
	[smem:$0x7FD] =	sst s7  }
0x2d: {  	s17 =	sadd.s32 s16, s13;
	[dreg:$0xd] =	wrdreg s8  }
0x2e: {  	s28 =	simm.s32 $0x14200;
	s19 =	sadd.s32 s16, s12;
	[dreg:$0x10] =	wrdreg s17  }
0x2f: {  	s2 =	simm.s32 $0x0;
	s30 =	sadd.s32 $0x190, s5;
	[dreg:$0x11] =	wrdreg s19  }
0x30: {  	s11 =	simm.s32 $0x15;
	s10 =	simm.s32 $0x28;
	[smem:$0x7FC] =	sst s30  }
.LBB2_1:
0x31: {  	[smem:$0x7F2] =	sst s2  }
0x32: {  	s0 =	rddreg [dreg:$0x1a]  }
0x33: {  	s6 =	rddreg [dreg:$0x1b]  }
0x34: {  	s8 =	rddreg [dreg:$0x1c]  }
0x35: {  	s5 =	simm.s32 $0x13880;
	s9 =	rddreg [dreg:$0x1d]  }
0x36: {  	[tilespmem:s5], [sflag:$0x1] =	stream.linear.gather [hbm4b:s0+s4], $0x28, $0x38;
	[tilespmem:$0x1A680] =	vst v63  }
0x37: {  	s23 =	simm.s32 $0x13D80;
	s12 =	rddreg [dreg:$0x1e]  }
0x38: {  	[tilespmem:s23], [sflag:$0x1] =	stream.linear.gather [hbm4b:s6+s4], $0x28, $0x38;
	[tilespmem:$0x1A680] =	vst v63  }
0x39: {  	s18 =	simm.s32 $0x13900;
	s13 =	rddreg [dreg:$0x1f]  }
0x3a: {  	[tilespmem:s18], [sflag:$0x2] =	stream.linear.gather [hbm4b:s8+s4], $0x28, $0x38;
	[tilespmem:$0x1A680] =	vst v63  }
0x3b: {  	s14 =	sld [smem:$0x7F4];
	s6 =	simm.s32 $0x13E00  }
0x3c: {  	[tilespmem:s6], [sflag:$0x2] =	stream.linear.gather [hbm4b:s9+s4], $0x28, $0x38;
	[tilespmem:$0x1A680] =	vst v63  }
0x3d: {  	s21 =	simm.s32 $0x13980;
	s16 =	sld [smem:$0x7F5]  }
0x3e: {  	[tilespmem:s21], [sflag:$0x3] =	stream.linear.gather [hbm4b:s12+s4], $0x28, $0x38;
	[tilespmem:$0x1A680] =	vst v63  }
0x3f: {  	s17 =	sld [smem:$0x7F6];
	s12 =	simm.s32 $0x13E80  }
0x40: {  	[tilespmem:s12], [sflag:$0x3] =	stream.linear.gather [hbm4b:s13+s4], $0x28, $0x38;
	[tilespmem:$0x1A680] =	vst v63  }
0x41: {  	s22 =	sld [smem:$0x7F8];
	s8 =	simm.s32 $0x13A00  }
0x42: {  	[tilespmem:s8], [sflag:$0x4] =	stream.linear.gather [hbm4b:s14+s4], $0x28, $0x38;
	[tilespmem:$0x1A680] =	vst v63  }
0x43: {  	s31 =	simm.s32 $0x13F00;
	s19 =	sld [smem:$0x7F7]  }
0x44: {  	[tilespmem:s31], [sflag:$0x4] =	stream.linear.gather [hbm4b:s16+s4], $0x28, $0x38;
	[tilespmem:$0x1A680] =	vst v63  }
0x45: {  	s20 =	simm.s32 $0x13A80;
	s25 =	sld [smem:$0x7F9];
	s24 =	sshrl.u32 s22, $0x3  }
0x46: {  	[tilespmem:s20], [sflag:$0x5] =	stream.linear.gather [hbm4b:s17+s4], $0x28, $0x38;
	[tilespmem:$0x1A680] =	vst v63  }
0x47: {  	s30 =	simm.s32 $0x13F80;
	[smem:$0x7F3] =	sst s24  }
0x48: {  	[tilespmem:s30], [sflag:$0x5] =	stream.linear.gather [hbm4b:s19+s4], $0x28, $0x38;
	[tilespmem:$0x1A680] =	vst v63  }
0x49: {  	[spmem:s24], [sflag:s7] =	dma.local [hbm:s25], $0x2800  }
0x4a: {  	_ =	swait.ge [sflag:s11], $0x2800  }
0x4b: {  	[sflag:s11] =	ssyncset.done $0x0  }
0x4c: {  	p0 =	por $0x1, $0x1;
	[sflag:s11] =	ssyncadd.s32 $0xFFFFD800  }
0x4d: {  	s7 =	simm.s32 @!p0 $0x10;
	[bflag:$0x0] =	sbarrier.arrive $0xFFFF  }
0x4e: {  	_ =	swait.ge @!p0 [sflag:s7], $0x1400  }
0x4f: {  	s26 =	rddreg [dreg:$0xd]  }
0x50: {  	s13 =	rddreg [dreg:$0x16];
	[sflag:s7] =	ssyncset.done @!p0 $0x0  }
0x51: {  	s16 =	rddreg [dreg:$0xc];
	[sflag:s7] =	ssyncadd.s32 @!p0 $0xFFFFEC00;
	s29 =	sadd.s32 $0x0, s26  }
0x52: {  	[tilespmem:s13], [sflag:$0x6] =	stream.linear.gather [hbm4b:s29+s4], $0x28, $0x38;
	[tilespmem:$0x1A680] =	vst v63  }
0x53: {  	s3 =	simm.s32 $0x14000;
	s2 =	simm.s32 $0x1;
	s0 =	sadd.s32 $0x0, s16  }
0x54: {  	[tilespmem:s3], [sflag:$0x6] =	stream.linear.gather [hbm4b:s0+s4], $0x28, $0x38;
	[tilespmem:$0x1A680] =	vst v63  }
0x55: {  	_ =	swait.ge [sflag:s2], $0x28  }
0x56: {  	[sflag:s2] =	ssyncset.done $0x0  }
0x57: {  	[sflag:s2] =	ssyncadd.s32 $0xFFFFFFD8  }
0x58: {  	_ =	swait.ge [sflag:s2], $0x28  }
0x59: {  	[sflag:s2] =	ssyncset.done $0x0  }
0x5a: {  	s22 =	simm.s32 $0x14280;
	s7 =	simm.s32 @!p0 $0x11;
	[sflag:s2] =	ssyncadd.s32 $0xFFFFFFD8  }
0x5b: {  	[tilespmem:s22], [sflag:$0xB] =	stream.indirect.gather [hbm4b:s1+s10], $0x80, s5, s10, $0xb8;
	[tilespmem:$0x1A680] =	vst v63  }
0x5c: {  	_ =	swait.ge @!p0 [sflag:s7], $0x1400  }
0x5d: {  	s25 =	simm.s32 $0x13B80;
	s5 =	rddreg [dreg:$0xb];
	[sflag:s7] =	ssyncset.done @!p0 $0x0  }
0x5e: {  	s9 =	rddreg [dreg:$0xa];
	[sflag:s7] =	ssyncadd.s32 @!p0 $0xFFFFEC00;
	s11 =	sadd.s32 $0x0, s5  }
0x5f: {  	[tilespmem:s25], [sflag:$0x7] =	stream.linear.gather [hbm4b:s11+s4], $0x28, $0x38;
	[tilespmem:$0x1A680] =	vst v63  }
0x60: {  	s16 =	simm.s32 $0x2;
	s14 =	sadd.s32 $0x0, s9;
	s9 =	simm.s32 $0x14080  }
0x61: {  	[tilespmem:s9], [sflag:$0x7] =	stream.linear.gather [hbm4b:s14+s4], $0x28, $0x38;
	[tilespmem:$0x1A680] =	vst v63  }
0x62: {  	_ =	swait.ge [sflag:s16], $0x28  }
0x63: {  	[sflag:s16] =	ssyncset.done $0x0  }
0x64: {  	[sflag:s16] =	ssyncadd.s32 $0xFFFFFFD8  }
0x65: {  	_ =	swait.ge [sflag:s16], $0x28  }
0x66: {  	[sflag:s16] =	ssyncset.done $0x0  }
0x67: {  	s7 =	simm.s32 @!p0 $0x12;
	s14 =	simm.s32 $0x15680;
	[sflag:s16] =	ssyncadd.s32 $0xFFFFFFD8  }
0x68: {  	[tilespmem:s14], [sflag:$0xC] =	stream.indirect.gather [hbm4b:s1+s10], $0x80, s18, s10, $0xb8;
	[tilespmem:$0x1A680] =	vst v63  }
0x69: {  	_ =	swait.ge @!p0 [sflag:s7], $0x1400  }
0x6a: {  	s17 =	rddreg [dreg:$0x9]  }
0x6b: {  	s18 =	rddreg [dreg:$0x17];
	[sflag:s7] =	ssyncset.done @!p0 $0x0  }
0x6c: {  	s19 =	rddreg [dreg:$0x8];
	[sflag:s7] =	ssyncadd.s32 @!p0 $0xFFFFEC00;
	s24 =	sadd.s32 $0x0, s17  }
0x6d: {  	[tilespmem:s18], [sflag:$0x8] =	stream.linear.gather [hbm4b:s24+s4], $0x28, $0x38;
	[tilespmem:$0x1A680] =	vst v63  }
0x6e: {  	s29 =	simm.s32 $0x3;
	s26 =	sadd.s32 $0x0, s19;
	s17 =	simm.s32 $0x14100  }
0x6f: {  	[tilespmem:s17], [sflag:$0x8] =	stream.linear.gather [hbm4b:s26+s4], $0x28, $0x38;
	[tilespmem:$0x1A680] =	vst v63  }
0x70: {  	_ =	swait.ge [sflag:s29], $0x28  }
0x71: {  	[sflag:s29] =	ssyncset.done $0x0  }
0x72: {  	[sflag:s29] =	ssyncadd.s32 $0xFFFFFFD8  }
0x73: {  	_ =	swait.ge [sflag:s29], $0x28  }
0x74: {  	[sflag:s29] =	ssyncset.done $0x0  }
0x75: {  	s7 =	simm.s32 @!p0 $0x13;
	s19 =	simm.s32 $0x16A80;
	[sflag:s29] =	ssyncadd.s32 $0xFFFFFFD8  }
0x76: {  	[tilespmem:s19], [sflag:$0xD] =	stream.indirect.gather [hbm4b:s1+s10], $0x80, s21, s10, $0xb8;
	[tilespmem:$0x1A680] =	vst v63  }
0x77: {  	_ =	swait.ge @!p0 [sflag:s7], $0x1400  }
0x78: {  	s21 =	simm.s32 $0x13C80;
	s2 =	rddreg [dreg:$0x7];
	[sflag:s7] =	ssyncset.done @!p0 $0x0  }
0x79: {  	s5 =	rddreg [dreg:$0x6];
	[sflag:s7] =	ssyncadd.s32 @!p0 $0xFFFFEC00;
	s16 =	sadd.s32 $0x0, s2  }
0x7a: {  	[tilespmem:s21], [sflag:$0x9] =	stream.linear.gather [hbm4b:s16+s4], $0x28, $0x38;
	[tilespmem:$0x1A680] =	vst v63  }
0x7b: {  	s24 =	simm.s32 $0x14180;
	s26 =	simm.s32 $0x4;
	s18 =	sadd.s32 $0x0, s5  }
0x7c: {  	[tilespmem:s24], [sflag:$0x9] =	stream.linear.gather [hbm4b:s18+s4], $0x28, $0x38;
	[tilespmem:$0x1A680] =	vst v63  }
0x7d: {  	_ =	swait.ge [sflag:s26], $0x28  }
0x7e: {  	[sflag:s26] =	ssyncset.done $0x0  }
0x7f: {  	[sflag:s26] =	ssyncadd.s32 $0xFFFFFFD8  }
0x80: {  	_ =	swait.ge [sflag:s26], $0x28  }
0x81: {  	[sflag:s26] =	ssyncset.done $0x0  }
0x82: {  	s7 =	simm.s32 @!p0 $0x14;
	[sflag:s26] =	ssyncadd.s32 $0xFFFFFFD8;
	s26 =	simm.s32 $0x17E80  }
0x83: {  	[tilespmem:s26], [sflag:$0xE] =	stream.indirect.gather [hbm4b:s1+s10], $0x80, s8, s10, $0xb8;
	[tilespmem:$0x1A680] =	vst v63  }
0x84: {  	_ =	swait.ge @!p0 [sflag:s7], $0x1400  }
0x85: {  	s8 =	simm.s32 $0x13D00;
	s29 =	rddreg [dreg:$0x5];
	[sflag:s7] =	ssyncset.done @!p0 $0x0  }
0x86: {  	s0 =	rddreg [dreg:$0x4];
	[sflag:s7] =	ssyncadd.s32 @!p0 $0xFFFFEC00;
	s2 =	sadd.s32 $0x0, s29  }
0x87: {  	[tilespmem:s8], [sflag:$0xA] =	stream.linear.gather [hbm4b:s2+s4], $0x28, $0x38;
	[tilespmem:$0x1A680] =	vst v63  }
0x88: {  	s5 =	sadd.s32 $0x0, s0;
	s7 =	simm.s32 $0x5  }
0x89: {  	[tilespmem:s28], [sflag:$0xA] =	stream.linear.gather [hbm4b:s5+s4], $0x28, $0x38;
	[tilespmem:$0x1A680] =	vst v63  }
0x8a: {  	_ =	swait.ge [sflag:s7], $0x28  }
0x8b: {  	[sflag:s7] =	ssyncset.done $0x0  }
0x8c: {  	[sflag:s7] =	ssyncadd.s32 $0xFFFFFFD8  }
0x8d: {  	_ =	swait.ge [sflag:s7], $0x28  }
0x8e: {  	[sflag:s7] =	ssyncset.done $0x0  }
0x8f: {  	s29 =	simm.s32 $0xB;
	s28 =	simm.s32 $0x19280;
	[sflag:s7] =	ssyncadd.s32 $0xFFFFFFD8  }
0x90: {  	[tilespmem:s28], [sflag:$0xF] =	stream.indirect.gather [hbm4b:s1+s10], $0x80, s20, s10, $0xb8;
	[tilespmem:$0x1A680] =	vst v63  }
0x91: {  	_ =	swait.ge [sflag:s29], $0x1400  }
0x92: {  	[sflag:s29] =	ssyncset.done $0x0  }
0x93: {  	s2 =	simm.s32 $0xC;
	[sflag:s29] =	ssyncadd.s32 $0xFFFFEC00  }
0x94: {  	[spmem:s15] =	stream.indirect.scatter.add.f32 [tilespmem:s22], [sflag:$0x10], $0x80, s23, s10, $0xb8;
	[tilespmem:$0x1A680] =	vst v63  }
0x95: {  	_ =	swait.ge [sflag:s2], $0x1400  }
0x96: {  	[sflag:s2] =	ssyncset.done $0x0  }
0x97: {  	[sflag:s2] =	ssyncadd.s32 $0xFFFFEC00  }
0x98: {  	[spmem:s15] =	stream.indirect.scatter.add.f32 [tilespmem:s14], [sflag:$0x11], $0x80, s6, s10, $0xb8;
	[tilespmem:$0x1A680] =	vst v63  }
0x99: {  	s6 =	simm.s32 $0xD  }
0x9a: {  	_ =	swait.ge [sflag:s6], $0x1400  }
0x9b: {  	[sflag:s6] =	ssyncset.done $0x0  }
0x9c: {  	[sflag:s6] =	ssyncadd.s32 $0xFFFFEC00  }
0x9d: {  	[spmem:s15] =	stream.indirect.scatter.add.f32 [tilespmem:s19], [sflag:$0x12], $0x80, s12, s10, $0xb8;
	[tilespmem:$0x1A680] =	vst v63  }
0x9e: {  	s12 =	simm.s32 $0xE  }
0x9f: {  	_ =	swait.ge [sflag:s12], $0x1400  }
0xa0: {  	[sflag:s12] =	ssyncset.done $0x0  }
0xa1: {  	s23 =	simm.s32 $0xF;
	[sflag:s12] =	ssyncadd.s32 $0xFFFFEC00  }
0xa2: {  	[spmem:s15] =	stream.indirect.scatter.add.f32 [tilespmem:s26], [sflag:$0x13], $0x80, s31, s10, $0xb8;
	[tilespmem:$0x1A680] =	vst v63  }
0xa3: {  	_ =	swait.ge [sflag:s23], $0x1400  }
0xa4: {  	[sflag:s23] =	ssyncset.done $0x0  }
0xa5: {  	s11 =	simm.s32 $0x10;
	[sflag:s23] =	ssyncadd.s32 $0xFFFFEC00  }
0xa6: {  	[spmem:s15] =	stream.indirect.scatter.add.f32 [tilespmem:s28], [sflag:$0x14], $0x80, s30, s10, $0xb8;
	[tilespmem:$0x1A680] =	vst v63  }
0xa7: {  	_ =	swait.ge [sflag:s11], $0x1400  }
0xa8: {  	p0 =	por $0x0, $0x0;
	[sflag:s11] =	ssyncset.done $0x0  }
0xa9: {  	s7 =	simm.s32 @p0 $0x6;
	[sflag:s11] =	ssyncadd.s32 $0xFFFFEC00  }
0xaa: {  	_ =	swait.ge @p0 [sflag:s7], $0x28  }
0xab: {  	[sflag:s7] =	ssyncset.done @p0 $0x0  }
0xac: {  	[sflag:s7] =	ssyncadd.s32 @p0 $0xFFFFFFD8  }
0xad: {  	s13 =	simm.s32 @p0 $0x11;
	_ =	swait.ge @p0 [sflag:s7], $0x28  }
0xae: {  	s16 =	simm.s32 @p0 $0x28;
	s11 =	simm.s32 @p0 $0x14280;
	[sflag:s7] =	ssyncset.done @p0 $0x0  }
0xaf: {  	s5 =	sld [smem:$0x7FC];
	[sflag:s7] =	ssyncadd.s32 @p0 $0xFFFFFFD8;
	s7 =	simm.s32 @p0 $0x13B00  }
0xb0: {  	[tilespmem:s11], [sflag:$0xB] =	stream.indirect.gather @p0 [hbm4b:s1+s16], $0x80, s7, s16, $0xb8;
	[tilespmem:$0x1A680] =	vst v63  }
0xb1: {  	_ =	swait.ge @p0 [sflag:s13], $0x1400  }
0xb2: {  	s11 =	sshrl.u32 @!p0 s5, $0x3;
	s0 =	rddreg [dreg:$0x18]  }
0xb3: {  	s7 =	simm.s32 @!p0 $0x0;
	[sflag:s13] =	ssyncset.done @p0 $0x0;
	s18 =	sadd.s32 @!p0 s0, s11  }
0xb4: {  	[sflag:s13] =	ssyncadd.s32 @p0 $0xFFFFEC00;
	s13 =	simm.s32 @!p0 $0x13880;
	s0 =	rddreg [dreg:$0x19]  }
0xb5: {  	[tilespmem:s13], [sflag:$0x1] =	stream.linear.gather @!p0 [hbm4b:s18+s7], $0x28, $0x38;
	[tilespmem:$0x1A680] =	vst v63  }
0xb6: {  	s11 =	sadd.s32 @!p0 s0, s11;
	s13 =	simm.s32 @!p0 $0x13D80;
	s18 =	simm.s32 @!p0 $0x6  }
0xb7: {  	[tilespmem:s13], [sflag:$0x1] =	stream.linear.gather @!p0 [hbm4b:s11+s7], $0x28, $0x38;
	[tilespmem:$0x1A680] =	vst v63  }
0xb8: {  	_ =	swait.ge @!p0 [sflag:s18], $0x28  }
0xb9: {  	[sflag:s18] =	ssyncset.done @!p0 $0x0  }
0xba: {  	[sflag:s18] =	ssyncadd.s32 @!p0 $0xFFFFFFD8  }
0xbb: {  	_ =	swait.ge @!p0 [sflag:s18], $0x28  }
0xbc: {  	s20 =	simm.s32 @!p0 $0x13B00;
	s11 =	simm.s32 @!p0 $0x14280;
	[sflag:s18] =	ssyncset.done @!p0 $0x0  }
0xbd: {  	s13 =	simm.s32 @!p0 $0x11;
	[sflag:s18] =	ssyncadd.s32 @!p0 $0xFFFFFFD8;
	s18 =	simm.s32 @!p0 $0x28  }
0xbe: {  	[tilespmem:s11], [sflag:$0xB] =	stream.indirect.gather @!p0 [hbm4b:s1+s18], $0x80, s20, s18, $0xb8;
	[tilespmem:$0x1A680] =	vst v63  }
0xbf: {  	_ =	swait.ge @!p0 [sflag:s13], $0x1400  }
0xc0: {  	s11 =	rddreg [dreg:$0x15]  }
0xc1: {  	[sflag:s13] =	ssyncset.done @!p0 $0x0;
	s20 =	rddreg [dreg:$0x14]  }
0xc2: {  	[sflag:s13] =	ssyncadd.s32 @!p0 $0xFFFFEC00;
	s11 =	sadd.s32 @!p0 $0x0, s11;
	s13 =	simm.s32 @!p0 $0x13900  }
0xc3: {  	[tilespmem:s13], [sflag:$0x2] =	stream.linear.gather @!p0 [hbm4b:s11+s7], $0x28, $0x38;
	[tilespmem:$0x1A680] =	vst v63  }
0xc4: {  	s11 =	sadd.s32 @!p0 $0x0, s20;
	s13 =	simm.s32 @!p0 $0x13E00  }
0xc5: {  	[tilespmem:s13], [sflag:$0x2] =	stream.linear.gather @!p0 [hbm4b:s11+s7], $0x28, $0x38;
	[tilespmem:$0x1A680] =	vst v63  }
0xc6: {  	s13 =	simm.s32 $0x7  }
0xc7: {  	_ =	swait.ge [sflag:s13], $0x28  }
0xc8: {  	[sflag:s13] =	ssyncset.done $0x0  }
0xc9: {  	[sflag:s13] =	ssyncadd.s32 $0xFFFFFFD8  }
0xca: {  	_ =	swait.ge [sflag:s13], $0x28  }
0xcb: {  	[sflag:s13] =	ssyncset.done $0x0  }
0xcc: {  	s20 =	simm.s32 $0x12;
	[sflag:s13] =	ssyncadd.s32 $0xFFFFFFD8  }
0xcd: {  	[tilespmem:s14], [sflag:$0xC] =	stream.indirect.gather [hbm4b:s1+s10], $0x80, s25, s10, $0xb8;
	[tilespmem:$0x1A680] =	vst v63  }
0xce: {  	_ =	swait.ge [sflag:s20], $0x1400  }
0xcf: {  	[sflag:s20] =	ssyncset.done $0x0  }
0xd0: {  	s11 =	simm.s32 @p0 $0x8;
	[sflag:s20] =	ssyncadd.s32 $0xFFFFEC00  }
0xd1: {  	_ =	swait.ge @p0 [sflag:s11], $0x28  }
0xd2: {  	[sflag:s11] =	ssyncset.done @p0 $0x0  }
0xd3: {  	[sflag:s11] =	ssyncadd.s32 @p0 $0xFFFFFFD8  }
0xd4: {  	_ =	swait.ge @p0 [sflag:s11], $0x28  }
0xd5: {  	[sflag:s11] =	ssyncset.done @p0 $0x0  }
0xd6: {  	s13 =	simm.s32 @p0 $0x16A80;
	[sflag:s11] =	ssyncadd.s32 @p0 $0xFFFFFFD8;
	s11 =	simm.s32 @p0 $0x13C00  }
0xd7: {  	[tilespmem:s13], [sflag:$0xD] =	stream.indirect.gather @p0 [hbm4b:s1+s16], $0x80, s11, s16, $0xb8;
	[tilespmem:$0x1A680] =	vst v63  }
0xd8: {  	s11 =	simm.s32 @p0 $0x13  }
0xd9: {  	_ =	swait.ge @p0 [sflag:s11], $0x1400  }
0xda: {  	s13 =	rddreg [dreg:$0x13]  }
0xdb: {  	[sflag:s11] =	ssyncset.done @p0 $0x0;
	s16 =	rddreg [dreg:$0x12]  }
0xdc: {  	[sflag:s11] =	ssyncadd.s32 @p0 $0xFFFFEC00;
	s11 =	sadd.s32 @!p0 $0x0, s13;
	s13 =	simm.s32 @!p0 $0x13980  }
0xdd: {  	[tilespmem:s13], [sflag:$0x3] =	stream.linear.gather @!p0 [hbm4b:s11+s7], $0x28, $0x38;
	[tilespmem:$0x1A680] =	vst v63  }
0xde: {  	s11 =	sadd.s32 @!p0 $0x0, s16;
	s13 =	simm.s32 @!p0 $0x13E80  }
0xdf: {  	[tilespmem:s13], [sflag:$0x3] =	stream.linear.gather @!p0 [hbm4b:s11+s7], $0x28, $0x38;
	[tilespmem:$0x1A680] =	vst v63  }
0xe0: {  	s11 =	simm.s32 @!p0 $0x8  }
0xe1: {  	_ =	swait.ge @!p0 [sflag:s11], $0x28  }
0xe2: {  	[sflag:s11] =	ssyncset.done @!p0 $0x0  }
0xe3: {  	[sflag:s11] =	ssyncadd.s32 @!p0 $0xFFFFFFD8  }
0xe4: {  	_ =	swait.ge @!p0 [sflag:s11], $0x28  }
0xe5: {  	[sflag:s11] =	ssyncset.done @!p0 $0x0  }
0xe6: {  	s13 =	simm.s32 @!p0 $0x16A80;
	[sflag:s11] =	ssyncadd.s32 @!p0 $0xFFFFFFD8;
	s11 =	simm.s32 @!p0 $0x13C00  }
0xe7: {  	[tilespmem:s13], [sflag:$0xD] =	stream.indirect.gather @!p0 [hbm4b:s1+s18], $0x80, s11, s18, $0xb8;
	[tilespmem:$0x1A680] =	vst v63  }
0xe8: {  	s11 =	simm.s32 @!p0 $0x13  }
0xe9: {  	_ =	swait.ge @!p0 [sflag:s11], $0x1400  }
0xea: {  	s13 =	rddreg [dreg:$0x11]  }
0xeb: {  	[sflag:s11] =	ssyncset.done @!p0 $0x0;
	s16 =	rddreg [dreg:$0x10]  }
0xec: {  	[sflag:s11] =	ssyncadd.s32 @!p0 $0xFFFFEC00;
	s11 =	sadd.s32 @!p0 $0x0, s13;
	s13 =	simm.s32 @!p0 $0x13A00  }
0xed: {  	[tilespmem:s13], [sflag:$0x4] =	stream.linear.gather @!p0 [hbm4b:s11+s7], $0x28, $0x38;
	[tilespmem:$0x1A680] =	vst v63  }
0xee: {  	s25 =	simm.s32 $0x9;
	s11 =	sadd.s32 @!p0 $0x0, s16;
	s13 =	simm.s32 @!p0 $0x13F00  }
0xef: {  	[tilespmem:s13], [sflag:$0x4] =	stream.linear.gather @!p0 [hbm4b:s11+s7], $0x28, $0x38;
	[tilespmem:$0x1A680] =	vst v63  }
0xf0: {  	_ =	swait.ge [sflag:s25], $0x28  }
0xf1: {  	[sflag:s25] =	ssyncset.done $0x0  }
0xf2: {  	[sflag:s25] =	ssyncadd.s32 $0xFFFFFFD8  }
0xf3: {  	_ =	swait.ge [sflag:s25], $0x28  }
0xf4: {  	[sflag:s25] =	ssyncset.done $0x0  }
0xf5: {  	s30 =	simm.s32 $0x14;
	[sflag:s25] =	ssyncadd.s32 $0xFFFFFFD8  }
0xf6: {  	[tilespmem:s26], [sflag:$0xE] =	stream.indirect.gather [hbm4b:s1+s10], $0x80, s21, s10, $0xb8;
	[tilespmem:$0x1A680] =	vst v63  }
0xf7: {  	_ =	swait.ge [sflag:s30], $0x1400  }
0xf8: {  	s16 =	simm.s32 @!p0 $0x13A80;
	s11 =	rddreg [dreg:$0xf];
	[sflag:s30] =	ssyncset.done $0x0  }
0xf9: {  	s13 =	rddreg [dreg:$0xe];
	[sflag:s30] =	ssyncadd.s32 $0xFFFFEC00;
	s11 =	sadd.s32 @!p0 $0x0, s11  }
0xfa: {  	[tilespmem:s16], [sflag:$0x5] =	stream.linear.gather @!p0 [hbm4b:s11+s7], $0x28, $0x38;
	[tilespmem:$0x1A680] =	vst v63  }
0xfb: {  	s31 =	simm.s32 $0xA;
	s11 =	sadd.s32 @!p0 $0x0, s13;
	s13 =	simm.s32 @!p0 $0x13F80  }
0xfc: {  	[tilespmem:s13], [sflag:$0x5] =	stream.linear.gather @!p0 [hbm4b:s11+s7], $0x28, $0x38;
	[tilespmem:$0x1A680] =	vst v63  }
0xfd: {  	_ =	swait.ge [sflag:s31], $0x28  }
0xfe: {  	[sflag:s31] =	ssyncset.done $0x0  }
0xff: {  	[sflag:s31] =	ssyncadd.s32 $0xFFFFFFD8  }
0x100: {  	_ =	swait.ge [sflag:s31], $0x28  }
0x101: {  	[sflag:s31] =	ssyncset.done $0x0  }
0x102: {  	[sflag:s31] =	ssyncadd.s32 $0xFFFFFFD8  }
0x103: {  	[tilespmem:s28], [sflag:$0xF] =	stream.indirect.gather [hbm4b:s1+s10], $0x80, s8, s10, $0xb8;
	[tilespmem:$0x1A680] =	vst v63  }
0x104: {  	_ =	swait.ge [sflag:s29], $0x1400  }
0x105: {  	[sflag:s29] =	ssyncset.done $0x0  }
0x106: {  	[sflag:s29] =	ssyncadd.s32 $0xFFFFEC00  }
0x107: {  	[spmem:s15] =	stream.indirect.scatter.add.f32 [tilespmem:s22], [sflag:$0x10], $0x80, s3, s10, $0xb8;
	[tilespmem:$0x1A680] =	vst v63  }
0x108: {  	_ =	swait.ge [sflag:s2], $0x1400  }
0x109: {  	[sflag:s2] =	ssyncset.done $0x0  }
0x10a: {  	[sflag:s2] =	ssyncadd.s32 $0xFFFFEC00  }
0x10b: {  	[spmem:s15] =	stream.indirect.scatter.add.f32 [tilespmem:s14], [sflag:$0x11], $0x80, s9, s10, $0xb8;
	[tilespmem:$0x1A680] =	vst v63  }
0x10c: {  	_ =	swait.ge [sflag:s6], $0x1400  }
0x10d: {  	[sflag:s6] =	ssyncset.done $0x0  }
0x10e: {  	[sflag:s6] =	ssyncadd.s32 $0xFFFFEC00  }
0x10f: {  	[spmem:s15] =	stream.indirect.scatter.add.f32 [tilespmem:s19], [sflag:$0x12], $0x80, s17, s10, $0xb8;
	[tilespmem:$0x1A680] =	vst v63  }
0x110: {  	_ =	swait.ge [sflag:s12], $0x1400  }
0x111: {  	[sflag:s12] =	ssyncset.done $0x0  }
0x112: {  	p1 =	por $0x0, $0x0;
	[sflag:s12] =	ssyncadd.s32 $0xFFFFEC00  }
0x113: {  	[spmem:s15] =	stream.indirect.scatter.add.f32 [tilespmem:s26], [sflag:$0x13], $0x80, s24, s10, $0xb8;
	[tilespmem:$0x1A680] =	vst v63  }
0x114: {  	s20 =	simm.s32 $0x3;
	s21 =	simm.s32 $0x64;
	_ =	swait.ge [sflag:s23], $0x1400  }
0x115: {  	s16 =	sadd.s32 $0x190, s5;
	s13 =	simm.s32 $0x32;
	[sflag:s23] =	ssyncset.done $0x0  }
.LBB2_2:
0x116: {  	s11 =	simm.s32 @!p1 $0x10;
	s3 =	simm.s32 $0xF  }
0x117: {  	s8 =	simm.s32 $0x14200;
	s30 =	simm.s32 $0x19280;
	[sflag:s3] =	ssyncadd.s32 $0xFFFFEC00  }
0x118: {  	[spmem:s15] =	stream.indirect.scatter.add.f32 [tilespmem:s30], [sflag:$0x14], $0x80, s8, s10, $0xb8;
	[tilespmem:$0x1A680] =	vst v63  }
0x119: {  	_ =	swait.ge @!p1 [sflag:s11], $0x1400  }
0x11a: {  	s18 =	rddreg [dreg:$0xd]  }
0x11b: {  	[sflag:s11] =	ssyncset.done @!p1 $0x0;
	s22 =	rddreg [dreg:$0x16]  }
0x11c: {  	s23 =	rddreg [dreg:$0xc];
	[sflag:s11] =	ssyncadd.s32 @!p1 $0xFFFFEC00;
	s18 =	sadd.s32 s13, s18  }
0x11d: {  	[tilespmem:s22], [sflag:$0x6] =	stream.linear.gather [hbm4b:s18+s4], $0x28, $0x38;
	[tilespmem:$0x1A680] =	vst v63  }
0x11e: {  	s0 =	simm.s32 $0x14000;
	s25 =	simm.s32 $0x1;
	s24 =	sadd.s32 s13, s23  }
0x11f: {  	[tilespmem:s0], [sflag:$0x6] =	stream.linear.gather [hbm4b:s24+s4], $0x28, $0x38;
	[tilespmem:$0x1A680] =	vst v63  }
0x120: {  	_ =	swait.ge [sflag:s25], $0x28  }
0x121: {  	[sflag:s25] =	ssyncset.done $0x0  }
0x122: {  	[sflag:s25] =	ssyncadd.s32 $0xFFFFFFD8  }
0x123: {  	_ =	swait.ge [sflag:s25], $0x28  }
0x124: {  	s26 =	simm.s32 $0x13880;
	[sflag:s25] =	ssyncset.done $0x0  }
0x125: {  	s11 =	simm.s32 @!p1 $0x11;
	s22 =	simm.s32 $0x14280;
	[sflag:s25] =	ssyncadd.s32 $0xFFFFFFD8  }
0x126: {  	[tilespmem:s22], [sflag:$0xB] =	stream.indirect.gather [hbm4b:s1+s10], $0x80, s26, s10, $0xb8;
	[tilespmem:$0x1A680] =	vst v63  }
0x127: {  	_ =	swait.ge @!p1 [sflag:s11], $0x1400  }
0x128: {  	s25 =	simm.s32 $0x13B80;
	s28 =	rddreg [dreg:$0xb];
	[sflag:s11] =	ssyncset.done @!p1 $0x0  }
0x129: {  	s29 =	rddreg [dreg:$0xa];
	[sflag:s11] =	ssyncadd.s32 @!p1 $0xFFFFEC00;
	s31 =	sadd.s32 s13, s28  }
0x12a: {  	[tilespmem:s25], [sflag:$0x7] =	stream.linear.gather [hbm4b:s31+s4], $0x28, $0x38;
	[tilespmem:$0x1A680] =	vst v63  }
0x12b: {  	s9 =	simm.s32 $0x14080;
	s2 =	simm.s32 $0x2;
	s0 =	sadd.s32 s13, s29  }
0x12c: {  	[tilespmem:s9], [sflag:$0x7] =	stream.linear.gather [hbm4b:s0+s4], $0x28, $0x38;
	[tilespmem:$0x1A680] =	vst v63  }
0x12d: {  	_ =	swait.ge [sflag:s2], $0x28  }
0x12e: {  	[sflag:s2] =	ssyncset.done $0x0  }
0x12f: {  	[sflag:s2] =	ssyncadd.s32 $0xFFFFFFD8  }
0x130: {  	_ =	swait.ge [sflag:s2], $0x28  }
0x131: {  	s5 =	simm.s32 $0x13900;
	[sflag:s2] =	ssyncset.done $0x0  }
0x132: {  	s14 =	simm.s32 $0x15680;
	s11 =	simm.s32 @!p1 $0x12;
	[sflag:s2] =	ssyncadd.s32 $0xFFFFFFD8  }
0x133: {  	[tilespmem:s14], [sflag:$0xC] =	stream.indirect.gather [hbm4b:s1+s10], $0x80, s5, s10, $0xb8;
	[tilespmem:$0x1A680] =	vst v63  }
0x134: {  	_ =	swait.ge @!p1 [sflag:s11], $0x1400  }
0x135: {  	s6 =	rddreg [dreg:$0x9]  }
0x136: {  	s12 =	rddreg [dreg:$0x17];
	[sflag:s11] =	ssyncset.done @!p1 $0x0  }
0x137: {  	s17 =	rddreg [dreg:$0x8];
	[sflag:s11] =	ssyncadd.s32 @!p1 $0xFFFFEC00;
	s19 =	sadd.s32 s13, s6  }
0x138: {  	[tilespmem:s12], [sflag:$0x8] =	stream.linear.gather [hbm4b:s19+s4], $0x28, $0x38;
	[tilespmem:$0x1A680] =	vst v63  }
0x139: {  	s23 =	simm.s32 $0x3;
	s0 =	sadd.s32 s13, s17;
	s17 =	simm.s32 $0x14100  }
0x13a: {  	[tilespmem:s17], [sflag:$0x8] =	stream.linear.gather [hbm4b:s0+s4], $0x28, $0x38;
	[tilespmem:$0x1A680] =	vst v63  }
0x13b: {  	_ =	swait.ge [sflag:s23], $0x28  }
0x13c: {  	[sflag:s23] =	ssyncset.done $0x0  }
0x13d: {  	[sflag:s23] =	ssyncadd.s32 $0xFFFFFFD8  }
0x13e: {  	_ =	swait.ge [sflag:s23], $0x28  }
0x13f: {  	s5 =	simm.s32 $0x13980;
	[sflag:s23] =	ssyncset.done $0x0  }
0x140: {  	s19 =	simm.s32 $0x16A80;
	s0 =	simm.s32 @!p1 $0x13;
	[sflag:s23] =	ssyncadd.s32 $0xFFFFFFD8  }
0x141: {  	[tilespmem:s19], [sflag:$0xD] =	stream.indirect.gather [hbm4b:s1+s10], $0x80, s5, s10, $0xb8;
	[tilespmem:$0x1A680] =	vst v63  }
0x142: {  	_ =	swait.ge @!p1 [sflag:s0], $0x1400  }
0x143: {  	s24 =	rddreg [dreg:$0x7]  }
0x144: {  	[sflag:s0] =	ssyncset.done @!p1 $0x0;
	s26 =	rddreg [dreg:$0x6]  }
0x145: {  	[sflag:s0] =	ssyncadd.s32 @!p1 $0xFFFFEC00;
	s28 =	sadd.s32 s13, s24;
	s24 =	simm.s32 $0x13C80  }
0x146: {  	[tilespmem:s24], [sflag:$0x9] =	stream.linear.gather [hbm4b:s28+s4], $0x28, $0x38;
	[tilespmem:$0x1A680] =	vst v63  }
0x147: {  	s31 =	simm.s32 $0x4;
	s29 =	sadd.s32 s13, s26;
	s26 =	simm.s32 $0x14180  }
0x148: {  	[tilespmem:s26], [sflag:$0x9] =	stream.linear.gather [hbm4b:s29+s4], $0x28, $0x38;
	[tilespmem:$0x1A680] =	vst v63  }
0x149: {  	_ =	swait.ge [sflag:s31], $0x28  }
0x14a: {  	[sflag:s31] =	ssyncset.done $0x0  }
0x14b: {  	[sflag:s31] =	ssyncadd.s32 $0xFFFFFFD8  }
0x14c: {  	_ =	swait.ge [sflag:s31], $0x28  }
0x14d: {  	s2 =	simm.s32 $0x13A00;
	[sflag:s31] =	ssyncset.done $0x0  }
0x14e: {  	s0 =	simm.s32 @!p1 $0x14;
	s28 =	simm.s32 $0x17E80;
	[sflag:s31] =	ssyncadd.s32 $0xFFFFFFD8  }
0x14f: {  	[tilespmem:s28], [sflag:$0xE] =	stream.indirect.gather [hbm4b:s1+s10], $0x80, s2, s10, $0xb8;
	[tilespmem:$0x1A680] =	vst v63  }
0x150: {  	_ =	swait.ge @!p1 [sflag:s0], $0x1400  }
0x151: {  	s29 =	simm.s32 $0x13D00;
	s5 =	rddreg [dreg:$0x5];
	[sflag:s0] =	ssyncset.done @!p1 $0x0  }
0x152: {  	s6 =	rddreg [dreg:$0x4];
	[sflag:s0] =	ssyncadd.s32 @!p1 $0xFFFFEC00;
	s12 =	sadd.s32 s13, s5  }
0x153: {  	[tilespmem:s29], [sflag:$0xA] =	stream.linear.gather [hbm4b:s12+s4], $0x28, $0x38;
	[tilespmem:$0x1A680] =	vst v63  }
0x154: {  	s31 =	simm.s32 $0x5;
	s23 =	sadd.s32 s13, s6  }
0x155: {  	[tilespmem:s8], [sflag:$0xA] =	stream.linear.gather [hbm4b:s23+s4], $0x28, $0x38;
	[tilespmem:$0x1A680] =	vst v63  }
0x156: {  	_ =	swait.ge [sflag:s31], $0x28  }
0x157: {  	[sflag:s31] =	ssyncset.done $0x0  }
0x158: {  	[sflag:s31] =	ssyncadd.s32 $0xFFFFFFD8  }
0x159: {  	_ =	swait.ge [sflag:s31], $0x28  }
0x15a: {  	[sflag:s31] =	ssyncset.done $0x0  }
0x15b: {  	s2 =	simm.s32 $0x13A80;
	[sflag:s31] =	ssyncadd.s32 $0xFFFFFFD8;
	s31 =	simm.s32 $0xB  }
0x15c: {  	[tilespmem:s30], [sflag:$0xF] =	stream.indirect.gather [hbm4b:s1+s10], $0x80, s2, s10, $0xb8;
	[tilespmem:$0x1A680] =	vst v63  }
0x15d: {  	_ =	swait.ge [sflag:s31], $0x1400  }
0x15e: {  	[sflag:s31] =	ssyncset.done $0x0  }
0x15f: {  	s5 =	simm.s32 $0x13D80;
	s2 =	simm.s32 $0xC;
	[sflag:s31] =	ssyncadd.s32 $0xFFFFEC00  }
0x160: {  	[spmem:s15] =	stream.indirect.scatter.add.f32 [tilespmem:s22], [sflag:$0x10], $0x80, s5, s10, $0xb8;
	[tilespmem:$0x1A680] =	vst v63  }
0x161: {  	_ =	swait.ge [sflag:s2], $0x1400  }
0x162: {  	[sflag:s2] =	ssyncset.done $0x0  }
0x163: {  	s6 =	simm.s32 $0x13E00;
	[sflag:s2] =	ssyncadd.s32 $0xFFFFEC00  }
0x164: {  	[spmem:s15] =	stream.indirect.scatter.add.f32 [tilespmem:s14], [sflag:$0x11], $0x80, s6, s10, $0xb8;
	[tilespmem:$0x1A680] =	vst v63  }
0x165: {  	s6 =	simm.s32 $0xD  }
0x166: {  	_ =	swait.ge [sflag:s6], $0x1400  }
0x167: {  	[sflag:s6] =	ssyncset.done $0x0  }
0x168: {  	s12 =	simm.s32 $0xE;
	s8 =	simm.s32 $0x13E80;
	[sflag:s6] =	ssyncadd.s32 $0xFFFFEC00  }
0x169: {  	[spmem:s15] =	stream.indirect.scatter.add.f32 [tilespmem:s19], [sflag:$0x12], $0x80, s8, s10, $0xb8;
	[tilespmem:$0x1A680] =	vst v63  }
0x16a: {  	_ =	swait.ge [sflag:s12], $0x1400  }
0x16b: {  	[sflag:s12] =	ssyncset.done $0x0  }
0x16c: {  	s11 =	simm.s32 $0x13F00;
	[sflag:s12] =	ssyncadd.s32 $0xFFFFEC00  }
0x16d: {  	[spmem:s15] =	stream.indirect.scatter.add.f32 [tilespmem:s28], [sflag:$0x13], $0x80, s11, s10, $0xb8;
	[tilespmem:$0x1A680] =	vst v63  }
0x16e: {  	_ =	swait.ge [sflag:s3], $0x1400  }
0x16f: {  	[sflag:s3] =	ssyncset.done $0x0  }
0x170: {  	s18 =	simm.s32 $0x13F80;
	s23 =	simm.s32 $0x10;
	[sflag:s3] =	ssyncadd.s32 $0xFFFFEC00  }
0x171: {  	[spmem:s15] =	stream.indirect.scatter.add.f32 [tilespmem:s30], [sflag:$0x14], $0x80, s18, s10, $0xb8;
	[tilespmem:$0x1A680] =	vst v63  }
0x172: {  	_ =	swait.ge [sflag:s23], $0x1400  }
0x173: {  	p1 =	sgt.u32 s20, $0x30;
	[sflag:s23] =	ssyncset.done $0x0  }
0x174: {  	s0 =	simm.s32 @p1 $0x6;
	[sflag:s23] =	ssyncadd.s32 $0xFFFFEC00  }
0x175: {  	_ =	swait.ge @p1 [sflag:s0], $0x28  }
0x176: {  	s11 =	sshrl.u32 @!p1 s16, $0x3;
	[sflag:s0] =	ssyncset.done @p1 $0x0  }
0x177: {  	s18 =	simm.s32 @p1 $0x28;
	s5 =	rddreg [dreg:$0x18];
	[sflag:s0] =	ssyncadd.s32 @p1 $0xFFFFFFD8  }
0x178: {  	s23 =	simm.s32 @p1 $0x14280;
	s8 =	rddreg [dreg:$0x19];
	_ =	swait.ge @p1 [sflag:s0], $0x28  }
0x179: {  	s5 =	sadd.s32 @!p1 s5, s11;
	s11 =	sadd.s32 @!p1 s8, s11;
	[sflag:s0] =	ssyncset.done @p1 $0x0  }
0x17a: {  	s8 =	simm.s32 @p1 $0x11;
	[sflag:s0] =	ssyncadd.s32 @p1 $0xFFFFFFD8;
	s0 =	simm.s32 @p1 $0x13B00  }
0x17b: {  	[tilespmem:s23], [sflag:$0xB] =	stream.indirect.gather @p1 [hbm4b:s1+s18], $0x80, s0, s18, $0xb8;
	[tilespmem:$0x1A680] =	vst v63  }
0x17c: {  	_ =	swait.ge @p1 [sflag:s8], $0x1400  }
0x17d: {  	[sflag:s8] =	ssyncset.done @p1 $0x0  }
0x17e: {  	s23 =	simm.s32 @!p1 $0x0;
	s0 =	simm.s32 @!p1 $0x13880;
	[sflag:s8] =	ssyncadd.s32 @p1 $0xFFFFEC00  }
0x17f: {  	[tilespmem:s0], [sflag:$0x1] =	stream.linear.gather @!p1 [hbm4b:s5+s23], $0x28, $0x38;
	[tilespmem:$0x1A680] =	vst v63  }
0x180: {  	s0 =	simm.s32 @!p1 $0x13D80;
	s5 =	simm.s32 @!p1 $0x6  }
0x181: {  	[tilespmem:s0], [sflag:$0x1] =	stream.linear.gather @!p1 [hbm4b:s11+s23], $0x28, $0x38;
	[tilespmem:$0x1A680] =	vst v63  }
0x182: {  	_ =	swait.ge @!p1 [sflag:s5], $0x28  }
0x183: {  	[sflag:s5] =	ssyncset.done @!p1 $0x0  }
0x184: {  	[sflag:s5] =	ssyncadd.s32 @!p1 $0xFFFFFFD8  }
0x185: {  	_ =	swait.ge @!p1 [sflag:s5], $0x28  }
0x186: {  	s8 =	simm.s32 @!p1 $0x11;
	s0 =	simm.s32 @!p1 $0x14280;
	[sflag:s5] =	ssyncset.done @!p1 $0x0  }
0x187: {  	s11 =	simm.s32 @!p1 $0x28;
	[sflag:s5] =	ssyncadd.s32 @!p1 $0xFFFFFFD8;
	s5 =	simm.s32 @!p1 $0x13B00  }
0x188: {  	[tilespmem:s0], [sflag:$0xB] =	stream.indirect.gather @!p1 [hbm4b:s1+s11], $0x80, s5, s11, $0xb8;
	[tilespmem:$0x1A680] =	vst v63  }
0x189: {  	_ =	swait.ge @!p1 [sflag:s8], $0x1400  }
0x18a: {  	s0 =	rddreg [dreg:$0x15]  }
0x18b: {  	[sflag:s8] =	ssyncset.done @!p1 $0x0;
	s5 =	rddreg [dreg:$0x14]  }
0x18c: {  	[sflag:s8] =	ssyncadd.s32 @!p1 $0xFFFFEC00;
	s0 =	sadd.s32 @!p1 s13, s0;
	s8 =	simm.s32 @!p1 $0x13900  }
0x18d: {  	[tilespmem:s8], [sflag:$0x2] =	stream.linear.gather @!p1 [hbm4b:s0+s23], $0x28, $0x38;
	[tilespmem:$0x1A680] =	vst v63  }
0x18e: {  	s0 =	sadd.s32 @!p1 s13, s5;
	s5 =	simm.s32 @!p1 $0x13E00  }
0x18f: {  	[tilespmem:s5], [sflag:$0x2] =	stream.linear.gather @!p1 [hbm4b:s0+s23], $0x28, $0x38;
	[tilespmem:$0x1A680] =	vst v63  }
0x190: {  	s5 =	simm.s32 $0x7  }
0x191: {  	_ =	swait.ge [sflag:s5], $0x28  }
0x192: {  	[sflag:s5] =	ssyncset.done $0x0  }
0x193: {  	[sflag:s5] =	ssyncadd.s32 $0xFFFFFFD8  }
0x194: {  	_ =	swait.ge [sflag:s5], $0x28  }
0x195: {  	[sflag:s5] =	ssyncset.done $0x0  }
0x196: {  	s8 =	simm.s32 $0x12;
	[sflag:s5] =	ssyncadd.s32 $0xFFFFFFD8  }
0x197: {  	[tilespmem:s14], [sflag:$0xC] =	stream.indirect.gather [hbm4b:s1+s10], $0x80, s25, s10, $0xb8;
	[tilespmem:$0x1A680] =	vst v63  }
0x198: {  	_ =	swait.ge [sflag:s8], $0x1400  }
0x199: {  	[sflag:s8] =	ssyncset.done $0x0  }
0x19a: {  	s0 =	simm.s32 @p1 $0x8;
	[sflag:s8] =	ssyncadd.s32 $0xFFFFEC00  }
0x19b: {  	_ =	swait.ge @p1 [sflag:s0], $0x28  }
0x19c: {  	[sflag:s0] =	ssyncset.done @p1 $0x0  }
0x19d: {  	[sflag:s0] =	ssyncadd.s32 @p1 $0xFFFFFFD8  }
0x19e: {  	_ =	swait.ge @p1 [sflag:s0], $0x28  }
0x19f: {  	s5 =	simm.s32 @p1 $0x13;
	[sflag:s0] =	ssyncset.done @p1 $0x0  }
0x1a0: {  	s8 =	simm.s32 @p1 $0x16A80;
	[sflag:s0] =	ssyncadd.s32 @p1 $0xFFFFFFD8;
	s0 =	simm.s32 @p1 $0x13C00  }
0x1a1: {  	[tilespmem:s8], [sflag:$0xD] =	stream.indirect.gather @p1 [hbm4b:s1+s18], $0x80, s0, s18, $0xb8;
	[tilespmem:$0x1A680] =	vst v63  }
0x1a2: {  	_ =	swait.ge @p1 [sflag:s5], $0x1400  }
0x1a3: {  	s0 =	rddreg [dreg:$0x13]  }
0x1a4: {  	[sflag:s5] =	ssyncset.done @p1 $0x0;
	s8 =	rddreg [dreg:$0x12]  }
0x1a5: {  	[sflag:s5] =	ssyncadd.s32 @p1 $0xFFFFEC00;
	s0 =	sadd.s32 @!p1 s13, s0;
	s5 =	simm.s32 @!p1 $0x13980  }
0x1a6: {  	[tilespmem:s5], [sflag:$0x3] =	stream.linear.gather @!p1 [hbm4b:s0+s23], $0x28, $0x38;
	[tilespmem:$0x1A680] =	vst v63  }
0x1a7: {  	s0 =	sadd.s32 @!p1 s13, s8;
	s5 =	simm.s32 @!p1 $0x13E80;
	s8 =	simm.s32 @!p1 $0x8  }
0x1a8: {  	[tilespmem:s5], [sflag:$0x3] =	stream.linear.gather @!p1 [hbm4b:s0+s23], $0x28, $0x38;
	[tilespmem:$0x1A680] =	vst v63  }
0x1a9: {  	_ =	swait.ge @!p1 [sflag:s8], $0x28  }
0x1aa: {  	[sflag:s8] =	ssyncset.done @!p1 $0x0  }
0x1ab: {  	[sflag:s8] =	ssyncadd.s32 @!p1 $0xFFFFFFD8  }
0x1ac: {  	_ =	swait.ge @!p1 [sflag:s8], $0x28  }
0x1ad: {  	s0 =	simm.s32 @!p1 $0x13;
	[sflag:s8] =	ssyncset.done @!p1 $0x0  }
0x1ae: {  	s5 =	simm.s32 @!p1 $0x13C00;
	[sflag:s8] =	ssyncadd.s32 @!p1 $0xFFFFFFD8;
	s8 =	simm.s32 @!p1 $0x16A80  }
0x1af: {  	[tilespmem:s8], [sflag:$0xD] =	stream.indirect.gather @!p1 [hbm4b:s1+s11], $0x80, s5, s11, $0xb8;
	[tilespmem:$0x1A680] =	vst v63  }
0x1b0: {  	_ =	swait.ge @!p1 [sflag:s0], $0x1400  }
0x1b1: {  	s5 =	rddreg [dreg:$0x11]  }
0x1b2: {  	[sflag:s0] =	ssyncset.done @!p1 $0x0;
	s8 =	rddreg [dreg:$0x10]  }
0x1b3: {  	[sflag:s0] =	ssyncadd.s32 @!p1 $0xFFFFEC00;
	s0 =	sadd.s32 @!p1 s13, s5;
	s5 =	simm.s32 @!p1 $0x13A00  }
0x1b4: {  	[tilespmem:s5], [sflag:$0x4] =	stream.linear.gather @!p1 [hbm4b:s0+s23], $0x28, $0x38;
	[tilespmem:$0x1A680] =	vst v63  }
0x1b5: {  	s18 =	simm.s32 $0x9;
	s0 =	sadd.s32 @!p1 s13, s8;
	s5 =	simm.s32 @!p1 $0x13F00  }
0x1b6: {  	[tilespmem:s5], [sflag:$0x4] =	stream.linear.gather @!p1 [hbm4b:s0+s23], $0x28, $0x38;
	[tilespmem:$0x1A680] =	vst v63  }
0x1b7: {  	_ =	swait.ge [sflag:s18], $0x28  }
0x1b8: {  	[sflag:s18] =	ssyncset.done $0x0  }
0x1b9: {  	[sflag:s18] =	ssyncadd.s32 $0xFFFFFFD8  }
0x1ba: {  	_ =	swait.ge [sflag:s18], $0x28  }
0x1bb: {  	[sflag:s18] =	ssyncset.done $0x0  }
0x1bc: {  	[sflag:s18] =	ssyncadd.s32 $0xFFFFFFD8  }
0x1bd: {  	[tilespmem:s28], [sflag:$0xE] =	stream.indirect.gather [hbm4b:s1+s10], $0x80, s24, s10, $0xb8;
	[tilespmem:$0x1A680] =	vst v63  }
0x1be: {  	s24 =	simm.s32 $0x14  }
0x1bf: {  	_ =	swait.ge [sflag:s24], $0x1400  }
0x1c0: {  	s8 =	simm.s32 @!p1 $0x13A80;
	s0 =	rddreg [dreg:$0xf];
	[sflag:s24] =	ssyncset.done $0x0  }
0x1c1: {  	s5 =	rddreg [dreg:$0xe];
	[sflag:s24] =	ssyncadd.s32 $0xFFFFEC00;
	s0 =	sadd.s32 @!p1 s13, s0  }
0x1c2: {  	[tilespmem:s8], [sflag:$0x5] =	stream.linear.gather @!p1 [hbm4b:s0+s23], $0x28, $0x38;
	[tilespmem:$0x1A680] =	vst v63  }
0x1c3: {  	s25 =	simm.s32 $0xA;
	s0 =	sadd.s32 @!p1 s13, s5;
	s5 =	simm.s32 @!p1 $0x13F80  }
0x1c4: {  	[tilespmem:s5], [sflag:$0x5] =	stream.linear.gather @!p1 [hbm4b:s0+s23], $0x28, $0x38;
	[tilespmem:$0x1A680] =	vst v63  }
0x1c5: {  	_ =	swait.ge [sflag:s25], $0x28  }
0x1c6: {  	[sflag:s25] =	ssyncset.done $0x0  }
0x1c7: {  	[sflag:s25] =	ssyncadd.s32 $0xFFFFFFD8  }
0x1c8: {  	_ =	swait.ge [sflag:s25], $0x28  }
0x1c9: {  	[sflag:s25] =	ssyncset.done $0x0  }
0x1ca: {  	[sflag:s25] =	ssyncadd.s32 $0xFFFFFFD8  }
0x1cb: {  	[tilespmem:s30], [sflag:$0xF] =	stream.indirect.gather [hbm4b:s1+s10], $0x80, s29, s10, $0xb8;
	[tilespmem:$0x1A680] =	vst v63  }
0x1cc: {  	_ =	swait.ge [sflag:s31], $0x1400  }
0x1cd: {  	[sflag:s31] =	ssyncset.done $0x0  }
0x1ce: {  	[sflag:s31] =	ssyncadd.s32 $0xFFFFEC00;
	s31 =	simm.s32 $0x14000  }
0x1cf: {  	[spmem:s15] =	stream.indirect.scatter.add.f32 [tilespmem:s22], [sflag:$0x10], $0x80, s31, s10, $0xb8;
	[tilespmem:$0x1A680] =	vst v63  }
0x1d0: {  	_ =	swait.ge [sflag:s2], $0x1400  }
0x1d1: {  	[sflag:s2] =	ssyncset.done $0x0  }
0x1d2: {  	[sflag:s2] =	ssyncadd.s32 $0xFFFFEC00  }
0x1d3: {  	[spmem:s15] =	stream.indirect.scatter.add.f32 [tilespmem:s14], [sflag:$0x11], $0x80, s9, s10, $0xb8;
	[tilespmem:$0x1A680] =	vst v63  }
0x1d4: {  	_ =	swait.ge [sflag:s6], $0x1400  }
0x1d5: {  	[sflag:s6] =	ssyncset.done $0x0  }
0x1d6: {  	s7 =	smov.u32 s21;
	s21 =	sadd.s32 $0x32, s21;
	[sflag:s6] =	ssyncadd.s32 $0xFFFFEC00  }
0x1d7: {  	[spmem:s15] =	stream.indirect.scatter.add.f32 [tilespmem:s19], [sflag:$0x12], $0x80, s17, s10, $0xb8;
	[tilespmem:$0x1A680] =	vst v63  }
0x1d8: {  	p0 =	sne.s32 s21, $0x4E2;
	_ =	swait.ge [sflag:s12], $0x1400  }
.Ltmp0:
0x1d9: {  	[sflag:s12] =	ssyncset.done $0x0;
	(pc) =	sbr.rel @p0 .LBB2_2-.Ltmp0, $4  }
0x1da: {  	[sflag:s12] =	ssyncadd.s32 $0xFFFFEC00  }
0x1db: {  	[spmem:s15] =	stream.indirect.scatter.add.f32 [tilespmem:s28], [sflag:$0x13], $0x80, s26, s10, $0xb8;
	[tilespmem:$0x1A680] =	vst v63  }
0x1dc: {  	s20 =	sadd.s32 $0x2, s20;
	s13 =	smov.u32 s7;
	_ =	swait.ge [sflag:s3], $0x1400  }
0x1dd: {  	s16 =	sadd.s32 $0x190, s16;
	p1 =	seq.s32 s13, $0x0;
	[sflag:s3] =	ssyncset.done $0x0  }
0x1de: {  	s0 =	simm.s32 @!p1 $0x10;
	s3 =	simm.s32 $0xF  }
0x1df: {  	s26 =	simm.s32 $0x14200;
	s29 =	simm.s32 $0x19280;
	[sflag:s3] =	ssyncadd.s32 $0xFFFFEC00  }
0x1e0: {  	[spmem:s15] =	stream.indirect.scatter.add.f32 [tilespmem:s29], [sflag:$0x14], $0x80, s26, s10, $0xb8;
	[tilespmem:$0x1A680] =	vst v63  }
0x1e1: {  	_ =	swait.ge @!p1 [sflag:s0], $0x1400  }
0x1e2: {  	s5 =	rddreg [dreg:$0xd]  }
0x1e3: {  	s7 =	rddreg [dreg:$0x16];
	[sflag:s0] =	ssyncset.done @!p1 $0x0  }
0x1e4: {  	s8 =	rddreg [dreg:$0xc];
	[sflag:s0] =	ssyncadd.s32 @!p1 $0xFFFFEC00;
	s21 =	sadd.s32 s13, s5  }
0x1e5: {  	[tilespmem:s7], [sflag:$0x6] =	stream.linear.gather [hbm4b:s21+s4], $0x28, $0x38;
	[tilespmem:$0x1A680] =	vst v63  }
0x1e6: {  	s30 =	simm.s32 $0x14000;
	s23 =	simm.s32 $0x1;
	s22 =	sadd.s32 s13, s8  }
0x1e7: {  	[tilespmem:s30], [sflag:$0x6] =	stream.linear.gather [hbm4b:s22+s4], $0x28, $0x38;
	[tilespmem:$0x1A680] =	vst v63  }
0x1e8: {  	_ =	swait.ge [sflag:s23], $0x28  }
0x1e9: {  	[sflag:s23] =	ssyncset.done $0x0  }
0x1ea: {  	[sflag:s23] =	ssyncadd.s32 $0xFFFFFFD8  }
0x1eb: {  	_ =	swait.ge [sflag:s23], $0x28  }
0x1ec: {  	s24 =	simm.s32 $0x13880;
	[sflag:s23] =	ssyncset.done $0x0  }
0x1ed: {  	s18 =	simm.s32 $0x14280;
	s0 =	simm.s32 @!p1 $0x11;
	[sflag:s23] =	ssyncadd.s32 $0xFFFFFFD8  }
0x1ee: {  	[tilespmem:s18], [sflag:$0xB] =	stream.indirect.gather [hbm4b:s1+s10], $0x80, s24, s10, $0xb8;
	[tilespmem:$0x1A680] =	vst v63  }
0x1ef: {  	_ =	swait.ge @!p1 [sflag:s0], $0x1400  }
0x1f0: {  	s21 =	simm.s32 $0x13B80;
	s25 =	rddreg [dreg:$0xb];
	[sflag:s0] =	ssyncset.done @!p1 $0x0  }
0x1f1: {  	s31 =	rddreg [dreg:$0xa];
	[sflag:s0] =	ssyncadd.s32 @!p1 $0xFFFFEC00;
	s2 =	sadd.s32 s13, s25  }
0x1f2: {  	[tilespmem:s21], [sflag:$0x7] =	stream.linear.gather [hbm4b:s2+s4], $0x28, $0x38;
	[tilespmem:$0x1A680] =	vst v63  }
0x1f3: {  	s9 =	simm.s32 $0x14080;
	s6 =	simm.s32 $0x2;
	s5 =	sadd.s32 s13, s31  }
0x1f4: {  	[tilespmem:s9], [sflag:$0x7] =	stream.linear.gather [hbm4b:s5+s4], $0x28, $0x38;
	[tilespmem:$0x1A680] =	vst v63  }
0x1f5: {  	_ =	swait.ge [sflag:s6], $0x28  }
0x1f6: {  	[sflag:s6] =	ssyncset.done $0x0  }
0x1f7: {  	[sflag:s6] =	ssyncadd.s32 $0xFFFFFFD8  }
0x1f8: {  	_ =	swait.ge [sflag:s6], $0x28  }
0x1f9: {  	s14 =	simm.s32 $0x15680;
	[sflag:s6] =	ssyncset.done $0x0  }
0x1fa: {  	s7 =	simm.s32 $0x13900;
	s0 =	simm.s32 @!p1 $0x12;
	[sflag:s6] =	ssyncadd.s32 $0xFFFFFFD8  }
0x1fb: {  	[tilespmem:s14], [sflag:$0xC] =	stream.indirect.gather [hbm4b:s1+s10], $0x80, s7, s10, $0xb8;
	[tilespmem:$0x1A680] =	vst v63  }
0x1fc: {  	_ =	swait.ge @!p1 [sflag:s0], $0x1400  }
0x1fd: {  	s8 =	rddreg [dreg:$0x9]  }
0x1fe: {  	s11 =	rddreg [dreg:$0x17];
	[sflag:s0] =	ssyncset.done @!p1 $0x0  }
0x1ff: {  	s12 =	rddreg [dreg:$0x8];
	[sflag:s0] =	ssyncadd.s32 @!p1 $0xFFFFEC00;
	s17 =	sadd.s32 s13, s8  }
0x200: {  	[tilespmem:s11], [sflag:$0x8] =	stream.linear.gather [hbm4b:s17+s4], $0x28, $0x38;
	[tilespmem:$0x1A680] =	vst v63  }
0x201: {  	s22 =	simm.s32 $0x3;
	s19 =	sadd.s32 s13, s12;
	s17 =	simm.s32 $0x14100  }
0x202: {  	[tilespmem:s17], [sflag:$0x8] =	stream.linear.gather [hbm4b:s19+s4], $0x28, $0x38;
	[tilespmem:$0x1A680] =	vst v63  }
0x203: {  	_ =	swait.ge [sflag:s22], $0x28  }
0x204: {  	[sflag:s22] =	ssyncset.done $0x0  }
0x205: {  	[sflag:s22] =	ssyncadd.s32 $0xFFFFFFD8  }
0x206: {  	_ =	swait.ge [sflag:s22], $0x28  }
0x207: {  	s23 =	simm.s32 $0x13980;
	[sflag:s22] =	ssyncset.done $0x0  }
0x208: {  	s0 =	simm.s32 @!p1 $0x13;
	s19 =	simm.s32 $0x16A80;
	[sflag:s22] =	ssyncadd.s32 $0xFFFFFFD8  }
0x209: {  	[tilespmem:s19], [sflag:$0xD] =	stream.indirect.gather [hbm4b:s1+s10], $0x80, s23, s10, $0xb8;
	[tilespmem:$0x1A680] =	vst v63  }
0x20a: {  	_ =	swait.ge @!p1 [sflag:s0], $0x1400  }
0x20b: {  	s22 =	simm.s32 $0x13C80;
	s24 =	rddreg [dreg:$0x7];
	[sflag:s0] =	ssyncset.done @!p1 $0x0  }
0x20c: {  	s25 =	rddreg [dreg:$0x6];
	[sflag:s0] =	ssyncadd.s32 @!p1 $0xFFFFEC00;
	s31 =	sadd.s32 s13, s24  }
0x20d: {  	[tilespmem:s22], [sflag:$0x9] =	stream.linear.gather [hbm4b:s31+s4], $0x28, $0x38;
	[tilespmem:$0x1A680] =	vst v63  }
0x20e: {  	s5 =	simm.s32 $0x4;
	s23 =	simm.s32 $0x14180;
	s2 =	sadd.s32 s13, s25  }
0x20f: {  	[tilespmem:s23], [sflag:$0x9] =	stream.linear.gather [hbm4b:s2+s4], $0x28, $0x38;
	[tilespmem:$0x1A680] =	vst v63  }
0x210: {  	_ =	swait.ge [sflag:s5], $0x28  }
0x211: {  	[sflag:s5] =	ssyncset.done $0x0  }
0x212: {  	[sflag:s5] =	ssyncadd.s32 $0xFFFFFFD8  }
0x213: {  	_ =	swait.ge [sflag:s5], $0x28  }
0x214: {  	s6 =	simm.s32 $0x13A00;
	[sflag:s5] =	ssyncset.done $0x0  }
0x215: {  	s0 =	simm.s32 @!p1 $0x14;
	s24 =	simm.s32 $0x17E80;
	[sflag:s5] =	ssyncadd.s32 $0xFFFFFFD8  }
0x216: {  	[tilespmem:s24], [sflag:$0xE] =	stream.indirect.gather [hbm4b:s1+s10], $0x80, s6, s10, $0xb8;
	[tilespmem:$0x1A680] =	vst v63  }
0x217: {  	_ =	swait.ge @!p1 [sflag:s0], $0x1400  }
0x218: {  	s25 =	simm.s32 $0x13D00;
	s7 =	rddreg [dreg:$0x5];
	[sflag:s0] =	ssyncset.done @!p1 $0x0  }
0x219: {  	s8 =	rddreg [dreg:$0x4];
	[sflag:s0] =	ssyncadd.s32 @!p1 $0xFFFFEC00;
	s11 =	sadd.s32 s13, s7  }
0x21a: {  	[tilespmem:s25], [sflag:$0xA] =	stream.linear.gather [hbm4b:s11+s4], $0x28, $0x38;
	[tilespmem:$0x1A680] =	vst v63  }
0x21b: {  	s31 =	simm.s32 $0x5;
	s12 =	sadd.s32 s13, s8  }
0x21c: {  	[tilespmem:s26], [sflag:$0xA] =	stream.linear.gather [hbm4b:s12+s4], $0x28, $0x38;
	[tilespmem:$0x1A680] =	vst v63  }
0x21d: {  	_ =	swait.ge [sflag:s31], $0x28  }
0x21e: {  	[sflag:s31] =	ssyncset.done $0x0  }
0x21f: {  	[sflag:s31] =	ssyncadd.s32 $0xFFFFFFD8  }
0x220: {  	_ =	swait.ge [sflag:s31], $0x28  }
0x221: {  	[sflag:s31] =	ssyncset.done $0x0  }
0x222: {  	s28 =	simm.s32 $0xB;
	s2 =	simm.s32 $0x13A80;
	[sflag:s31] =	ssyncadd.s32 $0xFFFFFFD8  }
0x223: {  	[tilespmem:s29], [sflag:$0xF] =	stream.indirect.gather [hbm4b:s1+s10], $0x80, s2, s10, $0xb8;
	[tilespmem:$0x1A680] =	vst v63  }
0x224: {  	_ =	swait.ge [sflag:s28], $0x1400  }
0x225: {  	[sflag:s28] =	ssyncset.done $0x0  }
0x226: {  	s5 =	simm.s32 $0x13D80;
	s2 =	simm.s32 $0xC;
	[sflag:s28] =	ssyncadd.s32 $0xFFFFEC00  }
0x227: {  	[spmem:s15] =	stream.indirect.scatter.add.f32 [tilespmem:s18], [sflag:$0x10], $0x80, s5, s10, $0xb8;
	[tilespmem:$0x1A680] =	vst v63  }
0x228: {  	_ =	swait.ge [sflag:s2], $0x1400  }
0x229: {  	[sflag:s2] =	ssyncset.done $0x0  }
0x22a: {  	s6 =	simm.s32 $0x13E00;
	[sflag:s2] =	ssyncadd.s32 $0xFFFFEC00  }
0x22b: {  	[spmem:s15] =	stream.indirect.scatter.add.f32 [tilespmem:s14], [sflag:$0x11], $0x80, s6, s10, $0xb8;
	[tilespmem:$0x1A680] =	vst v63  }
0x22c: {  	s6 =	simm.s32 $0xD  }
0x22d: {  	_ =	swait.ge [sflag:s6], $0x1400  }
0x22e: {  	[sflag:s6] =	ssyncset.done $0x0  }
0x22f: {  	s7 =	simm.s32 $0x13E80;
	s12 =	simm.s32 $0xE;
	[sflag:s6] =	ssyncadd.s32 $0xFFFFEC00  }
0x230: {  	[spmem:s15] =	stream.indirect.scatter.add.f32 [tilespmem:s19], [sflag:$0x12], $0x80, s7, s10, $0xb8;
	[tilespmem:$0x1A680] =	vst v63  }
0x231: {  	_ =	swait.ge [sflag:s12], $0x1400  }
0x232: {  	[sflag:s12] =	ssyncset.done $0x0  }
0x233: {  	s8 =	simm.s32 $0x13F00;
	[sflag:s12] =	ssyncadd.s32 $0xFFFFEC00  }
0x234: {  	[spmem:s15] =	stream.indirect.scatter.add.f32 [tilespmem:s24], [sflag:$0x13], $0x80, s8, s10, $0xb8;
	[tilespmem:$0x1A680] =	vst v63  }
0x235: {  	_ =	swait.ge [sflag:s3], $0x1400  }
0x236: {  	[sflag:s3] =	ssyncset.done $0x0  }
0x237: {  	s11 =	simm.s32 $0x13F80;
	s31 =	simm.s32 $0x10;
	[sflag:s3] =	ssyncadd.s32 $0xFFFFEC00  }
0x238: {  	[spmem:s15] =	stream.indirect.scatter.add.f32 [tilespmem:s29], [sflag:$0x14], $0x80, s11, s10, $0xb8;
	[tilespmem:$0x1A680] =	vst v63  }
0x239: {  	_ =	swait.ge [sflag:s31], $0x1400  }
0x23a: {  	p0 =	sgt.u32 s20, $0x30;
	[sflag:s31] =	ssyncset.done $0x0  }
0x23b: {  	s0 =	simm.s32 @p0 $0x6;
	[sflag:s31] =	ssyncadd.s32 $0xFFFFEC00  }
0x23c: {  	_ =	swait.ge @p0 [sflag:s0], $0x28  }
0x23d: {  	[sflag:s0] =	ssyncset.done @p0 $0x0  }
0x23e: {  	[sflag:s0] =	ssyncadd.s32 @p0 $0xFFFFFFD8  }
0x23f: {  	_ =	swait.ge @p0 [sflag:s0], $0x28  }
0x240: {  	s5 =	simm.s32 @p0 $0x14280;
	s7 =	simm.s32 @p0 $0x11;
	[sflag:s0] =	ssyncset.done @p0 $0x0  }
0x241: {  	s8 =	simm.s32 @p0 $0x13B00;
	[sflag:s0] =	ssyncadd.s32 @p0 $0xFFFFFFD8;
	s0 =	simm.s32 @p0 $0x28  }
0x242: {  	[tilespmem:s5], [sflag:$0xB] =	stream.indirect.gather @p0 [hbm4b:s1+s0], $0x80, s8, s0, $0xb8;
	[tilespmem:$0x1A680] =	vst v63  }
0x243: {  	s11 =	simm.s32 @!p0 $0x13880;
	_ =	swait.ge @p0 [sflag:s7], $0x1400  }
0x244: {  	s5 =	sshrl.u32 @!p0 s16, $0x3;
	s8 =	rddreg [dreg:$0x18];
	[sflag:s7] =	ssyncset.done @p0 $0x0  }
0x245: {  	s8 =	sadd.s32 @!p0 s8, s5;
	[sflag:s7] =	ssyncadd.s32 @p0 $0xFFFFEC00;
	s7 =	simm.s32 @!p0 $0x0  }
0x246: {  	[tilespmem:s11], [sflag:$0x1] =	stream.linear.gather @!p0 [hbm4b:s8+s7], $0x28, $0x38;
	[tilespmem:$0x1A680] =	vst v63  }
0x247: {  	s8 =	rddreg [dreg:$0x19]  }
0x248: {  	s11 =	simm.s32 @!p0 $0x6;
	s5 =	sadd.s32 @!p0 s8, s5;
	s8 =	simm.s32 @!p0 $0x13D80  }
0x249: {  	[tilespmem:s8], [sflag:$0x1] =	stream.linear.gather @!p0 [hbm4b:s5+s7], $0x28, $0x38;
	[tilespmem:$0x1A680] =	vst v63  }
0x24a: {  	_ =	swait.ge @!p0 [sflag:s11], $0x28  }
0x24b: {  	[sflag:s11] =	ssyncset.done @!p0 $0x0  }
0x24c: {  	[sflag:s11] =	ssyncadd.s32 @!p0 $0xFFFFFFD8  }
0x24d: {  	_ =	swait.ge @!p0 [sflag:s11], $0x28  }
0x24e: {  	s16 =	simm.s32 @!p0 $0x13B00;
	s5 =	simm.s32 @!p0 $0x14280;
	[sflag:s11] =	ssyncset.done @!p0 $0x0  }
0x24f: {  	s8 =	simm.s32 @!p0 $0x11;
	[sflag:s11] =	ssyncadd.s32 @!p0 $0xFFFFFFD8;
	s11 =	simm.s32 @!p0 $0x28  }
0x250: {  	[tilespmem:s5], [sflag:$0xB] =	stream.indirect.gather @!p0 [hbm4b:s1+s11], $0x80, s16, s11, $0xb8;
	[tilespmem:$0x1A680] =	vst v63  }
0x251: {  	_ =	swait.ge @!p0 [sflag:s8], $0x1400  }
0x252: {  	s5 =	rddreg [dreg:$0x15]  }
0x253: {  	[sflag:s8] =	ssyncset.done @!p0 $0x0;
	s16 =	rddreg [dreg:$0x14]  }
0x254: {  	[sflag:s8] =	ssyncadd.s32 @!p0 $0xFFFFEC00;
	s5 =	sadd.s32 @!p0 s13, s5;
	s8 =	simm.s32 @!p0 $0x13900  }
0x255: {  	[tilespmem:s8], [sflag:$0x2] =	stream.linear.gather @!p0 [hbm4b:s5+s7], $0x28, $0x38;
	[tilespmem:$0x1A680] =	vst v63  }
0x256: {  	s5 =	sadd.s32 @!p0 s13, s16;
	s8 =	simm.s32 @!p0 $0x13E00;
	s16 =	simm.s32 $0x7  }
0x257: {  	[tilespmem:s8], [sflag:$0x2] =	stream.linear.gather @!p0 [hbm4b:s5+s7], $0x28, $0x38;
	[tilespmem:$0x1A680] =	vst v63  }
0x258: {  	_ =	swait.ge [sflag:s16], $0x28  }
0x259: {  	[sflag:s16] =	ssyncset.done $0x0  }
0x25a: {  	[sflag:s16] =	ssyncadd.s32 $0xFFFFFFD8  }
0x25b: {  	_ =	swait.ge [sflag:s16], $0x28  }
0x25c: {  	[sflag:s16] =	ssyncset.done $0x0  }
0x25d: {  	[sflag:s16] =	ssyncadd.s32 $0xFFFFFFD8;
	s16 =	simm.s32 $0x12  }
0x25e: {  	[tilespmem:s14], [sflag:$0xC] =	stream.indirect.gather [hbm4b:s1+s10], $0x80, s21, s10, $0xb8;
	[tilespmem:$0x1A680] =	vst v63  }
0x25f: {  	_ =	swait.ge [sflag:s16], $0x1400  }
0x260: {  	[sflag:s16] =	ssyncset.done $0x0  }
0x261: {  	s5 =	simm.s32 @p0 $0x8;
	[sflag:s16] =	ssyncadd.s32 $0xFFFFEC00  }
0x262: {  	_ =	swait.ge @p0 [sflag:s5], $0x28  }
0x263: {  	[sflag:s5] =	ssyncset.done @p0 $0x0  }
0x264: {  	[sflag:s5] =	ssyncadd.s32 @p0 $0xFFFFFFD8  }
0x265: {  	_ =	swait.ge @p0 [sflag:s5], $0x28  }
0x266: {  	[sflag:s5] =	ssyncset.done @p0 $0x0  }
0x267: {  	s8 =	simm.s32 @p0 $0x16A80;
	[sflag:s5] =	ssyncadd.s32 @p0 $0xFFFFFFD8;
	s5 =	simm.s32 @p0 $0x13C00  }
0x268: {  	[tilespmem:s8], [sflag:$0xD] =	stream.indirect.gather @p0 [hbm4b:s1+s0], $0x80, s5, s0, $0xb8;
	[tilespmem:$0x1A680] =	vst v63  }
0x269: {  	s0 =	simm.s32 @p0 $0x13  }
0x26a: {  	_ =	swait.ge @p0 [sflag:s0], $0x1400  }
0x26b: {  	s5 =	rddreg [dreg:$0x13]  }
0x26c: {  	[sflag:s0] =	ssyncset.done @p0 $0x0;
	s8 =	rddreg [dreg:$0x12]  }
0x26d: {  	[sflag:s0] =	ssyncadd.s32 @p0 $0xFFFFEC00;
	s0 =	sadd.s32 @!p0 s13, s5;
	s5 =	simm.s32 @!p0 $0x13980  }
0x26e: {  	[tilespmem:s5], [sflag:$0x3] =	stream.linear.gather @!p0 [hbm4b:s0+s7], $0x28, $0x38;
	[tilespmem:$0x1A680] =	vst v63  }
0x26f: {  	s0 =	sadd.s32 @!p0 s13, s8;
	s5 =	simm.s32 @!p0 $0x13E80  }
0x270: {  	[tilespmem:s5], [sflag:$0x3] =	stream.linear.gather @!p0 [hbm4b:s0+s7], $0x28, $0x38;
	[tilespmem:$0x1A680] =	vst v63  }
0x271: {  	s0 =	simm.s32 @!p0 $0x8  }
0x272: {  	_ =	swait.ge @!p0 [sflag:s0], $0x28  }
0x273: {  	[sflag:s0] =	ssyncset.done @!p0 $0x0  }
0x274: {  	[sflag:s0] =	ssyncadd.s32 @!p0 $0xFFFFFFD8  }
0x275: {  	_ =	swait.ge @!p0 [sflag:s0], $0x28  }
0x276: {  	[sflag:s0] =	ssyncset.done @!p0 $0x0  }
0x277: {  	s5 =	simm.s32 @!p0 $0x16A80;
	[sflag:s0] =	ssyncadd.s32 @!p0 $0xFFFFFFD8;
	s0 =	simm.s32 @!p0 $0x13C00  }
0x278: {  	[tilespmem:s5], [sflag:$0xD] =	stream.indirect.gather @!p0 [hbm4b:s1+s11], $0x80, s0, s11, $0xb8;
	[tilespmem:$0x1A680] =	vst v63  }
0x279: {  	s0 =	simm.s32 @!p0 $0x13  }
0x27a: {  	_ =	swait.ge @!p0 [sflag:s0], $0x1400  }
0x27b: {  	s5 =	rddreg [dreg:$0x11]  }
0x27c: {  	[sflag:s0] =	ssyncset.done @!p0 $0x0;
	s8 =	rddreg [dreg:$0x10]  }
0x27d: {  	[sflag:s0] =	ssyncadd.s32 @!p0 $0xFFFFEC00;
	s0 =	sadd.s32 @!p0 s13, s5;
	s5 =	simm.s32 @!p0 $0x13A00  }
0x27e: {  	[tilespmem:s5], [sflag:$0x4] =	stream.linear.gather @!p0 [hbm4b:s0+s7], $0x28, $0x38;
	[tilespmem:$0x1A680] =	vst v63  }
0x27f: {  	s20 =	simm.s32 $0x9;
	s0 =	sadd.s32 @!p0 s13, s8;
	s5 =	simm.s32 @!p0 $0x13F00  }
0x280: {  	[tilespmem:s5], [sflag:$0x4] =	stream.linear.gather @!p0 [hbm4b:s0+s7], $0x28, $0x38;
	[tilespmem:$0x1A680] =	vst v63  }
0x281: {  	_ =	swait.ge [sflag:s20], $0x28  }
0x282: {  	[sflag:s20] =	ssyncset.done $0x0  }
0x283: {  	[sflag:s20] =	ssyncadd.s32 $0xFFFFFFD8  }
0x284: {  	_ =	swait.ge [sflag:s20], $0x28  }
0x285: {  	[sflag:s20] =	ssyncset.done $0x0  }
0x286: {  	s21 =	simm.s32 $0x14;
	[sflag:s20] =	ssyncadd.s32 $0xFFFFFFD8  }
0x287: {  	[tilespmem:s24], [sflag:$0xE] =	stream.indirect.gather [hbm4b:s1+s10], $0x80, s22, s10, $0xb8;
	[tilespmem:$0x1A680] =	vst v63  }
0x288: {  	_ =	swait.ge [sflag:s21], $0x1400  }
0x289: {  	s8 =	simm.s32 @!p0 $0x13A80;
	s0 =	rddreg [dreg:$0xf];
	[sflag:s21] =	ssyncset.done $0x0  }
0x28a: {  	s5 =	rddreg [dreg:$0xe];
	[sflag:s21] =	ssyncadd.s32 $0xFFFFEC00;
	s0 =	sadd.s32 @!p0 s13, s0  }
0x28b: {  	[tilespmem:s8], [sflag:$0x5] =	stream.linear.gather @!p0 [hbm4b:s0+s7], $0x28, $0x38;
	[tilespmem:$0x1A680] =	vst v63  }
0x28c: {  	s22 =	simm.s32 $0xA;
	s0 =	sadd.s32 @!p0 s13, s5;
	s5 =	simm.s32 @!p0 $0x13F80  }
0x28d: {  	[tilespmem:s5], [sflag:$0x5] =	stream.linear.gather @!p0 [hbm4b:s0+s7], $0x28, $0x38;
	[tilespmem:$0x1A680] =	vst v63  }
0x28e: {  	_ =	swait.ge [sflag:s22], $0x28  }
0x28f: {  	[sflag:s22] =	ssyncset.done $0x0  }
0x290: {  	[sflag:s22] =	ssyncadd.s32 $0xFFFFFFD8  }
0x291: {  	_ =	swait.ge [sflag:s22], $0x28  }
0x292: {  	[sflag:s22] =	ssyncset.done $0x0  }
0x293: {  	[sflag:s22] =	ssyncadd.s32 $0xFFFFFFD8  }
0x294: {  	[tilespmem:s29], [sflag:$0xF] =	stream.indirect.gather [hbm4b:s1+s10], $0x80, s25, s10, $0xb8;
	[tilespmem:$0x1A680] =	vst v63  }
0x295: {  	_ =	swait.ge [sflag:s28], $0x1400  }
0x296: {  	[sflag:s28] =	ssyncset.done $0x0  }
0x297: {  	[sflag:s28] =	ssyncadd.s32 $0xFFFFEC00  }
0x298: {  	[spmem:s15] =	stream.indirect.scatter.add.f32 [tilespmem:s18], [sflag:$0x10], $0x80, s30, s10, $0xb8;
	[tilespmem:$0x1A680] =	vst v63  }
0x299: {  	_ =	swait.ge [sflag:s2], $0x1400  }
0x29a: {  	[sflag:s2] =	ssyncset.done $0x0  }
0x29b: {  	[sflag:s2] =	ssyncadd.s32 $0xFFFFEC00  }
0x29c: {  	[spmem:s15] =	stream.indirect.scatter.add.f32 [tilespmem:s14], [sflag:$0x11], $0x80, s9, s10, $0xb8;
	[tilespmem:$0x1A680] =	vst v63  }
0x29d: {  	_ =	swait.ge [sflag:s6], $0x1400  }
0x29e: {  	[sflag:s6] =	ssyncset.done $0x0  }
0x29f: {  	[sflag:s6] =	ssyncadd.s32 $0xFFFFEC00  }
0x2a0: {  	[spmem:s15] =	stream.indirect.scatter.add.f32 [tilespmem:s19], [sflag:$0x12], $0x80, s17, s10, $0xb8;
	[tilespmem:$0x1A680] =	vst v63  }
0x2a1: {  	_ =	swait.ge [sflag:s12], $0x1400  }
0x2a2: {  	[sflag:s12] =	ssyncset.done $0x0  }
0x2a3: {  	[sflag:s12] =	ssyncadd.s32 $0xFFFFEC00  }
0x2a4: {  	[spmem:s15] =	stream.indirect.scatter.add.f32 [tilespmem:s24], [sflag:$0x13], $0x80, s23, s10, $0xb8;
	[tilespmem:$0x1A680] =	vst v63  }
0x2a5: {  	_ =	swait.ge [sflag:s3], $0x1400  }
0x2a6: {  	[sflag:s3] =	ssyncset.done $0x0  }
0x2a7: {  	[sflag:s3] =	ssyncadd.s32 $0xFFFFEC00  }
0x2a8: {  	[spmem:s15] =	stream.indirect.scatter.add.f32 [tilespmem:s29], [sflag:$0x14], $0x80, s26, s10, $0xb8;
	[tilespmem:$0x1A680] =	vst v63  }
0x2a9: {  	_ =	swait.ge [sflag:s31], $0x1400  }
0x2aa: {  	[sflag:s31] =	ssyncset.done $0x0  }
0x2ab: {  	s24 =	simm.s32 $0x11;
	[sflag:s31] =	ssyncadd.s32 $0xFFFFEC00  }
0x2ac: {  	_ =	swait.ge [sflag:s24], $0x1400  }
0x2ad: {  	[sflag:s24] =	ssyncset.done $0x0  }
0x2ae: {  	[sflag:s24] =	ssyncadd.s32 $0xFFFFEC00  }
0x2af: {  	_ =	swait.ge [sflag:s16], $0x1400  }
0x2b0: {  	[sflag:s16] =	ssyncset.done $0x0  }
0x2b1: {  	s25 =	simm.s32 $0x13;
	[sflag:s16] =	ssyncadd.s32 $0xFFFFEC00  }
0x2b2: {  	_ =	swait.ge [sflag:s25], $0x1400  }
0x2b3: {  	[sflag:s25] =	ssyncset.done $0x0  }
0x2b4: {  	[sflag:s25] =	ssyncadd.s32 $0xFFFFEC00  }
0x2b5: {  	_ =	swait.ge [sflag:s21], $0x1400  }
0x2b6: {  	[sflag:s21] =	ssyncset.done $0x0  }
0x2b7: {  	[sflag:s21] =	ssyncadd.s32 $0xFFFFEC00  }
0x2b8: {  	[bflag:$0x0] =	sbarrier.arrive $0xFFFF  }
0x2b9: {  	s7 =	sld [smem:$0x7FD]  }
0x2ba: {  	s26 =	sld [smem:$0x7FA]  }
0x2bb: {  	s29 =	sld [smem:$0x7F3];
	_ =	sdelay $0x1  }
0x2bc: {  	s11 =	simm.s32 $0x15  }
0x2bd: {  	[hbm:s26], [sflag:s7] =	dma.local [spmem:s29], $0x2800  }
0x2be: {  	_ =	swait.ge [sflag:s11], $0x2800  }
0x2bf: {  	s30 =	sld [smem:$0x7F2]  }
0x2c0: {  	s31 =	sld [smem:$0x7FB];
	_ =	sdelay $0x1  }
0x2c1: {  	s2 =	sadd.s32 $0x1, s30  }
0x2c2: {  	p0 =	sne.s32 s2, s31  }
.Ltmp1:
0x2c3: {  	_ = 	snop;
	(pc) =	sbr.rel @p0 .LBB2_1-.Ltmp1, $3  }
0x2c4: {  	_ =	sdelay $0x1  }
0x2c5: {  	[sflag:s11] =	ssyncset.done $0x0  }
0x2c6: {  	s28 =	simm.s32 $0x14200;
	[sflag:s11] =	ssyncadd.s32 $0xFFFFD800  }
0x2c7: {  	_ =	sfence.sel $0x180000  }
0x2c8: {  	[bflag:$0x0] =	sbarrier.arrive $0xFFFF  }
0x2c9: {  	_ =	strace $0x9000004A  }
0x2ca: {  	s0 =	stileid.u32;
	[bflag:$0x2] =	sbarrier.arrive $0xFFFF  }
0x2cb: {  	p0 =	sne.s32 s0, $0x0;
	s0 =	rddreg [dreg:$0x3]  }
0x2cc: {  	s0 =	sadd.s32 @!p0 $0x100000, s0  }
0x2cd: {  	[sflag:s0] =	ssyncadd.tile.s32 @!p0 $0x1;
	_ =	shalt  }
.Lfunc_end2:
_tile_overlayer_lowered:
.L_overlay_start_2:
0x2ce: {  	(tag) =	ssettag $0x2  }
0x2cf: {  	s0 =	rddreg [dreg:$0x0];
	s2 =	stileid.u32  }
0x2d0: {  	s1 =	rddreg [dreg:$0x1];
	p0 =	sne.s32 s2, $0x0  }
0x2d1: {  	s3 =	rddreg [dreg:$0x2];
	[bflag:$0x3] =	sbarrier.arrive $0xFFFF;
	s2 =	simm.s32 @!p0 $0x1C15  }
0x2d2: {  	[timem:s3], [sflag:s2] =	dma.local @!p0 [hbm:s0], s1  }
0x2d3: {  	s0 =	simm.s32 @!p0 $0x15  }
0x2d4: {  	_ =	swait.ge @!p0 [sflag:s0], s1  }
0x2d5: {  	s1 =	ssub.s32 @!p0 $0x0, s1;
	[sflag:s0] =	ssyncset.done @!p0 $0x0  }
0x2d6: {  	[sflag:s0] =	ssyncadd.s32 @!p0 s1  }
0x2d7: {  	[bflag:$0x3] =	sbarrier.arrive $0xFFFF  }
0x2d8: {  	_ =	shalt  }

// kernel: kernel.14.cloned.1.call-start
scs
__scs_entry_jumppad:
0x0: {  	(pc) =	sbr.rel $0x88, $3  }
0x1: {  	(tag) =	ssettag $0x0;
	lr =	simm.s32 $0x1  }
0x2: {  	[smem:$0x3F96] =	sst lr;
	_ =	strace $0xD0000000  }
0x3: {  	_ = 	snop  }
0x4: {  	_ = 	snop  }
0x5: {  	_ = 	snop  }
0x6: {  	_ = 	snop  }
0x7: {  	_ = 	snop  }
__scs_overlays_trampoline_lowered:
0x8: {  	[smem:$0x3FA5] =	sst s0  }
0x9: {  	[smem:$0x3FA6] =	sst s1  }
0xa: {  	[smem:$0x3FA7] =	sst s2  }
0xb: {  	[smem:$0x3FA8] =	sst s3  }
0xc: {  	[smem:$0x3FA9] =	sst s4  }
0xd: {  	[smem:$0x3FAA] =	sst s5  }
0xe: {  	[smem:$0x3FAB] =	sst s6  }
0xf: {  	[smem:$0x3FAC] =	sst s7  }
0x10: {  	[smem:$0x3FAD] =	sst s8  }
0x11: {  	[smem:$0x3FAE] =	sst s9;
	s0 =	simm.s32 @!p0 $0x0  }
0x12: {  	s1 =	sld [smem:$0x3F94];
	s0 =	simm.s32 @p0 $0x1  }
0x13: {  	[smem:$0x3FAF] =	sst s0;
	s0 =	simm.s32 @!p1 $0x0  }
0x14: {  	s2 =	sld [smem:$0x3F93];
	s0 =	simm.s32 @p1 $0x1  }
0x15: {  	[smem:$0x3FB0] =	sst s0;
	s0 =	simm.s32 @!p2 $0x0  }
0x16: {  	s3 =	sld [smem:$0x3FDB];
	s0 =	simm.s32 @p2 $0x1  }
0x17: {  	s4 =	simm.s32 $0x1BF5;
	[smem:$0x3FB2] =	sst s0  }
0x18: {  	s0 =	sld [smem:$0x3F95];
	_ =	swait.ge [sflag:s4], $0x0  }
0x19: {  	s7 =	sld [smem:$0x3F96]  }
0x1a: {  	s8 =	sadd.s32 $0xFFFFE003, lr  }
0x1b: {  	s9 =	sadd.s32 $0xFFFFFEF7, lr;
	s5 =	simm.s32 $0xFFFFFFFF;
	p2 =	slt.u32 s8, $0xFFFFF086  }
0x1c: {  	p1 =	slt.u32 s9, $0xF7A;
	s5 =	simm.s32 @!p2 $0x0  }
0x1d: {  	s5 =	simm.s32 @p1 $0x1;
	p0 =	seq.s32 s7, s2  }
0x1e: {  	s7 =	smul.u32 @!p0 $0xF7A, s2;
	p2 =	seq.s32 @!p0 s5, $0x0  }
0x1f: {  	s9 =	smul.u32 $0xF7A, s1;
	s8 =	simm.s32 @!p0 $0x1BF5;
	p2 =	por !p2, p0  }
0x20: {  	[sflag:s8] =	ssyncset.s32 @!p0 $0xFFFFF086;
	s6 =	sadd.s32 @!p0 s3, s7;
	s7 =	simm.s32 @!p0 $0x108  }
0x21: {  	s3 =	sadd.s32 s3, s9;
	s6 =	sadd.s32 @!p0 $0x88, s6;
	s7 =	simm.s32 @p2 $0x1082  }
0x22: {  	[simem:s7], [sflag:s8] =	dma.local @!p0 [hbm:s6], $0xF7A  }
0x23: {  	s9 =	sor.u32 $0xD0000000, s2;
	s6 =	simm.s32 $0x108;
	_ =	swait.ge @!p0 [sflag:s8], $0x0  }
0x24: {  	s3 =	sadd.s32 $0x88, s3;
	s6 =	simm.s32 @!p1 $0x1082;
	[sflag:s4] =	ssyncset.s32 $0xFFFFF086  }
0x25: {  	[simem:s6], [sflag:s4] =	dma.local [hbm:s3], $0xF7A  }
0x26: {  	[smem:$0x3F96] =	sst s1;
	(tag) =	ssettag s2;
	_ =	strace s9  }
0x27: {  	s1 =	sld [smem:$0x3FA6]  }
0x28: {  	s2 =	sld [smem:$0x3FA7]  }
0x29: {  	s4 =	sld [smem:$0x3FA9]  }
0x2a: {  	p0 =	seq.s32 s5, $0x0;
	s5 =	sld [smem:$0x3FAA]  }
0x2b: {  	s6 =	sld [smem:$0x3FAB]  }
0x2c: {  	s7 =	sld [smem:$0x3FAC]  }
0x2d: {  	s3 =	simm.s32 $0x108;
	s8 =	sld [smem:$0x3FAD]  }
0x2e: {  	s3 =	simm.s32 @!p0 $0x1082;
	s9 =	sld [smem:$0x3FAE]  }
0x2f: {  	lr =	sadd.s32 s0, s3;
	s0 =	sld [smem:$0x3FA5]  }
0x30: {  	s3 =	sld [smem:$0x3FA8]  }
0x31: {  	[smem:$0x3FB1] =	sst s10  }
0x32: {  	s10 =	sld [smem:$0x3FAF];
	_ =	sdelay $0x3  }
0x33: {  	p0 =	seq.s32 s10, $0x1;
	s10 =	sld [smem:$0x3FB1];
	_ =	sdelay $0x3  }
0x34: {  	[smem:$0x3FB1] =	sst s10  }
0x35: {  	s10 =	sld [smem:$0x3FB0];
	_ =	sdelay $0x3  }
0x36: {  	p1 =	seq.s32 s10, $0x1;
	s10 =	sld [smem:$0x3FB1];
	_ =	sdelay $0x3  }
0x37: {  	[smem:$0x3FB1] =	sst s10  }
0x38: {  	s10 =	sld [smem:$0x3FB2]  }
0x39: {  	_ = 	snop;
	(pc) =	sbr.ind lr, $3  }
0x3a: {  	_ = 	snop  }
0x3b: {  	_ = 	snop  }
0x3c: {  	p2 =	seq.s32 s10, $0x1;
	s10 =	sld [smem:$0x3FB1]  }
0x3d: {  	_ =	shalt  }
0x3e: {  	_ =	shalt  }
0x3f: {  	_ =	shalt  }
0x40: {  	_ =	shalt  }
0x41: {  	_ =	shalt  }
0x42: {  	_ =	shalt  }
0x43: {  	_ =	shalt  }
0x44: {  	_ =	shalt  }
0x45: {  	_ =	shalt  }
0x46: {  	_ =	shalt  }
0x47: {  	_ =	shalt  }
0x48: {  	_ =	shalt  }
0x49: {  	_ =	shalt  }
0x4a: {  	_ =	shalt  }
0x4b: {  	_ =	shalt  }
0x4c: {  	_ =	shalt  }
0x4d: {  	_ =	shalt  }
0x4e: {  	_ =	shalt  }
0x4f: {  	_ =	shalt  }
0x50: {  	_ =	shalt  }
0x51: {  	_ =	shalt  }
0x52: {  	_ =	shalt  }
0x53: {  	_ =	shalt  }
0x54: {  	_ =	shalt  }
0x55: {  	_ =	shalt  }
0x56: {  	_ =	shalt  }
0x57: {  	_ =	shalt  }
0x58: {  	_ =	shalt  }
0x59: {  	_ =	shalt  }
0x5a: {  	_ =	shalt  }
0x5b: {  	_ =	shalt  }
0x5c: {  	_ =	shalt  }
0x5d: {  	_ =	shalt  }
0x5e: {  	_ =	shalt  }
0x5f: {  	_ =	shalt  }
0x60: {  	_ =	shalt  }
0x61: {  	_ =	shalt  }
0x62: {  	_ =	shalt  }
0x63: {  	_ =	shalt  }
0x64: {  	_ =	shalt  }
0x65: {  	_ =	shalt  }
0x66: {  	_ =	shalt  }
0x67: {  	_ =	shalt  }
0x68: {  	_ =	shalt  }
0x69: {  	_ =	shalt  }
0x6a: {  	_ =	shalt  }
0x6b: {  	_ =	shalt  }
0x6c: {  	_ =	shalt  }
0x6d: {  	_ =	shalt  }
0x6e: {  	_ =	shalt  }
0x6f: {  	_ =	shalt  }
0x70: {  	_ =	shalt  }
0x71: {  	_ =	shalt  }
0x72: {  	_ =	shalt  }
0x73: {  	_ =	shalt  }
0x74: {  	_ =	shalt  }
0x75: {  	_ =	shalt  }
0x76: {  	_ =	shalt  }
0x77: {  	_ =	shalt  }
0x78: {  	_ =	shalt  }
0x79: {  	_ =	shalt  }
0x7a: {  	_ =	shalt  }
0x7b: {  	_ =	shalt  }
0x7c: {  	_ =	shalt  }
0x7d: {  	_ =	shalt  }
0x7e: {  	_ =	shalt  }
0x7f: {  	_ =	shalt  }
0x80: {  	_ =	shalt  }
0x81: {  	_ =	shalt  }
0x82: {  	_ =	shalt  }
0x83: {  	_ =	shalt  }
0x84: {  	_ =	shalt  }
0x85: {  	_ =	shalt  }
0x86: {  	_ =	shalt  }
0x87: {  	_ =	shalt  }
.Lfunc_end0:
.L_simem_size_0:
called_computation.2_lowered:
.L_overlay_start_0:
0x88: {  	s2 =	sld [smem:$0x3FD9]  }
0x89: {  	s3 =	sld [smem:$0x3FFE];
	_ =	sdelay $0x1  }
0x8a: {  	s1 =	srdreg.scid  }
0x8b: {  	s0 =	sand.u32 $0x1, s1  }
0x8c: {  	s17 =	sshll.u32 s0, $0xA;
	s2 =	sadd.s32 s3, s2  }
0x8d: {  	s2 =	sadd.s32 s2, s17  }
0x8e: {  	[smem:$0x3FBD] =	sst s2  }
0x8f: {  	_ = 	snop  }
0x90: {  	s2 =	sld [smem:$0x3FD0];
	(tm) =	ssettm $0x1  }
0x91: {  	s18 =	sld [smem:$0x3FFB];
	_ =	sdelay $0x3  }
0x92: {  	_ =	strace s18  }
0x93: {  	s3 =	sld [smem:$0x3FFC];
	_ =	sdelay $0x3  }
0x94: {  	_ =	strace s3  }
0x95: {  	s3 =	sld [smem:$0x3FFD];
	_ =	sdelay $0x3  }
0x96: {  	_ =	strace s3  }
0x97: {  	_ =	strace $0x8FFFFFFF  }
0x98: {  	s19 =	sld [smem:$0x3FDB];
	_ =	sdelay $0x1  }
0x99: {  	s4 =	simm.s32 $_scs_section_size  }
0x9a: {  	s5 =	simm.s32 $_size__tile_overlayer_lowered;
	s6 =	simm.s32 $_tile_overlayer_lowered  }
0x9b: {  	s22 =	simm.s32 $0x1BFF;
	s21 =	sshll.u32 s6, $0x1;
	s3 =	sadd.s32 s4, s19  }
0x9c: {  	s7 =	simm.s32 $0x0;
	s20 =	sshll.u32 s5, $0x1;
	s5 =	sadd.s32 s21, s3  }
0x9d: {  	[timem:s7], [sflag:s22] =	dma.local [hbm:s5], s20  }
0x9e: {  	_ =	swait.ge [sflag:s22], s20  }
0x9f: {  	s4 =	ssub.s32 $0x0, s20;
	[sflag:s22] =	ssyncset.done $0x0  }
0xa0: {  	[sflag:s22] =	ssyncadd.s32 s4;
	_ =	sdelay $0x1  }
0xa1: {  	s23 =	simm.s32 $0x1B8B  }
0xa2: {  	_ =	swait.ge [sflag:s23], $0x1  }
0xa3: {  	[sflag:s23] =	ssyncset.done $0x0  }
0xa4: {  	s25 =	simm.s32 $0x1B8E;
	s24 =	sld [smem:$0x3FFE];
	[sflag:s23] =	ssyncadd.s32 $0xFFFFFFFF  }
0xa5: {  	s26 =	simm.s32 $execute0_lowered;
	[smem:$0x3FD2] =	sst s25  }
0xa6: {  	s5 =	sshll.u32 s26, $0x1;
	_ =	strace $0x8000004C;
	[dreg:$0x1] =	wrdreg $0xFFFFFFFF  }
0xa7: {  	s28 =	simm.s32 $_size_execute0_lowered;
	s3 =	sadd.s32 s3, s5;
	[dreg:$0x0] =	wrdreg $0x0  }
0xa8: {  	s5 =	sshll.u32 s28, $0x1;
	[dreg:$0x2] =	wrdreg s3  }
0xa9: {  	[dreg:$0x3] =	wrdreg s5  }
0xaa: {  	[dreg:$0x4] =	wrdreg $0xC0  }
0xab: {  	_ =	task [dreg:s7], $0x5FFFF  }
0xac: {  	[dreg:$0x1] =	wrdreg $0xFFFFFFFF  }
0xad: {  	[dreg:$0x0] =	wrdreg $0x60  }
0xae: {  	[dreg:$0x2] =	wrdreg s2  }
0xaf: {  	[dreg:$0x3] =	wrdreg s24  }
0xb0: {  	[dreg:$0x4] =	wrdreg $0x0  }
0xb1: {  	[dreg:$0x5] =	wrdreg $0x9  }
0xb2: {  	_ =	task.clear_ibuf [dreg:s7], $0x6FFFF;
	_ =	strace $0x9000004C  }
0xb3: {  	s29 =	simm.s32 $0x9;
	_ =	strace $0x8000004E  }
0xb4: {  	_ =	swait.ge [sflag:s29], $0x1  }
0xb5: {  	[sflag:s29] =	ssyncadd.s32 $0xFFFFFFFF  }
0xb6: {  	_ =	strace $0x9000004E  }
0xb7: {  	_ =	sfence  }
0xb8: {  	s30 =	sld [smem:$0x0];
	_ =	sdelay $0x2  }
0xb9: {  	s31 =	sshll.u32 s1, $0xD;
	s1 =	sshrl.u32 s1, $0x2  }
0xba: {  	s3 =	sand.u32 $0x4000, s31;
	s1 =	sadd.s32 s1, s30  }
0xbb: {  	s0 =	sor.u32 s3, s0;
	s1 =	sshll.u32 s1, $0x11  }
0xbc: {  	s0 =	sor.u32 s1, s0  }
0xbd: {  	s0 =	sadd.s32 $0x8F2B, s0  }
0xbe: {  	[sflag:s0] =	ssyncadd.remote.s32 $0x1  }
0xbf: {  	_ =	sfence.sel $0xFFFF  }
0xc0: {  	[dreg:$0x0] =	wrdreg $0xFFFFFFFF;
	(pc) =	sbr.abs _section_cstart, $3  }
0xc1: {  	[dreg:$0x1] =	wrdreg $0xFFFFFFFF  }
0xc2: {  	_ =	task.clear_ibuf [dreg:s7], $0x2FFFF;
	_ =	strace $0x9FFFFFFF  }
0xc3: {  	(tm) =	ssettm $0x7FFFFFFF  }
tec
execute0_lowered:
.L_overlay_start_1:
0x0: {  	(tag) =	ssettag $0x1  }
0x1: {  	s1 =	rddreg [dreg:$0x0]  }
0x2: {  	s0 =	rddreg [dreg:$0x1]  }
0x3: {  	s15 =	rddreg [dreg:$0x2];
	s2 =	srdreg.scid  }
0x4: {  	s11 =	stileid.u32;
	s4 =	simm.s32 $0x0;
	s5 =	sand.u32 $0x1, s2  }
0x5: {  	s6 =	smul.u32 $0x13800, s11;
	[smem:$0x7FF] =	sst s4;
	s7 =	sshll.u32 s11, $0x1  }
0x6: {  	s12 =	sadd.s32 $0x3600, s0;
	s13 =	sadd.s32 $0xD400, s0;
	s26 =	smul.u32 $0x4E20, s11  }
0x7: {  	s2 =	smul.u32 $0x138800, s5;
	_ =	strace $0x8000004D;
	s7 =	sor.u32 s5, s7  }
0x8: {  	s8 =	ssub.s32 $0x2, s5;
	s5 =	smul.u32 $0x2710, s5;
	[dreg:$0x19] =	wrdreg s13  }
0x9: {  	[dreg:$0x18] =	wrdreg s12;
	s7 =	smul.u32 $0x2710, s7  }
0xa: {  	s20 =	sshrl.u32 s8, $0x1;
	s2 =	sadd.s32 s6, s2;
	s5 =	sadd.s32 s5, s26  }
0xb: {  	s6 =	sshrl.u32 s6, $0x3;
	s2 =	sshrl.u32 s2, $0x3;
	s9 =	sadd.s32 $0x28, s7  }
0xc: {  	s21 =	sshrl.u32 s7, $0x3;
	s7 =	sadd.s32 $0x78, s7;
	s6 =	sadd.s32 s1, s6  }
0xd: {  	s14 =	sadd.s32 $0x140, s5;
	s10 =	sadd.s32 s12, s21;
	[smem:$0x7F9] =	sst s6  }
0xe: {  	s9 =	sshrl.u32 s9, $0x3;
	s22 =	sadd.s32 s13, s21;
	[dreg:$0x1a] =	wrdreg s10  }
0xf: {  	s18 =	sadd.s32 $0x118, s5;
	[dreg:$0x1b] =	wrdreg s22;
	s23 =	sadd.s32 s12, s9  }
0x10: {  	s24 =	sadd.s32 $0xA, s21;
	s9 =	sadd.s32 s13, s9;
	[dreg:$0x1c] =	wrdreg s23  }
0x11: {  	s7 =	sshrl.u32 s7, $0x3;
	s25 =	sadd.s32 s12, s24;
	[dreg:$0x1d] =	wrdreg s9  }
0x12: {  	s0 =	sadd.s32 s2, s0;
	s29 =	sadd.s32 s12, s7;
	[dreg:$0x1e] =	wrdreg s25  }
0x13: {  	s30 =	sadd.s32 $0x14, s21;
	s7 =	sadd.s32 s13, s7;
	[smem:$0x7F4] =	sst s29  }
0x14: {  	s16 =	sshrl.u32 s14, $0x3;
	s3 =	sadd.s32 s12, s30;
	[smem:$0x7F5] =	sst s7  }
0x15: {  	s2 =	ssub.s32 s8, s20;
	s17 =	sadd.s32 s16, s13;
	[smem:$0x7F6] =	sst s3  }
0x16: {  	s20 =	sshrl.u32 s18, $0x3;
	s19 =	sadd.s32 s16, s12;
	[dreg:$0x6] =	wrdreg s17  }
0x17: {  	s21 =	sadd.s32 s20, s13;
	[dreg:$0x7] =	wrdreg s19  }
0x18: {  	s0 =	sadd.s32 $0x17200, s0;
	[dreg:$0x8] =	wrdreg s21  }
0x19: {  	s31 =	smul.u32 $0x4E000, s11;
	s2 =	smax.u32 s2, $0x1;
	[smem:$0x7FA] =	sst s0  }
0x1a: {  	s26 =	sadd.s32 $0xC8, s5;
	s9 =	sadd.s32 s13, s24;
	[smem:$0x7FB] =	sst s2  }
0x1b: {  	s8 =	sshrl.u32 s31, $0x2;
	s7 =	sadd.s32 s13, s30;
	[dreg:$0x1f] =	wrdreg s9  }
0x1c: {  	s22 =	sadd.s32 $0xF0, s5;
	s23 =	sadd.s32 s20, s12;
	[smem:$0x7F7] =	sst s7  }
0x1d: {  	s24 =	sshrl.u32 s22, $0x3;
	s7 =	sadd.s32 s8, s15;
	[dreg:$0x9] =	wrdreg s23  }
0x1e: {  	s18 =	sadd.s32 $0x1E0, s5;
	s25 =	sadd.s32 s24, s13;
	[smem:$0x7F8] =	sst s7  }
0x1f: {  	s30 =	sshrl.u32 s26, $0x3;
	s29 =	sadd.s32 s24, s12;
	[dreg:$0xa] =	wrdreg s25  }
0x20: {  	s20 =	sshrl.u32 s18, $0x3;
	s31 =	sadd.s32 s30, s13;
	[dreg:$0xb] =	wrdreg s29  }
0x21: {  	s22 =	sadd.s32 $0x1B8, s5;
	s21 =	sadd.s32 s20, s13;
	[dreg:$0xc] =	wrdreg s31  }
0x22: {  	s23 =	sadd.s32 s20, s12;
	s24 =	sshrl.u32 s22, $0x3;
	[dreg:$0x12] =	wrdreg s21  }
0x23: {  	[dreg:$0x13] =	wrdreg s23;
	s25 =	sadd.s32 s24, s13  }
0x24: {  	s26 =	sadd.s32 s24, s12;
	[dreg:$0x14] =	wrdreg s25  }
0x25: {  	s9 =	sadd.s32 $0x168, s5;
	s29 =	simm.s32 $0x13B00;
	[dreg:$0x15] =	wrdreg s26  }
0x26: {  	s10 =	sshrl.u32 s9, $0x3;
	s31 =	simm.s32 $0x13C00;
	[dreg:$0x16] =	wrdreg s29  }
0x27: {  	s3 =	sadd.s32 $0x230, s5;
	s8 =	sadd.s32 s10, s13;
	[dreg:$0x17] =	wrdreg s31  }
0x28: {  	s9 =	sshrl.u32 s3, $0x3;
	s6 =	sadd.s32 s10, s12;
	[dreg:$0x4] =	wrdreg s8  }
0x29: {  	s10 =	sadd.s32 s9, s13;
	[dreg:$0x5] =	wrdreg s6  }
0x2a: {  	s7 =	sshll.u32 s11, $0x6;
	s14 =	sadd.s32 s9, s12;
	[dreg:$0xe] =	wrdreg s10  }
0x2b: {  	s11 =	sadd.s32 $0x208, s5;
	s7 =	sor.u32 $0x1C15, s7;
	[dreg:$0xf] =	wrdreg s14  }
0x2c: {  	s16 =	sshrl.u32 s11, $0x3;
	s8 =	sadd.s32 s30, s12;
	[smem:$0x7FD] =	sst s7  }
0x2d: {  	s17 =	sadd.s32 s16, s13;
	[dreg:$0xd] =	wrdreg s8  }
0x2e: {  	s28 =	simm.s32 $0x14200;
	s19 =	sadd.s32 s16, s12;
	[dreg:$0x10] =	wrdreg s17  }
0x2f: {  	s2 =	simm.s32 $0x0;
	s30 =	sadd.s32 $0x190, s5;
	[dreg:$0x11] =	wrdreg s19  }
0x30: {  	s11 =	simm.s32 $0x15;
	s10 =	simm.s32 $0x28;
	[smem:$0x7FC] =	sst s30  }
.LBB2_1:
0x31: {  	[smem:$0x7F2] =	sst s2  }
0x32: {  	s0 =	rddreg [dreg:$0x1a]  }
0x33: {  	s6 =	rddreg [dreg:$0x1b]  }
0x34: {  	s8 =	rddreg [dreg:$0x1c]  }
0x35: {  	s5 =	simm.s32 $0x13880;
	s9 =	rddreg [dreg:$0x1d]  }
0x36: {  	[tilespmem:s5], [sflag:$0x1] =	stream.linear.gather [hbm4b:s0+s4], $0x28, $0x38;
	[tilespmem:$0x1A680] =	vst v63  }
0x37: {  	s23 =	simm.s32 $0x13D80;
	s12 =	rddreg [dreg:$0x1e]  }
0x38: {  	[tilespmem:s23], [sflag:$0x1] =	stream.linear.gather [hbm4b:s6+s4], $0x28, $0x38;
	[tilespmem:$0x1A680] =	vst v63  }
0x39: {  	s18 =	simm.s32 $0x13900;
	s13 =	rddreg [dreg:$0x1f]  }
0x3a: {  	[tilespmem:s18], [sflag:$0x2] =	stream.linear.gather [hbm4b:s8+s4], $0x28, $0x38;
	[tilespmem:$0x1A680] =	vst v63  }
0x3b: {  	s14 =	sld [smem:$0x7F4];
	s6 =	simm.s32 $0x13E00  }
0x3c: {  	[tilespmem:s6], [sflag:$0x2] =	stream.linear.gather [hbm4b:s9+s4], $0x28, $0x38;
	[tilespmem:$0x1A680] =	vst v63  }
0x3d: {  	s21 =	simm.s32 $0x13980;
	s16 =	sld [smem:$0x7F5]  }
0x3e: {  	[tilespmem:s21], [sflag:$0x3] =	stream.linear.gather [hbm4b:s12+s4], $0x28, $0x38;
	[tilespmem:$0x1A680] =	vst v63  }
0x3f: {  	s17 =	sld [smem:$0x7F6];
	s12 =	simm.s32 $0x13E80  }
0x40: {  	[tilespmem:s12], [sflag:$0x3] =	stream.linear.gather [hbm4b:s13+s4], $0x28, $0x38;
	[tilespmem:$0x1A680] =	vst v63  }
0x41: {  	s22 =	sld [smem:$0x7F8];
	s8 =	simm.s32 $0x13A00  }
0x42: {  	[tilespmem:s8], [sflag:$0x4] =	stream.linear.gather [hbm4b:s14+s4], $0x28, $0x38;
	[tilespmem:$0x1A680] =	vst v63  }
0x43: {  	s31 =	simm.s32 $0x13F00;
	s19 =	sld [smem:$0x7F7]  }
0x44: {  	[tilespmem:s31], [sflag:$0x4] =	stream.linear.gather [hbm4b:s16+s4], $0x28, $0x38;
	[tilespmem:$0x1A680] =	vst v63  }
0x45: {  	s20 =	simm.s32 $0x13A80;
	s25 =	sld [smem:$0x7F9];
	s24 =	sshrl.u32 s22, $0x3  }
0x46: {  	[tilespmem:s20], [sflag:$0x5] =	stream.linear.gather [hbm4b:s17+s4], $0x28, $0x38;
	[tilespmem:$0x1A680] =	vst v63  }
0x47: {  	s30 =	simm.s32 $0x13F80;
	[smem:$0x7F3] =	sst s24  }
0x48: {  	[tilespmem:s30], [sflag:$0x5] =	stream.linear.gather [hbm4b:s19+s4], $0x28, $0x38;
	[tilespmem:$0x1A680] =	vst v63  }
0x49: {  	[spmem:s24], [sflag:s7] =	dma.local [hbm:s25], $0x2800  }
0x4a: {  	_ =	swait.ge [sflag:s11], $0x2800  }
0x4b: {  	[sflag:s11] =	ssyncset.done $0x0  }
0x4c: {  	p0 =	por $0x1, $0x1;
	[sflag:s11] =	ssyncadd.s32 $0xFFFFD800  }
0x4d: {  	s7 =	simm.s32 @!p0 $0x10;
	[bflag:$0x0] =	sbarrier.arrive $0xFFFF  }
0x4e: {  	_ =	swait.ge @!p0 [sflag:s7], $0x1400  }
0x4f: {  	s26 =	rddreg [dreg:$0xd]  }
0x50: {  	s13 =	rddreg [dreg:$0x16];
	[sflag:s7] =	ssyncset.done @!p0 $0x0  }
0x51: {  	s16 =	rddreg [dreg:$0xc];
	[sflag:s7] =	ssyncadd.s32 @!p0 $0xFFFFEC00;
	s29 =	sadd.s32 $0x0, s26  }
0x52: {  	[tilespmem:s13], [sflag:$0x6] =	stream.linear.gather [hbm4b:s29+s4], $0x28, $0x38;
	[tilespmem:$0x1A680] =	vst v63  }
0x53: {  	s3 =	simm.s32 $0x14000;
	s2 =	simm.s32 $0x1;
	s0 =	sadd.s32 $0x0, s16  }
0x54: {  	[tilespmem:s3], [sflag:$0x6] =	stream.linear.gather [hbm4b:s0+s4], $0x28, $0x38;
	[tilespmem:$0x1A680] =	vst v63  }
0x55: {  	_ =	swait.ge [sflag:s2], $0x28  }
0x56: {  	[sflag:s2] =	ssyncset.done $0x0  }
0x57: {  	[sflag:s2] =	ssyncadd.s32 $0xFFFFFFD8  }
0x58: {  	_ =	swait.ge [sflag:s2], $0x28  }
0x59: {  	[sflag:s2] =	ssyncset.done $0x0  }
0x5a: {  	s22 =	simm.s32 $0x14280;
	s7 =	simm.s32 @!p0 $0x11;
	[sflag:s2] =	ssyncadd.s32 $0xFFFFFFD8  }
0x5b: {  	[tilespmem:s22], [sflag:$0xB] =	stream.indirect.gather [hbm4b:s1+s10], $0x80, s5, s10, $0xb8;
	[tilespmem:$0x1A680] =	vst v63  }
0x5c: {  	_ =	swait.ge @!p0 [sflag:s7], $0x1400  }
0x5d: {  	s25 =	simm.s32 $0x13B80;
	s5 =	rddreg [dreg:$0xb];
	[sflag:s7] =	ssyncset.done @!p0 $0x0  }
0x5e: {  	s9 =	rddreg [dreg:$0xa];
	[sflag:s7] =	ssyncadd.s32 @!p0 $0xFFFFEC00;
	s11 =	sadd.s32 $0x0, s5  }
0x5f: {  	[tilespmem:s25], [sflag:$0x7] =	stream.linear.gather [hbm4b:s11+s4], $0x28, $0x38;
	[tilespmem:$0x1A680] =	vst v63  }
0x60: {  	s16 =	simm.s32 $0x2;
	s14 =	sadd.s32 $0x0, s9;
	s9 =	simm.s32 $0x14080  }
0x61: {  	[tilespmem:s9], [sflag:$0x7] =	stream.linear.gather [hbm4b:s14+s4], $0x28, $0x38;
	[tilespmem:$0x1A680] =	vst v63  }
0x62: {  	_ =	swait.ge [sflag:s16], $0x28  }
0x63: {  	[sflag:s16] =	ssyncset.done $0x0  }
0x64: {  	[sflag:s16] =	ssyncadd.s32 $0xFFFFFFD8  }
0x65: {  	_ =	swait.ge [sflag:s16], $0x28  }
0x66: {  	[sflag:s16] =	ssyncset.done $0x0  }
0x67: {  	s7 =	simm.s32 @!p0 $0x12;
	s14 =	simm.s32 $0x15680;
	[sflag:s16] =	ssyncadd.s32 $0xFFFFFFD8  }
0x68: {  	[tilespmem:s14], [sflag:$0xC] =	stream.indirect.gather [hbm4b:s1+s10], $0x80, s18, s10, $0xb8;
	[tilespmem:$0x1A680] =	vst v63  }
0x69: {  	_ =	swait.ge @!p0 [sflag:s7], $0x1400  }
0x6a: {  	s17 =	rddreg [dreg:$0x9]  }
0x6b: {  	s18 =	rddreg [dreg:$0x17];
	[sflag:s7] =	ssyncset.done @!p0 $0x0  }
0x6c: {  	s19 =	rddreg [dreg:$0x8];
	[sflag:s7] =	ssyncadd.s32 @!p0 $0xFFFFEC00;
	s24 =	sadd.s32 $0x0, s17  }
0x6d: {  	[tilespmem:s18], [sflag:$0x8] =	stream.linear.gather [hbm4b:s24+s4], $0x28, $0x38;
	[tilespmem:$0x1A680] =	vst v63  }
0x6e: {  	s29 =	simm.s32 $0x3;
	s26 =	sadd.s32 $0x0, s19;
	s17 =	simm.s32 $0x14100  }
0x6f: {  	[tilespmem:s17], [sflag:$0x8] =	stream.linear.gather [hbm4b:s26+s4], $0x28, $0x38;
	[tilespmem:$0x1A680] =	vst v63  }
0x70: {  	_ =	swait.ge [sflag:s29], $0x28  }
0x71: {  	[sflag:s29] =	ssyncset.done $0x0  }
0x72: {  	[sflag:s29] =	ssyncadd.s32 $0xFFFFFFD8  }
0x73: {  	_ =	swait.ge [sflag:s29], $0x28  }
0x74: {  	[sflag:s29] =	ssyncset.done $0x0  }
0x75: {  	s7 =	simm.s32 @!p0 $0x13;
	s19 =	simm.s32 $0x16A80;
	[sflag:s29] =	ssyncadd.s32 $0xFFFFFFD8  }
0x76: {  	[tilespmem:s19], [sflag:$0xD] =	stream.indirect.gather [hbm4b:s1+s10], $0x80, s21, s10, $0xb8;
	[tilespmem:$0x1A680] =	vst v63  }
0x77: {  	_ =	swait.ge @!p0 [sflag:s7], $0x1400  }
0x78: {  	s21 =	simm.s32 $0x13C80;
	s2 =	rddreg [dreg:$0x7];
	[sflag:s7] =	ssyncset.done @!p0 $0x0  }
0x79: {  	s5 =	rddreg [dreg:$0x6];
	[sflag:s7] =	ssyncadd.s32 @!p0 $0xFFFFEC00;
	s16 =	sadd.s32 $0x0, s2  }
0x7a: {  	[tilespmem:s21], [sflag:$0x9] =	stream.linear.gather [hbm4b:s16+s4], $0x28, $0x38;
	[tilespmem:$0x1A680] =	vst v63  }
0x7b: {  	s24 =	simm.s32 $0x14180;
	s26 =	simm.s32 $0x4;
	s18 =	sadd.s32 $0x0, s5  }
0x7c: {  	[tilespmem:s24], [sflag:$0x9] =	stream.linear.gather [hbm4b:s18+s4], $0x28, $0x38;
	[tilespmem:$0x1A680] =	vst v63  }
0x7d: {  	_ =	swait.ge [sflag:s26], $0x28  }
0x7e: {  	[sflag:s26] =	ssyncset.done $0x0  }
0x7f: {  	[sflag:s26] =	ssyncadd.s32 $0xFFFFFFD8  }
0x80: {  	_ =	swait.ge [sflag:s26], $0x28  }
0x81: {  	[sflag:s26] =	ssyncset.done $0x0  }
0x82: {  	s7 =	simm.s32 @!p0 $0x14;
	[sflag:s26] =	ssyncadd.s32 $0xFFFFFFD8;
	s26 =	simm.s32 $0x17E80  }
0x83: {  	[tilespmem:s26], [sflag:$0xE] =	stream.indirect.gather [hbm4b:s1+s10], $0x80, s8, s10, $0xb8;
	[tilespmem:$0x1A680] =	vst v63  }
0x84: {  	_ =	swait.ge @!p0 [sflag:s7], $0x1400  }
0x85: {  	s8 =	simm.s32 $0x13D00;
	s29 =	rddreg [dreg:$0x5];
	[sflag:s7] =	ssyncset.done @!p0 $0x0  }
0x86: {  	s0 =	rddreg [dreg:$0x4];
	[sflag:s7] =	ssyncadd.s32 @!p0 $0xFFFFEC00;
	s2 =	sadd.s32 $0x0, s29  }
0x87: {  	[tilespmem:s8], [sflag:$0xA] =	stream.linear.gather [hbm4b:s2+s4], $0x28, $0x38;
	[tilespmem:$0x1A680] =	vst v63  }
0x88: {  	s5 =	sadd.s32 $0x0, s0;
	s7 =	simm.s32 $0x5  }
0x89: {  	[tilespmem:s28], [sflag:$0xA] =	stream.linear.gather [hbm4b:s5+s4], $0x28, $0x38;
	[tilespmem:$0x1A680] =	vst v63  }
0x8a: {  	_ =	swait.ge [sflag:s7], $0x28  }
0x8b: {  	[sflag:s7] =	ssyncset.done $0x0  }
0x8c: {  	[sflag:s7] =	ssyncadd.s32 $0xFFFFFFD8  }
0x8d: {  	_ =	swait.ge [sflag:s7], $0x28  }
0x8e: {  	[sflag:s7] =	ssyncset.done $0x0  }
0x8f: {  	s29 =	simm.s32 $0xB;
	s28 =	simm.s32 $0x19280;
	[sflag:s7] =	ssyncadd.s32 $0xFFFFFFD8  }
0x90: {  	[tilespmem:s28], [sflag:$0xF] =	stream.indirect.gather [hbm4b:s1+s10], $0x80, s20, s10, $0xb8;
	[tilespmem:$0x1A680] =	vst v63  }
0x91: {  	_ =	swait.ge [sflag:s29], $0x1400  }
0x92: {  	[sflag:s29] =	ssyncset.done $0x0  }
0x93: {  	s2 =	simm.s32 $0xC;
	[sflag:s29] =	ssyncadd.s32 $0xFFFFEC00  }
0x94: {  	[spmem:s15] =	stream.indirect.scatter.add.f32 [tilespmem:s22], [sflag:$0x10], $0x80, s23, s10, $0xb8;
	[tilespmem:$0x1A680] =	vst v63  }
0x95: {  	_ =	swait.ge [sflag:s2], $0x1400  }
0x96: {  	[sflag:s2] =	ssyncset.done $0x0  }
0x97: {  	[sflag:s2] =	ssyncadd.s32 $0xFFFFEC00  }
0x98: {  	[spmem:s15] =	stream.indirect.scatter.add.f32 [tilespmem:s14], [sflag:$0x11], $0x80, s6, s10, $0xb8;
	[tilespmem:$0x1A680] =	vst v63  }
0x99: {  	s6 =	simm.s32 $0xD  }
0x9a: {  	_ =	swait.ge [sflag:s6], $0x1400  }
0x9b: {  	[sflag:s6] =	ssyncset.done $0x0  }
0x9c: {  	[sflag:s6] =	ssyncadd.s32 $0xFFFFEC00  }
0x9d: {  	[spmem:s15] =	stream.indirect.scatter.add.f32 [tilespmem:s19], [sflag:$0x12], $0x80, s12, s10, $0xb8;
	[tilespmem:$0x1A680] =	vst v63  }
0x9e: {  	s12 =	simm.s32 $0xE  }
0x9f: {  	_ =	swait.ge [sflag:s12], $0x1400  }
0xa0: {  	[sflag:s12] =	ssyncset.done $0x0  }
0xa1: {  	s23 =	simm.s32 $0xF;
	[sflag:s12] =	ssyncadd.s32 $0xFFFFEC00  }
0xa2: {  	[spmem:s15] =	stream.indirect.scatter.add.f32 [tilespmem:s26], [sflag:$0x13], $0x80, s31, s10, $0xb8;
	[tilespmem:$0x1A680] =	vst v63  }
0xa3: {  	_ =	swait.ge [sflag:s23], $0x1400  }
0xa4: {  	[sflag:s23] =	ssyncset.done $0x0  }
0xa5: {  	s11 =	simm.s32 $0x10;
	[sflag:s23] =	ssyncadd.s32 $0xFFFFEC00  }
0xa6: {  	[spmem:s15] =	stream.indirect.scatter.add.f32 [tilespmem:s28], [sflag:$0x14], $0x80, s30, s10, $0xb8;
	[tilespmem:$0x1A680] =	vst v63  }
0xa7: {  	_ =	swait.ge [sflag:s11], $0x1400  }
0xa8: {  	p0 =	por $0x0, $0x0;
	[sflag:s11] =	ssyncset.done $0x0  }
0xa9: {  	s7 =	simm.s32 @p0 $0x6;
	[sflag:s11] =	ssyncadd.s32 $0xFFFFEC00  }
0xaa: {  	_ =	swait.ge @p0 [sflag:s7], $0x28  }
0xab: {  	[sflag:s7] =	ssyncset.done @p0 $0x0  }
0xac: {  	[sflag:s7] =	ssyncadd.s32 @p0 $0xFFFFFFD8  }
0xad: {  	s13 =	simm.s32 @p0 $0x11;
	_ =	swait.ge @p0 [sflag:s7], $0x28  }
0xae: {  	s16 =	simm.s32 @p0 $0x28;
	s11 =	simm.s32 @p0 $0x14280;
	[sflag:s7] =	ssyncset.done @p0 $0x0  }
0xaf: {  	s5 =	sld [smem:$0x7FC];
	[sflag:s7] =	ssyncadd.s32 @p0 $0xFFFFFFD8;
	s7 =	simm.s32 @p0 $0x13B00  }
0xb0: {  	[tilespmem:s11], [sflag:$0xB] =	stream.indirect.gather @p0 [hbm4b:s1+s16], $0x80, s7, s16, $0xb8;
	[tilespmem:$0x1A680] =	vst v63  }
0xb1: {  	_ =	swait.ge @p0 [sflag:s13], $0x1400  }
0xb2: {  	s11 =	sshrl.u32 @!p0 s5, $0x3;
	s0 =	rddreg [dreg:$0x18]  }
0xb3: {  	s7 =	simm.s32 @!p0 $0x0;
	[sflag:s13] =	ssyncset.done @p0 $0x0;
	s18 =	sadd.s32 @!p0 s0, s11  }
0xb4: {  	[sflag:s13] =	ssyncadd.s32 @p0 $0xFFFFEC00;
	s13 =	simm.s32 @!p0 $0x13880;
	s0 =	rddreg [dreg:$0x19]  }
0xb5: {  	[tilespmem:s13], [sflag:$0x1] =	stream.linear.gather @!p0 [hbm4b:s18+s7], $0x28, $0x38;
	[tilespmem:$0x1A680] =	vst v63  }
0xb6: {  	s11 =	sadd.s32 @!p0 s0, s11;
	s13 =	simm.s32 @!p0 $0x13D80;
	s18 =	simm.s32 @!p0 $0x6  }
0xb7: {  	[tilespmem:s13], [sflag:$0x1] =	stream.linear.gather @!p0 [hbm4b:s11+s7], $0x28, $0x38;
	[tilespmem:$0x1A680] =	vst v63  }
0xb8: {  	_ =	swait.ge @!p0 [sflag:s18], $0x28  }
0xb9: {  	[sflag:s18] =	ssyncset.done @!p0 $0x0  }
0xba: {  	[sflag:s18] =	ssyncadd.s32 @!p0 $0xFFFFFFD8  }
0xbb: {  	_ =	swait.ge @!p0 [sflag:s18], $0x28  }
0xbc: {  	s20 =	simm.s32 @!p0 $0x13B00;
	s11 =	simm.s32 @!p0 $0x14280;
	[sflag:s18] =	ssyncset.done @!p0 $0x0  }
0xbd: {  	s13 =	simm.s32 @!p0 $0x11;
	[sflag:s18] =	ssyncadd.s32 @!p0 $0xFFFFFFD8;
	s18 =	simm.s32 @!p0 $0x28  }
0xbe: {  	[tilespmem:s11], [sflag:$0xB] =	stream.indirect.gather @!p0 [hbm4b:s1+s18], $0x80, s20, s18, $0xb8;
	[tilespmem:$0x1A680] =	vst v63  }
0xbf: {  	_ =	swait.ge @!p0 [sflag:s13], $0x1400  }
0xc0: {  	s11 =	rddreg [dreg:$0x15]  }
0xc1: {  	[sflag:s13] =	ssyncset.done @!p0 $0x0;
	s20 =	rddreg [dreg:$0x14]  }
0xc2: {  	[sflag:s13] =	ssyncadd.s32 @!p0 $0xFFFFEC00;
	s11 =	sadd.s32 @!p0 $0x0, s11;
	s13 =	simm.s32 @!p0 $0x13900  }
0xc3: {  	[tilespmem:s13], [sflag:$0x2] =	stream.linear.gather @!p0 [hbm4b:s11+s7], $0x28, $0x38;
	[tilespmem:$0x1A680] =	vst v63  }
0xc4: {  	s11 =	sadd.s32 @!p0 $0x0, s20;
	s13 =	simm.s32 @!p0 $0x13E00  }
0xc5: {  	[tilespmem:s13], [sflag:$0x2] =	stream.linear.gather @!p0 [hbm4b:s11+s7], $0x28, $0x38;
	[tilespmem:$0x1A680] =	vst v63  }
0xc6: {  	s13 =	simm.s32 $0x7  }
0xc7: {  	_ =	swait.ge [sflag:s13], $0x28  }
0xc8: {  	[sflag:s13] =	ssyncset.done $0x0  }
0xc9: {  	[sflag:s13] =	ssyncadd.s32 $0xFFFFFFD8  }
0xca: {  	_ =	swait.ge [sflag:s13], $0x28  }
0xcb: {  	[sflag:s13] =	ssyncset.done $0x0  }
0xcc: {  	s20 =	simm.s32 $0x12;
	[sflag:s13] =	ssyncadd.s32 $0xFFFFFFD8  }
0xcd: {  	[tilespmem:s14], [sflag:$0xC] =	stream.indirect.gather [hbm4b:s1+s10], $0x80, s25, s10, $0xb8;
	[tilespmem:$0x1A680] =	vst v63  }
0xce: {  	_ =	swait.ge [sflag:s20], $0x1400  }
0xcf: {  	[sflag:s20] =	ssyncset.done $0x0  }
0xd0: {  	s11 =	simm.s32 @p0 $0x8;
	[sflag:s20] =	ssyncadd.s32 $0xFFFFEC00  }
0xd1: {  	_ =	swait.ge @p0 [sflag:s11], $0x28  }
0xd2: {  	[sflag:s11] =	ssyncset.done @p0 $0x0  }
0xd3: {  	[sflag:s11] =	ssyncadd.s32 @p0 $0xFFFFFFD8  }
0xd4: {  	_ =	swait.ge @p0 [sflag:s11], $0x28  }
0xd5: {  	[sflag:s11] =	ssyncset.done @p0 $0x0  }
0xd6: {  	s13 =	simm.s32 @p0 $0x16A80;
	[sflag:s11] =	ssyncadd.s32 @p0 $0xFFFFFFD8;
	s11 =	simm.s32 @p0 $0x13C00  }
0xd7: {  	[tilespmem:s13], [sflag:$0xD] =	stream.indirect.gather @p0 [hbm4b:s1+s16], $0x80, s11, s16, $0xb8;
	[tilespmem:$0x1A680] =	vst v63  }
0xd8: {  	s11 =	simm.s32 @p0 $0x13  }
0xd9: {  	_ =	swait.ge @p0 [sflag:s11], $0x1400  }
0xda: {  	s13 =	rddreg [dreg:$0x13]  }
0xdb: {  	[sflag:s11] =	ssyncset.done @p0 $0x0;
	s16 =	rddreg [dreg:$0x12]  }
0xdc: {  	[sflag:s11] =	ssyncadd.s32 @p0 $0xFFFFEC00;
	s11 =	sadd.s32 @!p0 $0x0, s13;
	s13 =	simm.s32 @!p0 $0x13980  }
0xdd: {  	[tilespmem:s13], [sflag:$0x3] =	stream.linear.gather @!p0 [hbm4b:s11+s7], $0x28, $0x38;
	[tilespmem:$0x1A680] =	vst v63  }
0xde: {  	s11 =	sadd.s32 @!p0 $0x0, s16;
	s13 =	simm.s32 @!p0 $0x13E80  }
0xdf: {  	[tilespmem:s13], [sflag:$0x3] =	stream.linear.gather @!p0 [hbm4b:s11+s7], $0x28, $0x38;
	[tilespmem:$0x1A680] =	vst v63  }
0xe0: {  	s11 =	simm.s32 @!p0 $0x8  }
0xe1: {  	_ =	swait.ge @!p0 [sflag:s11], $0x28  }
0xe2: {  	[sflag:s11] =	ssyncset.done @!p0 $0x0  }
0xe3: {  	[sflag:s11] =	ssyncadd.s32 @!p0 $0xFFFFFFD8  }
0xe4: {  	_ =	swait.ge @!p0 [sflag:s11], $0x28  }
0xe5: {  	[sflag:s11] =	ssyncset.done @!p0 $0x0  }
0xe6: {  	s13 =	simm.s32 @!p0 $0x16A80;
	[sflag:s11] =	ssyncadd.s32 @!p0 $0xFFFFFFD8;
	s11 =	simm.s32 @!p0 $0x13C00  }
0xe7: {  	[tilespmem:s13], [sflag:$0xD] =	stream.indirect.gather @!p0 [hbm4b:s1+s18], $0x80, s11, s18, $0xb8;
	[tilespmem:$0x1A680] =	vst v63  }
0xe8: {  	s11 =	simm.s32 @!p0 $0x13  }
0xe9: {  	_ =	swait.ge @!p0 [sflag:s11], $0x1400  }
0xea: {  	s13 =	rddreg [dreg:$0x11]  }
0xeb: {  	[sflag:s11] =	ssyncset.done @!p0 $0x0;
	s16 =	rddreg [dreg:$0x10]  }
0xec: {  	[sflag:s11] =	ssyncadd.s32 @!p0 $0xFFFFEC00;
	s11 =	sadd.s32 @!p0 $0x0, s13;
	s13 =	simm.s32 @!p0 $0x13A00  }
0xed: {  	[tilespmem:s13], [sflag:$0x4] =	stream.linear.gather @!p0 [hbm4b:s11+s7], $0x28, $0x38;
	[tilespmem:$0x1A680] =	vst v63  }
0xee: {  	s25 =	simm.s32 $0x9;
	s11 =	sadd.s32 @!p0 $0x0, s16;
	s13 =	simm.s32 @!p0 $0x13F00  }
0xef: {  	[tilespmem:s13], [sflag:$0x4] =	stream.linear.gather @!p0 [hbm4b:s11+s7], $0x28, $0x38;
	[tilespmem:$0x1A680] =	vst v63  }
0xf0: {  	_ =	swait.ge [sflag:s25], $0x28  }
0xf1: {  	[sflag:s25] =	ssyncset.done $0x0  }
0xf2: {  	[sflag:s25] =	ssyncadd.s32 $0xFFFFFFD8  }
0xf3: {  	_ =	swait.ge [sflag:s25], $0x28  }
0xf4: {  	[sflag:s25] =	ssyncset.done $0x0  }
0xf5: {  	s30 =	simm.s32 $0x14;
	[sflag:s25] =	ssyncadd.s32 $0xFFFFFFD8  }
0xf6: {  	[tilespmem:s26], [sflag:$0xE] =	stream.indirect.gather [hbm4b:s1+s10], $0x80, s21, s10, $0xb8;
	[tilespmem:$0x1A680] =	vst v63  }
0xf7: {  	_ =	swait.ge [sflag:s30], $0x1400  }
0xf8: {  	s16 =	simm.s32 @!p0 $0x13A80;
	s11 =	rddreg [dreg:$0xf];
	[sflag:s30] =	ssyncset.done $0x0  }
0xf9: {  	s13 =	rddreg [dreg:$0xe];
	[sflag:s30] =	ssyncadd.s32 $0xFFFFEC00;
	s11 =	sadd.s32 @!p0 $0x0, s11  }
0xfa: {  	[tilespmem:s16], [sflag:$0x5] =	stream.linear.gather @!p0 [hbm4b:s11+s7], $0x28, $0x38;
	[tilespmem:$0x1A680] =	vst v63  }
0xfb: {  	s31 =	simm.s32 $0xA;
	s11 =	sadd.s32 @!p0 $0x0, s13;
	s13 =	simm.s32 @!p0 $0x13F80  }
0xfc: {  	[tilespmem:s13], [sflag:$0x5] =	stream.linear.gather @!p0 [hbm4b:s11+s7], $0x28, $0x38;
	[tilespmem:$0x1A680] =	vst v63  }
0xfd: {  	_ =	swait.ge [sflag:s31], $0x28  }
0xfe: {  	[sflag:s31] =	ssyncset.done $0x0  }
0xff: {  	[sflag:s31] =	ssyncadd.s32 $0xFFFFFFD8  }
0x100: {  	_ =	swait.ge [sflag:s31], $0x28  }
0x101: {  	[sflag:s31] =	ssyncset.done $0x0  }
0x102: {  	[sflag:s31] =	ssyncadd.s32 $0xFFFFFFD8  }
0x103: {  	[tilespmem:s28], [sflag:$0xF] =	stream.indirect.gather [hbm4b:s1+s10], $0x80, s8, s10, $0xb8;
	[tilespmem:$0x1A680] =	vst v63  }
0x104: {  	_ =	swait.ge [sflag:s29], $0x1400  }
0x105: {  	[sflag:s29] =	ssyncset.done $0x0  }
0x106: {  	[sflag:s29] =	ssyncadd.s32 $0xFFFFEC00  }
0x107: {  	[spmem:s15] =	stream.indirect.scatter.add.f32 [tilespmem:s22], [sflag:$0x10], $0x80, s3, s10, $0xb8;
	[tilespmem:$0x1A680] =	vst v63  }
0x108: {  	_ =	swait.ge [sflag:s2], $0x1400  }
0x109: {  	[sflag:s2] =	ssyncset.done $0x0  }
0x10a: {  	[sflag:s2] =	ssyncadd.s32 $0xFFFFEC00  }
0x10b: {  	[spmem:s15] =	stream.indirect.scatter.add.f32 [tilespmem:s14], [sflag:$0x11], $0x80, s9, s10, $0xb8;
	[tilespmem:$0x1A680] =	vst v63  }
0x10c: {  	_ =	swait.ge [sflag:s6], $0x1400  }
0x10d: {  	[sflag:s6] =	ssyncset.done $0x0  }
0x10e: {  	[sflag:s6] =	ssyncadd.s32 $0xFFFFEC00  }
0x10f: {  	[spmem:s15] =	stream.indirect.scatter.add.f32 [tilespmem:s19], [sflag:$0x12], $0x80, s17, s10, $0xb8;
	[tilespmem:$0x1A680] =	vst v63  }
0x110: {  	_ =	swait.ge [sflag:s12], $0x1400  }
0x111: {  	[sflag:s12] =	ssyncset.done $0x0  }
0x112: {  	p1 =	por $0x0, $0x0;
	[sflag:s12] =	ssyncadd.s32 $0xFFFFEC00  }
0x113: {  	[spmem:s15] =	stream.indirect.scatter.add.f32 [tilespmem:s26], [sflag:$0x13], $0x80, s24, s10, $0xb8;
	[tilespmem:$0x1A680] =	vst v63  }
0x114: {  	s20 =	simm.s32 $0x3;
	s21 =	simm.s32 $0x64;
	_ =	swait.ge [sflag:s23], $0x1400  }
0x115: {  	s16 =	sadd.s32 $0x190, s5;
	s13 =	simm.s32 $0x32;
	[sflag:s23] =	ssyncset.done $0x0  }
.LBB2_2:
0x116: {  	s11 =	simm.s32 @!p1 $0x10;
	s3 =	simm.s32 $0xF  }
0x117: {  	s8 =	simm.s32 $0x14200;
	s30 =	simm.s32 $0x19280;
	[sflag:s3] =	ssyncadd.s32 $0xFFFFEC00  }
0x118: {  	[spmem:s15] =	stream.indirect.scatter.add.f32 [tilespmem:s30], [sflag:$0x14], $0x80, s8, s10, $0xb8;
	[tilespmem:$0x1A680] =	vst v63  }
0x119: {  	_ =	swait.ge @!p1 [sflag:s11], $0x1400  }
0x11a: {  	s18 =	rddreg [dreg:$0xd]  }
0x11b: {  	[sflag:s11] =	ssyncset.done @!p1 $0x0;
	s22 =	rddreg [dreg:$0x16]  }
0x11c: {  	s23 =	rddreg [dreg:$0xc];
	[sflag:s11] =	ssyncadd.s32 @!p1 $0xFFFFEC00;
	s18 =	sadd.s32 s13, s18  }
0x11d: {  	[tilespmem:s22], [sflag:$0x6] =	stream.linear.gather [hbm4b:s18+s4], $0x28, $0x38;
	[tilespmem:$0x1A680] =	vst v63  }
0x11e: {  	s0 =	simm.s32 $0x14000;
	s25 =	simm.s32 $0x1;
	s24 =	sadd.s32 s13, s23  }
0x11f: {  	[tilespmem:s0], [sflag:$0x6] =	stream.linear.gather [hbm4b:s24+s4], $0x28, $0x38;
	[tilespmem:$0x1A680] =	vst v63  }
0x120: {  	_ =	swait.ge [sflag:s25], $0x28  }
0x121: {  	[sflag:s25] =	ssyncset.done $0x0  }
0x122: {  	[sflag:s25] =	ssyncadd.s32 $0xFFFFFFD8  }
0x123: {  	_ =	swait.ge [sflag:s25], $0x28  }
0x124: {  	s26 =	simm.s32 $0x13880;
	[sflag:s25] =	ssyncset.done $0x0  }
0x125: {  	s11 =	simm.s32 @!p1 $0x11;
	s22 =	simm.s32 $0x14280;
	[sflag:s25] =	ssyncadd.s32 $0xFFFFFFD8  }
0x126: {  	[tilespmem:s22], [sflag:$0xB] =	stream.indirect.gather [hbm4b:s1+s10], $0x80, s26, s10, $0xb8;
	[tilespmem:$0x1A680] =	vst v63  }
0x127: {  	_ =	swait.ge @!p1 [sflag:s11], $0x1400  }
0x128: {  	s25 =	simm.s32 $0x13B80;
	s28 =	rddreg [dreg:$0xb];
	[sflag:s11] =	ssyncset.done @!p1 $0x0  }
0x129: {  	s29 =	rddreg [dreg:$0xa];
	[sflag:s11] =	ssyncadd.s32 @!p1 $0xFFFFEC00;
	s31 =	sadd.s32 s13, s28  }
0x12a: {  	[tilespmem:s25], [sflag:$0x7] =	stream.linear.gather [hbm4b:s31+s4], $0x28, $0x38;
	[tilespmem:$0x1A680] =	vst v63  }
0x12b: {  	s9 =	simm.s32 $0x14080;
	s2 =	simm.s32 $0x2;
	s0 =	sadd.s32 s13, s29  }
0x12c: {  	[tilespmem:s9], [sflag:$0x7] =	stream.linear.gather [hbm4b:s0+s4], $0x28, $0x38;
	[tilespmem:$0x1A680] =	vst v63  }
0x12d: {  	_ =	swait.ge [sflag:s2], $0x28  }
0x12e: {  	[sflag:s2] =	ssyncset.done $0x0  }
0x12f: {  	[sflag:s2] =	ssyncadd.s32 $0xFFFFFFD8  }
0x130: {  	_ =	swait.ge [sflag:s2], $0x28  }
0x131: {  	s5 =	simm.s32 $0x13900;
	[sflag:s2] =	ssyncset.done $0x0  }
0x132: {  	s14 =	simm.s32 $0x15680;
	s11 =	simm.s32 @!p1 $0x12;
	[sflag:s2] =	ssyncadd.s32 $0xFFFFFFD8  }
0x133: {  	[tilespmem:s14], [sflag:$0xC] =	stream.indirect.gather [hbm4b:s1+s10], $0x80, s5, s10, $0xb8;
	[tilespmem:$0x1A680] =	vst v63  }
0x134: {  	_ =	swait.ge @!p1 [sflag:s11], $0x1400  }
0x135: {  	s6 =	rddreg [dreg:$0x9]  }
0x136: {  	s12 =	rddreg [dreg:$0x17];
	[sflag:s11] =	ssyncset.done @!p1 $0x0  }
0x137: {  	s17 =	rddreg [dreg:$0x8];
	[sflag:s11] =	ssyncadd.s32 @!p1 $0xFFFFEC00;
	s19 =	sadd.s32 s13, s6  }
0x138: {  	[tilespmem:s12], [sflag:$0x8] =	stream.linear.gather [hbm4b:s19+s4], $0x28, $0x38;
	[tilespmem:$0x1A680] =	vst v63  }
0x139: {  	s23 =	simm.s32 $0x3;
	s0 =	sadd.s32 s13, s17;
	s17 =	simm.s32 $0x14100  }
0x13a: {  	[tilespmem:s17], [sflag:$0x8] =	stream.linear.gather [hbm4b:s0+s4], $0x28, $0x38;
	[tilespmem:$0x1A680] =	vst v63  }
0x13b: {  	_ =	swait.ge [sflag:s23], $0x28  }
0x13c: {  	[sflag:s23] =	ssyncset.done $0x0  }
0x13d: {  	[sflag:s23] =	ssyncadd.s32 $0xFFFFFFD8  }
0x13e: {  	_ =	swait.ge [sflag:s23], $0x28  }
0x13f: {  	s5 =	simm.s32 $0x13980;
	[sflag:s23] =	ssyncset.done $0x0  }
0x140: {  	s19 =	simm.s32 $0x16A80;
	s0 =	simm.s32 @!p1 $0x13;
	[sflag:s23] =	ssyncadd.s32 $0xFFFFFFD8  }
0x141: {  	[tilespmem:s19], [sflag:$0xD] =	stream.indirect.gather [hbm4b:s1+s10], $0x80, s5, s10, $0xb8;
	[tilespmem:$0x1A680] =	vst v63  }
0x142: {  	_ =	swait.ge @!p1 [sflag:s0], $0x1400  }
0x143: {  	s24 =	rddreg [dreg:$0x7]  }
0x144: {  	[sflag:s0] =	ssyncset.done @!p1 $0x0;
	s26 =	rddreg [dreg:$0x6]  }
0x145: {  	[sflag:s0] =	ssyncadd.s32 @!p1 $0xFFFFEC00;
	s28 =	sadd.s32 s13, s24;
	s24 =	simm.s32 $0x13C80  }
0x146: {  	[tilespmem:s24], [sflag:$0x9] =	stream.linear.gather [hbm4b:s28+s4], $0x28, $0x38;
	[tilespmem:$0x1A680] =	vst v63  }
0x147: {  	s31 =	simm.s32 $0x4;
	s29 =	sadd.s32 s13, s26;
	s26 =	simm.s32 $0x14180  }
0x148: {  	[tilespmem:s26], [sflag:$0x9] =	stream.linear.gather [hbm4b:s29+s4], $0x28, $0x38;
	[tilespmem:$0x1A680] =	vst v63  }
0x149: {  	_ =	swait.ge [sflag:s31], $0x28  }
0x14a: {  	[sflag:s31] =	ssyncset.done $0x0  }
0x14b: {  	[sflag:s31] =	ssyncadd.s32 $0xFFFFFFD8  }
0x14c: {  	_ =	swait.ge [sflag:s31], $0x28  }
0x14d: {  	s2 =	simm.s32 $0x13A00;
	[sflag:s31] =	ssyncset.done $0x0  }
0x14e: {  	s0 =	simm.s32 @!p1 $0x14;
	s28 =	simm.s32 $0x17E80;
	[sflag:s31] =	ssyncadd.s32 $0xFFFFFFD8  }
0x14f: {  	[tilespmem:s28], [sflag:$0xE] =	stream.indirect.gather [hbm4b:s1+s10], $0x80, s2, s10, $0xb8;
	[tilespmem:$0x1A680] =	vst v63  }
0x150: {  	_ =	swait.ge @!p1 [sflag:s0], $0x1400  }
0x151: {  	s29 =	simm.s32 $0x13D00;
	s5 =	rddreg [dreg:$0x5];
	[sflag:s0] =	ssyncset.done @!p1 $0x0  }
0x152: {  	s6 =	rddreg [dreg:$0x4];
	[sflag:s0] =	ssyncadd.s32 @!p1 $0xFFFFEC00;
	s12 =	sadd.s32 s13, s5  }
0x153: {  	[tilespmem:s29], [sflag:$0xA] =	stream.linear.gather [hbm4b:s12+s4], $0x28, $0x38;
	[tilespmem:$0x1A680] =	vst v63  }
0x154: {  	s31 =	simm.s32 $0x5;
	s23 =	sadd.s32 s13, s6  }
0x155: {  	[tilespmem:s8], [sflag:$0xA] =	stream.linear.gather [hbm4b:s23+s4], $0x28, $0x38;
	[tilespmem:$0x1A680] =	vst v63  }
0x156: {  	_ =	swait.ge [sflag:s31], $0x28  }
0x157: {  	[sflag:s31] =	ssyncset.done $0x0  }
0x158: {  	[sflag:s31] =	ssyncadd.s32 $0xFFFFFFD8  }
0x159: {  	_ =	swait.ge [sflag:s31], $0x28  }
0x15a: {  	[sflag:s31] =	ssyncset.done $0x0  }
0x15b: {  	s2 =	simm.s32 $0x13A80;
	[sflag:s31] =	ssyncadd.s32 $0xFFFFFFD8;
	s31 =	simm.s32 $0xB  }
0x15c: {  	[tilespmem:s30], [sflag:$0xF] =	stream.indirect.gather [hbm4b:s1+s10], $0x80, s2, s10, $0xb8;
	[tilespmem:$0x1A680] =	vst v63  }
0x15d: {  	_ =	swait.ge [sflag:s31], $0x1400  }
0x15e: {  	[sflag:s31] =	ssyncset.done $0x0  }
0x15f: {  	s5 =	simm.s32 $0x13D80;
	s2 =	simm.s32 $0xC;
	[sflag:s31] =	ssyncadd.s32 $0xFFFFEC00  }
0x160: {  	[spmem:s15] =	stream.indirect.scatter.add.f32 [tilespmem:s22], [sflag:$0x10], $0x80, s5, s10, $0xb8;
	[tilespmem:$0x1A680] =	vst v63  }
0x161: {  	_ =	swait.ge [sflag:s2], $0x1400  }
0x162: {  	[sflag:s2] =	ssyncset.done $0x0  }
0x163: {  	s6 =	simm.s32 $0x13E00;
	[sflag:s2] =	ssyncadd.s32 $0xFFFFEC00  }
0x164: {  	[spmem:s15] =	stream.indirect.scatter.add.f32 [tilespmem:s14], [sflag:$0x11], $0x80, s6, s10, $0xb8;
	[tilespmem:$0x1A680] =	vst v63  }
0x165: {  	s6 =	simm.s32 $0xD  }
0x166: {  	_ =	swait.ge [sflag:s6], $0x1400  }
0x167: {  	[sflag:s6] =	ssyncset.done $0x0  }
0x168: {  	s12 =	simm.s32 $0xE;
	s8 =	simm.s32 $0x13E80;
	[sflag:s6] =	ssyncadd.s32 $0xFFFFEC00  }
0x169: {  	[spmem:s15] =	stream.indirect.scatter.add.f32 [tilespmem:s19], [sflag:$0x12], $0x80, s8, s10, $0xb8;
	[tilespmem:$0x1A680] =	vst v63  }
0x16a: {  	_ =	swait.ge [sflag:s12], $0x1400  }
0x16b: {  	[sflag:s12] =	ssyncset.done $0x0  }
0x16c: {  	s11 =	simm.s32 $0x13F00;
	[sflag:s12] =	ssyncadd.s32 $0xFFFFEC00  }
0x16d: {  	[spmem:s15] =	stream.indirect.scatter.add.f32 [tilespmem:s28], [sflag:$0x13], $0x80, s11, s10, $0xb8;
	[tilespmem:$0x1A680] =	vst v63  }
0x16e: {  	_ =	swait.ge [sflag:s3], $0x1400  }
0x16f: {  	[sflag:s3] =	ssyncset.done $0x0  }
0x170: {  	s18 =	simm.s32 $0x13F80;
	s23 =	simm.s32 $0x10;
	[sflag:s3] =	ssyncadd.s32 $0xFFFFEC00  }
0x171: {  	[spmem:s15] =	stream.indirect.scatter.add.f32 [tilespmem:s30], [sflag:$0x14], $0x80, s18, s10, $0xb8;
	[tilespmem:$0x1A680] =	vst v63  }
0x172: {  	_ =	swait.ge [sflag:s23], $0x1400  }
0x173: {  	p1 =	sgt.u32 s20, $0x30;
	[sflag:s23] =	ssyncset.done $0x0  }
0x174: {  	s0 =	simm.s32 @p1 $0x6;
	[sflag:s23] =	ssyncadd.s32 $0xFFFFEC00  }
0x175: {  	_ =	swait.ge @p1 [sflag:s0], $0x28  }
0x176: {  	s11 =	sshrl.u32 @!p1 s16, $0x3;
	[sflag:s0] =	ssyncset.done @p1 $0x0  }
0x177: {  	s18 =	simm.s32 @p1 $0x28;
	s5 =	rddreg [dreg:$0x18];
	[sflag:s0] =	ssyncadd.s32 @p1 $0xFFFFFFD8  }
0x178: {  	s23 =	simm.s32 @p1 $0x14280;
	s8 =	rddreg [dreg:$0x19];
	_ =	swait.ge @p1 [sflag:s0], $0x28  }
0x179: {  	s5 =	sadd.s32 @!p1 s5, s11;
	s11 =	sadd.s32 @!p1 s8, s11;
	[sflag:s0] =	ssyncset.done @p1 $0x0  }
0x17a: {  	s8 =	simm.s32 @p1 $0x11;
	[sflag:s0] =	ssyncadd.s32 @p1 $0xFFFFFFD8;
	s0 =	simm.s32 @p1 $0x13B00  }
0x17b: {  	[tilespmem:s23], [sflag:$0xB] =	stream.indirect.gather @p1 [hbm4b:s1+s18], $0x80, s0, s18, $0xb8;
	[tilespmem:$0x1A680] =	vst v63  }
0x17c: {  	_ =	swait.ge @p1 [sflag:s8], $0x1400  }
0x17d: {  	[sflag:s8] =	ssyncset.done @p1 $0x0  }
0x17e: {  	s23 =	simm.s32 @!p1 $0x0;
	s0 =	simm.s32 @!p1 $0x13880;
	[sflag:s8] =	ssyncadd.s32 @p1 $0xFFFFEC00  }
0x17f: {  	[tilespmem:s0], [sflag:$0x1] =	stream.linear.gather @!p1 [hbm4b:s5+s23], $0x28, $0x38;
	[tilespmem:$0x1A680] =	vst v63  }
0x180: {  	s0 =	simm.s32 @!p1 $0x13D80;
	s5 =	simm.s32 @!p1 $0x6  }
0x181: {  	[tilespmem:s0], [sflag:$0x1] =	stream.linear.gather @!p1 [hbm4b:s11+s23], $0x28, $0x38;
	[tilespmem:$0x1A680] =	vst v63  }
0x182: {  	_ =	swait.ge @!p1 [sflag:s5], $0x28  }
0x183: {  	[sflag:s5] =	ssyncset.done @!p1 $0x0  }
0x184: {  	[sflag:s5] =	ssyncadd.s32 @!p1 $0xFFFFFFD8  }
0x185: {  	_ =	swait.ge @!p1 [sflag:s5], $0x28  }
0x186: {  	s8 =	simm.s32 @!p1 $0x11;
	s0 =	simm.s32 @!p1 $0x14280;
	[sflag:s5] =	ssyncset.done @!p1 $0x0  }
0x187: {  	s11 =	simm.s32 @!p1 $0x28;
	[sflag:s5] =	ssyncadd.s32 @!p1 $0xFFFFFFD8;
	s5 =	simm.s32 @!p1 $0x13B00  }
0x188: {  	[tilespmem:s0], [sflag:$0xB] =	stream.indirect.gather @!p1 [hbm4b:s1+s11], $0x80, s5, s11, $0xb8;
	[tilespmem:$0x1A680] =	vst v63  }
0x189: {  	_ =	swait.ge @!p1 [sflag:s8], $0x1400  }
0x18a: {  	s0 =	rddreg [dreg:$0x15]  }
0x18b: {  	[sflag:s8] =	ssyncset.done @!p1 $0x0;
	s5 =	rddreg [dreg:$0x14]  }
0x18c: {  	[sflag:s8] =	ssyncadd.s32 @!p1 $0xFFFFEC00;
	s0 =	sadd.s32 @!p1 s13, s0;
	s8 =	simm.s32 @!p1 $0x13900  }
0x18d: {  	[tilespmem:s8], [sflag:$0x2] =	stream.linear.gather @!p1 [hbm4b:s0+s23], $0x28, $0x38;
	[tilespmem:$0x1A680] =	vst v63  }
0x18e: {  	s0 =	sadd.s32 @!p1 s13, s5;
	s5 =	simm.s32 @!p1 $0x13E00  }
0x18f: {  	[tilespmem:s5], [sflag:$0x2] =	stream.linear.gather @!p1 [hbm4b:s0+s23], $0x28, $0x38;
	[tilespmem:$0x1A680] =	vst v63  }
0x190: {  	s5 =	simm.s32 $0x7  }
0x191: {  	_ =	swait.ge [sflag:s5], $0x28  }
0x192: {  	[sflag:s5] =	ssyncset.done $0x0  }
0x193: {  	[sflag:s5] =	ssyncadd.s32 $0xFFFFFFD8  }
0x194: {  	_ =	swait.ge [sflag:s5], $0x28  }
0x195: {  	[sflag:s5] =	ssyncset.done $0x0  }
0x196: {  	s8 =	simm.s32 $0x12;
	[sflag:s5] =	ssyncadd.s32 $0xFFFFFFD8  }
0x197: {  	[tilespmem:s14], [sflag:$0xC] =	stream.indirect.gather [hbm4b:s1+s10], $0x80, s25, s10, $0xb8;
	[tilespmem:$0x1A680] =	vst v63  }
0x198: {  	_ =	swait.ge [sflag:s8], $0x1400  }
0x199: {  	[sflag:s8] =	ssyncset.done $0x0  }
0x19a: {  	s0 =	simm.s32 @p1 $0x8;
	[sflag:s8] =	ssyncadd.s32 $0xFFFFEC00  }
0x19b: {  	_ =	swait.ge @p1 [sflag:s0], $0x28  }
0x19c: {  	[sflag:s0] =	ssyncset.done @p1 $0x0  }
0x19d: {  	[sflag:s0] =	ssyncadd.s32 @p1 $0xFFFFFFD8  }
0x19e: {  	_ =	swait.ge @p1 [sflag:s0], $0x28  }
0x19f: {  	s5 =	simm.s32 @p1 $0x13;
	[sflag:s0] =	ssyncset.done @p1 $0x0  }
0x1a0: {  	s8 =	simm.s32 @p1 $0x16A80;
	[sflag:s0] =	ssyncadd.s32 @p1 $0xFFFFFFD8;
	s0 =	simm.s32 @p1 $0x13C00  }
0x1a1: {  	[tilespmem:s8], [sflag:$0xD] =	stream.indirect.gather @p1 [hbm4b:s1+s18], $0x80, s0, s18, $0xb8;
	[tilespmem:$0x1A680] =	vst v63  }
0x1a2: {  	_ =	swait.ge @p1 [sflag:s5], $0x1400  }
0x1a3: {  	s0 =	rddreg [dreg:$0x13]  }
0x1a4: {  	[sflag:s5] =	ssyncset.done @p1 $0x0;
	s8 =	rddreg [dreg:$0x12]  }
0x1a5: {  	[sflag:s5] =	ssyncadd.s32 @p1 $0xFFFFEC00;
	s0 =	sadd.s32 @!p1 s13, s0;
	s5 =	simm.s32 @!p1 $0x13980  }
0x1a6: {  	[tilespmem:s5], [sflag:$0x3] =	stream.linear.gather @!p1 [hbm4b:s0+s23], $0x28, $0x38;
	[tilespmem:$0x1A680] =	vst v63  }
0x1a7: {  	s0 =	sadd.s32 @!p1 s13, s8;
	s5 =	simm.s32 @!p1 $0x13E80;
	s8 =	simm.s32 @!p1 $0x8  }
0x1a8: {  	[tilespmem:s5], [sflag:$0x3] =	stream.linear.gather @!p1 [hbm4b:s0+s23], $0x28, $0x38;
	[tilespmem:$0x1A680] =	vst v63  }
0x1a9: {  	_ =	swait.ge @!p1 [sflag:s8], $0x28  }
0x1aa: {  	[sflag:s8] =	ssyncset.done @!p1 $0x0  }
0x1ab: {  	[sflag:s8] =	ssyncadd.s32 @!p1 $0xFFFFFFD8  }
0x1ac: {  	_ =	swait.ge @!p1 [sflag:s8], $0x28  }
0x1ad: {  	s0 =	simm.s32 @!p1 $0x13;
	[sflag:s8] =	ssyncset.done @!p1 $0x0  }
0x1ae: {  	s5 =	simm.s32 @!p1 $0x13C00;
	[sflag:s8] =	ssyncadd.s32 @!p1 $0xFFFFFFD8;
	s8 =	simm.s32 @!p1 $0x16A80  }
0x1af: {  	[tilespmem:s8], [sflag:$0xD] =	stream.indirect.gather @!p1 [hbm4b:s1+s11], $0x80, s5, s11, $0xb8;
	[tilespmem:$0x1A680] =	vst v63  }
0x1b0: {  	_ =	swait.ge @!p1 [sflag:s0], $0x1400  }
0x1b1: {  	s5 =	rddreg [dreg:$0x11]  }
0x1b2: {  	[sflag:s0] =	ssyncset.done @!p1 $0x0;
	s8 =	rddreg [dreg:$0x10]  }
0x1b3: {  	[sflag:s0] =	ssyncadd.s32 @!p1 $0xFFFFEC00;
	s0 =	sadd.s32 @!p1 s13, s5;
	s5 =	simm.s32 @!p1 $0x13A00  }
0x1b4: {  	[tilespmem:s5], [sflag:$0x4] =	stream.linear.gather @!p1 [hbm4b:s0+s23], $0x28, $0x38;
	[tilespmem:$0x1A680] =	vst v63  }
0x1b5: {  	s18 =	simm.s32 $0x9;
	s0 =	sadd.s32 @!p1 s13, s8;
	s5 =	simm.s32 @!p1 $0x13F00  }
0x1b6: {  	[tilespmem:s5], [sflag:$0x4] =	stream.linear.gather @!p1 [hbm4b:s0+s23], $0x28, $0x38;
	[tilespmem:$0x1A680] =	vst v63  }
0x1b7: {  	_ =	swait.ge [sflag:s18], $0x28  }
0x1b8: {  	[sflag:s18] =	ssyncset.done $0x0  }
0x1b9: {  	[sflag:s18] =	ssyncadd.s32 $0xFFFFFFD8  }
0x1ba: {  	_ =	swait.ge [sflag:s18], $0x28  }
0x1bb: {  	[sflag:s18] =	ssyncset.done $0x0  }
0x1bc: {  	[sflag:s18] =	ssyncadd.s32 $0xFFFFFFD8  }
0x1bd: {  	[tilespmem:s28], [sflag:$0xE] =	stream.indirect.gather [hbm4b:s1+s10], $0x80, s24, s10, $0xb8;
	[tilespmem:$0x1A680] =	vst v63  }
0x1be: {  	s24 =	simm.s32 $0x14  }
0x1bf: {  	_ =	swait.ge [sflag:s24], $0x1400  }
0x1c0: {  	s8 =	simm.s32 @!p1 $0x13A80;
	s0 =	rddreg [dreg:$0xf];
	[sflag:s24] =	ssyncset.done $0x0  }
0x1c1: {  	s5 =	rddreg [dreg:$0xe];
	[sflag:s24] =	ssyncadd.s32 $0xFFFFEC00;
	s0 =	sadd.s32 @!p1 s13, s0  }
0x1c2: {  	[tilespmem:s8], [sflag:$0x5] =	stream.linear.gather @!p1 [hbm4b:s0+s23], $0x28, $0x38;
	[tilespmem:$0x1A680] =	vst v63  }
0x1c3: {  	s25 =	simm.s32 $0xA;
	s0 =	sadd.s32 @!p1 s13, s5;
	s5 =	simm.s32 @!p1 $0x13F80  }
0x1c4: {  	[tilespmem:s5], [sflag:$0x5] =	stream.linear.gather @!p1 [hbm4b:s0+s23], $0x28, $0x38;
	[tilespmem:$0x1A680] =	vst v63  }
0x1c5: {  	_ =	swait.ge [sflag:s25], $0x28  }
0x1c6: {  	[sflag:s25] =	ssyncset.done $0x0  }
0x1c7: {  	[sflag:s25] =	ssyncadd.s32 $0xFFFFFFD8  }
0x1c8: {  	_ =	swait.ge [sflag:s25], $0x28  }
0x1c9: {  	[sflag:s25] =	ssyncset.done $0x0  }
0x1ca: {  	[sflag:s25] =	ssyncadd.s32 $0xFFFFFFD8  }
0x1cb: {  	[tilespmem:s30], [sflag:$0xF] =	stream.indirect.gather [hbm4b:s1+s10], $0x80, s29, s10, $0xb8;
	[tilespmem:$0x1A680] =	vst v63  }
0x1cc: {  	_ =	swait.ge [sflag:s31], $0x1400  }
0x1cd: {  	[sflag:s31] =	ssyncset.done $0x0  }
0x1ce: {  	[sflag:s31] =	ssyncadd.s32 $0xFFFFEC00;
	s31 =	simm.s32 $0x14000  }
0x1cf: {  	[spmem:s15] =	stream.indirect.scatter.add.f32 [tilespmem:s22], [sflag:$0x10], $0x80, s31, s10, $0xb8;
	[tilespmem:$0x1A680] =	vst v63  }
0x1d0: {  	_ =	swait.ge [sflag:s2], $0x1400  }
0x1d1: {  	[sflag:s2] =	ssyncset.done $0x0  }
0x1d2: {  	[sflag:s2] =	ssyncadd.s32 $0xFFFFEC00  }
0x1d3: {  	[spmem:s15] =	stream.indirect.scatter.add.f32 [tilespmem:s14], [sflag:$0x11], $0x80, s9, s10, $0xb8;
	[tilespmem:$0x1A680] =	vst v63  }
0x1d4: {  	_ =	swait.ge [sflag:s6], $0x1400  }
0x1d5: {  	[sflag:s6] =	ssyncset.done $0x0  }
0x1d6: {  	s7 =	smov.u32 s21;
	s21 =	sadd.s32 $0x32, s21;
	[sflag:s6] =	ssyncadd.s32 $0xFFFFEC00  }
0x1d7: {  	[spmem:s15] =	stream.indirect.scatter.add.f32 [tilespmem:s19], [sflag:$0x12], $0x80, s17, s10, $0xb8;
	[tilespmem:$0x1A680] =	vst v63  }
0x1d8: {  	p0 =	sne.s32 s21, $0x4E2;
	_ =	swait.ge [sflag:s12], $0x1400  }
.Ltmp0:
0x1d9: {  	[sflag:s12] =	ssyncset.done $0x0;
	(pc) =	sbr.rel @p0 .LBB2_2-.Ltmp0, $4  }
0x1da: {  	[sflag:s12] =	ssyncadd.s32 $0xFFFFEC00  }
0x1db: {  	[spmem:s15] =	stream.indirect.scatter.add.f32 [tilespmem:s28], [sflag:$0x13], $0x80, s26, s10, $0xb8;
	[tilespmem:$0x1A680] =	vst v63  }
0x1dc: {  	s20 =	sadd.s32 $0x2, s20;
	s13 =	smov.u32 s7;
	_ =	swait.ge [sflag:s3], $0x1400  }
0x1dd: {  	s16 =	sadd.s32 $0x190, s16;
	p1 =	seq.s32 s13, $0x0;
	[sflag:s3] =	ssyncset.done $0x0  }
0x1de: {  	s0 =	simm.s32 @!p1 $0x10;
	s3 =	simm.s32 $0xF  }
0x1df: {  	s26 =	simm.s32 $0x14200;
	s29 =	simm.s32 $0x19280;
	[sflag:s3] =	ssyncadd.s32 $0xFFFFEC00  }
0x1e0: {  	[spmem:s15] =	stream.indirect.scatter.add.f32 [tilespmem:s29], [sflag:$0x14], $0x80, s26, s10, $0xb8;
	[tilespmem:$0x1A680] =	vst v63  }
0x1e1: {  	_ =	swait.ge @!p1 [sflag:s0], $0x1400  }
0x1e2: {  	s5 =	rddreg [dreg:$0xd]  }
0x1e3: {  	s7 =	rddreg [dreg:$0x16];
	[sflag:s0] =	ssyncset.done @!p1 $0x0  }
0x1e4: {  	s8 =	rddreg [dreg:$0xc];
	[sflag:s0] =	ssyncadd.s32 @!p1 $0xFFFFEC00;
	s21 =	sadd.s32 s13, s5  }
0x1e5: {  	[tilespmem:s7], [sflag:$0x6] =	stream.linear.gather [hbm4b:s21+s4], $0x28, $0x38;
	[tilespmem:$0x1A680] =	vst v63  }
0x1e6: {  	s30 =	simm.s32 $0x14000;
	s23 =	simm.s32 $0x1;
	s22 =	sadd.s32 s13, s8  }
0x1e7: {  	[tilespmem:s30], [sflag:$0x6] =	stream.linear.gather [hbm4b:s22+s4], $0x28, $0x38;
	[tilespmem:$0x1A680] =	vst v63  }
0x1e8: {  	_ =	swait.ge [sflag:s23], $0x28  }
0x1e9: {  	[sflag:s23] =	ssyncset.done $0x0  }
0x1ea: {  	[sflag:s23] =	ssyncadd.s32 $0xFFFFFFD8  }
0x1eb: {  	_ =	swait.ge [sflag:s23], $0x28  }
0x1ec: {  	s24 =	simm.s32 $0x13880;
	[sflag:s23] =	ssyncset.done $0x0  }
0x1ed: {  	s18 =	simm.s32 $0x14280;
	s0 =	simm.s32 @!p1 $0x11;
	[sflag:s23] =	ssyncadd.s32 $0xFFFFFFD8  }
0x1ee: {  	[tilespmem:s18], [sflag:$0xB] =	stream.indirect.gather [hbm4b:s1+s10], $0x80, s24, s10, $0xb8;
	[tilespmem:$0x1A680] =	vst v63  }
0x1ef: {  	_ =	swait.ge @!p1 [sflag:s0], $0x1400  }
0x1f0: {  	s21 =	simm.s32 $0x13B80;
	s25 =	rddreg [dreg:$0xb];
	[sflag:s0] =	ssyncset.done @!p1 $0x0  }
0x1f1: {  	s31 =	rddreg [dreg:$0xa];
	[sflag:s0] =	ssyncadd.s32 @!p1 $0xFFFFEC00;
	s2 =	sadd.s32 s13, s25  }
0x1f2: {  	[tilespmem:s21], [sflag:$0x7] =	stream.linear.gather [hbm4b:s2+s4], $0x28, $0x38;
	[tilespmem:$0x1A680] =	vst v63  }
0x1f3: {  	s9 =	simm.s32 $0x14080;
	s6 =	simm.s32 $0x2;
	s5 =	sadd.s32 s13, s31  }
0x1f4: {  	[tilespmem:s9], [sflag:$0x7] =	stream.linear.gather [hbm4b:s5+s4], $0x28, $0x38;
	[tilespmem:$0x1A680] =	vst v63  }
0x1f5: {  	_ =	swait.ge [sflag:s6], $0x28  }
0x1f6: {  	[sflag:s6] =	ssyncset.done $0x0  }
0x1f7: {  	[sflag:s6] =	ssyncadd.s32 $0xFFFFFFD8  }
0x1f8: {  	_ =	swait.ge [sflag:s6], $0x28  }
0x1f9: {  	s14 =	simm.s32 $0x15680;
	[sflag:s6] =	ssyncset.done $0x0  }
0x1fa: {  	s7 =	simm.s32 $0x13900;
	s0 =	simm.s32 @!p1 $0x12;
	[sflag:s6] =	ssyncadd.s32 $0xFFFFFFD8  }
0x1fb: {  	[tilespmem:s14], [sflag:$0xC] =	stream.indirect.gather [hbm4b:s1+s10], $0x80, s7, s10, $0xb8;
	[tilespmem:$0x1A680] =	vst v63  }
0x1fc: {  	_ =	swait.ge @!p1 [sflag:s0], $0x1400  }
0x1fd: {  	s8 =	rddreg [dreg:$0x9]  }
0x1fe: {  	s11 =	rddreg [dreg:$0x17];
	[sflag:s0] =	ssyncset.done @!p1 $0x0  }
0x1ff: {  	s12 =	rddreg [dreg:$0x8];
	[sflag:s0] =	ssyncadd.s32 @!p1 $0xFFFFEC00;
	s17 =	sadd.s32 s13, s8  }
0x200: {  	[tilespmem:s11], [sflag:$0x8] =	stream.linear.gather [hbm4b:s17+s4], $0x28, $0x38;
	[tilespmem:$0x1A680] =	vst v63  }
0x201: {  	s22 =	simm.s32 $0x3;
	s19 =	sadd.s32 s13, s12;
	s17 =	simm.s32 $0x14100  }
0x202: {  	[tilespmem:s17], [sflag:$0x8] =	stream.linear.gather [hbm4b:s19+s4], $0x28, $0x38;
	[tilespmem:$0x1A680] =	vst v63  }
0x203: {  	_ =	swait.ge [sflag:s22], $0x28  }
0x204: {  	[sflag:s22] =	ssyncset.done $0x0  }
0x205: {  	[sflag:s22] =	ssyncadd.s32 $0xFFFFFFD8  }
0x206: {  	_ =	swait.ge [sflag:s22], $0x28  }
0x207: {  	s23 =	simm.s32 $0x13980;
	[sflag:s22] =	ssyncset.done $0x0  }
0x208: {  	s0 =	simm.s32 @!p1 $0x13;
	s19 =	simm.s32 $0x16A80;
	[sflag:s22] =	ssyncadd.s32 $0xFFFFFFD8  }
0x209: {  	[tilespmem:s19], [sflag:$0xD] =	stream.indirect.gather [hbm4b:s1+s10], $0x80, s23, s10, $0xb8;
	[tilespmem:$0x1A680] =	vst v63  }
0x20a: {  	_ =	swait.ge @!p1 [sflag:s0], $0x1400  }
0x20b: {  	s22 =	simm.s32 $0x13C80;
	s24 =	rddreg [dreg:$0x7];
	[sflag:s0] =	ssyncset.done @!p1 $0x0  }
0x20c: {  	s25 =	rddreg [dreg:$0x6];
	[sflag:s0] =	ssyncadd.s32 @!p1 $0xFFFFEC00;
	s31 =	sadd.s32 s13, s24  }
0x20d: {  	[tilespmem:s22], [sflag:$0x9] =	stream.linear.gather [hbm4b:s31+s4], $0x28, $0x38;
	[tilespmem:$0x1A680] =	vst v63  }
0x20e: {  	s5 =	simm.s32 $0x4;
	s23 =	simm.s32 $0x14180;
	s2 =	sadd.s32 s13, s25  }
0x20f: {  	[tilespmem:s23], [sflag:$0x9] =	stream.linear.gather [hbm4b:s2+s4], $0x28, $0x38;
	[tilespmem:$0x1A680] =	vst v63  }
0x210: {  	_ =	swait.ge [sflag:s5], $0x28  }
0x211: {  	[sflag:s5] =	ssyncset.done $0x0  }
0x212: {  	[sflag:s5] =	ssyncadd.s32 $0xFFFFFFD8  }
0x213: {  	_ =	swait.ge [sflag:s5], $0x28  }
0x214: {  	s6 =	simm.s32 $0x13A00;
	[sflag:s5] =	ssyncset.done $0x0  }
0x215: {  	s0 =	simm.s32 @!p1 $0x14;
	s24 =	simm.s32 $0x17E80;
	[sflag:s5] =	ssyncadd.s32 $0xFFFFFFD8  }
0x216: {  	[tilespmem:s24], [sflag:$0xE] =	stream.indirect.gather [hbm4b:s1+s10], $0x80, s6, s10, $0xb8;
	[tilespmem:$0x1A680] =	vst v63  }
0x217: {  	_ =	swait.ge @!p1 [sflag:s0], $0x1400  }
0x218: {  	s25 =	simm.s32 $0x13D00;
	s7 =	rddreg [dreg:$0x5];
	[sflag:s0] =	ssyncset.done @!p1 $0x0  }
0x219: {  	s8 =	rddreg [dreg:$0x4];
	[sflag:s0] =	ssyncadd.s32 @!p1 $0xFFFFEC00;
	s11 =	sadd.s32 s13, s7  }
0x21a: {  	[tilespmem:s25], [sflag:$0xA] =	stream.linear.gather [hbm4b:s11+s4], $0x28, $0x38;
	[tilespmem:$0x1A680] =	vst v63  }
0x21b: {  	s31 =	simm.s32 $0x5;
	s12 =	sadd.s32 s13, s8  }
0x21c: {  	[tilespmem:s26], [sflag:$0xA] =	stream.linear.gather [hbm4b:s12+s4], $0x28, $0x38;
	[tilespmem:$0x1A680] =	vst v63  }
0x21d: {  	_ =	swait.ge [sflag:s31], $0x28  }
0x21e: {  	[sflag:s31] =	ssyncset.done $0x0  }
0x21f: {  	[sflag:s31] =	ssyncadd.s32 $0xFFFFFFD8  }
0x220: {  	_ =	swait.ge [sflag:s31], $0x28  }
0x221: {  	[sflag:s31] =	ssyncset.done $0x0  }
0x222: {  	s28 =	simm.s32 $0xB;
	s2 =	simm.s32 $0x13A80;
	[sflag:s31] =	ssyncadd.s32 $0xFFFFFFD8  }
0x223: {  	[tilespmem:s29], [sflag:$0xF] =	stream.indirect.gather [hbm4b:s1+s10], $0x80, s2, s10, $0xb8;
	[tilespmem:$0x1A680] =	vst v63  }
0x224: {  	_ =	swait.ge [sflag:s28], $0x1400  }
0x225: {  	[sflag:s28] =	ssyncset.done $0x0  }
0x226: {  	s5 =	simm.s32 $0x13D80;
	s2 =	simm.s32 $0xC;
	[sflag:s28] =	ssyncadd.s32 $0xFFFFEC00  }
0x227: {  	[spmem:s15] =	stream.indirect.scatter.add.f32 [tilespmem:s18], [sflag:$0x10], $0x80, s5, s10, $0xb8;
	[tilespmem:$0x1A680] =	vst v63  }
0x228: {  	_ =	swait.ge [sflag:s2], $0x1400  }
0x229: {  	[sflag:s2] =	ssyncset.done $0x0  }
0x22a: {  	s6 =	simm.s32 $0x13E00;
	[sflag:s2] =	ssyncadd.s32 $0xFFFFEC00  }
0x22b: {  	[spmem:s15] =	stream.indirect.scatter.add.f32 [tilespmem:s14], [sflag:$0x11], $0x80, s6, s10, $0xb8;
	[tilespmem:$0x1A680] =	vst v63  }
0x22c: {  	s6 =	simm.s32 $0xD  }
0x22d: {  	_ =	swait.ge [sflag:s6], $0x1400  }
0x22e: {  	[sflag:s6] =	ssyncset.done $0x0  }
0x22f: {  	s7 =	simm.s32 $0x13E80;
	s12 =	simm.s32 $0xE;
	[sflag:s6] =	ssyncadd.s32 $0xFFFFEC00  }
0x230: {  	[spmem:s15] =	stream.indirect.scatter.add.f32 [tilespmem:s19], [sflag:$0x12], $0x80, s7, s10, $0xb8;
	[tilespmem:$0x1A680] =	vst v63  }
0x231: {  	_ =	swait.ge [sflag:s12], $0x1400  }
0x232: {  	[sflag:s12] =	ssyncset.done $0x0  }
0x233: {  	s8 =	simm.s32 $0x13F00;
	[sflag:s12] =	ssyncadd.s32 $0xFFFFEC00  }
0x234: {  	[spmem:s15] =	stream.indirect.scatter.add.f32 [tilespmem:s24], [sflag:$0x13], $0x80, s8, s10, $0xb8;
	[tilespmem:$0x1A680] =	vst v63  }
0x235: {  	_ =	swait.ge [sflag:s3], $0x1400  }
0x236: {  	[sflag:s3] =	ssyncset.done $0x0  }
0x237: {  	s11 =	simm.s32 $0x13F80;
	s31 =	simm.s32 $0x10;
	[sflag:s3] =	ssyncadd.s32 $0xFFFFEC00  }
0x238: {  	[spmem:s15] =	stream.indirect.scatter.add.f32 [tilespmem:s29], [sflag:$0x14], $0x80, s11, s10, $0xb8;
	[tilespmem:$0x1A680] =	vst v63  }
0x239: {  	_ =	swait.ge [sflag:s31], $0x1400  }
0x23a: {  	p0 =	sgt.u32 s20, $0x30;
	[sflag:s31] =	ssyncset.done $0x0  }
0x23b: {  	s0 =	simm.s32 @p0 $0x6;
	[sflag:s31] =	ssyncadd.s32 $0xFFFFEC00  }
0x23c: {  	_ =	swait.ge @p0 [sflag:s0], $0x28  }
0x23d: {  	[sflag:s0] =	ssyncset.done @p0 $0x0  }
0x23e: {  	[sflag:s0] =	ssyncadd.s32 @p0 $0xFFFFFFD8  }
0x23f: {  	_ =	swait.ge @p0 [sflag:s0], $0x28  }
0x240: {  	s5 =	simm.s32 @p0 $0x14280;
	s7 =	simm.s32 @p0 $0x11;
	[sflag:s0] =	ssyncset.done @p0 $0x0  }
0x241: {  	s8 =	simm.s32 @p0 $0x13B00;
	[sflag:s0] =	ssyncadd.s32 @p0 $0xFFFFFFD8;
	s0 =	simm.s32 @p0 $0x28  }
0x242: {  	[tilespmem:s5], [sflag:$0xB] =	stream.indirect.gather @p0 [hbm4b:s1+s0], $0x80, s8, s0, $0xb8;
	[tilespmem:$0x1A680] =	vst v63  }
0x243: {  	s11 =	simm.s32 @!p0 $0x13880;
	_ =	swait.ge @p0 [sflag:s7], $0x1400  }
0x244: {  	s5 =	sshrl.u32 @!p0 s16, $0x3;
	s8 =	rddreg [dreg:$0x18];
	[sflag:s7] =	ssyncset.done @p0 $0x0  }
0x245: {  	s8 =	sadd.s32 @!p0 s8, s5;
	[sflag:s7] =	ssyncadd.s32 @p0 $0xFFFFEC00;
	s7 =	simm.s32 @!p0 $0x0  }
0x246: {  	[tilespmem:s11], [sflag:$0x1] =	stream.linear.gather @!p0 [hbm4b:s8+s7], $0x28, $0x38;
	[tilespmem:$0x1A680] =	vst v63  }
0x247: {  	s8 =	rddreg [dreg:$0x19]  }
0x248: {  	s11 =	simm.s32 @!p0 $0x6;
	s5 =	sadd.s32 @!p0 s8, s5;
	s8 =	simm.s32 @!p0 $0x13D80  }
0x249: {  	[tilespmem:s8], [sflag:$0x1] =	stream.linear.gather @!p0 [hbm4b:s5+s7], $0x28, $0x38;
	[tilespmem:$0x1A680] =	vst v63  }
0x24a: {  	_ =	swait.ge @!p0 [sflag:s11], $0x28  }
0x24b: {  	[sflag:s11] =	ssyncset.done @!p0 $0x0  }
0x24c: {  	[sflag:s11] =	ssyncadd.s32 @!p0 $0xFFFFFFD8  }
0x24d: {  	_ =	swait.ge @!p0 [sflag:s11], $0x28  }
0x24e: {  	s16 =	simm.s32 @!p0 $0x13B00;
	s5 =	simm.s32 @!p0 $0x14280;
	[sflag:s11] =	ssyncset.done @!p0 $0x0  }
0x24f: {  	s8 =	simm.s32 @!p0 $0x11;
	[sflag:s11] =	ssyncadd.s32 @!p0 $0xFFFFFFD8;
	s11 =	simm.s32 @!p0 $0x28  }
0x250: {  	[tilespmem:s5], [sflag:$0xB] =	stream.indirect.gather @!p0 [hbm4b:s1+s11], $0x80, s16, s11, $0xb8;
	[tilespmem:$0x1A680] =	vst v63  }
0x251: {  	_ =	swait.ge @!p0 [sflag:s8], $0x1400  }
0x252: {  	s5 =	rddreg [dreg:$0x15]  }
0x253: {  	[sflag:s8] =	ssyncset.done @!p0 $0x0;
	s16 =	rddreg [dreg:$0x14]  }
0x254: {  	[sflag:s8] =	ssyncadd.s32 @!p0 $0xFFFFEC00;
	s5 =	sadd.s32 @!p0 s13, s5;
	s8 =	simm.s32 @!p0 $0x13900  }
0x255: {  	[tilespmem:s8], [sflag:$0x2] =	stream.linear.gather @!p0 [hbm4b:s5+s7], $0x28, $0x38;
	[tilespmem:$0x1A680] =	vst v63  }
0x256: {  	s5 =	sadd.s32 @!p0 s13, s16;
	s8 =	simm.s32 @!p0 $0x13E00;
	s16 =	simm.s32 $0x7  }
0x257: {  	[tilespmem:s8], [sflag:$0x2] =	stream.linear.gather @!p0 [hbm4b:s5+s7], $0x28, $0x38;
	[tilespmem:$0x1A680] =	vst v63  }
0x258: {  	_ =	swait.ge [sflag:s16], $0x28  }
0x259: {  	[sflag:s16] =	ssyncset.done $0x0  }
0x25a: {  	[sflag:s16] =	ssyncadd.s32 $0xFFFFFFD8  }
0x25b: {  	_ =	swait.ge [sflag:s16], $0x28  }
0x25c: {  	[sflag:s16] =	ssyncset.done $0x0  }
0x25d: {  	[sflag:s16] =	ssyncadd.s32 $0xFFFFFFD8;
	s16 =	simm.s32 $0x12  }
0x25e: {  	[tilespmem:s14], [sflag:$0xC] =	stream.indirect.gather [hbm4b:s1+s10], $0x80, s21, s10, $0xb8;
	[tilespmem:$0x1A680] =	vst v63  }
0x25f: {  	_ =	swait.ge [sflag:s16], $0x1400  }
0x260: {  	[sflag:s16] =	ssyncset.done $0x0  }
0x261: {  	s5 =	simm.s32 @p0 $0x8;
	[sflag:s16] =	ssyncadd.s32 $0xFFFFEC00  }
0x262: {  	_ =	swait.ge @p0 [sflag:s5], $0x28  }
0x263: {  	[sflag:s5] =	ssyncset.done @p0 $0x0  }
0x264: {  	[sflag:s5] =	ssyncadd.s32 @p0 $0xFFFFFFD8  }
0x265: {  	_ =	swait.ge @p0 [sflag:s5], $0x28  }
0x266: {  	[sflag:s5] =	ssyncset.done @p0 $0x0  }
0x267: {  	s8 =	simm.s32 @p0 $0x16A80;
	[sflag:s5] =	ssyncadd.s32 @p0 $0xFFFFFFD8;
	s5 =	simm.s32 @p0 $0x13C00  }
0x268: {  	[tilespmem:s8], [sflag:$0xD] =	stream.indirect.gather @p0 [hbm4b:s1+s0], $0x80, s5, s0, $0xb8;
	[tilespmem:$0x1A680] =	vst v63  }
0x269: {  	s0 =	simm.s32 @p0 $0x13  }
0x26a: {  	_ =	swait.ge @p0 [sflag:s0], $0x1400  }
0x26b: {  	s5 =	rddreg [dreg:$0x13]  }
0x26c: {  	[sflag:s0] =	ssyncset.done @p0 $0x0;
	s8 =	rddreg [dreg:$0x12]  }
0x26d: {  	[sflag:s0] =	ssyncadd.s32 @p0 $0xFFFFEC00;
	s0 =	sadd.s32 @!p0 s13, s5;
	s5 =	simm.s32 @!p0 $0x13980  }
0x26e: {  	[tilespmem:s5], [sflag:$0x3] =	stream.linear.gather @!p0 [hbm4b:s0+s7], $0x28, $0x38;
	[tilespmem:$0x1A680] =	vst v63  }
0x26f: {  	s0 =	sadd.s32 @!p0 s13, s8;
	s5 =	simm.s32 @!p0 $0x13E80  }
0x270: {  	[tilespmem:s5], [sflag:$0x3] =	stream.linear.gather @!p0 [hbm4b:s0+s7], $0x28, $0x38;
	[tilespmem:$0x1A680] =	vst v63  }
0x271: {  	s0 =	simm.s32 @!p0 $0x8  }
0x272: {  	_ =	swait.ge @!p0 [sflag:s0], $0x28  }
0x273: {  	[sflag:s0] =	ssyncset.done @!p0 $0x0  }
0x274: {  	[sflag:s0] =	ssyncadd.s32 @!p0 $0xFFFFFFD8  }
0x275: {  	_ =	swait.ge @!p0 [sflag:s0], $0x28  }
0x276: {  	[sflag:s0] =	ssyncset.done @!p0 $0x0  }
0x277: {  	s5 =	simm.s32 @!p0 $0x16A80;
	[sflag:s0] =	ssyncadd.s32 @!p0 $0xFFFFFFD8;
	s0 =	simm.s32 @!p0 $0x13C00  }
0x278: {  	[tilespmem:s5], [sflag:$0xD] =	stream.indirect.gather @!p0 [hbm4b:s1+s11], $0x80, s0, s11, $0xb8;
	[tilespmem:$0x1A680] =	vst v63  }
0x279: {  	s0 =	simm.s32 @!p0 $0x13  }
0x27a: {  	_ =	swait.ge @!p0 [sflag:s0], $0x1400  }
0x27b: {  	s5 =	rddreg [dreg:$0x11]  }
0x27c: {  	[sflag:s0] =	ssyncset.done @!p0 $0x0;
	s8 =	rddreg [dreg:$0x10]  }
0x27d: {  	[sflag:s0] =	ssyncadd.s32 @!p0 $0xFFFFEC00;
	s0 =	sadd.s32 @!p0 s13, s5;
	s5 =	simm.s32 @!p0 $0x13A00  }
0x27e: {  	[tilespmem:s5], [sflag:$0x4] =	stream.linear.gather @!p0 [hbm4b:s0+s7], $0x28, $0x38;
	[tilespmem:$0x1A680] =	vst v63  }
0x27f: {  	s20 =	simm.s32 $0x9;
	s0 =	sadd.s32 @!p0 s13, s8;
	s5 =	simm.s32 @!p0 $0x13F00  }
0x280: {  	[tilespmem:s5], [sflag:$0x4] =	stream.linear.gather @!p0 [hbm4b:s0+s7], $0x28, $0x38;
	[tilespmem:$0x1A680] =	vst v63  }
0x281: {  	_ =	swait.ge [sflag:s20], $0x28  }
0x282: {  	[sflag:s20] =	ssyncset.done $0x0  }
0x283: {  	[sflag:s20] =	ssyncadd.s32 $0xFFFFFFD8  }
0x284: {  	_ =	swait.ge [sflag:s20], $0x28  }
0x285: {  	[sflag:s20] =	ssyncset.done $0x0  }
0x286: {  	s21 =	simm.s32 $0x14;
	[sflag:s20] =	ssyncadd.s32 $0xFFFFFFD8  }
0x287: {  	[tilespmem:s24], [sflag:$0xE] =	stream.indirect.gather [hbm4b:s1+s10], $0x80, s22, s10, $0xb8;
	[tilespmem:$0x1A680] =	vst v63  }
0x288: {  	_ =	swait.ge [sflag:s21], $0x1400  }
0x289: {  	s8 =	simm.s32 @!p0 $0x13A80;
	s0 =	rddreg [dreg:$0xf];
	[sflag:s21] =	ssyncset.done $0x0  }
0x28a: {  	s5 =	rddreg [dreg:$0xe];
	[sflag:s21] =	ssyncadd.s32 $0xFFFFEC00;
	s0 =	sadd.s32 @!p0 s13, s0  }
0x28b: {  	[tilespmem:s8], [sflag:$0x5] =	stream.linear.gather @!p0 [hbm4b:s0+s7], $0x28, $0x38;
	[tilespmem:$0x1A680] =	vst v63  }
0x28c: {  	s22 =	simm.s32 $0xA;
	s0 =	sadd.s32 @!p0 s13, s5;
	s5 =	simm.s32 @!p0 $0x13F80  }
0x28d: {  	[tilespmem:s5], [sflag:$0x5] =	stream.linear.gather @!p0 [hbm4b:s0+s7], $0x28, $0x38;
	[tilespmem:$0x1A680] =	vst v63  }
0x28e: {  	_ =	swait.ge [sflag:s22], $0x28  }
0x28f: {  	[sflag:s22] =	ssyncset.done $0x0  }
0x290: {  	[sflag:s22] =	ssyncadd.s32 $0xFFFFFFD8  }
0x291: {  	_ =	swait.ge [sflag:s22], $0x28  }
0x292: {  	[sflag:s22] =	ssyncset.done $0x0  }
0x293: {  	[sflag:s22] =	ssyncadd.s32 $0xFFFFFFD8  }
0x294: {  	[tilespmem:s29], [sflag:$0xF] =	stream.indirect.gather [hbm4b:s1+s10], $0x80, s25, s10, $0xb8;
	[tilespmem:$0x1A680] =	vst v63  }
0x295: {  	_ =	swait.ge [sflag:s28], $0x1400  }
0x296: {  	[sflag:s28] =	ssyncset.done $0x0  }
0x297: {  	[sflag:s28] =	ssyncadd.s32 $0xFFFFEC00  }
0x298: {  	[spmem:s15] =	stream.indirect.scatter.add.f32 [tilespmem:s18], [sflag:$0x10], $0x80, s30, s10, $0xb8;
	[tilespmem:$0x1A680] =	vst v63  }
0x299: {  	_ =	swait.ge [sflag:s2], $0x1400  }
0x29a: {  	[sflag:s2] =	ssyncset.done $0x0  }
0x29b: {  	[sflag:s2] =	ssyncadd.s32 $0xFFFFEC00  }
0x29c: {  	[spmem:s15] =	stream.indirect.scatter.add.f32 [tilespmem:s14], [sflag:$0x11], $0x80, s9, s10, $0xb8;
	[tilespmem:$0x1A680] =	vst v63  }
0x29d: {  	_ =	swait.ge [sflag:s6], $0x1400  }
0x29e: {  	[sflag:s6] =	ssyncset.done $0x0  }
0x29f: {  	[sflag:s6] =	ssyncadd.s32 $0xFFFFEC00  }
0x2a0: {  	[spmem:s15] =	stream.indirect.scatter.add.f32 [tilespmem:s19], [sflag:$0x12], $0x80, s17, s10, $0xb8;
	[tilespmem:$0x1A680] =	vst v63  }
0x2a1: {  	_ =	swait.ge [sflag:s12], $0x1400  }
0x2a2: {  	[sflag:s12] =	ssyncset.done $0x0  }
0x2a3: {  	[sflag:s12] =	ssyncadd.s32 $0xFFFFEC00  }
0x2a4: {  	[spmem:s15] =	stream.indirect.scatter.add.f32 [tilespmem:s24], [sflag:$0x13], $0x80, s23, s10, $0xb8;
	[tilespmem:$0x1A680] =	vst v63  }
0x2a5: {  	_ =	swait.ge [sflag:s3], $0x1400  }
0x2a6: {  	[sflag:s3] =	ssyncset.done $0x0  }
0x2a7: {  	[sflag:s3] =	ssyncadd.s32 $0xFFFFEC00  }
0x2a8: {  	[spmem:s15] =	stream.indirect.scatter.add.f32 [tilespmem:s29], [sflag:$0x14], $0x80, s26, s10, $0xb8;
	[tilespmem:$0x1A680] =	vst v63  }
0x2a9: {  	_ =	swait.ge [sflag:s31], $0x1400  }
0x2aa: {  	[sflag:s31] =	ssyncset.done $0x0  }
0x2ab: {  	s24 =	simm.s32 $0x11;
	[sflag:s31] =	ssyncadd.s32 $0xFFFFEC00  }
0x2ac: {  	_ =	swait.ge [sflag:s24], $0x1400  }
0x2ad: {  	[sflag:s24] =	ssyncset.done $0x0  }
0x2ae: {  	[sflag:s24] =	ssyncadd.s32 $0xFFFFEC00  }
0x2af: {  	_ =	swait.ge [sflag:s16], $0x1400  }
0x2b0: {  	[sflag:s16] =	ssyncset.done $0x0  }
0x2b1: {  	s25 =	simm.s32 $0x13;
	[sflag:s16] =	ssyncadd.s32 $0xFFFFEC00  }
0x2b2: {  	_ =	swait.ge [sflag:s25], $0x1400  }
0x2b3: {  	[sflag:s25] =	ssyncset.done $0x0  }
0x2b4: {  	[sflag:s25] =	ssyncadd.s32 $0xFFFFEC00  }
0x2b5: {  	_ =	swait.ge [sflag:s21], $0x1400  }
0x2b6: {  	[sflag:s21] =	ssyncset.done $0x0  }
0x2b7: {  	[sflag:s21] =	ssyncadd.s32 $0xFFFFEC00  }
0x2b8: {  	[bflag:$0x0] =	sbarrier.arrive $0xFFFF  }
0x2b9: {  	s7 =	sld [smem:$0x7FD]  }
0x2ba: {  	s26 =	sld [smem:$0x7FA]  }
0x2bb: {  	s29 =	sld [smem:$0x7F3];
	_ =	sdelay $0x1  }
0x2bc: {  	s11 =	simm.s32 $0x15  }
0x2bd: {  	[hbm:s26], [sflag:s7] =	dma.local [spmem:s29], $0x2800  }
0x2be: {  	_ =	swait.ge [sflag:s11], $0x2800  }
0x2bf: {  	s30 =	sld [smem:$0x7F2]  }
0x2c0: {  	s31 =	sld [smem:$0x7FB];
	_ =	sdelay $0x1  }
0x2c1: {  	s2 =	sadd.s32 $0x1, s30  }
0x2c2: {  	p0 =	sne.s32 s2, s31  }
.Ltmp1:
0x2c3: {  	_ = 	snop;
	(pc) =	sbr.rel @p0 .LBB2_1-.Ltmp1, $3  }
0x2c4: {  	_ =	sdelay $0x1  }
0x2c5: {  	[sflag:s11] =	ssyncset.done $0x0  }
0x2c6: {  	s28 =	simm.s32 $0x14200;
	[sflag:s11] =	ssyncadd.s32 $0xFFFFD800  }
0x2c7: {  	_ =	sfence.sel $0x180000  }
0x2c8: {  	[bflag:$0x0] =	sbarrier.arrive $0xFFFF  }
0x2c9: {  	_ =	strace $0x9000004D  }
0x2ca: {  	s0 =	stileid.u32;
	[bflag:$0x2] =	sbarrier.arrive $0xFFFF  }
0x2cb: {  	p0 =	sne.s32 s0, $0x0;
	s0 =	rddreg [dreg:$0x3]  }
0x2cc: {  	s0 =	sadd.s32 @!p0 $0x100000, s0  }
0x2cd: {  	[sflag:s0] =	ssyncadd.tile.s32 @!p0 $0x1;
	_ =	shalt  }
.Lfunc_end2:
_tile_overlayer_lowered:
.L_overlay_start_2:
0x2ce: {  	(tag) =	ssettag $0x2  }
0x2cf: {  	s0 =	rddreg [dreg:$0x0];
	s2 =	stileid.u32  }
0x2d0: {  	s1 =	rddreg [dreg:$0x1];
	p0 =	sne.s32 s2, $0x0  }
0x2d1: {  	s3 =	rddreg [dreg:$0x2];
	[bflag:$0x3] =	sbarrier.arrive $0xFFFF;
	s2 =	simm.s32 @!p0 $0x1C15  }
0x2d2: {  	[timem:s3], [sflag:s2] =	dma.local @!p0 [hbm:s0], s1  }
0x2d3: {  	s0 =	simm.s32 @!p0 $0x15  }
0x2d4: {  	_ =	swait.ge @!p0 [sflag:s0], s1  }
0x2d5: {  	s1 =	ssub.s32 @!p0 $0x0, s1;
	[sflag:s0] =	ssyncset.done @!p0 $0x0  }
0x2d6: {  	[sflag:s0] =	ssyncadd.s32 @!p0 s1  }
0x2d7: {  	[bflag:$0x3] =	sbarrier.arrive $0xFFFF  }
0x2d8: {  	_ =	shalt  }

// kernel: kernel.8.cloned.1.call-start
scs
__scs_entry_jumppad:
0x0: {  	(pc) =	sbr.rel $0x88, $3  }
0x1: {  	(tag) =	ssettag $0x0;
	lr =	simm.s32 $0x1  }
0x2: {  	[smem:$0x3F96] =	sst lr;
	_ =	strace $0xD0000000  }
0x3: {  	_ = 	snop  }
0x4: {  	_ = 	snop  }
0x5: {  	_ = 	snop  }
0x6: {  	_ = 	snop  }
0x7: {  	_ = 	snop  }
__scs_overlays_trampoline_lowered:
0x8: {  	[smem:$0x3FA5] =	sst s0  }
0x9: {  	[smem:$0x3FA6] =	sst s1  }
0xa: {  	[smem:$0x3FA7] =	sst s2  }
0xb: {  	[smem:$0x3FA8] =	sst s3  }
0xc: {  	[smem:$0x3FA9] =	sst s4  }
0xd: {  	[smem:$0x3FAA] =	sst s5  }
0xe: {  	[smem:$0x3FAB] =	sst s6  }
0xf: {  	[smem:$0x3FAC] =	sst s7  }
0x10: {  	[smem:$0x3FAD] =	sst s8  }
0x11: {  	[smem:$0x3FAE] =	sst s9;
	s0 =	simm.s32 @!p0 $0x0  }
0x12: {  	s1 =	sld [smem:$0x3F94];
	s0 =	simm.s32 @p0 $0x1  }
0x13: {  	[smem:$0x3FAF] =	sst s0;
	s0 =	simm.s32 @!p1 $0x0  }
0x14: {  	s2 =	sld [smem:$0x3F93];
	s0 =	simm.s32 @p1 $0x1  }
0x15: {  	[smem:$0x3FB0] =	sst s0;
	s0 =	simm.s32 @!p2 $0x0  }
0x16: {  	s3 =	sld [smem:$0x3FDB];
	s0 =	simm.s32 @p2 $0x1  }
0x17: {  	s4 =	simm.s32 $0x1BF5;
	[smem:$0x3FB2] =	sst s0  }
0x18: {  	s0 =	sld [smem:$0x3F95];
	_ =	swait.ge [sflag:s4], $0x0  }
0x19: {  	s7 =	sld [smem:$0x3F96]  }
0x1a: {  	s8 =	sadd.s32 $0xFFFFE003, lr  }
0x1b: {  	s9 =	sadd.s32 $0xFFFFFEF7, lr;
	s5 =	simm.s32 $0xFFFFFFFF;
	p2 =	slt.u32 s8, $0xFFFFF086  }
0x1c: {  	p1 =	slt.u32 s9, $0xF7A;
	s5 =	simm.s32 @!p2 $0x0  }
0x1d: {  	s5 =	simm.s32 @p1 $0x1;
	p0 =	seq.s32 s7, s2  }
0x1e: {  	s7 =	smul.u32 @!p0 $0xF7A, s2;
	p2 =	seq.s32 @!p0 s5, $0x0  }
0x1f: {  	s9 =	smul.u32 $0xF7A, s1;
	s8 =	simm.s32 @!p0 $0x1BF5;
	p2 =	por !p2, p0  }
0x20: {  	[sflag:s8] =	ssyncset.s32 @!p0 $0xFFFFF086;
	s6 =	sadd.s32 @!p0 s3, s7;
	s7 =	simm.s32 @!p0 $0x108  }
0x21: {  	s3 =	sadd.s32 s3, s9;
	s6 =	sadd.s32 @!p0 $0x88, s6;
	s7 =	simm.s32 @p2 $0x1082  }
0x22: {  	[simem:s7], [sflag:s8] =	dma.local @!p0 [hbm:s6], $0xF7A  }
0x23: {  	s9 =	sor.u32 $0xD0000000, s2;
	s6 =	simm.s32 $0x108;
	_ =	swait.ge @!p0 [sflag:s8], $0x0  }
0x24: {  	s3 =	sadd.s32 $0x88, s3;
	s6 =	simm.s32 @!p1 $0x1082;
	[sflag:s4] =	ssyncset.s32 $0xFFFFF086  }
0x25: {  	[simem:s6], [sflag:s4] =	dma.local [hbm:s3], $0xF7A  }
0x26: {  	[smem:$0x3F96] =	sst s1;
	(tag) =	ssettag s2;
	_ =	strace s9  }
0x27: {  	s1 =	sld [smem:$0x3FA6]  }
0x28: {  	s2 =	sld [smem:$0x3FA7]  }
0x29: {  	s4 =	sld [smem:$0x3FA9]  }
0x2a: {  	p0 =	seq.s32 s5, $0x0;
	s5 =	sld [smem:$0x3FAA]  }
0x2b: {  	s6 =	sld [smem:$0x3FAB]  }
0x2c: {  	s7 =	sld [smem:$0x3FAC]  }
0x2d: {  	s3 =	simm.s32 $0x108;
	s8 =	sld [smem:$0x3FAD]  }
0x2e: {  	s3 =	simm.s32 @!p0 $0x1082;
	s9 =	sld [smem:$0x3FAE]  }
0x2f: {  	lr =	sadd.s32 s0, s3;
	s0 =	sld [smem:$0x3FA5]  }
0x30: {  	s3 =	sld [smem:$0x3FA8]  }
0x31: {  	[smem:$0x3FB1] =	sst s10  }
0x32: {  	s10 =	sld [smem:$0x3FAF];
	_ =	sdelay $0x3  }
0x33: {  	p0 =	seq.s32 s10, $0x1;
	s10 =	sld [smem:$0x3FB1];
	_ =	sdelay $0x3  }
0x34: {  	[smem:$0x3FB1] =	sst s10  }
0x35: {  	s10 =	sld [smem:$0x3FB0];
	_ =	sdelay $0x3  }
0x36: {  	p1 =	seq.s32 s10, $0x1;
	s10 =	sld [smem:$0x3FB1];
	_ =	sdelay $0x3  }
0x37: {  	[smem:$0x3FB1] =	sst s10  }
0x38: {  	s10 =	sld [smem:$0x3FB2]  }
0x39: {  	_ = 	snop;
	(pc) =	sbr.ind lr, $3  }
0x3a: {  	_ = 	snop  }
0x3b: {  	_ = 	snop  }
0x3c: {  	p2 =	seq.s32 s10, $0x1;
	s10 =	sld [smem:$0x3FB1]  }
0x3d: {  	_ =	shalt  }
0x3e: {  	_ =	shalt  }
0x3f: {  	_ =	shalt  }
0x40: {  	_ =	shalt  }
0x41: {  	_ =	shalt  }
0x42: {  	_ =	shalt  }
0x43: {  	_ =	shalt  }
0x44: {  	_ =	shalt  }
0x45: {  	_ =	shalt  }
0x46: {  	_ =	shalt  }
0x47: {  	_ =	shalt  }
0x48: {  	_ =	shalt  }
0x49: {  	_ =	shalt  }
0x4a: {  	_ =	shalt  }
0x4b: {  	_ =	shalt  }
0x4c: {  	_ =	shalt  }
0x4d: {  	_ =	shalt  }
0x4e: {  	_ =	shalt  }
0x4f: {  	_ =	shalt  }
0x50: {  	_ =	shalt  }
0x51: {  	_ =	shalt  }
0x52: {  	_ =	shalt  }
0x53: {  	_ =	shalt  }
0x54: {  	_ =	shalt  }
0x55: {  	_ =	shalt  }
0x56: {  	_ =	shalt  }
0x57: {  	_ =	shalt  }
0x58: {  	_ =	shalt  }
0x59: {  	_ =	shalt  }
0x5a: {  	_ =	shalt  }
0x5b: {  	_ =	shalt  }
0x5c: {  	_ =	shalt  }
0x5d: {  	_ =	shalt  }
0x5e: {  	_ =	shalt  }
0x5f: {  	_ =	shalt  }
0x60: {  	_ =	shalt  }
0x61: {  	_ =	shalt  }
0x62: {  	_ =	shalt  }
0x63: {  	_ =	shalt  }
0x64: {  	_ =	shalt  }
0x65: {  	_ =	shalt  }
0x66: {  	_ =	shalt  }
0x67: {  	_ =	shalt  }
0x68: {  	_ =	shalt  }
0x69: {  	_ =	shalt  }
0x6a: {  	_ =	shalt  }
0x6b: {  	_ =	shalt  }
0x6c: {  	_ =	shalt  }
0x6d: {  	_ =	shalt  }
0x6e: {  	_ =	shalt  }
0x6f: {  	_ =	shalt  }
0x70: {  	_ =	shalt  }
0x71: {  	_ =	shalt  }
0x72: {  	_ =	shalt  }
0x73: {  	_ =	shalt  }
0x74: {  	_ =	shalt  }
0x75: {  	_ =	shalt  }
0x76: {  	_ =	shalt  }
0x77: {  	_ =	shalt  }
0x78: {  	_ =	shalt  }
0x79: {  	_ =	shalt  }
0x7a: {  	_ =	shalt  }
0x7b: {  	_ =	shalt  }
0x7c: {  	_ =	shalt  }
0x7d: {  	_ =	shalt  }
0x7e: {  	_ =	shalt  }
0x7f: {  	_ =	shalt  }
0x80: {  	_ =	shalt  }
0x81: {  	_ =	shalt  }
0x82: {  	_ =	shalt  }
0x83: {  	_ =	shalt  }
0x84: {  	_ =	shalt  }
0x85: {  	_ =	shalt  }
0x86: {  	_ =	shalt  }
0x87: {  	_ =	shalt  }
.Lfunc_end0:
.L_simem_size_0:
called_computation_lowered:
.L_overlay_start_0:
0x88: {  	s2 =	sld [smem:$0x3FD9]  }
0x89: {  	s3 =	sld [smem:$0x3FFE];
	_ =	sdelay $0x1  }
0x8a: {  	s1 =	srdreg.scid  }
0x8b: {  	s0 =	sand.u32 $0x1, s1  }
0x8c: {  	s17 =	sshll.u32 s0, $0xA;
	s2 =	sadd.s32 s3, s2  }
0x8d: {  	s2 =	sadd.s32 s2, s17  }
0x8e: {  	[smem:$0x3FBD] =	sst s2  }
0x8f: {  	_ = 	snop  }
0x90: {  	s2 =	sld [smem:$0x3FD0];
	(tm) =	ssettm $0x1  }
0x91: {  	s18 =	sld [smem:$0x3FFB];
	_ =	sdelay $0x3  }
0x92: {  	_ =	strace s18  }
0x93: {  	s3 =	sld [smem:$0x3FFC];
	_ =	sdelay $0x3  }
0x94: {  	_ =	strace s3  }
0x95: {  	s3 =	sld [smem:$0x3FFD];
	_ =	sdelay $0x3  }
0x96: {  	_ =	strace s3  }
0x97: {  	_ =	strace $0x8FFFFFFF  }
0x98: {  	s19 =	sld [smem:$0x3FDB];
	_ =	sdelay $0x1  }
0x99: {  	s4 =	simm.s32 $_scs_section_size  }
0x9a: {  	s5 =	simm.s32 $_size__tile_overlayer_lowered;
	s6 =	simm.s32 $_tile_overlayer_lowered  }
0x9b: {  	s22 =	simm.s32 $0x1BFF;
	s21 =	sshll.u32 s6, $0x1;
	s3 =	sadd.s32 s4, s19  }
0x9c: {  	s7 =	simm.s32 $0x0;
	s20 =	sshll.u32 s5, $0x1;
	s5 =	sadd.s32 s21, s3  }
0x9d: {  	[timem:s7], [sflag:s22] =	dma.local [hbm:s5], s20  }
0x9e: {  	_ =	swait.ge [sflag:s22], s20  }
0x9f: {  	s4 =	ssub.s32 $0x0, s20;
	[sflag:s22] =	ssyncset.done $0x0  }
0xa0: {  	[sflag:s22] =	ssyncadd.s32 s4;
	_ =	sdelay $0x1  }
0xa1: {  	s23 =	simm.s32 $0x1B8B  }
0xa2: {  	_ =	swait.ge [sflag:s23], $0x1  }
0xa3: {  	[sflag:s23] =	ssyncset.done $0x0  }
0xa4: {  	s25 =	simm.s32 $0x1B8E;
	s24 =	sld [smem:$0x3FFE];
	[sflag:s23] =	ssyncadd.s32 $0xFFFFFFFF  }
0xa5: {  	s26 =	simm.s32 $execute0_lowered;
	[smem:$0x3FD2] =	sst s25  }
0xa6: {  	s5 =	sshll.u32 s26, $0x1;
	_ =	strace $0x80000046;
	[dreg:$0x1] =	wrdreg $0xFFFFFFFF  }
0xa7: {  	s28 =	simm.s32 $_size_execute0_lowered;
	s3 =	sadd.s32 s3, s5;
	[dreg:$0x0] =	wrdreg $0x0  }
0xa8: {  	s5 =	sshll.u32 s28, $0x1;
	[dreg:$0x2] =	wrdreg s3  }
0xa9: {  	[dreg:$0x3] =	wrdreg s5  }
0xaa: {  	[dreg:$0x4] =	wrdreg $0xC0  }
0xab: {  	_ =	task [dreg:s7], $0x5FFFF  }
0xac: {  	[dreg:$0x1] =	wrdreg $0xFFFFFFFF  }
0xad: {  	[dreg:$0x0] =	wrdreg $0x60  }
0xae: {  	[dreg:$0x2] =	wrdreg s24  }
0xaf: {  	[dreg:$0x3] =	wrdreg s2  }
0xb0: {  	[dreg:$0x4] =	wrdreg $0x9  }
0xb1: {  	_ =	task.clear_ibuf [dreg:s7], $0x5FFFF;
	_ =	strace $0x90000046  }
0xb2: {  	s29 =	simm.s32 $0x9;
	_ =	strace $0x80000048  }
0xb3: {  	_ =	swait.ge [sflag:s29], $0x1  }
0xb4: {  	[sflag:s29] =	ssyncadd.s32 $0xFFFFFFFF  }
0xb5: {  	_ =	strace $0x90000048  }
0xb6: {  	_ =	sfence  }
0xb7: {  	s30 =	sld [smem:$0x0];
	_ =	sdelay $0x2  }
0xb8: {  	s31 =	sshll.u32 s1, $0xD;
	s1 =	sshrl.u32 s1, $0x2  }
0xb9: {  	s3 =	sand.u32 $0x4000, s31;
	s1 =	sadd.s32 s1, s30  }
0xba: {  	s0 =	sor.u32 s3, s0;
	s1 =	sshll.u32 s1, $0x11  }
0xbb: {  	s0 =	sor.u32 s1, s0  }
0xbc: {  	s0 =	sadd.s32 $0x8F2B, s0  }
0xbd: {  	[sflag:s0] =	ssyncadd.remote.s32 $0x1  }
0xbe: {  	_ =	sfence.sel $0xFFFF  }
0xbf: {  	[dreg:$0x0] =	wrdreg $0xFFFFFFFF;
	(pc) =	sbr.abs _section_cstart, $3  }
0xc0: {  	[dreg:$0x1] =	wrdreg $0xFFFFFFFF  }
0xc1: {  	_ =	task.clear_ibuf [dreg:s7], $0x2FFFF;
	_ =	strace $0x9FFFFFFF  }
0xc2: {  	(tm) =	ssettm $0x7FFFFFFF  }
0xc3: {  	_ =	shalt  }
tec
execute0_lowered:
.L_overlay_start_1:
0x0: {  	(tag) =	ssettag $0x1  }
0x1: {  	s3 =	rddreg [dreg:$0x0];
	s1 =	srdreg.scid  }
0x2: {  	s0 =	stileid.u32;
	s5 =	rddreg [dreg:$0x1]  }
0x3: {  	s9 =	simm.s32 $0x80;
	s10 =	simm.s32 $0x400;
	s11 =	simm.s32 $0x0  }
0x4: {  	s4 =	sand.u32 $0x1, s1;
	s2 =	sshll.u32 s0, $0x1;
	s8 =	sshrl.u32 s0, $0x2  }
0x5: {  	s1 =	rddreg [dreg:$0x2];
	s6 =	sor.u32 s4, s2;
	s8 =	smul.u32 $0x14000, s8  }
0x6: {  	s2 =	simm.s32 $0x0;
	s4 =	ssub.s32 $0x2, s4;
	s7 =	smul.u32 $0x4E2, s6  }
0x7: {  	[smem:$0x7FF] =	sst s2;
	s6 =	sshll.u32 s6, $0x7;
	s31 =	sshrl.u32 s4, $0x1  }
0x8: {  	_ =	strace $0x80000047;
	s6 =	sand.u32 $0x380, s6;
	s7 =	sadd.s32 s7, s3  }
0x9: {  	s6 =	sor.u32 s8, s6;
	s3 =	sadd.s32 $0x17200, s3;
	s8 =	ssub.s32 s4, s31  }
0xa: {  	s6 =	sshrl.u32 s6, $0x3;
	s4 =	sadd.s32 $0xD400, s7;
	s7 =	simm.s32 $0x1  }
0xb: {  	v0 =	vimm.f32 $1.000000000e+00;
	s5 =	sadd.s32 s5, s6;
	s6 =	smax.u32 s8, $0x1;
	s8 =	simm.s32 $0x2800  }
.LBB2_1:
0xc: {  	[tilespmem:s2], [sflag:$0x1] =	stream.linear.gather [hbm4b:s3+s2], $0x2800, $0x38;
	[tilespmem:$0x4F80] =	vst v63  }
0xd: {  	_ =	swait.ge [sflag:s7], $0x2800  }
0xe: {  	[sflag:s7] =	ssyncset.done $0x0  }
0xf: {  	[sflag:s7] =	ssyncadd.s32 $0xFFFFD800  }
0x10: {  	[tilespmem:s8], [sflag:$0x1] =	stream.linear.gather [hbm4b:s4+s2], $0x2710, $0x38;
	[tilespmem:$0x4F80] =	vst v63  }
0x11: {  	_ =	swait.ge [sflag:s7], $0x2710  }
0x12: {  	[sflag:s7] =	ssyncset.done $0x0  }
0x13: {  	s13 =	simm.s32 $0x0;
	s12 =	simm.s32 $0x40;
	[sflag:s7] =	ssyncadd.s32 $0xFFFFD8F0  }
.LBB2_2:
0x14: {  	p0 =	sne.s32 s12, $0x9C00;
	v1 =	vld [tilespmem:s13+$0x2800];
	_ =	sdelay $0x3  }
.Ltmp0:
0x15: {  	(pc) =	sbr.rel @p0 .LBB2_2-.Ltmp0, $2  }
0x16: {  	_ =	sdelay $0x2  }
0x17: {  	s13 =	sshra.s32 s12, $0x2;
	s12 =	sadd.s32 $0x40, s12;
	[tilespmem:v1+s2+$0x0] =	vst.idx.add.f32.msk $0xffff, v0  }
0x18: {  	v1 =	vld [tilespmem:s13+$0x2800];
	_ =	sdelay $0x5  }
0x19: {  	s11 =	sadd.s32 $0x1, s11  }
0x1a: {  	p0 =	sne.s32 s11, s6  }
.Ltmp1:
0x1b: {  	[tilespmem:v1+s2+$0x0] =	vst.idx.add.f32.msk $0xffff, v0;
	(pc) =	sbr.rel @p0 .LBB2_1-.Ltmp1, $4  }
0x1c: {  	[hbm4b:s5+s9] =	stream.strided.scatter [tilespmem:s2], [sflag:$0x1], $0x2800, s10, s9, $0x38;
	[tilespmem:$0x4F80] =	vst v63  }
0x1d: {  	_ =	swait.ge [sflag:s7], $0x2800  }
0x1e: {  	[sflag:s7] =	ssyncset.done $0x0  }
0x1f: {  	[sflag:s7] =	ssyncadd.s32 $0xFFFFD800  }
0x20: {  	_ =	sfence.sel $0x180000  }
0x21: {  	[bflag:$0x0] =	sbarrier.arrive $0xFFFF  }
0x22: {  	p0 =	sne.s32 s0, $0x0;
	_ =	strace $0x90000047  }
0x23: {  	s0 =	sadd.s32 @!p0 $0x100000, s1;
	[bflag:$0x2] =	sbarrier.arrive $0xFFFF  }
0x24: {  	[sflag:s0] =	ssyncadd.tile.s32 @!p0 $0x1;
	_ =	shalt  }
.Lfunc_end2:
_tile_overlayer_lowered:
.L_overlay_start_2:
0x25: {  	(tag) =	ssettag $0x2  }
0x26: {  	s0 =	rddreg [dreg:$0x0];
	s2 =	stileid.u32  }
0x27: {  	s1 =	rddreg [dreg:$0x1];
	p0 =	sne.s32 s2, $0x0  }
0x28: {  	s3 =	rddreg [dreg:$0x2];
	[bflag:$0x3] =	sbarrier.arrive $0xFFFF;
	s2 =	simm.s32 @!p0 $0x1C01  }
0x29: {  	[timem:s3], [sflag:s2] =	dma.local @!p0 [hbm:s0], s1  }
0x2a: {  	s0 =	simm.s32 @!p0 $0x1  }
0x2b: {  	_ =	swait.ge @!p0 [sflag:s0], s1  }
0x2c: {  	s1 =	ssub.s32 @!p0 $0x0, s1;
	[sflag:s0] =	ssyncset.done @!p0 $0x0  }
0x2d: {  	[sflag:s0] =	ssyncadd.s32 @!p0 s1  }
0x2e: {  	[bflag:$0x3] =	sbarrier.arrive $0xFFFF  }
0x2f: {  	_ =	shalt  }

</sc_bundles>
